<compile_context>
chip_gen: v7x
topology: tpu7x:2x2x1
jax: 0.10.2.dev20260603
libtpu: 0.0.44.dev20260713+nightly
codegen_flags: <defaults>
</compile_context>

<pallas_src>
import functools

import jax
import jax.numpy as jnp
import numpy as np
from jax import lax
from jax.experimental import pallas as pl
from jax.experimental.pallas import tpu as pltpu
from jax.experimental.pallas import tpu_sc as plsc

N = 50000
E = 800000
B = 256
F = 78
H = 10
D = F * H
VOCAB = 26
EMB_D = 100
SEQ = 1000
NF = 32
CONV_OUT = EMB_D - 8 + 1
OUT_DIM = 128

DPAD = 784
NCH = DPAD // 16
WROWS = 256
NP = 51200
NWIN = NP // WROWS
NPASS = NWIN // 2
EP = 851968
SLAB = EP // 16
ECHUNK = 2048
NCHUNK = SLAB // ECHUNK
KB = 128
DUMMY = NP - 1
DUMLOC = WROWS - 1
STRIPE = WROWS // 16
NBLK = 50
RBLK = NP // NBLK

_SC_PARAMS = pltpu.CompilerParams(needs_layout_passes=False,
                                  use_tc_tiling_on_sc=False)

_SC_MESH = dict(core_axis_name="c", subcore_axis_name="s")

_HIDX = np.minimum(np.arange(DPAD) // F, 10).reshape(NCH, 16).astype(np.int32)




def _gat_agg_kernel(val_hbm, src_hbm, dst_hbm, as_hbm, ad_hbm, hidx_hbm,
                    zero_hbm, zero16_hbm, out_hbm, den_hbm,
                    srcc, dstc, idxb, locb, gdstb, rows, asb, adb, wbuf,
                    hidxv, acc, dacc):
    c = lax.axis_index("c")
    s = lax.axis_index("s")
    slab = s * SLAB
    pltpu.sync_copy(hidx_hbm, hidxv)
    lane = lax.iota(jnp.int32, 16)

    def fill_dummy():
        for i in range(KB // 16):
            idxb[pl.ds(16 * i, 16)] = jnp.full((16,), DUMMY, jnp.int32)
            locb[pl.ds(16 * i, 16)] = jnp.full((16,), DUMLOC, jnp.int32)
            gdstb[pl.ds(16 * i, 16)] = jnp.full((16,), DUMMY, jnp.int32)

    fill_dummy()

    def flush_batch(nvalid):
        pltpu.sync_copy(val_hbm.at[idxb], rows)
        pltpu.sync_copy(as_hbm.at[idxb], asb)
        pltpu.sync_copy(ad_hbm.at[gdstb], adb)

        def wcomp(e, _):
            u = asb[e] + adb[e]
            lk = jnp.maximum(u, 0.0) + 0.2 * jnp.minimum(u, 0.0)
            w = jnp.exp(lk)
            w = jnp.where(lane < 10, w,
                          jnp.where(lane == 10, 1.0, 0.0))
            w = jnp.where(e < nvalid, w, 0.0)
            wbuf[e] = w
            return 0

        lax.fori_loop(0, KB, wcomp, 0)

        def scale(e, _):
            ee = jnp.full((16,), e, jnp.int32)
            for ch in range(NCH):
                iv = plsc.bitcast(hidxv[pl.ds(16 * ch, 16)], jnp.int32)
                wrow = plsc.load_gather(wbuf, [ee, iv])
                rows[e, pl.ds(16 * ch, 16)] *= wrow
            return 0

        lax.fori_loop(0, KB, scale, 0)

        pltpu.sync_copy(rows, acc.at[locb], add=True)
        pltpu.sync_copy(wbuf, dacc.at[locb], add=True)
        fill_dummy()

    def wbody(i, _):
        w = 2 * i + c
        lo = w * WROWS
        pltpu.sync_copy(zero_hbm, acc.at[pl.ds(s * STRIPE, STRIPE)])
        pltpu.sync_copy(zero16_hbm, dacc.at[pl.ds(s * STRIPE, STRIPE)])
        plsc.subcore_barrier()

        def cbody(chk, ptr):
            row = s * NCHUNK + chk
            pltpu.sync_copy(src_hbm.at[row], srcc)
            pltpu.sync_copy(dst_hbm.at[row], dstc)

            def gbody(g, ptr):
                s16 = plsc.bitcast(srcc[pl.ds(g * 16, 16)], jnp.int32)
                d16 = plsc.bitcast(dstc[pl.ds(g * 16, 16)], jnp.int32)
                dl = d16 - lo
                m = (dl >= 0) & (dl < WROWS)
                cnt = jnp.sum(jnp.where(m, 1, 0))
                plsc.store_compressed(idxb.at[pl.ds(ptr, 16)], s16, mask=m)
                plsc.store_compressed(locb.at[pl.ds(ptr, 16)], dl, mask=m)
                plsc.store_compressed(gdstb.at[pl.ds(ptr, 16)], d16, mask=m)
                ptr = ptr + cnt
                do = ptr >= KB - 16

                @pl.when(do)
                def _():
                    flush_batch(ptr)

                return jnp.where(do, 0, ptr)

            return lax.fori_loop(0, ECHUNK // 16, gbody, ptr)

        ptr = lax.fori_loop(0, NCHUNK, cbody, 0)

        @pl.when(ptr > 0)
        def _():
            flush_batch(ptr)

        plsc.subcore_barrier()
        pltpu.sync_copy(acc.at[pl.ds(s * STRIPE, STRIPE)],
                        out_hbm.at[pl.ds(lo + s * STRIPE, STRIPE)])
        pltpu.sync_copy(dacc.at[pl.ds(s * STRIPE, STRIPE)],
                        den_hbm.at[pl.ds(lo + s * STRIPE, STRIPE)])
        plsc.subcore_barrier()
        return 0

    lax.fori_loop(0, NPASS, wbody, 0)


def _gat_agg(valpad, srcp, dstp, aspad, adpad, hidx, zeros_s, zeros16_s):
    mesh = plsc.VectorSubcoreMesh(**_SC_MESH)
    kern = functools.partial(
        pl.kernel,
        out_type=(jax.ShapeDtypeStruct((NP, DPAD), jnp.float32),
                  jax.ShapeDtypeStruct((NP, 16), jnp.float32)),
        mesh=mesh,
        compiler_params=_SC_PARAMS,
        scratch_types=[
            pltpu.VMEM((ECHUNK,), jnp.float32),
            pltpu.VMEM((ECHUNK,), jnp.float32),
            pltpu.VMEM((KB,), jnp.int32),
            pltpu.VMEM((KB,), jnp.int32),
            pltpu.VMEM((KB,), jnp.int32),
            pltpu.VMEM((KB, DPAD), jnp.float32),
            pltpu.VMEM((KB, 16), jnp.float32),
            pltpu.VMEM((KB, 16), jnp.float32),
            pltpu.VMEM((KB, 16), jnp.float32),
            pltpu.VMEM((NCH * 16,), jnp.float32),
            pltpu.VMEM_SHARED((WROWS, DPAD), jnp.float32),
            pltpu.VMEM_SHARED((WROWS, 16), jnp.float32),
        ],
    )(_gat_agg_kernel)
    return kern(valpad, srcp, dstp, aspad, adpad, hidx, zeros_s, zeros16_s)


def _gcn_agg_kernel(val_hbm, src_hbm, dst_hbm, zero_hbm, out_hbm,
                    srcc, dstc, idxb, locb, rows, acc):
    c = lax.axis_index("c")
    s = lax.axis_index("s")
    slab = s * SLAB

    def fill_dummy():
        for i in range(KB // 16):
            idxb[pl.ds(16 * i, 16)] = jnp.full((16,), DUMMY, jnp.int32)
            locb[pl.ds(16 * i, 16)] = jnp.full((16,), DUMLOC, jnp.int32)

    fill_dummy()

    def flush_batch():
        pltpu.sync_copy(val_hbm.at[idxb], rows)
        pltpu.sync_copy(rows, acc.at[locb], add=True)
        fill_dummy()

    def wbody(i, _):
        w = 2 * i + c
        lo = w * WROWS
        pltpu.sync_copy(zero_hbm, acc.at[pl.ds(s * STRIPE, STRIPE)])
        plsc.subcore_barrier()

        def cbody(chk, ptr):
            row = s * NCHUNK + chk
            pltpu.sync_copy(src_hbm.at[row], srcc)
            pltpu.sync_copy(dst_hbm.at[row], dstc)

            def gbody(g, ptr):
                s16 = plsc.bitcast(srcc[pl.ds(g * 16, 16)], jnp.int32)
                d16 = plsc.bitcast(dstc[pl.ds(g * 16, 16)], jnp.int32)
                dl = d16 - lo
                m = (dl >= 0) & (dl < WROWS)
                cnt = jnp.sum(jnp.where(m, 1, 0))
                plsc.store_compressed(idxb.at[pl.ds(ptr, 16)], s16, mask=m)
                plsc.store_compressed(locb.at[pl.ds(ptr, 16)], dl, mask=m)
                ptr = ptr + cnt
                do = ptr >= KB - 16

                @pl.when(do)
                def _():
                    flush_batch()

                return jnp.where(do, 0, ptr)

            return lax.fori_loop(0, ECHUNK // 16, gbody, ptr)

        ptr = lax.fori_loop(0, NCHUNK, cbody, 0)

        @pl.when(ptr > 0)
        def _():
            flush_batch()

        plsc.subcore_barrier()
        pltpu.sync_copy(acc.at[pl.ds(s * STRIPE, STRIPE)],
                        out_hbm.at[pl.ds(lo + s * STRIPE, STRIPE)])
        plsc.subcore_barrier()
        return 0

    lax.fori_loop(0, NPASS, wbody, 0)


def _gcn_agg(valpad, srcp, dstp, zeros_s):
    mesh = plsc.VectorSubcoreMesh(**_SC_MESH)
    kern = functools.partial(
        pl.kernel,
        out_type=jax.ShapeDtypeStruct((NP, DPAD), jnp.float32),
        mesh=mesh,
        compiler_params=_SC_PARAMS,
        scratch_types=[
            pltpu.VMEM((ECHUNK,), jnp.float32),
            pltpu.VMEM((ECHUNK,), jnp.float32),
            pltpu.VMEM((KB,), jnp.int32),
            pltpu.VMEM((KB,), jnp.int32),
            pltpu.VMEM((KB, DPAD), jnp.float32),
            pltpu.VMEM_SHARED((WROWS, DPAD), jnp.float32),
        ],
    )(_gcn_agg_kernel)
    return kern(valpad, srcp, dstp, zeros_s)



PTILE = 256


def _pool_kernel(x_hbm, starts_hbm, gmax_hbm, gsum_hbm,
                 startsv, buf, stmax, stsum):
    c = lax.axis_index("c")
    s = lax.axis_index("s")
    wid = c * 16 + s
    pltpu.sync_copy(starts_hbm, startsv)
    neg = jnp.full((16,), -3.4e38, jnp.float32)
    zero = jnp.zeros((16,), jnp.float32)

    for ci in range(2):
        ch = wid + 32 * ci

        if ci == 1:
            do_ch = ch < NCH
        else:
            do_ch = ch >= 0

        @pl.when(do_ch)
        def _():
            def bbody(b, _):
                st = jnp.max(plsc.load_gather(
                    startsv, [jnp.full((16,), b, jnp.int32)])).astype(
                        jnp.int32)
                en = jnp.max(plsc.load_gather(
                    startsv, [jnp.full((16,), b + 1, jnp.int32)])).astype(
                        jnp.int32)
                nblk = (en - st + (PTILE - 1)) // PTILE

                def tbody(t, carry):
                    amax, asum = carry
                    r0 = st + t * PTILE
                    pltpu.sync_copy(
                        x_hbm.at[pl.ds(r0, PTILE), pl.ds(ch * 16, 16)], buf)

                    def rbody(r, carry):
                        amax, asum = carry
                        v = buf[r]
                        valid = (r0 + r) < en
                        amax = jnp.where(valid, jnp.maximum(amax, v), amax)
                        asum = jnp.where(valid, asum + v, asum)
                        return (amax, asum)

                    return lax.fori_loop(0, PTILE, rbody, (amax, asum))

                amax, asum = lax.fori_loop(0, nblk, tbody, (neg, zero))
                amax = jnp.where(en > st, amax, 0.0)
                stmax[b] = amax
                stsum[b] = asum
                return 0

            lax.fori_loop(0, B, bbody, 0)
            pltpu.sync_copy(stmax, gmax_hbm.at[:, pl.ds(ch * 16, 16)])
            pltpu.sync_copy(stsum, gsum_hbm.at[:, pl.ds(ch * 16, 16)])


def _pool(xpad, starts):
    mesh = plsc.VectorSubcoreMesh(**_SC_MESH)
    kern = functools.partial(
        pl.kernel,
        out_type=(jax.ShapeDtypeStruct((B, DPAD), jnp.float32),
                  jax.ShapeDtypeStruct((B, DPAD), jnp.float32)),
        mesh=mesh,
        compiler_params=_SC_PARAMS,
        scratch_types=[
            pltpu.VMEM((B + 16,), jnp.float32),
            pltpu.VMEM((PTILE, 16), jnp.float32),
            pltpu.VMEM((B, 16), jnp.float32),
            pltpu.VMEM((B, 16), jnp.float32),
        ],
    )(_pool_kernel)
    return kern(xpad, starts)




def _prep_body(x_ref, wg_ref, as_ref, ad_ref, h_ref, aso_ref, ado_ref):
    h = jnp.dot(x_ref[...], wg_ref[...], preferred_element_type=jnp.float32)
    h_ref[...] = h
    aso_ref[...] = jnp.dot(h, as_ref[...],
                           preferred_element_type=jnp.float32)
    ado_ref[...] = jnp.dot(h, ad_ref[...],
                           preferred_element_type=jnp.float32)


def _prep(xp, Wgp, Asp, Adp):
    return pl.pallas_call(
        _prep_body,
        grid=(NBLK,),
        in_specs=[
            pl.BlockSpec((RBLK, 128), lambda i: (i, 0)),
            pl.BlockSpec((128, DPAD), lambda i: (0, 0)),
            pl.BlockSpec((DPAD, 16), lambda i: (0, 0)),
            pl.BlockSpec((DPAD, 16), lambda i: (0, 0)),
        ],
        out_specs=[
            pl.BlockSpec((RBLK, DPAD), lambda i: (i, 0)),
            pl.BlockSpec((RBLK, 16), lambda i: (i, 0)),
            pl.BlockSpec((RBLK, 16), lambda i: (i, 0)),
        ],
        out_shape=[
            jax.ShapeDtypeStruct((NP, DPAD), jnp.float32),
            jax.ShapeDtypeStruct((NP, 16), jnp.float32),
            jax.ShapeDtypeStruct((NP, 16), jnp.float32),
        ],
    )(xp, Wgp, Asp, Adp)


def _gcn_body(num_ref, den_ref, exp_ref, bg_ref, wg_ref, out_ref):
    den = den_ref[...]
    recip = 1.0 / (den + 1e-16)
    den_exp = jnp.dot(recip, exp_ref[...],
                      preferred_element_type=jnp.float32)
    xg = jnp.maximum(num_ref[...] * den_exp + bg_ref[...], 0.0)
    hg = jnp.dot(xg, wg_ref[...], preferred_element_type=jnp.float32)
    dinv = lax.rsqrt(jnp.maximum(den[:, 10:11], 1.0))
    out_ref[...] = hg * dinv


def _gcn_mm(num, den, Expand, bgp, Wgcnp):
    return pl.pallas_call(
        _gcn_body,
        grid=(NBLK,),
        in_specs=[
            pl.BlockSpec((RBLK, DPAD), lambda i: (i, 0)),
            pl.BlockSpec((RBLK, 16), lambda i: (i, 0)),
            pl.BlockSpec((16, DPAD), lambda i: (0, 0)),
            pl.BlockSpec((1, DPAD), lambda i: (0, 0)),
            pl.BlockSpec((DPAD, DPAD), lambda i: (0, 0)),
        ],
        out_specs=pl.BlockSpec((RBLK, DPAD), lambda i: (i, 0)),
        out_shape=jax.ShapeDtypeStruct((NP, DPAD), jnp.float32),
    )(num, den, Expand, bgp, Wgcnp)


def _xg2_body(s_ref, den_ref, bg_ref, batch_ref, out_ref, st_ref):
    i = pl.program_id(0)
    dinv = lax.rsqrt(jnp.maximum(den_ref[:, 10:11], 1.0))
    out_ref[...] = jnp.maximum(s_ref[...] * dinv + bg_ref[...], 0.0)
    iota = lax.broadcasted_iota(jnp.int32, (1, 384), 1)
    part = jnp.sum((batch_ref[...] < iota).astype(jnp.float32), axis=0,
                   keepdims=True)

    @pl.when(i == 0)
    def _():
        st_ref[...] = jnp.zeros_like(st_ref)

    st_ref[...] += part


def _xg2(ssum, den, bgcnp, batch2d):
    return pl.pallas_call(
        _xg2_body,
        grid=(NBLK,),
        in_specs=[
            pl.BlockSpec((RBLK, DPAD), lambda i: (i, 0)),
            pl.BlockSpec((RBLK, 16), lambda i: (i, 0)),
            pl.BlockSpec((1, DPAD), lambda i: (0, 0)),
            pl.BlockSpec((RBLK, 1), lambda i: (i, 0)),
        ],
        out_specs=[
            pl.BlockSpec((RBLK, DPAD), lambda i: (i, 0)),
            pl.BlockSpec((1, 384), lambda i: (0, 0)),
        ],
        out_shape=[
            jax.ShapeDtypeStruct((NP, DPAD), jnp.float32),
            jax.ShapeDtypeStruct((1, 384), jnp.float32),
        ],
    )(ssum, den, bgcnp, batch2d)


CB = 8


def _conv_body(tgt_ref, embT_ref, u_ref, bc_ref, out_ref):
    embT = embT_ref[...]
    u = u_ref[...]
    iota26 = lax.broadcasted_iota(jnp.int32, (VOCAB, SEQ), 0)
    for bb in range(CB):
        trow = tgt_ref[bb, :]
        ohT = (iota26 == trow[None, :]).astype(jnp.float32)
        m = jnp.dot(ohT, u, preferred_element_type=jnp.float32)
        t = jnp.dot(embT, m, preferred_element_type=jnp.float32)
        acc = jnp.zeros((CONV_OUT, NF), jnp.float32)
        for k in range(8):
            acc = acc + t[k:k + CONV_OUT, 32 * k:32 * k + 32]
        out_ref[bb, :, :] = acc + bc_ref[...]


def _conv(target, embT, U, b_conv):
    return pl.pallas_call(
        _conv_body,
        grid=(B // CB,),
        in_specs=[
            pl.BlockSpec((CB, SEQ), lambda i: (i, 0)),
            pl.BlockSpec((EMB_D, VOCAB), lambda i: (0, 0)),
            pl.BlockSpec((SEQ, 256), lambda i: (0, 0)),
            pl.BlockSpec((1, NF), lambda i: (0, 0)),
        ],
        out_specs=pl.BlockSpec((CB, CONV_OUT, NF), lambda i: (i, 0, 0)),
        out_shape=jax.ShapeDtypeStruct((B, CONV_OUT, NF), jnp.float32),
    )(target, embT, U, b_conv[None, :])


def _head_body(gmax_ref, gsum_ref, rcnt_ref, xt_ref,
               w1a_ref, w1b_ref, bf1_ref, w2_ref, bf2_ref,
               wxt_ref, bxt_ref, wm1a_ref, wm1b_ref, bm1_ref,
               wm2_ref, bm2_ref, wm3_ref, bm3_ref, out_ref):
    gmean = gsum_ref[...] * rcnt_ref[...]
    g = (jnp.dot(gmax_ref[...], w1a_ref[...],
                 preferred_element_type=jnp.float32)
         + jnp.dot(gmean, w1b_ref[...], preferred_element_type=jnp.float32)
         + bf1_ref[...])
    g = jnp.maximum(g, 0.0)
    drug = jnp.dot(g, w2_ref[...],
                   preferred_element_type=jnp.float32) + bf2_ref[...]
    prot = jnp.dot(xt_ref[...], wxt_ref[...],
                   preferred_element_type=jnp.float32) + bxt_ref[...]
    h1 = (jnp.dot(drug, wm1a_ref[...], preferred_element_type=jnp.float32)
          + jnp.dot(prot, wm1b_ref[...], preferred_element_type=jnp.float32)
          + bm1_ref[...])
    h1 = jnp.maximum(h1, 0.0)
    h2 = jnp.maximum(
        jnp.dot(h1, wm2_ref[...], preferred_element_type=jnp.float32)
        + bm2_ref[...], 0.0)
    out_ref[...] = (jnp.dot(h2, wm3_ref[...],
                            preferred_element_type=jnp.float32)
                    + bm3_ref[...])


def _head(gmax, gsum, rcnt, xt, W1a, W1b, b_fcg1, W_fcg2, b_fcg2,
          Wxtr, b_xt, Wm1a, Wm1b, b_m1, W_m2, b_m2, W_m3, b_m3):
    return pl.pallas_call(
        _head_body,
        out_shape=jax.ShapeDtypeStruct((B, 1), jnp.float32),
    )(gmax, gsum, rcnt, xt, W1a, W1b, b_fcg1[None, :], W_fcg2,
      b_fcg2[None, :], Wxtr, b_xt[None, :], Wm1a, Wm1b, b_m1[None, :],
      W_m2, b_m2[None, :], W_m3, b_m3[None, :])




def kernel(x, edge_index, batch, target, W_gat, att_src, att_dst, b_gat,
           W_gcn, b_gcn, W_fcg1, b_fcg1, W_fcg2, b_fcg2, emb, W_conv, b_conv,
           W_xt, b_xt, W_m1, b_m1, W_m2, b_m2, W_m3, b_m3):
    f32 = jnp.float32
    loop = jnp.arange(N, dtype=edge_index.dtype)
    npad_e = EP - (E + N)
    srcp = lax.bitcast_convert_type(
        jnp.concatenate([edge_index[0], loop,
                         jnp.full((npad_e,), DUMMY, jnp.int32)]),
        f32).reshape(EP // ECHUNK, ECHUNK)
    dstp = lax.bitcast_convert_type(
        jnp.concatenate([edge_index[1], loop,
                         jnp.full((npad_e,), DUMMY, jnp.int32)]),
        f32).reshape(EP // ECHUNK, ECHUNK)

    xp = jnp.pad(x, ((0, NP - N), (0, 128 - F)))
    Wgp = jnp.pad(W_gat, ((0, 128 - F), (0, DPAD - D)))
    eye16 = jnp.asarray(np.eye(H, 16, dtype=np.float32))
    Asp = jnp.pad((att_src[:, :, None] * eye16[:, None, :]).reshape(D, 16),
                  ((0, DPAD - D), (0, 0)))
    Adp = jnp.pad((att_dst[:, :, None] * eye16[:, None, :]).reshape(D, 16),
                  ((0, DPAD - D), (0, 0)))
    _exp_np = np.zeros((16, DPAD), np.float32)
    _exp_np[np.minimum(np.arange(D) // F, 15), np.arange(D)] = 1.0
    Expand = jnp.asarray(_exp_np)
    bgp = jnp.pad(b_gat[None, :], ((0, 0), (0, DPAD - D)))
    bgcnp = jnp.pad(b_gcn[None, :], ((0, 0), (0, DPAD - D)))
    Wgcnp = jnp.pad(W_gcn, ((0, DPAD - D), (0, DPAD - D)))
    hidx = lax.bitcast_convert_type(jnp.asarray(_HIDX.reshape(-1)), f32)
    zeros_s = jnp.zeros((STRIPE, DPAD), f32)
    zeros16_s = jnp.zeros((STRIPE, 16), f32)

    hpad, aspad, adpad = _prep(xp, Wgp, Asp, Adp)
    num, den = _gat_agg(hpad, srcp, dstp, aspad, adpad, hidx,
                        zeros_s, zeros16_s)
    hgs = _gcn_mm(num, den, Expand, bgp, Wgcnp)
    ssum = _gcn_agg(hgs, srcp, dstp, zeros_s)
    batch2d = jnp.pad(batch[:, None], ((0, NP - N), (0, 0)),
                      constant_values=B)
    xg2, st2d = _xg2(ssum, den, bgcnp, batch2d)

    startsf = st2d[0, :B + 1]
    starts = startsf.astype(jnp.int32)
    startsp = jnp.pad(startsf, (0, 15))
    gmax, gsum = _pool(xg2, startsp)
    cnt = (starts[1:] - starts[:-1]).astype(f32)
    rcnt = (1.0 / jnp.maximum(cnt, 1.0))[:, None]

    embT = emb.T
    U = W_conv.transpose(2, 0, 1).reshape(256, SEQ).T
    convout = _conv(target, embT, U, b_conv)
    xt = convout.reshape(B, CONV_OUT * NF)
    Wxtr = W_xt.reshape(NF, CONV_OUT, OUT_DIM).transpose(1, 0, 2).reshape(
        NF * CONV_OUT, OUT_DIM)

    W1a = jnp.pad(W_fcg1[:D], ((0, DPAD - D), (0, 0)))
    W1b = jnp.pad(W_fcg1[D:], ((0, DPAD - D), (0, 0)))
    Wm1a = W_m1[:OUT_DIM]
    Wm1b = W_m1[OUT_DIM:]
    return _head(gmax, gsum, rcnt, xt, W1a, W1b, b_fcg1, W_fcg2, b_fcg2,
                 Wxtr, b_xt, Wm1a, Wm1b, b_m1, W_m2, b_m2, W_m3, b_m3)

# --- scband reference (transcript-rebuilt; emitter-appended) ---
"""Pipeline reference for scband-graph-cpi-gatgcn-36850819400360 (READ-ONLY COPY).

The authoritative reference and input builder live on the scoring server;
editing this copy changes nothing except your own understanding.
"""

import jax, jax.numpy as jnp
import numpy as np

N = 50000
E = 800000
B = 256
F = 78
H = 10
D = F * H
VOCAB = 26
EMB_D = 100
SEQ = 1000
NF = 32
CONV_OUT = EMB_D - 8 + 1
OUT_DIM = 128


def _init(key, shape, scale=0.05):
    return jax.random.normal(key, shape, jnp.float32) * scale


def setup_inputs(seed: int = 0):
    key = jax.random.key(seed)
    ks = jax.random.split(key, 20)
    inp = {}
    inp['x'] = jax.random.normal(ks[0], (N, F), jnp.float32)
    inp['edge_index'] = jax.random.randint(ks[1], (2, E), 0, N, jnp.int32)
    inp['batch'] = jnp.sort(jax.random.randint(ks[2], (N,), 0, B, jnp.int32))
    inp['target'] = jax.random.randint(ks[3], (B, SEQ), 0, VOCAB, jnp.int32)
    inp['W_gat'] = _init(ks[4], (F, H * F))
    inp['att_src'] = _init(ks[5], (H, F))
    inp['att_dst'] = _init(ks[6], (H, F))
    inp['b_gat'] = jnp.zeros((H * F,), jnp.float32)
    inp['W_gcn'] = _init(ks[7], (D, D))
    inp['b_gcn'] = jnp.zeros((D,), jnp.float32)
    inp['W_fcg1'] = _init(ks[8], (2 * D, 1500))
    inp['b_fcg1'] = jnp.zeros((1500,), jnp.float32)
    inp['W_fcg2'] = _init(ks[9], (1500, OUT_DIM))
    inp['b_fcg2'] = jnp.zeros((OUT_DIM,), jnp.float32)
    inp['emb'] = _init(ks[10], (VOCAB, EMB_D), 1.0)
    inp['W_conv'] = _init(ks[11], (NF, SEQ, 8))
    inp['b_conv'] = jnp.zeros((NF,), jnp.float32)
    inp['W_xt'] = _init(ks[12], (NF * CONV_OUT, OUT_DIM))
    inp['b_xt'] = jnp.zeros((OUT_DIM,), jnp.float32)
    inp['W_m1'] = _init(ks[13], (2 * OUT_DIM, 1024))
    inp['b_m1'] = jnp.zeros((1024,), jnp.float32)
    inp['W_m2'] = _init(ks[14], (1024, 512))
    inp['b_m2'] = jnp.zeros((512,), jnp.float32)
    inp['W_m3'] = _init(ks[15], (512, 1))
    inp['b_m3'] = jnp.zeros((1,), jnp.float32)
    return inp


def _forward(x, W_gat, att_src, att_dst, b_gat, W_gcn, b_gcn, W_fcg1, b_fcg1,
             W_fcg2, b_fcg2, emb, W_conv, b_conv, W_xt, b_xt,
             W_m1, b_m1, W_m2, b_m2, W_m3, b_m3, edge_index, batch, target):
    loop = jnp.arange(N, dtype=edge_index.dtype)
    src = jnp.concatenate([edge_index[0], loop])
    dst = jnp.concatenate([edge_index[1], loop])
    # GATConv(78 -> 78, heads=10, concat)
    h = (x @ W_gat).reshape(N, H, F)
    a_s = (h * att_src[None]).sum(-1)
    a_d = (h * att_dst[None]).sum(-1)
    e = jax.nn.leaky_relu(a_s[src] + a_d[dst], 0.2)
    m = jax.ops.segment_max(e, dst, num_segments=N)
    m = jnp.where(jnp.isfinite(m), m, 0.0)
    ex = jnp.exp(e - m[dst])
    den = jax.ops.segment_sum(ex, dst, num_segments=N)
    alpha = ex / (den[dst] + 1e-16)
    out = jax.ops.segment_sum(h[src] * alpha[:, :, None], dst, num_segments=N)
    xg = jax.nn.relu(out.reshape(N, H * F) + b_gat)
    # GCNConv(780 -> 780) with self loops + symmetric norm
    hg = xg @ W_gcn
    deg = jax.ops.segment_sum(jnp.ones_like(dst, dtype=jnp.float32), dst, num_segments=N)
    dinv = jnp.where(deg > 0, 1.0 / jnp.sqrt(deg), 0.0)
    norm = dinv[src] * dinv[dst]
    xg2 = jax.ops.segment_sum(hg[src] * norm[:, None], dst, num_segments=N) + b_gcn
    xg2 = jax.nn.relu(xg2)
    # global max pool + global mean pool over graphs
    gmax = jax.ops.segment_max(xg2, batch, num_segments=B)
    gmax = jnp.where(jnp.isfinite(gmax), gmax, 0.0)
    cnt = jax.ops.segment_sum(jnp.ones((N,), jnp.float32), batch, num_segments=B)
    gmean = jax.ops.segment_sum(xg2, batch, num_segments=B) / jnp.maximum(cnt, 1.0)[:, None]
    g = jnp.concatenate([gmax, gmean], axis=1)
    g = jax.nn.relu(g @ W_fcg1 + b_fcg1)
    drug = g @ W_fcg2 + b_fcg2
    # protein branch: embedding lookup + conv1d (channels = seq positions, as in original)
    em = emb[target]
    conv = jax.lax.conv_general_dilated(em, W_conv, (1,), 'VALID',
                                        dimension_numbers=('NCH', 'OIH', 'NCH'))
    conv = conv + b_conv[None, :, None]
    xt = conv.reshape(B, NF * CONV_OUT)
    prot = xt @ W_xt + b_xt
    # final MLP [256 -> 1024 -> 512 -> 1]
    hidden = jnp.concatenate([drug, prot], axis=1)
    hmlp = jax.nn.relu(hidden @ W_m1 + b_m1)
    hmlp = jax.nn.relu(hmlp @ W_m2 + b_m2)
    return hmlp @ W_m3 + b_m3


def reference(x, edge_index, batch, target, W_gat, att_src, att_dst, b_gat,
              W_gcn, b_gcn, W_fcg1, b_fcg1, W_fcg2, b_fcg2, emb, W_conv, b_conv,
              W_xt, b_xt, W_m1, b_m1, W_m2, b_m2, W_m3, b_m3):
    return _forward(x, W_gat, att_src, att_dst, b_gat, W_gcn, b_gcn, W_fcg1,
                    b_fcg1, W_fcg2, b_fcg2, emb, W_conv, b_conv, W_xt, b_xt,
                    W_m1, b_m1, W_m2, b_m2, W_m3, b_m3, edge_index, batch, target)

if __name__ == "__main__":
    import jax
    _d = setup_inputs()
    print(jax.jit(kernel)(*tuple(_d.values())))

</pallas_src>

<mosaic_0001>
#map = affine_map<(d0, d1) -> (0, 0)>
module attributes {stable_mosaic.version = 14 : i64} {
  func.func @_gcn_agg_kernel(%arg0: i32, %arg1: i32, %arg2: memref<51200x784xf32, #tpu.memory_space<hbm>>, %arg3: memref<416x2048xf32, #tpu.memory_space<hbm>>, %arg4: memref<416x2048xf32, #tpu.memory_space<hbm>>, %arg5: memref<16x784xf32, #tpu.memory_space<hbm>>, %arg6: memref<51200x784xf32, #tpu.memory_space<hbm>>, %arg7: memref<2048xf32, #tpu.memory_space<vmem>>, %arg8: memref<2048xf32, #tpu.memory_space<vmem>>, %arg9: memref<128xi32, #tpu.memory_space<vmem>>, %arg10: memref<128xi32, #tpu.memory_space<vmem>>, %arg11: memref<128x784xf32, #tpu.memory_space<vmem>>, %arg12: memref<256x784xf32, #tpu.memory_space<vmem_shared>>) attributes {dimension_semantics = [#tpu.dimension_semantics<core_parallel>, #tpu.dimension_semantics<subcore_parallel>], iteration_bounds = array<i64: 2, 16>, scalar_prefetch = 0 : i64, scratch_operands = 6 : i64, tpu.core_type = #tpu.core_type<sc_vector_subcore>, window_params = [{transform_indices = #map}, {transform_indices = #map}, {transform_indices = #map}, {transform_indices = #map}, {transform_indices = #map}]} {
    %mul3A = arith.constant 53248 : i32
    %mul3A_0 = arith.muli %arg1, %mul3A : i32
    %broadcast_in_dim3A = arith.constant 51199 : i32
    %broadcast_in_dim3A_1 = vector.broadcast %broadcast_in_dim3A : i32 to vector<16xi32>
    %swap3A = arith.constant 0 : index
    %swap3A_2 = tpu.vector_load %arg9[%swap3A] {strides = array<i32>} : memref<128xi32, #tpu.memory_space<vmem>>, vector<16xi32>,
    tpu.vector_store %arg9[%swap3A], %broadcast_in_dim3A_1 {strides = array<i32>} : memref<128xi32, #tpu.memory_space<vmem>>, vector<16xi32>,
    %broadcast_in_dim3A_3 = arith.constant 255 : i32
    %broadcast_in_dim3A_4 = vector.broadcast %broadcast_in_dim3A_3 : i32 to vector<16xi32>
    %swap3A_5 = arith.constant 0 : index
    %swap3A_6 = tpu.vector_load %arg10[%swap3A_5] {strides = array<i32>} : memref<128xi32, #tpu.memory_space<vmem>>, vector<16xi32>,
    tpu.vector_store %arg10[%swap3A_5], %broadcast_in_dim3A_4 {strides = array<i32>} : memref<128xi32, #tpu.memory_space<vmem>>, vector<16xi32>,
    %broadcast_in_dim3A_7 = arith.constant 51199 : i32
    %broadcast_in_dim3A_8 = vector.broadcast %broadcast_in_dim3A_7 : i32 to vector<16xi32>
    %swap3A_9 = arith.constant 16 : index
    %swap3A_10 = tpu.vector_load %arg9[%swap3A_9] {strides = array<i32>} : memref<128xi32, #tpu.memory_space<vmem>>, vector<16xi32>,
    tpu.vector_store %arg9[%swap3A_9], %broadcast_in_dim3A_8 {strides = array<i32>} : memref<128xi32, #tpu.memory_space<vmem>>, vector<16xi32>,
    %broadcast_in_dim3A_11 = arith.constant 255 : i32
    %broadcast_in_dim3A_12 = vector.broadcast %broadcast_in_dim3A_11 : i32 to vector<16xi32>
    %swap3A_13 = arith.constant 16 : index
    %swap3A_14 = tpu.vector_load %arg10[%swap3A_13] {strides = array<i32>} : memref<128xi32, #tpu.memory_space<vmem>>, vector<16xi32>,
    tpu.vector_store %arg10[%swap3A_13], %broadcast_in_dim3A_12 {strides = array<i32>} : memref<128xi32, #tpu.memory_space<vmem>>, vector<16xi32>,
    %broadcast_in_dim3A_15 = arith.constant 51199 : i32
    %broadcast_in_dim3A_16 = vector.broadcast %broadcast_in_dim3A_15 : i32 to vector<16xi32>
    %swap3A_17 = arith.constant 32 : index
    %swap3A_18 = tpu.vector_load %arg9[%swap3A_17] {strides = array<i32>} : memref<128xi32, #tpu.memory_space<vmem>>, vector<16xi32>,
    tpu.vector_store %arg9[%swap3A_17], %broadcast_in_dim3A_16 {strides = array<i32>} : memref<128xi32, #tpu.memory_space<vmem>>, vector<16xi32>,
    %broadcast_in_dim3A_19 = arith.constant 255 : i32
    %broadcast_in_dim3A_20 = vector.broadcast %broadcast_in_dim3A_19 : i32 to vector<16xi32>
    %swap3A_21 = arith.constant 32 : index
    %swap3A_22 = tpu.vector_load %arg10[%swap3A_21] {strides = array<i32>} : memref<128xi32, #tpu.memory_space<vmem>>, vector<16xi32>,
    tpu.vector_store %arg10[%swap3A_21], %broadcast_in_dim3A_20 {strides = array<i32>} : memref<128xi32, #tpu.memory_space<vmem>>, vector<16xi32>,
    %broadcast_in_dim3A_23 = arith.constant 51199 : i32
    %broadcast_in_dim3A_24 = vector.broadcast %broadcast_in_dim3A_23 : i32 to vector<16xi32>
    %swap3A_25 = arith.constant 48 : index
    %swap3A_26 = tpu.vector_load %arg9[%swap3A_25] {strides = array<i32>} : memref<128xi32, #tpu.memory_space<vmem>>, vector<16xi32>,
    tpu.vector_store %arg9[%swap3A_25], %broadcast_in_dim3A_24 {strides = array<i32>} : memref<128xi32, #tpu.memory_space<vmem>>, vector<16xi32>,
    %broadcast_in_dim3A_27 = arith.constant 255 : i32
    %broadcast_in_dim3A_28 = vector.broadcast %broadcast_in_dim3A_27 : i32 to vector<16xi32>
    %swap3A_29 = arith.constant 48 : index
    %swap3A_30 = tpu.vector_load %arg10[%swap3A_29] {strides = array<i32>} : memref<128xi32, #tpu.memory_space<vmem>>, vector<16xi32>,
    tpu.vector_store %arg10[%swap3A_29], %broadcast_in_dim3A_28 {strides = array<i32>} : memref<128xi32, #tpu.memory_space<vmem>>, vector<16xi32>,
    %broadcast_in_dim3A_31 = arith.constant 51199 : i32
    %broadcast_in_dim3A_32 = vector.broadcast %broadcast_in_dim3A_31 : i32 to vector<16xi32>
    %swap3A_33 = arith.constant 64 : index
    %swap3A_34 = tpu.vector_load %arg9[%swap3A_33] {strides = array<i32>} : memref<128xi32, #tpu.memory_space<vmem>>, vector<16xi32>,
    tpu.vector_store %arg9[%swap3A_33], %broadcast_in_dim3A_32 {strides = array<i32>} : memref<128xi32, #tpu.memory_space<vmem>>, vector<16xi32>,
    %broadcast_in_dim3A_35 = arith.constant 255 : i32
    %broadcast_in_dim3A_36 = vector.broadcast %broadcast_in_dim3A_35 : i32 to vector<16xi32>
    %swap3A_37 = arith.constant 64 : index
    %swap3A_38 = tpu.vector_load %arg10[%swap3A_37] {strides = array<i32>} : memref<128xi32, #tpu.memory_space<vmem>>, vector<16xi32>,
    tpu.vector_store %arg10[%swap3A_37], %broadcast_in_dim3A_36 {strides = array<i32>} : memref<128xi32, #tpu.memory_space<vmem>>, vector<16xi32>,
    %broadcast_in_dim3A_39 = arith.constant 51199 : i32
    %broadcast_in_dim3A_40 = vector.broadcast %broadcast_in_dim3A_39 : i32 to vector<16xi32>
    %swap3A_41 = arith.constant 80 : index
    %swap3A_42 = tpu.vector_load %arg9[%swap3A_41] {strides = array<i32>} : memref<128xi32, #tpu.memory_space<vmem>>, vector<16xi32>,
    tpu.vector_store %arg9[%swap3A_41], %broadcast_in_dim3A_40 {strides = array<i32>} : memref<128xi32, #tpu.memory_space<vmem>>, vector<16xi32>,
    %broadcast_in_dim3A_43 = arith.constant 255 : i32
    %broadcast_in_dim3A_44 = vector.broadcast %broadcast_in_dim3A_43 : i32 to vector<16xi32>
    %swap3A_45 = arith.constant 80 : index
    %swap3A_46 = tpu.vector_load %arg10[%swap3A_45] {strides = array<i32>} : memref<128xi32, #tpu.memory_space<vmem>>, vector<16xi32>,
    tpu.vector_store %arg10[%swap3A_45], %broadcast_in_dim3A_44 {strides = array<i32>} : memref<128xi32, #tpu.memory_space<vmem>>, vector<16xi32>,
    %broadcast_in_dim3A_47 = arith.constant 51199 : i32
    %broadcast_in_dim3A_48 = vector.broadcast %broadcast_in_dim3A_47 : i32 to vector<16xi32>
    %swap3A_49 = arith.constant 96 : index
    %swap3A_50 = tpu.vector_load %arg9[%swap3A_49] {strides = array<i32>} : memref<128xi32, #tpu.memory_space<vmem>>, vector<16xi32>,
    tpu.vector_store %arg9[%swap3A_49], %broadcast_in_dim3A_48 {strides = array<i32>} : memref<128xi32, #tpu.memory_space<vmem>>, vector<16xi32>,
    %broadcast_in_dim3A_51 = arith.constant 255 : i32
    %broadcast_in_dim3A_52 = vector.broadcast %broadcast_in_dim3A_51 : i32 to vector<16xi32>
    %swap3A_53 = arith.constant 96 : index
    %swap3A_54 = tpu.vector_load %arg10[%swap3A_53] {strides = array<i32>} : memref<128xi32, #tpu.memory_space<vmem>>, vector<16xi32>,
    tpu.vector_store %arg10[%swap3A_53], %broadcast_in_dim3A_52 {strides = array<i32>} : memref<128xi32, #tpu.memory_space<vmem>>, vector<16xi32>,
    %broadcast_in_dim3A_55 = arith.constant 51199 : i32
    %broadcast_in_dim3A_56 = vector.broadcast %broadcast_in_dim3A_55 : i32 to vector<16xi32>
    %swap3A_57 = arith.constant 112 : index
    %swap3A_58 = tpu.vector_load %arg9[%swap3A_57] {strides = array<i32>} : memref<128xi32, #tpu.memory_space<vmem>>, vector<16xi32>,
    tpu.vector_store %arg9[%swap3A_57], %broadcast_in_dim3A_56 {strides = array<i32>} : memref<128xi32, #tpu.memory_space<vmem>>, vector<16xi32>,
    %broadcast_in_dim3A_59 = arith.constant 255 : i32
    %broadcast_in_dim3A_60 = vector.broadcast %broadcast_in_dim3A_59 : i32 to vector<16xi32>
    %swap3A_61 = arith.constant 112 : index
    %swap3A_62 = tpu.vector_load %arg10[%swap3A_61] {strides = array<i32>} : memref<128xi32, #tpu.memory_space<vmem>>, vector<16xi32>,
    tpu.vector_store %arg10[%swap3A_61], %broadcast_in_dim3A_60 {strides = array<i32>} : memref<128xi32, #tpu.memory_space<vmem>>, vector<16xi32>,
    %scan3A = arith.constant 0 : i32
    %scan3A_63 = arith.constant 0 : i32
    %scan3A_64 = arith.constant 100 : i32
    %scan3A_65 = arith.addi %scan3A_63, %scan3A_64 : i32
    %scan3A_66 = arith.constant 1 : i32
    %scan3A_67 = scf.for %scan3A_69 = %scan3A_63 to %scan3A_65 step %scan3A_66 iter_args(%scan3A_70 = %scan3A) -> (i32)  : i32 {
      %mul3A_71 = arith.constant 2 : i32
      %mul3A_72 = arith.muli %mul3A_71, %scan3A_69 : i32
      %add3A = arith.addi %mul3A_72, %arg0 : i32
      %mul3A_73 = arith.constant 256 : i32
      %mul3A_74 = arith.muli %add3A, %mul3A_73 : i32
      %mul3A_75 = arith.constant 16 : i32
      %mul3A_76 = arith.muli %arg1, %mul3A_75 : i32
      "tpu.region"() ({
        %run_scoped3A = tpu.sem_alloc : memref<!tpu.dma_semaphore, #tpu.memory_space<semaphore_mem>>
        %dma_start3A = arith.constant 0 : i32
        %dma_start3A_94 = tpu.memref_slice %arg12[%mul3A_76, %dma_start3A] : memref<256x784xf32, #tpu.memory_space<vmem_shared>> -> memref<16x784xf32, #tpu.memory_space<vmem_shared>>
        tpu.enqueue_dma source(%arg5 : memref<16x784xf32, #tpu.memory_space<hbm>>) target(%dma_start3A_94 : memref<16x784xf32, #tpu.memory_space<vmem_shared>>) target_semaphore(%run_scoped3A : memref<!tpu.dma_semaphore, #tpu.memory_space<semaphore_mem>>)
        %dma_wait3A = arith.constant 0 : i32
        %dma_wait3A_95 = tpu.memref_slice %arg12[%mul3A_76, %dma_wait3A] : memref<256x784xf32, #tpu.memory_space<vmem_shared>> -> memref<16x784xf32, #tpu.memory_space<vmem_shared>>
        tpu.wait_dma2 semaphore(%run_scoped3A : memref<!tpu.dma_semaphore, #tpu.memory_space<semaphore_mem>>) src(%arg5 : memref<16x784xf32, #tpu.memory_space<hbm>>) dst(%dma_wait3A_95 : memref<16x784xf32, #tpu.memory_space<vmem_shared>>)
        tpu.yield
      }) : () -> ()
      %barrier3A = arith.constant 0 : index
      tpu.barrier barrier_id(%barrier3A)
      %scan3A_77 = arith.constant 0 : i32
      %scan3A_78 = arith.constant 0 : i32
      %scan3A_79 = arith.constant 26 : i32
      %scan3A_80 = arith.addi %scan3A_78, %scan3A_79 : i32
      %scan3A_81 = arith.constant 1 : i32
      %scan3A_82 = scf.for %scan3A_94 = %scan3A_78 to %scan3A_80 step %scan3A_81 iter_args(%scan3A_95 = %scan3A_77) -> (i32)  : i32 {
        %mul3A_96 = arith.constant 26 : i32
        %mul3A_97 = arith.muli %arg1, %mul3A_96 : i32
        %add3A_98 = arith.addi %mul3A_97, %scan3A_94 : i32
        "tpu.region"() ({
          %run_scoped3A = tpu.sem_alloc : memref<!tpu.dma_semaphore, #tpu.memory_space<semaphore_mem>>
          %dma_start3A = arith.constant 0 : i32
          %dma_start3A_105 = tpu.memref_slice %arg3[%add3A_98, %dma_start3A] : memref<416x2048xf32, #tpu.memory_space<hbm>> -> memref<1x2048xf32, #tpu.memory_space<hbm>>
          %dma_start3A_106 = tpu.memref_squeeze %dma_start3A_105 : memref<1x2048xf32, #tpu.memory_space<hbm>> -> memref<2048xf32, #tpu.memory_space<hbm>>
          %dma_start3A_107 = arith.constant 0 : i32
          %dma_start3A_108 = tpu.memref_slice %arg3[%add3A_98, %dma_start3A_107] : memref<416x2048xf32, #tpu.memory_space<hbm>> -> memref<1x2048xf32, #tpu.memory_space<hbm>>
          %dma_start3A_109 = tpu.memref_squeeze %dma_start3A_108 : memref<1x2048xf32, #tpu.memory_space<hbm>> -> memref<2048xf32, #tpu.memory_space<hbm>>
          tpu.enqueue_dma source(%dma_start3A_109 : memref<2048xf32, #tpu.memory_space<hbm>>) target(%arg7 : memref<2048xf32, #tpu.memory_space<vmem>>) target_semaphore(%run_scoped3A : memref<!tpu.dma_semaphore, #tpu.memory_space<semaphore_mem>>)
          %dma_wait3A = arith.constant 0 : i32
          %dma_wait3A_110 = tpu.memref_slice %arg3[%add3A_98, %dma_wait3A] : memref<416x2048xf32, #tpu.memory_space<hbm>> -> memref<1x2048xf32, #tpu.memory_space<hbm>>
          %dma_wait3A_111 = tpu.memref_squeeze %dma_wait3A_110 : memref<1x2048xf32, #tpu.memory_space<hbm>> -> memref<2048xf32, #tpu.memory_space<hbm>>
          %dma_wait3A_112 = arith.constant 0 : i32
          %dma_wait3A_113 = tpu.memref_slice %arg3[%add3A_98, %dma_wait3A_112] : memref<416x2048xf32, #tpu.memory_space<hbm>> -> memref<1x2048xf32, #tpu.memory_space<hbm>>
          %dma_wait3A_114 = tpu.memref_squeeze %dma_wait3A_113 : memref<1x2048xf32, #tpu.memory_space<hbm>> -> memref<2048xf32, #tpu.memory_space<hbm>>
          tpu.wait_dma2 semaphore(%run_scoped3A : memref<!tpu.dma_semaphore, #tpu.memory_space<semaphore_mem>>) src(%dma_wait3A_114 : memref<2048xf32, #tpu.memory_space<hbm>>) dst(%arg7 : memref<2048xf32, #tpu.memory_space<vmem>>)
          tpu.yield
        }) : () -> ()
        "tpu.region"() ({
          %run_scoped3A = tpu.sem_alloc : memref<!tpu.dma_semaphore, #tpu.memory_space<semaphore_mem>>
          %dma_start3A = arith.constant 0 : i32
          %dma_start3A_105 = tpu.memref_slice %arg4[%add3A_98, %dma_start3A] : memref<416x2048xf32, #tpu.memory_space<hbm>> -> memref<1x2048xf32, #tpu.memory_space<hbm>>
          %dma_start3A_106 = tpu.memref_squeeze %dma_start3A_105 : memref<1x2048xf32, #tpu.memory_space<hbm>> -> memref<2048xf32, #tpu.memory_space<hbm>>
          %dma_start3A_107 = arith.constant 0 : i32
          %dma_start3A_108 = tpu.memref_slice %arg4[%add3A_98, %dma_start3A_107] : memref<416x2048xf32, #tpu.memory_space<hbm>> -> memref<1x2048xf32, #tpu.memory_space<hbm>>
          %dma_start3A_109 = tpu.memref_squeeze %dma_start3A_108 : memref<1x2048xf32, #tpu.memory_space<hbm>> -> memref<2048xf32, #tpu.memory_space<hbm>>
          tpu.enqueue_dma source(%dma_start3A_109 : memref<2048xf32, #tpu.memory_space<hbm>>) target(%arg8 : memref<2048xf32, #tpu.memory_space<vmem>>) target_semaphore(%run_scoped3A : memref<!tpu.dma_semaphore, #tpu.memory_space<semaphore_mem>>)
          %dma_wait3A = arith.constant 0 : i32
          %dma_wait3A_110 = tpu.memref_slice %arg4[%add3A_98, %dma_wait3A] : memref<416x2048xf32, #tpu.memory_space<hbm>> -> memref<1x2048xf32, #tpu.memory_space<hbm>>
          %dma_wait3A_111 = tpu.memref_squeeze %dma_wait3A_110 : memref<1x2048xf32, #tpu.memory_space<hbm>> -> memref<2048xf32, #tpu.memory_space<hbm>>
          %dma_wait3A_112 = arith.constant 0 : i32
          %dma_wait3A_113 = tpu.memref_slice %arg4[%add3A_98, %dma_wait3A_112] : memref<416x2048xf32, #tpu.memory_space<hbm>> -> memref<1x2048xf32, #tpu.memory_space<hbm>>
          %dma_wait3A_114 = tpu.memref_squeeze %dma_wait3A_113 : memref<1x2048xf32, #tpu.memory_space<hbm>> -> memref<2048xf32, #tpu.memory_space<hbm>>
          tpu.wait_dma2 semaphore(%run_scoped3A : memref<!tpu.dma_semaphore, #tpu.memory_space<semaphore_mem>>) src(%dma_wait3A_114 : memref<2048xf32, #tpu.memory_space<hbm>>) dst(%arg8 : memref<2048xf32, #tpu.memory_space<vmem>>)
          tpu.yield
        }) : () -> ()
        %scan3A_99 = arith.constant 0 : i32
        %scan3A_100 = arith.constant 128 : i32
        %scan3A_101 = arith.addi %scan3A_99, %scan3A_100 : i32
        %scan3A_102 = arith.constant 1 : i32
        %scan3A_103 = scf.for %scan3A_105 = %scan3A_99 to %scan3A_101 step %scan3A_102 iter_args(%scan3A_106 = %scan3A_95) -> (i32)  : i32 {
          %mul3A_107 = arith.constant 16 : i32
          %mul3A_108 = arith.muli %scan3A_105, %mul3A_107 : i32
          %get3A = arith.index_cast %mul3A_108 : i32 to index
          %get3A_109 = tpu.vector_load %arg7[%get3A] {strides = array<i32>} : memref<2048xf32, #tpu.memory_space<vmem>>, vector<16xf32>,
          %bitcast3A = vector.bitcast %get3A_109 : vector<16xf32> to vector<16xi32>
          %mul3A_110 = arith.constant 16 : i32
          %mul3A_111 = arith.muli %scan3A_105, %mul3A_110 : i32
          %get3A_112 = arith.index_cast %mul3A_111 : i32 to index
          %get3A_113 = tpu.vector_load %arg8[%get3A_112] {strides = array<i32>} : memref<2048xf32, #tpu.memory_space<vmem>>, vector<16xf32>,
          %bitcast3A_114 = vector.bitcast %get3A_113 : vector<16xf32> to vector<16xi32>
          %sub3A = vector.broadcast %mul3A_74 : i32 to vector<16xi32>
          %sub3A_115 = arith.subi %bitcast3A_114, %sub3A : vector<16xi32>
          %ge3A = arith.constant 0 : i32
          %ge3A_116 = vector.broadcast %ge3A : i32 to vector<16xi32>
          %ge3A_117 = arith.cmpi sge, %sub3A_115, %ge3A_116 : vector<16xi32>
          %lt3A = arith.constant 256 : i32
          %lt3A_118 = vector.broadcast %lt3A : i32 to vector<16xi32>
          %lt3A_119 = arith.cmpi slt, %sub3A_115, %lt3A_118 : vector<16xi32>
          %and3A = arith.andi %ge3A_117, %lt3A_119 : vector<16xi1>
          %jit3A = arith.constant 1 : i32
          %jit3A_120 = arith.constant 0 : i32
          %broadcast_in_dim3A_121 = vector.broadcast %jit3A : i32 to vector<16xi32>
          %broadcast_in_dim3A_122 = vector.broadcast %jit3A_120 : i32 to vector<16xi32>
          %select_n3A = arith.select %and3A, %broadcast_in_dim3A_121, %broadcast_in_dim3A_122 : vector<16xi1>, vector<16xi32>
          %reduce_sum3A = arith.constant true
          %reduce_sum3A_123 = vector.broadcast %reduce_sum3A : i1 to vector<16xi1>
          %reduce_sum3A_124 = tpu.scan <sum>, %select_n3A masked %reduce_sum3A_123 : vector<16xi32>, vector<16xi1> -> vector<16xi32>
          %reduce_sum3A_125 = vector.extract %reduce_sum3A_124[15] : i32 from vector<16xi32>
          %swap3A_126 = arith.index_cast %scan3A_106 : i32 to index
          %swap3A_127 = tpu.vector_load %arg9[%swap3A_126] masked %and3A {strides = array<i32>} : memref<128xi32, #tpu.memory_space<vmem>>, vector<16xi32>, vector<16xi1>
          tpu.vector_store %arg9[%swap3A_126], %bitcast3A masked %and3A {strides = array<i32>} : memref<128xi32, #tpu.memory_space<vmem>>, vector<16xi32>, vector<16xi1>
          %swap3A_128 = arith.index_cast %scan3A_106 : i32 to index
          %swap3A_129 = tpu.vector_load %arg10[%swap3A_128] masked %and3A {strides = array<i32>} : memref<128xi32, #tpu.memory_space<vmem>>, vector<16xi32>, vector<16xi1>
          tpu.vector_store %arg10[%swap3A_128], %sub3A_115 masked %and3A {strides = array<i32>} : memref<128xi32, #tpu.memory_space<vmem>>, vector<16xi32>, vector<16xi1>
          %add3A_130 = arith.addi %scan3A_106, %reduce_sum3A_125 : i32
          %ge3A_131 = arith.constant 112 : i32
          %ge3A_132 = arith.cmpi sge, %add3A_130, %ge3A_131 : i32
          %convert_element_type3A_133 = arith.extui %ge3A_132 : i1 to i32
          %cond3A_134 = arith.constant 0 : i32
          %cond3A_135 = arith.cmpi ne, %convert_element_type3A_133, %cond3A_134 : i32
          scf.if %cond3A_135 {
            "tpu.region"() ({
              %run_scoped3A = tpu.sem_alloc : memref<!tpu.dma_semaphore, #tpu.memory_space<semaphore_mem>>
              %dma_start3A = arith.constant 0 : i32
              %dma_start3A_202 = arith.constant 0 : i32
              %dma_start3A_203 = tpu.memref_slice %arg2[%dma_start3A, %dma_start3A_202] : memref<51200x784xf32, #tpu.memory_space<hbm>> -> memref<51200x784xf32, #tpu.memory_space<hbm>>
              tpu.enqueue_indirect_dma source(%dma_start3A_203 : memref<51200x784xf32, #tpu.memory_space<hbm>>) target(%arg11 : memref<128x784xf32, #tpu.memory_space<vmem>>) offsets(%arg9 : memref<128xi32, #tpu.memory_space<vmem>>) semaphore(%run_scoped3A : memref<!tpu.dma_semaphore, #tpu.memory_space<semaphore_mem>>)
              %dma_wait3A = arith.constant 0 : i32
              %dma_wait3A_204 = arith.constant 0 : i32
              %dma_wait3A_205 = tpu.memref_slice %arg2[%dma_wait3A, %dma_wait3A_204] : memref<51200x784xf32, #tpu.memory_space<hbm>> -> memref<51200x784xf32, #tpu.memory_space<hbm>>
              tpu.wait_indirect_dma semaphore(%run_scoped3A : memref<!tpu.dma_semaphore, #tpu.memory_space<semaphore_mem>>) src(%dma_wait3A_205 : memref<51200x784xf32, #tpu.memory_space<hbm>>) dst(%arg11 : memref<128x784xf32, #tpu.memory_space<vmem>>)
              tpu.yield
            }) : () -> ()
            "tpu.region"() ({
              %run_scoped3A = tpu.sem_alloc : memref<!tpu.dma_semaphore, #tpu.memory_space<semaphore_mem>>
              %dma_start3A = arith.constant 0 : i32
              %dma_start3A_202 = arith.constant 0 : i32
              %dma_start3A_203 = tpu.memref_slice %arg12[%dma_start3A, %dma_start3A_202] : memref<256x784xf32, #tpu.memory_space<vmem_shared>> -> memref<256x784xf32, #tpu.memory_space<vmem_shared>>
              tpu.enqueue_indirect_dma source(%arg11 : memref<128x784xf32, #tpu.memory_space<vmem>>) target(%dma_start3A_203 : memref<256x784xf32, #tpu.memory_space<vmem_shared>>) offsets(%arg10 : memref<128xi32, #tpu.memory_space<vmem>>) semaphore(%run_scoped3A : memref<!tpu.dma_semaphore, #tpu.memory_space<semaphore_mem>>) {add = true}
              %dma_wait3A = arith.constant 0 : i32
              %dma_wait3A_204 = arith.constant 0 : i32
              %dma_wait3A_205 = tpu.memref_slice %arg12[%dma_wait3A, %dma_wait3A_204] : memref<256x784xf32, #tpu.memory_space<vmem_shared>> -> memref<256x784xf32, #tpu.memory_space<vmem_shared>>
              tpu.wait_indirect_dma semaphore(%run_scoped3A : memref<!tpu.dma_semaphore, #tpu.memory_space<semaphore_mem>>) src(%arg11 : memref<128x784xf32, #tpu.memory_space<vmem>>) dst(%dma_wait3A_205 : memref<256x784xf32, #tpu.memory_space<vmem_shared>>)
              tpu.yield
            }) : () -> ()
            %broadcast_in_dim3A_138 = arith.constant 51199 : i32
            %broadcast_in_dim3A_139 = vector.broadcast %broadcast_in_dim3A_138 : i32 to vector<16xi32>
            %swap3A_140 = arith.constant 0 : index
            %swap3A_141 = tpu.vector_load %arg9[%swap3A_140] {strides = array<i32>} : memref<128xi32, #tpu.memory_space<vmem>>, vector<16xi32>,
            tpu.vector_store %arg9[%swap3A_140], %broadcast_in_dim3A_139 {strides = array<i32>} : memref<128xi32, #tpu.memory_space<vmem>>, vector<16xi32>,
            %broadcast_in_dim3A_142 = arith.constant 255 : i32
            %broadcast_in_dim3A_143 = vector.broadcast %broadcast_in_dim3A_142 : i32 to vector<16xi32>
            %swap3A_144 = arith.constant 0 : index
            %swap3A_145 = tpu.vector_load %arg10[%swap3A_144] {strides = array<i32>} : memref<128xi32, #tpu.memory_space<vmem>>, vector<16xi32>,
            tpu.vector_store %arg10[%swap3A_144], %broadcast_in_dim3A_143 {strides = array<i32>} : memref<128xi32, #tpu.memory_space<vmem>>, vector<16xi32>,
            %broadcast_in_dim3A_146 = arith.constant 51199 : i32
            %broadcast_in_dim3A_147 = vector.broadcast %broadcast_in_dim3A_146 : i32 to vector<16xi32>
            %swap3A_148 = arith.constant 16 : index
            %swap3A_149 = tpu.vector_load %arg9[%swap3A_148] {strides = array<i32>} : memref<128xi32, #tpu.memory_space<vmem>>, vector<16xi32>,
            tpu.vector_store %arg9[%swap3A_148], %broadcast_in_dim3A_147 {strides = array<i32>} : memref<128xi32, #tpu.memory_space<vmem>>, vector<16xi32>,
            %broadcast_in_dim3A_150 = arith.constant 255 : i32
            %broadcast_in_dim3A_151 = vector.broadcast %broadcast_in_dim3A_150 : i32 to vector<16xi32>
            %swap3A_152 = arith.constant 16 : index
            %swap3A_153 = tpu.vector_load %arg10[%swap3A_152] {strides = array<i32>} : memref<128xi32, #tpu.memory_space<vmem>>, vector<16xi32>,
            tpu.vector_store %arg10[%swap3A_152], %broadcast_in_dim3A_151 {strides = array<i32>} : memref<128xi32, #tpu.memory_space<vmem>>, vector<16xi32>,
            %broadcast_in_dim3A_154 = arith.constant 51199 : i32
            %broadcast_in_dim3A_155 = vector.broadcast %broadcast_in_dim3A_154 : i32 to vector<16xi32>
            %swap3A_156 = arith.constant 32 : index
            %swap3A_157 = tpu.vector_load %arg9[%swap3A_156] {strides = array<i32>} : memref<128xi32, #tpu.memory_space<vmem>>, vector<16xi32>,
            tpu.vector_store %arg9[%swap3A_156], %broadcast_in_dim3A_155 {strides = array<i32>} : memref<128xi32, #tpu.memory_space<vmem>>, vector<16xi32>,
            %broadcast_in_dim3A_158 = arith.constant 255 : i32
            %broadcast_in_dim3A_159 = vector.broadcast %broadcast_in_dim3A_158 : i32 to vector<16xi32>
            %swap3A_160 = arith.constant 32 : index
            %swap3A_161 = tpu.vector_load %arg10[%swap3A_160] {strides = array<i32>} : memref<128xi32, #tpu.memory_space<vmem>>, vector<16xi32>,
            tpu.vector_store %arg10[%swap3A_160], %broadcast_in_dim3A_159 {strides = array<i32>} : memref<128xi32, #tpu.memory_space<vmem>>, vector<16xi32>,
            %broadcast_in_dim3A_162 = arith.constant 51199 : i32
            %broadcast_in_dim3A_163 = vector.broadcast %broadcast_in_dim3A_162 : i32 to vector<16xi32>
            %swap3A_164 = arith.constant 48 : index
            %swap3A_165 = tpu.vector_load %arg9[%swap3A_164] {strides = array<i32>} : memref<128xi32, #tpu.memory_space<vmem>>, vector<16xi32>,
            tpu.vector_store %arg9[%swap3A_164], %broadcast_in_dim3A_163 {strides = array<i32>} : memref<128xi32, #tpu.memory_space<vmem>>, vector<16xi32>,
            %broadcast_in_dim3A_166 = arith.constant 255 : i32
            %broadcast_in_dim3A_167 = vector.broadcast %broadcast_in_dim3A_166 : i32 to vector<16xi32>
            %swap3A_168 = arith.constant 48 : index
            %swap3A_169 = tpu.vector_load %arg10[%swap3A_168] {strides = array<i32>} : memref<128xi32, #tpu.memory_space<vmem>>, vector<16xi32>,
            tpu.vector_store %arg10[%swap3A_168], %broadcast_in_dim3A_167 {strides = array<i32>} : memref<128xi32, #tpu.memory_space<vmem>>, vector<16xi32>,
            %broadcast_in_dim3A_170 = arith.constant 51199 : i32
            %broadcast_in_dim3A_171 = vector.broadcast %broadcast_in_dim3A_170 : i32 to vector<16xi32>
            %swap3A_172 = arith.constant 64 : index
            %swap3A_173 = tpu.vector_load %arg9[%swap3A_172] {strides = array<i32>} : memref<128xi32, #tpu.memory_space<vmem>>, vector<16xi32>,
            tpu.vector_store %arg9[%swap3A_172], %broadcast_in_dim3A_171 {strides = array<i32>} : memref<128xi32, #tpu.memory_space<vmem>>, vector<16xi32>,
            %broadcast_in_dim3A_174 = arith.constant 255 : i32
            %broadcast_in_dim3A_175 = vector.broadcast %broadcast_in_dim3A_174 : i32 to vector<16xi32>
            %swap3A_176 = arith.constant 64 : index
            %swap3A_177 = tpu.vector_load %arg10[%swap3A_176] {strides = array<i32>} : memref<128xi32, #tpu.memory_space<vmem>>, vector<16xi32>,
            tpu.vector_store %arg10[%swap3A_176], %broadcast_in_dim3A_175 {strides = array<i32>} : memref<128xi32, #tpu.memory_space<vmem>>, vector<16xi32>,
            %broadcast_in_dim3A_178 = arith.constant 51199 : i32
            %broadcast_in_dim3A_179 = vector.broadcast %broadcast_in_dim3A_178 : i32 to vector<16xi32>
            %swap3A_180 = arith.constant 80 : index
            %swap3A_181 = tpu.vector_load %arg9[%swap3A_180] {strides = array<i32>} : memref<128xi32, #tpu.memory_space<vmem>>, vector<16xi32>,
            tpu.vector_store %arg9[%swap3A_180], %broadcast_in_dim3A_179 {strides = array<i32>} : memref<128xi32, #tpu.memory_space<vmem>>, vector<16xi32>,
            %broadcast_in_dim3A_182 = arith.constant 255 : i32
            %broadcast_in_dim3A_183 = vector.broadcast %broadcast_in_dim3A_182 : i32 to vector<16xi32>
            %swap3A_184 = arith.constant 80 : index
            %swap3A_185 = tpu.vector_load %arg10[%swap3A_184] {strides = array<i32>} : memref<128xi32, #tpu.memory_space<vmem>>, vector<16xi32>,
            tpu.vector_store %arg10[%swap3A_184], %broadcast_in_dim3A_183 {strides = array<i32>} : memref<128xi32, #tpu.memory_space<vmem>>, vector<16xi32>,
            %broadcast_in_dim3A_186 = arith.constant 51199 : i32
            %broadcast_in_dim3A_187 = vector.broadcast %broadcast_in_dim3A_186 : i32 to vector<16xi32>
            %swap3A_188 = arith.constant 96 : index
            %swap3A_189 = tpu.vector_load %arg9[%swap3A_188] {strides = array<i32>} : memref<128xi32, #tpu.memory_space<vmem>>, vector<16xi32>,
            tpu.vector_store %arg9[%swap3A_188], %broadcast_in_dim3A_187 {strides = array<i32>} : memref<128xi32, #tpu.memory_space<vmem>>, vector<16xi32>,
            %broadcast_in_dim3A_190 = arith.constant 255 : i32
            %broadcast_in_dim3A_191 = vector.broadcast %broadcast_in_dim3A_190 : i32 to vector<16xi32>
            %swap3A_192 = arith.constant 96 : index
            %swap3A_193 = tpu.vector_load %arg10[%swap3A_192] {strides = array<i32>} : memref<128xi32, #tpu.memory_space<vmem>>, vector<16xi32>,
            tpu.vector_store %arg10[%swap3A_192], %broadcast_in_dim3A_191 {strides = array<i32>} : memref<128xi32, #tpu.memory_space<vmem>>, vector<16xi32>,
            %broadcast_in_dim3A_194 = arith.constant 51199 : i32
            %broadcast_in_dim3A_195 = vector.broadcast %broadcast_in_dim3A_194 : i32 to vector<16xi32>
            %swap3A_196 = arith.constant 112 : index
            %swap3A_197 = tpu.vector_load %arg9[%swap3A_196] {strides = array<i32>} : memref<128xi32, #tpu.memory_space<vmem>>, vector<16xi32>,
            tpu.vector_store %arg9[%swap3A_196], %broadcast_in_dim3A_195 {strides = array<i32>} : memref<128xi32, #tpu.memory_space<vmem>>, vector<16xi32>,
            %broadcast_in_dim3A_198 = arith.constant 255 : i32
            %broadcast_in_dim3A_199 = vector.broadcast %broadcast_in_dim3A_198 : i32 to vector<16xi32>
            %swap3A_200 = arith.constant 112 : index
            %swap3A_201 = tpu.vector_load %arg10[%swap3A_200] {strides = array<i32>} : memref<128xi32, #tpu.memory_space<vmem>>, vector<16xi32>,
            tpu.vector_store %arg10[%swap3A_200], %broadcast_in_dim3A_199 {strides = array<i32>} : memref<128xi32, #tpu.memory_space<vmem>>, vector<16xi32>,
          } else {
          }
          %jit3A_136 = arith.constant 0 : i32
          %select_n3A_137 = arith.select %ge3A_132, %jit3A_136, %add3A_130 : i32
          scf.yield %select_n3A_137 : i32
        }
        %scan3A_104 = arith.constant 128 : i32
        scf.yield %scan3A_103 : i32
      }
      %scan3A_83 = arith.constant 26 : i32
      %gt3A = arith.constant 0 : i32
      %gt3A_84 = arith.cmpi sgt, %scan3A_82, %gt3A : i32
      %convert_element_type3A = arith.extui %gt3A_84 : i1 to i32
      %cond3A = arith.constant 0 : i32
      %cond3A_85 = arith.cmpi ne, %convert_element_type3A, %cond3A : i32
      scf.if %cond3A_85 {
        "tpu.region"() ({
          %run_scoped3A = tpu.sem_alloc : memref<!tpu.dma_semaphore, #tpu.memory_space<semaphore_mem>>
          %dma_start3A = arith.constant 0 : i32
          %dma_start3A_158 = arith.constant 0 : i32
          %dma_start3A_159 = tpu.memref_slice %arg2[%dma_start3A, %dma_start3A_158] : memref<51200x784xf32, #tpu.memory_space<hbm>> -> memref<51200x784xf32, #tpu.memory_space<hbm>>
          tpu.enqueue_indirect_dma source(%dma_start3A_159 : memref<51200x784xf32, #tpu.memory_space<hbm>>) target(%arg11 : memref<128x784xf32, #tpu.memory_space<vmem>>) offsets(%arg9 : memref<128xi32, #tpu.memory_space<vmem>>) semaphore(%run_scoped3A : memref<!tpu.dma_semaphore, #tpu.memory_space<semaphore_mem>>)
          %dma_wait3A = arith.constant 0 : i32
          %dma_wait3A_160 = arith.constant 0 : i32
          %dma_wait3A_161 = tpu.memref_slice %arg2[%dma_wait3A, %dma_wait3A_160] : memref<51200x784xf32, #tpu.memory_space<hbm>> -> memref<51200x784xf32, #tpu.memory_space<hbm>>
          tpu.wait_indirect_dma semaphore(%run_scoped3A : memref<!tpu.dma_semaphore, #tpu.memory_space<semaphore_mem>>) src(%dma_wait3A_161 : memref<51200x784xf32, #tpu.memory_space<hbm>>) dst(%arg11 : memref<128x784xf32, #tpu.memory_space<vmem>>)
          tpu.yield
        }) : () -> ()
        "tpu.region"() ({
          %run_scoped3A = tpu.sem_alloc : memref<!tpu.dma_semaphore, #tpu.memory_space<semaphore_mem>>
          %dma_start3A = arith.constant 0 : i32
          %dma_start3A_158 = arith.constant 0 : i32
          %dma_start3A_159 = tpu.memref_slice %arg12[%dma_start3A, %dma_start3A_158] : memref<256x784xf32, #tpu.memory_space<vmem_shared>> -> memref<256x784xf32, #tpu.memory_space<vmem_shared>>
          tpu.enqueue_indirect_dma source(%arg11 : memref<128x784xf32, #tpu.memory_space<vmem>>) target(%dma_start3A_159 : memref<256x784xf32, #tpu.memory_space<vmem_shared>>) offsets(%arg10 : memref<128xi32, #tpu.memory_space<vmem>>) semaphore(%run_scoped3A : memref<!tpu.dma_semaphore, #tpu.memory_space<semaphore_mem>>) {add = true}
          %dma_wait3A = arith.constant 0 : i32
          %dma_wait3A_160 = arith.constant 0 : i32
          %dma_wait3A_161 = tpu.memref_slice %arg12[%dma_wait3A, %dma_wait3A_160] : memref<256x784xf32, #tpu.memory_space<vmem_shared>> -> memref<256x784xf32, #tpu.memory_space<vmem_shared>>
          tpu.wait_indirect_dma semaphore(%run_scoped3A : memref<!tpu.dma_semaphore, #tpu.memory_space<semaphore_mem>>) src(%arg11 : memref<128x784xf32, #tpu.memory_space<vmem>>) dst(%dma_wait3A_161 : memref<256x784xf32, #tpu.memory_space<vmem_shared>>)
          tpu.yield
        }) : () -> ()
        %broadcast_in_dim3A_94 = arith.constant 51199 : i32
        %broadcast_in_dim3A_95 = vector.broadcast %broadcast_in_dim3A_94 : i32 to vector<16xi32>
        %swap3A_96 = arith.constant 0 : index
        %swap3A_97 = tpu.vector_load %arg9[%swap3A_96] {strides = array<i32>} : memref<128xi32, #tpu.memory_space<vmem>>, vector<16xi32>,
        tpu.vector_store %arg9[%swap3A_96], %broadcast_in_dim3A_95 {strides = array<i32>} : memref<128xi32, #tpu.memory_space<vmem>>, vector<16xi32>,
        %broadcast_in_dim3A_98 = arith.constant 255 : i32
        %broadcast_in_dim3A_99 = vector.broadcast %broadcast_in_dim3A_98 : i32 to vector<16xi32>
        %swap3A_100 = arith.constant 0 : index
        %swap3A_101 = tpu.vector_load %arg10[%swap3A_100] {strides = array<i32>} : memref<128xi32, #tpu.memory_space<vmem>>, vector<16xi32>,
        tpu.vector_store %arg10[%swap3A_100], %broadcast_in_dim3A_99 {strides = array<i32>} : memref<128xi32, #tpu.memory_space<vmem>>, vector<16xi32>,
        %broadcast_in_dim3A_102 = arith.constant 51199 : i32
        %broadcast_in_dim3A_103 = vector.broadcast %broadcast_in_dim3A_102 : i32 to vector<16xi32>
        %swap3A_104 = arith.constant 16 : index
        %swap3A_105 = tpu.vector_load %arg9[%swap3A_104] {strides = array<i32>} : memref<128xi32, #tpu.memory_space<vmem>>, vector<16xi32>,
        tpu.vector_store %arg9[%swap3A_104], %broadcast_in_dim3A_103 {strides = array<i32>} : memref<128xi32, #tpu.memory_space<vmem>>, vector<16xi32>,
        %broadcast_in_dim3A_106 = arith.constant 255 : i32
        %broadcast_in_dim3A_107 = vector.broadcast %broadcast_in_dim3A_106 : i32 to vector<16xi32>
        %swap3A_108 = arith.constant 16 : index
        %swap3A_109 = tpu.vector_load %arg10[%swap3A_108] {strides = array<i32>} : memref<128xi32, #tpu.memory_space<vmem>>, vector<16xi32>,
        tpu.vector_store %arg10[%swap3A_108], %broadcast_in_dim3A_107 {strides = array<i32>} : memref<128xi32, #tpu.memory_space<vmem>>, vector<16xi32>,
        %broadcast_in_dim3A_110 = arith.constant 51199 : i32
        %broadcast_in_dim3A_111 = vector.broadcast %broadcast_in_dim3A_110 : i32 to vector<16xi32>
        %swap3A_112 = arith.constant 32 : index
        %swap3A_113 = tpu.vector_load %arg9[%swap3A_112] {strides = array<i32>} : memref<128xi32, #tpu.memory_space<vmem>>, vector<16xi32>,
        tpu.vector_store %arg9[%swap3A_112], %broadcast_in_dim3A_111 {strides = array<i32>} : memref<128xi32, #tpu.memory_space<vmem>>, vector<16xi32>,
        %broadcast_in_dim3A_114 = arith.constant 255 : i32
        %broadcast_in_dim3A_115 = vector.broadcast %broadcast_in_dim3A_114 : i32 to vector<16xi32>
        %swap3A_116 = arith.constant 32 : index
        %swap3A_117 = tpu.vector_load %arg10[%swap3A_116] {strides = array<i32>} : memref<128xi32, #tpu.memory_space<vmem>>, vector<16xi32>,
        tpu.vector_store %arg10[%swap3A_116], %broadcast_in_dim3A_115 {strides = array<i32>} : memref<128xi32, #tpu.memory_space<vmem>>, vector<16xi32>,
        %broadcast_in_dim3A_118 = arith.constant 51199 : i32
        %broadcast_in_dim3A_119 = vector.broadcast %broadcast_in_dim3A_118 : i32 to vector<16xi32>
        %swap3A_120 = arith.constant 48 : index
        %swap3A_121 = tpu.vector_load %arg9[%swap3A_120] {strides = array<i32>} : memref<128xi32, #tpu.memory_space<vmem>>, vector<16xi32>,
        tpu.vector_store %arg9[%swap3A_120], %broadcast_in_dim3A_119 {strides = array<i32>} : memref<128xi32, #tpu.memory_space<vmem>>, vector<16xi32>,
        %broadcast_in_dim3A_122 = arith.constant 255 : i32
        %broadcast_in_dim3A_123 = vector.broadcast %broadcast_in_dim3A_122 : i32 to vector<16xi32>
        %swap3A_124 = arith.constant 48 : index
        %swap3A_125 = tpu.vector_load %arg10[%swap3A_124] {strides = array<i32>} : memref<128xi32, #tpu.memory_space<vmem>>, vector<16xi32>,
        tpu.vector_store %arg10[%swap3A_124], %broadcast_in_dim3A_123 {strides = array<i32>} : memref<128xi32, #tpu.memory_space<vmem>>, vector<16xi32>,
        %broadcast_in_dim3A_126 = arith.constant 51199 : i32
        %broadcast_in_dim3A_127 = vector.broadcast %broadcast_in_dim3A_126 : i32 to vector<16xi32>
        %swap3A_128 = arith.constant 64 : index
        %swap3A_129 = tpu.vector_load %arg9[%swap3A_128] {strides = array<i32>} : memref<128xi32, #tpu.memory_space<vmem>>, vector<16xi32>,
        tpu.vector_store %arg9[%swap3A_128], %broadcast_in_dim3A_127 {strides = array<i32>} : memref<128xi32, #tpu.memory_space<vmem>>, vector<16xi32>,
        %broadcast_in_dim3A_130 = arith.constant 255 : i32
        %broadcast_in_dim3A_131 = vector.broadcast %broadcast_in_dim3A_130 : i32 to vector<16xi32>
        %swap3A_132 = arith.constant 64 : index
        %swap3A_133 = tpu.vector_load %arg10[%swap3A_132] {strides = array<i32>} : memref<128xi32, #tpu.memory_space<vmem>>, vector<16xi32>,
        tpu.vector_store %arg10[%swap3A_132], %broadcast_in_dim3A_131 {strides = array<i32>} : memref<128xi32, #tpu.memory_space<vmem>>, vector<16xi32>,
        %broadcast_in_dim3A_134 = arith.constant 51199 : i32
        %broadcast_in_dim3A_135 = vector.broadcast %broadcast_in_dim3A_134 : i32 to vector<16xi32>
        %swap3A_136 = arith.constant 80 : index
        %swap3A_137 = tpu.vector_load %arg9[%swap3A_136] {strides = array<i32>} : memref<128xi32, #tpu.memory_space<vmem>>, vector<16xi32>,
        tpu.vector_store %arg9[%swap3A_136], %broadcast_in_dim3A_135 {strides = array<i32>} : memref<128xi32, #tpu.memory_space<vmem>>, vector<16xi32>,
        %broadcast_in_dim3A_138 = arith.constant 255 : i32
        %broadcast_in_dim3A_139 = vector.broadcast %broadcast_in_dim3A_138 : i32 to vector<16xi32>
        %swap3A_140 = arith.constant 80 : index
        %swap3A_141 = tpu.vector_load %arg10[%swap3A_140] {strides = array<i32>} : memref<128xi32, #tpu.memory_space<vmem>>, vector<16xi32>,
        tpu.vector_store %arg10[%swap3A_140], %broadcast_in_dim3A_139 {strides = array<i32>} : memref<128xi32, #tpu.memory_space<vmem>>, vector<16xi32>,
        %broadcast_in_dim3A_142 = arith.constant 51199 : i32
        %broadcast_in_dim3A_143 = vector.broadcast %broadcast_in_dim3A_142 : i32 to vector<16xi32>
        %swap3A_144 = arith.constant 96 : index
        %swap3A_145 = tpu.vector_load %arg9[%swap3A_144] {strides = array<i32>} : memref<128xi32, #tpu.memory_space<vmem>>, vector<16xi32>,
        tpu.vector_store %arg9[%swap3A_144], %broadcast_in_dim3A_143 {strides = array<i32>} : memref<128xi32, #tpu.memory_space<vmem>>, vector<16xi32>,
        %broadcast_in_dim3A_146 = arith.constant 255 : i32
        %broadcast_in_dim3A_147 = vector.broadcast %broadcast_in_dim3A_146 : i32 to vector<16xi32>
        %swap3A_148 = arith.constant 96 : index
        %swap3A_149 = tpu.vector_load %arg10[%swap3A_148] {strides = array<i32>} : memref<128xi32, #tpu.memory_space<vmem>>, vector<16xi32>,
        tpu.vector_store %arg10[%swap3A_148], %broadcast_in_dim3A_147 {strides = array<i32>} : memref<128xi32, #tpu.memory_space<vmem>>, vector<16xi32>,
        %broadcast_in_dim3A_150 = arith.constant 51199 : i32
        %broadcast_in_dim3A_151 = vector.broadcast %broadcast_in_dim3A_150 : i32 to vector<16xi32>
        %swap3A_152 = arith.constant 112 : index
        %swap3A_153 = tpu.vector_load %arg9[%swap3A_152] {strides = array<i32>} : memref<128xi32, #tpu.memory_space<vmem>>, vector<16xi32>,
        tpu.vector_store %arg9[%swap3A_152], %broadcast_in_dim3A_151 {strides = array<i32>} : memref<128xi32, #tpu.memory_space<vmem>>, vector<16xi32>,
        %broadcast_in_dim3A_154 = arith.constant 255 : i32
        %broadcast_in_dim3A_155 = vector.broadcast %broadcast_in_dim3A_154 : i32 to vector<16xi32>
        %swap3A_156 = arith.constant 112 : index
        %swap3A_157 = tpu.vector_load %arg10[%swap3A_156] {strides = array<i32>} : memref<128xi32, #tpu.memory_space<vmem>>, vector<16xi32>,
        tpu.vector_store %arg10[%swap3A_156], %broadcast_in_dim3A_155 {strides = array<i32>} : memref<128xi32, #tpu.memory_space<vmem>>, vector<16xi32>,
      } else {
      }
      %barrier3A_86 = arith.constant 0 : index
      tpu.barrier barrier_id(%barrier3A_86)
      %mul3A_87 = arith.constant 16 : i32
      %mul3A_88 = arith.muli %arg1, %mul3A_87 : i32
      %mul3A_89 = arith.constant 16 : i32
      %mul3A_90 = arith.muli %arg1, %mul3A_89 : i32
      %add3A_91 = arith.addi %mul3A_74, %mul3A_90 : i32
      "tpu.region"() ({
        %run_scoped3A = tpu.sem_alloc : memref<!tpu.dma_semaphore, #tpu.memory_space<semaphore_mem>>
        %dma_start3A = arith.constant 0 : i32
        %dma_start3A_94 = tpu.memref_slice %arg6[%add3A_91, %dma_start3A] : memref<51200x784xf32, #tpu.memory_space<hbm>> -> memref<16x784xf32, #tpu.memory_space<hbm>>
        %dma_start3A_95 = arith.constant 0 : i32
        %dma_start3A_96 = tpu.memref_slice %arg12[%mul3A_88, %dma_start3A_95] : memref<256x784xf32, #tpu.memory_space<vmem_shared>> -> memref<16x784xf32, #tpu.memory_space<vmem_shared>>
        tpu.enqueue_dma source(%dma_start3A_96 : memref<16x784xf32, #tpu.memory_space<vmem_shared>>) target(%dma_start3A_94 : memref<16x784xf32, #tpu.memory_space<hbm>>) target_semaphore(%run_scoped3A : memref<!tpu.dma_semaphore, #tpu.memory_space<semaphore_mem>>)
        %dma_wait3A = arith.constant 0 : i32
        %dma_wait3A_97 = tpu.memref_slice %arg6[%add3A_91, %dma_wait3A] : memref<51200x784xf32, #tpu.memory_space<hbm>> -> memref<16x784xf32, #tpu.memory_space<hbm>>
        %dma_wait3A_98 = arith.constant 0 : i32
        %dma_wait3A_99 = tpu.memref_slice %arg12[%mul3A_88, %dma_wait3A_98] : memref<256x784xf32, #tpu.memory_space<vmem_shared>> -> memref<16x784xf32, #tpu.memory_space<vmem_shared>>
        tpu.wait_dma2 semaphore(%run_scoped3A : memref<!tpu.dma_semaphore, #tpu.memory_space<semaphore_mem>>) src(%dma_wait3A_99 : memref<16x784xf32, #tpu.memory_space<vmem_shared>>) dst(%dma_wait3A_97 : memref<16x784xf32, #tpu.memory_space<hbm>>)
        tpu.yield
      }) : () -> ()
      %barrier3A_92 = arith.constant 0 : index
      tpu.barrier barrier_id(%barrier3A_92)
      %scan3A_93 = arith.constant 0 : i32
      scf.yield %scan3A_93 : i32
    }
    %scan3A_68 = arith.constant 100 : i32
    return
  }
}

#map = affine_map<(d0, d1) -> (0, 0)>
#map1 = affine_map<(d0, d1) -> (0)>
module attributes {stable_mosaic.version = 14 : i64} {
  func.func @_gat_agg_kernel(%arg0: i32, %arg1: i32, %arg2: memref<51200x784xf32, #tpu.memory_space<hbm>>, %arg3: memref<416x2048xf32, #tpu.memory_space<hbm>>, %arg4: memref<416x2048xf32, #tpu.memory_space<hbm>>, %arg5: memref<51200x16xf32, #tpu.memory_space<hbm>>, %arg6: memref<51200x16xf32, #tpu.memory_space<hbm>>, %arg7: memref<784xf32, #tpu.memory_space<hbm>>, %arg8: memref<16x784xf32, #tpu.memory_space<hbm>>, %arg9: memref<16x16xf32, #tpu.memory_space<hbm>>, %arg10: memref<51200x784xf32, #tpu.memory_space<hbm>>, %arg11: memref<51200x16xf32, #tpu.memory_space<hbm>>, %arg12: memref<2048xf32, #tpu.memory_space<vmem>>, %arg13: memref<2048xf32, #tpu.memory_space<vmem>>, %arg14: memref<128xi32, #tpu.memory_space<vmem>>, %arg15: memref<128xi32, #tpu.memory_space<vmem>>, %arg16: memref<128xi32, #tpu.memory_space<vmem>>, %arg17: memref<128x784xf32, #tpu.memory_space<vmem>>, %arg18: memref<128x16xf32, #tpu.memory_space<vmem>>, %arg19: memref<128x16xf32, #tpu.memory_space<vmem>>, %arg20: memref<128x16xf32, #tpu.memory_space<vmem>>, %arg21: memref<784xf32, #tpu.memory_space<vmem>>, %arg22: memref<256x784xf32, #tpu.memory_space<vmem_shared>>, %arg23: memref<256x16xf32, #tpu.memory_space<vmem_shared>>) attributes {dimension_semantics = [#tpu.dimension_semantics<core_parallel>, #tpu.dimension_semantics<subcore_parallel>], iteration_bounds = array<i64: 2, 16>, scalar_prefetch = 0 : i64, scratch_operands = 12 : i64, tpu.core_type = #tpu.core_type<sc_vector_subcore>, window_params = [{transform_indices = #map}, {transform_indices = #map}, {transform_indices = #map}, {transform_indices = #map}, {transform_indices = #map}, {transform_indices = #map1}, {transform_indices = #map}, {transform_indices = #map}, {transform_indices = #map}, {transform_indices = #map}]} {
    %mul3A = arith.constant 53248 : i32
    %mul3A_0 = arith.muli %arg1, %mul3A : i32
    "tpu.region"() ({
      %run_scoped3A = tpu.sem_alloc : memref<!tpu.dma_semaphore, #tpu.memory_space<semaphore_mem>>
      tpu.enqueue_dma source(%arg7 : memref<784xf32, #tpu.memory_space<hbm>>) target(%arg21 : memref<784xf32, #tpu.memory_space<vmem>>) target_semaphore(%run_scoped3A : memref<!tpu.dma_semaphore, #tpu.memory_space<semaphore_mem>>)
      tpu.wait_dma2 semaphore(%run_scoped3A : memref<!tpu.dma_semaphore, #tpu.memory_space<semaphore_mem>>) src(%arg7 : memref<784xf32, #tpu.memory_space<hbm>>) dst(%arg21 : memref<784xf32, #tpu.memory_space<vmem>>)
      tpu.yield
    }) : () -> ()
    %iota3A = tpu.iota {dimensions = array<i32: 0>} : vector<16xi32>
    %broadcast_in_dim3A = arith.constant 51199 : i32
    %broadcast_in_dim3A_1 = vector.broadcast %broadcast_in_dim3A : i32 to vector<16xi32>
    %swap3A = arith.constant 0 : index
    %swap3A_2 = tpu.vector_load %arg14[%swap3A] {strides = array<i32>} : memref<128xi32, #tpu.memory_space<vmem>>, vector<16xi32>,
    tpu.vector_store %arg14[%swap3A], %broadcast_in_dim3A_1 {strides = array<i32>} : memref<128xi32, #tpu.memory_space<vmem>>, vector<16xi32>,
    %broadcast_in_dim3A_3 = arith.constant 255 : i32
    %broadcast_in_dim3A_4 = vector.broadcast %broadcast_in_dim3A_3 : i32 to vector<16xi32>
    %swap3A_5 = arith.constant 0 : index
    %swap3A_6 = tpu.vector_load %arg15[%swap3A_5] {strides = array<i32>} : memref<128xi32, #tpu.memory_space<vmem>>, vector<16xi32>,
    tpu.vector_store %arg15[%swap3A_5], %broadcast_in_dim3A_4 {strides = array<i32>} : memref<128xi32, #tpu.memory_space<vmem>>, vector<16xi32>,
    %broadcast_in_dim3A_7 = arith.constant 51199 : i32
    %broadcast_in_dim3A_8 = vector.broadcast %broadcast_in_dim3A_7 : i32 to vector<16xi32>
    %swap3A_9 = arith.constant 0 : index
    %swap3A_10 = tpu.vector_load %arg16[%swap3A_9] {strides = array<i32>} : memref<128xi32, #tpu.memory_space<vmem>>, vector<16xi32>,
    tpu.vector_store %arg16[%swap3A_9], %broadcast_in_dim3A_8 {strides = array<i32>} : memref<128xi32, #tpu.memory_space<vmem>>, vector<16xi32>,
    %broadcast_in_dim3A_11 = arith.constant 51199 : i32
    %broadcast_in_dim3A_12 = vector.broadcast %broadcast_in_dim3A_11 : i32 to vector<16xi32>
    %swap3A_13 = arith.constant 16 : index
    %swap3A_14 = tpu.vector_load %arg14[%swap3A_13] {strides = array<i32>} : memref<128xi32, #tpu.memory_space<vmem>>, vector<16xi32>,
    tpu.vector_store %arg14[%swap3A_13], %broadcast_in_dim3A_12 {strides = array<i32>} : memref<128xi32, #tpu.memory_space<vmem>>, vector<16xi32>,
    %broadcast_in_dim3A_15 = arith.constant 255 : i32
    %broadcast_in_dim3A_16 = vector.broadcast %broadcast_in_dim3A_15 : i32 to vector<16xi32>
    %swap3A_17 = arith.constant 16 : index
    %swap3A_18 = tpu.vector_load %arg15[%swap3A_17] {strides = array<i32>} : memref<128xi32, #tpu.memory_space<vmem>>, vector<16xi32>,
    tpu.vector_store %arg15[%swap3A_17], %broadcast_in_dim3A_16 {strides = array<i32>} : memref<128xi32, #tpu.memory_space<vmem>>, vector<16xi32>,
    %broadcast_in_dim3A_19 = arith.constant 51199 : i32
    %broadcast_in_dim3A_20 = vector.broadcast %broadcast_in_dim3A_19 : i32 to vector<16xi32>
    %swap3A_21 = arith.constant 16 : index
    %swap3A_22 = tpu.vector_load %arg16[%swap3A_21] {strides = array<i32>} : memref<128xi32, #tpu.memory_space<vmem>>, vector<16xi32>,
    tpu.vector_store %arg16[%swap3A_21], %broadcast_in_dim3A_20 {strides = array<i32>} : memref<128xi32, #tpu.memory_space<vmem>>, vector<16xi32>,
    %broadcast_in_dim3A_23 = arith.constant 51199 : i32
    %broadcast_in_dim3A_24 = vector.broadcast %broadcast_in_dim3A_23 : i32 to vector<16xi32>
    %swap3A_25 = arith.constant 32 : index
    %swap3A_26 = tpu.vector_load %arg14[%swap3A_25] {strides = array<i32>} : memref<128xi32, #tpu.memory_space<vmem>>, vector<16xi32>,
    tpu.vector_store %arg14[%swap3A_25], %broadcast_in_dim3A_24 {strides = array<i32>} : memref<128xi32, #tpu.memory_space<vmem>>, vector<16xi32>,
    %broadcast_in_dim3A_27 = arith.constant 255 : i32
    %broadcast_in_dim3A_28 = vector.broadcast %broadcast_in_dim3A_27 : i32 to vector<16xi32>
    %swap3A_29 = arith.constant 32 : index
    %swap3A_30 = tpu.vector_load %arg15[%swap3A_29] {strides = array<i32>} : memref<128xi32, #tpu.memory_space<vmem>>, vector<16xi32>,
    tpu.vector_store %arg15[%swap3A_29], %broadcast_in_dim3A_28 {strides = array<i32>} : memref<128xi32, #tpu.memory_space<vmem>>, vector<16xi32>,
    %broadcast_in_dim3A_31 = arith.constant 51199 : i32
    %broadcast_in_dim3A_32 = vector.broadcast %broadcast_in_dim3A_31 : i32 to vector<16xi32>
    %swap3A_33 = arith.constant 32 : index
    %swap3A_34 = tpu.vector_load %arg16[%swap3A_33] {strides = array<i32>} : memref<128xi32, #tpu.memory_space<vmem>>, vector<16xi32>,
    tpu.vector_store %arg16[%swap3A_33], %broadcast_in_dim3A_32 {strides = array<i32>} : memref<128xi32, #tpu.memory_space<vmem>>, vector<16xi32>,
    %broadcast_in_dim3A_35 = arith.constant 51199 : i32
    %broadcast_in_dim3A_36 = vector.broadcast %broadcast_in_dim3A_35 : i32 to vector<16xi32>
    %swap3A_37 = arith.constant 48 : index
    %swap3A_38 = tpu.vector_load %arg14[%swap3A_37] {strides = array<i32>} : memref<128xi32, #tpu.memory_space<vmem>>, vector<16xi32>,
    tpu.vector_store %arg14[%swap3A_37], %broadcast_in_dim3A_36 {strides = array<i32>} : memref<128xi32, #tpu.memory_space<vmem>>, vector<16xi32>,
    %broadcast_in_dim3A_39 = arith.constant 255 : i32
    %broadcast_in_dim3A_40 = vector.broadcast %broadcast_in_dim3A_39 : i32 to vector<16xi32>
    %swap3A_41 = arith.constant 48 : index
    %swap3A_42 = tpu.vector_load %arg15[%swap3A_41] {strides = array<i32>} : memref<128xi32, #tpu.memory_space<vmem>>, vector<16xi32>,
    tpu.vector_store %arg15[%swap3A_41], %broadcast_in_dim3A_40 {strides = array<i32>} : memref<128xi32, #tpu.memory_space<vmem>>, vector<16xi32>,
    %broadcast_in_dim3A_43 = arith.constant 51199 : i32
    %broadcast_in_dim3A_44 = vector.broadcast %broadcast_in_dim3A_43 : i32 to vector<16xi32>
    %swap3A_45 = arith.constant 48 : index
    %swap3A_46 = tpu.vector_load %arg16[%swap3A_45] {strides = array<i32>} : memref<128xi32, #tpu.memory_space<vmem>>, vector<16xi32>,
    tpu.vector_store %arg16[%swap3A_45], %broadcast_in_dim3A_44 {strides = array<i32>} : memref<128xi32, #tpu.memory_space<vmem>>, vector<16xi32>,
    %broadcast_in_dim3A_47 = arith.constant 51199 : i32
    %broadcast_in_dim3A_48 = vector.broadcast %broadcast_in_dim3A_47 : i32 to vector<16xi32>
    %swap3A_49 = arith.constant 64 : index
    %swap3A_50 = tpu.vector_load %arg14[%swap3A_49] {strides = array<i32>} : memref<128xi32, #tpu.memory_space<vmem>>, vector<16xi32>,
    tpu.vector_store %arg14[%swap3A_49], %broadcast_in_dim3A_48 {strides = array<i32>} : memref<128xi32, #tpu.memory_space<vmem>>, vector<16xi32>,
    %broadcast_in_dim3A_51 = arith.constant 255 : i32
    %broadcast_in_dim3A_52 = vector.broadcast %broadcast_in_dim3A_51 : i32 to vector<16xi32>
    %swap3A_53 = arith.constant 64 : index
    %swap3A_54 = tpu.vector_load %arg15[%swap3A_53] {strides = array<i32>} : memref<128xi32, #tpu.memory_space<vmem>>, vector<16xi32>,
    tpu.vector_store %arg15[%swap3A_53], %broadcast_in_dim3A_52 {strides = array<i32>} : memref<128xi32, #tpu.memory_space<vmem>>, vector<16xi32>,
    %broadcast_in_dim3A_55 = arith.constant 51199 : i32
    %broadcast_in_dim3A_56 = vector.broadcast %broadcast_in_dim3A_55 : i32 to vector<16xi32>
    %swap3A_57 = arith.constant 64 : index
    %swap3A_58 = tpu.vector_load %arg16[%swap3A_57] {strides = array<i32>} : memref<128xi32, #tpu.memory_space<vmem>>, vector<16xi32>,
    tpu.vector_store %arg16[%swap3A_57], %broadcast_in_dim3A_56 {strides = array<i32>} : memref<128xi32, #tpu.memory_space<vmem>>, vector<16xi32>,
    %broadcast_in_dim3A_59 = arith.constant 51199 : i32
    %broadcast_in_dim3A_60 = vector.broadcast %broadcast_in_dim3A_59 : i32 to vector<16xi32>
    %swap3A_61 = arith.constant 80 : index
    %swap3A_62 = tpu.vector_load %arg14[%swap3A_61] {strides = array<i32>} : memref<128xi32, #tpu.memory_space<vmem>>, vector<16xi32>,
    tpu.vector_store %arg14[%swap3A_61], %broadcast_in_dim3A_60 {strides = array<i32>} : memref<128xi32, #tpu.memory_space<vmem>>, vector<16xi32>,
    %broadcast_in_dim3A_63 = arith.constant 255 : i32
    %broadcast_in_dim3A_64 = vector.broadcast %broadcast_in_dim3A_63 : i32 to vector<16xi32>
    %swap3A_65 = arith.constant 80 : index
    %swap3A_66 = tpu.vector_load %arg15[%swap3A_65] {strides = array<i32>} : memref<128xi32, #tpu.memory_space<vmem>>, vector<16xi32>,
    tpu.vector_store %arg15[%swap3A_65], %broadcast_in_dim3A_64 {strides = array<i32>} : memref<128xi32, #tpu.memory_space<vmem>>, vector<16xi32>,
    %broadcast_in_dim3A_67 = arith.constant 51199 : i32
    %broadcast_in_dim3A_68 = vector.broadcast %broadcast_in_dim3A_67 : i32 to vector<16xi32>
    %swap3A_69 = arith.constant 80 : index
    %swap3A_70 = tpu.vector_load %arg16[%swap3A_69] {strides = array<i32>} : memref<128xi32, #tpu.memory_space<vmem>>, vector<16xi32>,
    tpu.vector_store %arg16[%swap3A_69], %broadcast_in_dim3A_68 {strides = array<i32>} : memref<128xi32, #tpu.memory_space<vmem>>, vector<16xi32>,
    %broadcast_in_dim3A_71 = arith.constant 51199 : i32
    %broadcast_in_dim3A_72 = vector.broadcast %broadcast_in_dim3A_71 : i32 to vector<16xi32>
    %swap3A_73 = arith.constant 96 : index
    %swap3A_74 = tpu.vector_load %arg14[%swap3A_73] {strides = array<i32>} : memref<128xi32, #tpu.memory_space<vmem>>, vector<16xi32>,
    tpu.vector_store %arg14[%swap3A_73], %broadcast_in_dim3A_72 {strides = array<i32>} : memref<128xi32, #tpu.memory_space<vmem>>, vector<16xi32>,
    %broadcast_in_dim3A_75 = arith.constant 255 : i32
    %broadcast_in_dim3A_76 = vector.broadcast %broadcast_in_dim3A_75 : i32 to vector<16xi32>
    %swap3A_77 = arith.constant 96 : index
    %swap3A_78 = tpu.vector_load %arg15[%swap3A_77] {strides = array<i32>} : memref<128xi32, #tpu.memory_space<vmem>>, vector<16xi32>,
    tpu.vector_store %arg15[%swap3A_77], %broadcast_in_dim3A_76 {strides = array<i32>} : memref<128xi32, #tpu.memory_space<vmem>>, vector<16xi32>,
    %broadcast_in_dim3A_79 = arith.constant 51199 : i32
    %broadcast_in_dim3A_80 = vector.broadcast %broadcast_in_dim3A_79 : i32 to vector<16xi32>
    %swap3A_81 = arith.constant 96 : index
    %swap3A_82 = tpu.vector_load %arg16[%swap3A_81] {strides = array<i32>} : memref<128xi32, #tpu.memory_space<vmem>>, vector<16xi32>,
    tpu.vector_store %arg16[%swap3A_81], %broadcast_in_dim3A_80 {strides = array<i32>} : memref<128xi32, #tpu.memory_space<vmem>>, vector<16xi32>,
    %broadcast_in_dim3A_83 = arith.constant 51199 : i32
    %broadcast_in_dim3A_84 = vector.broadcast %broadcast_in_dim3A_83 : i32 to vector<16xi32>
    %swap3A_85 = arith.constant 112 : index
    %swap3A_86 = tpu.vector_load %arg14[%swap3A_85] {strides = array<i32>} : memref<128xi32, #tpu.memory_space<vmem>>, vector<16xi32>,
    tpu.vector_store %arg14[%swap3A_85], %broadcast_in_dim3A_84 {strides = array<i32>} : memref<128xi32, #tpu.memory_space<vmem>>, vector<16xi32>,
    %broadcast_in_dim3A_87 = arith.constant 255 : i32
    %broadcast_in_dim3A_88 = vector.broadcast %broadcast_in_dim3A_87 : i32 to vector<16xi32>
    %swap3A_89 = arith.constant 112 : index
    %swap3A_90 = tpu.vector_load %arg15[%swap3A_89] {strides = array<i32>} : memref<128xi32, #tpu.memory_space<vmem>>, vector<16xi32>,
    tpu.vector_store %arg15[%swap3A_89], %broadcast_in_dim3A_88 {strides = array<i32>} : memref<128xi32, #tpu.memory_space<vmem>>, vector<16xi32>,
    %broadcast_in_dim3A_91 = arith.constant 51199 : i32
    %broadcast_in_dim3A_92 = vector.broadcast %broadcast_in_dim3A_91 : i32 to vector<16xi32>
    %swap3A_93 = arith.constant 112 : index
    %swap3A_94 = tpu.vector_load %arg16[%swap3A_93] {strides = array<i32>} : memref<128xi32, #tpu.memory_space<vmem>>, vector<16xi32>,
    tpu.vector_store %arg16[%swap3A_93], %broadcast_in_dim3A_92 {strides = array<i32>} : memref<128xi32, #tpu.memory_space<vmem>>, vector<16xi32>,
    %scan3A = arith.constant 0 : i32
    %scan3A_95 = arith.constant 0 : i32
    %scan3A_96 = arith.constant 100 : i32
    %scan3A_97 = arith.addi %scan3A_95, %scan3A_96 : i32
    %scan3A_98 = arith.constant 1 : i32
    %scan3A_99 = scf.for %scan3A_101 = %scan3A_95 to %scan3A_97 step %scan3A_98 iter_args(%scan3A_102 = %scan3A) -> (i32)  : i32 {
      %mul3A_103 = arith.constant 2 : i32
      %mul3A_104 = arith.muli %mul3A_103, %scan3A_101 : i32
      %add3A = arith.addi %mul3A_104, %arg0 : i32
      %mul3A_105 = arith.constant 256 : i32
      %mul3A_106 = arith.muli %add3A, %mul3A_105 : i32
      %mul3A_107 = arith.constant 16 : i32
      %mul3A_108 = arith.muli %arg1, %mul3A_107 : i32
      "tpu.region"() ({
        %run_scoped3A = tpu.sem_alloc : memref<!tpu.dma_semaphore, #tpu.memory_space<semaphore_mem>>
        %dma_start3A = arith.constant 0 : i32
        %dma_start3A_133 = tpu.memref_slice %arg22[%mul3A_108, %dma_start3A] : memref<256x784xf32, #tpu.memory_space<vmem_shared>> -> memref<16x784xf32, #tpu.memory_space<vmem_shared>>
        tpu.enqueue_dma source(%arg8 : memref<16x784xf32, #tpu.memory_space<hbm>>) target(%dma_start3A_133 : memref<16x784xf32, #tpu.memory_space<vmem_shared>>) target_semaphore(%run_scoped3A : memref<!tpu.dma_semaphore, #tpu.memory_space<semaphore_mem>>)
        %dma_wait3A = arith.constant 0 : i32
        %dma_wait3A_134 = tpu.memref_slice %arg22[%mul3A_108, %dma_wait3A] : memref<256x784xf32, #tpu.memory_space<vmem_shared>> -> memref<16x784xf32, #tpu.memory_space<vmem_shared>>
        tpu.wait_dma2 semaphore(%run_scoped3A : memref<!tpu.dma_semaphore, #tpu.memory_space<semaphore_mem>>) src(%arg8 : memref<16x784xf32, #tpu.memory_space<hbm>>) dst(%dma_wait3A_134 : memref<16x784xf32, #tpu.memory_space<vmem_shared>>)
        tpu.yield
      }) : () -> ()
      %mul3A_109 = arith.constant 16 : i32
      %mul3A_110 = arith.muli %arg1, %mul3A_109 : i32
      "tpu.region"() ({
        %run_scoped3A = tpu.sem_alloc : memref<!tpu.dma_semaphore, #tpu.memory_space<semaphore_mem>>
        %dma_start3A = arith.constant 0 : i32
        %dma_start3A_133 = tpu.memref_slice %arg23[%mul3A_110, %dma_start3A] : memref<256x16xf32, #tpu.memory_space<vmem_shared>> -> memref<16x16xf32, #tpu.memory_space<vmem_shared>>
        tpu.enqueue_dma source(%arg9 : memref<16x16xf32, #tpu.memory_space<hbm>>) target(%dma_start3A_133 : memref<16x16xf32, #tpu.memory_space<vmem_shared>>) target_semaphore(%run_scoped3A : memref<!tpu.dma_semaphore, #tpu.memory_space<semaphore_mem>>)
        %dma_wait3A = arith.constant 0 : i32
        %dma_wait3A_134 = tpu.memref_slice %arg23[%mul3A_110, %dma_wait3A] : memref<256x16xf32, #tpu.memory_space<vmem_shared>> -> memref<16x16xf32, #tpu.memory_space<vmem_shared>>
        tpu.wait_dma2 semaphore(%run_scoped3A : memref<!tpu.dma_semaphore, #tpu.memory_space<semaphore_mem>>) src(%arg9 : memref<16x16xf32, #tpu.memory_space<hbm>>) dst(%dma_wait3A_134 : memref<16x16xf32, #tpu.memory_space<vmem_shared>>)
        tpu.yield
      }) : () -> ()
      %barrier3A = arith.constant 0 : index
      tpu.barrier barrier_id(%barrier3A)
      %scan3A_111 = arith.constant 0 : i32
      %scan3A_112 = arith.constant 0 : i32
      %scan3A_113 = arith.constant 26 : i32
      %scan3A_114 = arith.addi %scan3A_112, %scan3A_113 : i32
      %scan3A_115 = arith.constant 1 : i32
      %scan3A_116 = scf.for %scan3A_133 = %scan3A_112 to %scan3A_114 step %scan3A_115 iter_args(%scan3A_134 = %scan3A_111) -> (i32)  : i32 {
        %mul3A_135 = arith.constant 26 : i32
        %mul3A_136 = arith.muli %arg1, %mul3A_135 : i32
        %add3A_137 = arith.addi %mul3A_136, %scan3A_133 : i32
        "tpu.region"() ({
          %run_scoped3A = tpu.sem_alloc : memref<!tpu.dma_semaphore, #tpu.memory_space<semaphore_mem>>
          %dma_start3A = arith.constant 0 : i32
          %dma_start3A_144 = tpu.memref_slice %arg3[%add3A_137, %dma_start3A] : memref<416x2048xf32, #tpu.memory_space<hbm>> -> memref<1x2048xf32, #tpu.memory_space<hbm>>
          %dma_start3A_145 = tpu.memref_squeeze %dma_start3A_144 : memref<1x2048xf32, #tpu.memory_space<hbm>> -> memref<2048xf32, #tpu.memory_space<hbm>>
          %dma_start3A_146 = arith.constant 0 : i32
          %dma_start3A_147 = tpu.memref_slice %arg3[%add3A_137, %dma_start3A_146] : memref<416x2048xf32, #tpu.memory_space<hbm>> -> memref<1x2048xf32, #tpu.memory_space<hbm>>
          %dma_start3A_148 = tpu.memref_squeeze %dma_start3A_147 : memref<1x2048xf32, #tpu.memory_space<hbm>> -> memref<2048xf32, #tpu.memory_space<hbm>>
          tpu.enqueue_dma source(%dma_start3A_148 : memref<2048xf32, #tpu.memory_space<hbm>>) target(%arg12 : memref<2048xf32, #tpu.memory_space<vmem>>) target_semaphore(%run_scoped3A : memref<!tpu.dma_semaphore, #tpu.memory_space<semaphore_mem>>)
          %dma_wait3A = arith.constant 0 : i32
          %dma_wait3A_149 = tpu.memref_slice %arg3[%add3A_137, %dma_wait3A] : memref<416x2048xf32, #tpu.memory_space<hbm>> -> memref<1x2048xf32, #tpu.memory_space<hbm>>
          %dma_wait3A_150 = tpu.memref_squeeze %dma_wait3A_149 : memref<1x2048xf32, #tpu.memory_space<hbm>> -> memref<2048xf32, #tpu.memory_space<hbm>>
          %dma_wait3A_151 = arith.constant 0 : i32
          %dma_wait3A_152 = tpu.memref_slice %arg3[%add3A_137, %dma_wait3A_151] : memref<416x2048xf32, #tpu.memory_space<hbm>> -> memref<1x2048xf32, #tpu.memory_space<hbm>>
          %dma_wait3A_153 = tpu.memref_squeeze %dma_wait3A_152 : memref<1x2048xf32, #tpu.memory_space<hbm>> -> memref<2048xf32, #tpu.memory_space<hbm>>
          tpu.wait_dma2 semaphore(%run_scoped3A : memref<!tpu.dma_semaphore, #tpu.memory_space<semaphore_mem>>) src(%dma_wait3A_153 : memref<2048xf32, #tpu.memory_space<hbm>>) dst(%arg12 : memref<2048xf32, #tpu.memory_space<vmem>>)
          tpu.yield
        }) : () -> ()
        "tpu.region"() ({
          %run_scoped3A = tpu.sem_alloc : memref<!tpu.dma_semaphore, #tpu.memory_space<semaphore_mem>>
          %dma_start3A = arith.constant 0 : i32
          %dma_start3A_144 = tpu.memref_slice %arg4[%add3A_137, %dma_start3A] : memref<416x2048xf32, #tpu.memory_space<hbm>> -> memref<1x2048xf32, #tpu.memory_space<hbm>>
          %dma_start3A_145 = tpu.memref_squeeze %dma_start3A_144 : memref<1x2048xf32, #tpu.memory_space<hbm>> -> memref<2048xf32, #tpu.memory_space<hbm>>
          %dma_start3A_146 = arith.constant 0 : i32
          %dma_start3A_147 = tpu.memref_slice %arg4[%add3A_137, %dma_start3A_146] : memref<416x2048xf32, #tpu.memory_space<hbm>> -> memref<1x2048xf32, #tpu.memory_space<hbm>>
          %dma_start3A_148 = tpu.memref_squeeze %dma_start3A_147 : memref<1x2048xf32, #tpu.memory_space<hbm>> -> memref<2048xf32, #tpu.memory_space<hbm>>
          tpu.enqueue_dma source(%dma_start3A_148 : memref<2048xf32, #tpu.memory_space<hbm>>) target(%arg13 : memref<2048xf32, #tpu.memory_space<vmem>>) target_semaphore(%run_scoped3A : memref<!tpu.dma_semaphore, #tpu.memory_space<semaphore_mem>>)
          %dma_wait3A = arith.constant 0 : i32
          %dma_wait3A_149 = tpu.memref_slice %arg4[%add3A_137, %dma_wait3A] : memref<416x2048xf32, #tpu.memory_space<hbm>> -> memref<1x2048xf32, #tpu.memory_space<hbm>>
          %dma_wait3A_150 = tpu.memref_squeeze %dma_wait3A_149 : memref<1x2048xf32, #tpu.memory_space<hbm>> -> memref<2048xf32, #tpu.memory_space<hbm>>
          %dma_wait3A_151 = arith.constant 0 : i32
          %dma_wait3A_152 = tpu.memref_slice %arg4[%add3A_137, %dma_wait3A_151] : memref<416x2048xf32, #tpu.memory_space<hbm>> -> memref<1x2048xf32, #tpu.memory_space<hbm>>
          %dma_wait3A_153 = tpu.memref_squeeze %dma_wait3A_152 : memref<1x2048xf32, #tpu.memory_space<hbm>> -> memref<2048xf32, #tpu.memory_space<hbm>>
          tpu.wait_dma2 semaphore(%run_scoped3A : memref<!tpu.dma_semaphore, #tpu.memory_space<semaphore_mem>>) src(%dma_wait3A_153 : memref<2048xf32, #tpu.memory_space<hbm>>) dst(%arg13 : memref<2048xf32, #tpu.memory_space<vmem>>)
          tpu.yield
        }) : () -> ()
        %scan3A_138 = arith.constant 0 : i32
        %scan3A_139 = arith.constant 128 : i32
        %scan3A_140 = arith.addi %scan3A_138, %scan3A_139 : i32
        %scan3A_141 = arith.constant 1 : i32
        %scan3A_142 = scf.for %scan3A_144 = %scan3A_138 to %scan3A_140 step %scan3A_141 iter_args(%scan3A_145 = %scan3A_134) -> (i32)  : i32 {
          %mul3A_146 = arith.constant 16 : i32
          %mul3A_147 = arith.muli %scan3A_144, %mul3A_146 : i32
          %get3A = arith.index_cast %mul3A_147 : i32 to index
          %get3A_148 = tpu.vector_load %arg12[%get3A] {strides = array<i32>} : memref<2048xf32, #tpu.memory_space<vmem>>, vector<16xf32>,
          %bitcast3A = vector.bitcast %get3A_148 : vector<16xf32> to vector<16xi32>
          %mul3A_149 = arith.constant 16 : i32
          %mul3A_150 = arith.muli %scan3A_144, %mul3A_149 : i32
          %get3A_151 = arith.index_cast %mul3A_150 : i32 to index
          %get3A_152 = tpu.vector_load %arg13[%get3A_151] {strides = array<i32>} : memref<2048xf32, #tpu.memory_space<vmem>>, vector<16xf32>,
          %bitcast3A_153 = vector.bitcast %get3A_152 : vector<16xf32> to vector<16xi32>
          %sub3A = vector.broadcast %mul3A_106 : i32 to vector<16xi32>
          %sub3A_154 = arith.subi %bitcast3A_153, %sub3A : vector<16xi32>
          %ge3A = arith.constant 0 : i32
          %ge3A_155 = vector.broadcast %ge3A : i32 to vector<16xi32>
          %ge3A_156 = arith.cmpi sge, %sub3A_154, %ge3A_155 : vector<16xi32>
          %lt3A = arith.constant 256 : i32
          %lt3A_157 = vector.broadcast %lt3A : i32 to vector<16xi32>
          %lt3A_158 = arith.cmpi slt, %sub3A_154, %lt3A_157 : vector<16xi32>
          %and3A = arith.andi %ge3A_156, %lt3A_158 : vector<16xi1>
          %jit3A = arith.constant 1 : i32
          %jit3A_159 = arith.constant 0 : i32
          %broadcast_in_dim3A_160 = vector.broadcast %jit3A : i32 to vector<16xi32>
          %broadcast_in_dim3A_161 = vector.broadcast %jit3A_159 : i32 to vector<16xi32>
          %select_n3A = arith.select %and3A, %broadcast_in_dim3A_160, %broadcast_in_dim3A_161 : vector<16xi1>, vector<16xi32>
          %reduce_sum3A = arith.constant true
          %reduce_sum3A_162 = vector.broadcast %reduce_sum3A : i1 to vector<16xi1>
          %reduce_sum3A_163 = tpu.scan <sum>, %select_n3A masked %reduce_sum3A_162 : vector<16xi32>, vector<16xi1> -> vector<16xi32>
          %reduce_sum3A_164 = vector.extract %reduce_sum3A_163[15] : i32 from vector<16xi32>
          %swap3A_165 = arith.index_cast %scan3A_145 : i32 to index
          %swap3A_166 = tpu.vector_load %arg14[%swap3A_165] masked %and3A {strides = array<i32>} : memref<128xi32, #tpu.memory_space<vmem>>, vector<16xi32>, vector<16xi1>
          tpu.vector_store %arg14[%swap3A_165], %bitcast3A masked %and3A {strides = array<i32>} : memref<128xi32, #tpu.memory_space<vmem>>, vector<16xi32>, vector<16xi1>
          %swap3A_167 = arith.index_cast %scan3A_145 : i32 to index
          %swap3A_168 = tpu.vector_load %arg15[%swap3A_167] masked %and3A {strides = array<i32>} : memref<128xi32, #tpu.memory_space<vmem>>, vector<16xi32>, vector<16xi1>
          tpu.vector_store %arg15[%swap3A_167], %sub3A_154 masked %and3A {strides = array<i32>} : memref<128xi32, #tpu.memory_space<vmem>>, vector<16xi32>, vector<16xi1>
          %swap3A_169 = arith.index_cast %scan3A_145 : i32 to index
          %swap3A_170 = tpu.vector_load %arg16[%swap3A_169] masked %and3A {strides = array<i32>} : memref<128xi32, #tpu.memory_space<vmem>>, vector<16xi32>, vector<16xi1>
          tpu.vector_store %arg16[%swap3A_169], %bitcast3A_153 masked %and3A {strides = array<i32>} : memref<128xi32, #tpu.memory_space<vmem>>, vector<16xi32>, vector<16xi1>
          %add3A_171 = arith.addi %scan3A_145, %reduce_sum3A_164 : i32
          %ge3A_172 = arith.constant 112 : i32
          %ge3A_173 = arith.cmpi sge, %add3A_171, %ge3A_172 : i32
          %convert_element_type3A_174 = arith.extui %ge3A_173 : i1 to i32
          %cond3A_175 = arith.constant 0 : i32
          %cond3A_176 = arith.cmpi ne, %convert_element_type3A_174, %cond3A_175 : i32
          scf.if %cond3A_176 {
            "tpu.region"() ({
              %run_scoped3A = tpu.sem_alloc : memref<!tpu.dma_semaphore, #tpu.memory_space<semaphore_mem>>
              %dma_start3A = arith.constant 0 : i32
              %dma_start3A_289 = arith.constant 0 : i32
              %dma_start3A_290 = tpu.memref_slice %arg2[%dma_start3A, %dma_start3A_289] : memref<51200x784xf32, #tpu.memory_space<hbm>> -> memref<51200x784xf32, #tpu.memory_space<hbm>>
              tpu.enqueue_indirect_dma source(%dma_start3A_290 : memref<51200x784xf32, #tpu.memory_space<hbm>>) target(%arg17 : memref<128x784xf32, #tpu.memory_space<vmem>>) offsets(%arg14 : memref<128xi32, #tpu.memory_space<vmem>>) semaphore(%run_scoped3A : memref<!tpu.dma_semaphore, #tpu.memory_space<semaphore_mem>>)
              %dma_wait3A = arith.constant 0 : i32
              %dma_wait3A_291 = arith.constant 0 : i32
              %dma_wait3A_292 = tpu.memref_slice %arg2[%dma_wait3A, %dma_wait3A_291] : memref<51200x784xf32, #tpu.memory_space<hbm>> -> memref<51200x784xf32, #tpu.memory_space<hbm>>
              tpu.wait_indirect_dma semaphore(%run_scoped3A : memref<!tpu.dma_semaphore, #tpu.memory_space<semaphore_mem>>) src(%dma_wait3A_292 : memref<51200x784xf32, #tpu.memory_space<hbm>>) dst(%arg17 : memref<128x784xf32, #tpu.memory_space<vmem>>)
              tpu.yield
            }) : () -> ()
            "tpu.region"() ({
              %run_scoped3A = tpu.sem_alloc : memref<!tpu.dma_semaphore, #tpu.memory_space<semaphore_mem>>
              %dma_start3A = arith.constant 0 : i32
              %dma_start3A_289 = arith.constant 0 : i32
              %dma_start3A_290 = tpu.memref_slice %arg5[%dma_start3A, %dma_start3A_289] : memref<51200x16xf32, #tpu.memory_space<hbm>> -> memref<51200x16xf32, #tpu.memory_space<hbm>>
              tpu.enqueue_indirect_dma source(%dma_start3A_290 : memref<51200x16xf32, #tpu.memory_space<hbm>>) target(%arg18 : memref<128x16xf32, #tpu.memory_space<vmem>>) offsets(%arg14 : memref<128xi32, #tpu.memory_space<vmem>>) semaphore(%run_scoped3A : memref<!tpu.dma_semaphore, #tpu.memory_space<semaphore_mem>>)
              %dma_wait3A = arith.constant 0 : i32
              %dma_wait3A_291 = arith.constant 0 : i32
              %dma_wait3A_292 = tpu.memref_slice %arg5[%dma_wait3A, %dma_wait3A_291] : memref<51200x16xf32, #tpu.memory_space<hbm>> -> memref<51200x16xf32, #tpu.memory_space<hbm>>
              tpu.wait_indirect_dma semaphore(%run_scoped3A : memref<!tpu.dma_semaphore, #tpu.memory_space<semaphore_mem>>) src(%dma_wait3A_292 : memref<51200x16xf32, #tpu.memory_space<hbm>>) dst(%arg18 : memref<128x16xf32, #tpu.memory_space<vmem>>)
              tpu.yield
            }) : () -> ()
            "tpu.region"() ({
              %run_scoped3A = tpu.sem_alloc : memref<!tpu.dma_semaphore, #tpu.memory_space<semaphore_mem>>
              %dma_start3A = arith.constant 0 : i32
              %dma_start3A_289 = arith.constant 0 : i32
              %dma_start3A_290 = tpu.memref_slice %arg6[%dma_start3A, %dma_start3A_289] : memref<51200x16xf32, #tpu.memory_space<hbm>> -> memref<51200x16xf32, #tpu.memory_space<hbm>>
              tpu.enqueue_indirect_dma source(%dma_start3A_290 : memref<51200x16xf32, #tpu.memory_space<hbm>>) target(%arg19 : memref<128x16xf32, #tpu.memory_space<vmem>>) offsets(%arg16 : memref<128xi32, #tpu.memory_space<vmem>>) semaphore(%run_scoped3A : memref<!tpu.dma_semaphore, #tpu.memory_space<semaphore_mem>>)
              %dma_wait3A = arith.constant 0 : i32
              %dma_wait3A_291 = arith.constant 0 : i32
              %dma_wait3A_292 = tpu.memref_slice %arg6[%dma_wait3A, %dma_wait3A_291] : memref<51200x16xf32, #tpu.memory_space<hbm>> -> memref<51200x16xf32, #tpu.memory_space<hbm>>
              tpu.wait_indirect_dma semaphore(%run_scoped3A : memref<!tpu.dma_semaphore, #tpu.memory_space<semaphore_mem>>) src(%dma_wait3A_292 : memref<51200x16xf32, #tpu.memory_space<hbm>>) dst(%arg19 : memref<128x16xf32, #tpu.memory_space<vmem>>)
              tpu.yield
            }) : () -> ()
            %scan3A_179 = arith.constant 0 : i32
            %scan3A_180 = arith.constant 0 : i32
            %scan3A_181 = arith.constant 128 : i32
            %scan3A_182 = arith.addi %scan3A_180, %scan3A_181 : i32
            %scan3A_183 = arith.constant 1 : i32
            %scan3A_184 = scf.for %scan3A_289 = %scan3A_180 to %scan3A_182 step %scan3A_183 iter_args(%scan3A_290 = %scan3A_179) -> (i32)  : i32 {
              %get3A_291 = arith.index_cast %scan3A_289 : i32 to index
              %get3A_292 = arith.constant 0 : index
              %get3A_293 = tpu.vector_load %arg18[%get3A_291, %get3A_292] {strides = array<i32>} : memref<128x16xf32, #tpu.memory_space<vmem>>, vector<16xf32>,
              %get3A_294 = arith.index_cast %scan3A_289 : i32 to index
              %get3A_295 = arith.constant 0 : index
              %get3A_296 = tpu.vector_load %arg19[%get3A_294, %get3A_295] {strides = array<i32>} : memref<128x16xf32, #tpu.memory_space<vmem>>, vector<16xf32>,
              %add3A_297 = arith.addf %get3A_293, %get3A_296 : vector<16xf32>
              %max3A = arith.constant 0.000000e+00 : f32
              %max3A_298 = vector.broadcast %max3A : f32 to vector<16xf32>
              %max3A_299 = arith.maximumf %add3A_297, %max3A_298 : vector<16xf32>
              %min3A = arith.constant 0.000000e+00 : f32
              %min3A_300 = vector.broadcast %min3A : f32 to vector<16xf32>
              %min3A_301 = arith.minimumf %add3A_297, %min3A_300 : vector<16xf32>
              %mul3A_302 = arith.constant 2.000000e-01 : f32
              %mul3A_303 = vector.broadcast %mul3A_302 : f32 to vector<16xf32>
              %mul3A_304 = arith.mulf %mul3A_303, %min3A_301 : vector<16xf32>
              %add3A_305 = arith.addf %max3A_299, %mul3A_304 : vector<16xf32>
              %exp3A = math.exp %add3A_305 : vector<16xf32>
              %lt3A_306 = arith.constant 10 : i32
              %lt3A_307 = vector.broadcast %lt3A_306 : i32 to vector<16xi32>
              %lt3A_308 = arith.cmpi slt, %iota3A, %lt3A_307 : vector<16xi32>
              %eq3A = arith.constant 10 : i32
              %eq3A_309 = vector.broadcast %eq3A : i32 to vector<16xi32>
              %eq3A_310 = arith.cmpi eq, %iota3A, %eq3A_309 : vector<16xi32>
              %jit3A_311 = arith.constant 1.000000e+00 : f32
              %jit3A_312 = arith.constant 0.000000e+00 : f32
              %broadcast_in_dim3A_313 = vector.broadcast %jit3A_311 : f32 to vector<16xf32>
              %broadcast_in_dim3A_314 = vector.broadcast %jit3A_312 : f32 to vector<16xf32>
              %select_n3A_315 = arith.select %eq3A_310, %broadcast_in_dim3A_313, %broadcast_in_dim3A_314 : vector<16xi1>, vector<16xf32>
              %select_n3A_316 = arith.select %lt3A_308, %exp3A, %select_n3A_315 : vector<16xi1>, vector<16xf32>
              %lt3A_317 = arith.cmpi slt, %scan3A_289, %add3A_171 : i32
              %jit3A_318 = arith.constant 0.000000e+00 : f32
              %broadcast_in_dim3A_319 = vector.broadcast %jit3A_318 : f32 to vector<16xf32>
              %select_n3A_320 = arith.select %lt3A_317, %select_n3A_316, %broadcast_in_dim3A_319 : vector<16xf32>
              %swap3A_321 = arith.index_cast %scan3A_289 : i32 to index
              %swap3A_322 = arith.constant 0 : index
              %swap3A_323 = tpu.vector_load %arg20[%swap3A_321, %swap3A_322] {strides = array<i32>} : memref<128x16xf32, #tpu.memory_space<vmem>>, vector<16xf32>,
              tpu.vector_store %arg20[%swap3A_321, %swap3A_322], %select_n3A_320 {strides = array<i32>} : memref<128x16xf32, #tpu.memory_space<vmem>>, vector<16xf32>,
              %scan3A_324 = arith.constant 0 : i32
              scf.yield %scan3A_324 : i32
            }
            %scan3A_185 = arith.constant 128 : i32
            %scan3A_186 = arith.constant 0 : i32
            %scan3A_187 = arith.constant 0 : i32
            %scan3A_188 = arith.constant 128 : i32
            %scan3A_189 = arith.addi %scan3A_187, %scan3A_188 : i32
            %scan3A_190 = arith.constant 1 : i32
            %scan3A_191 = scf.for %scan3A_289 = %scan3A_187 to %scan3A_189 step %scan3A_190 iter_args(%scan3A_290 = %scan3A_186) -> (i32)  : i32 {
              %broadcast_in_dim3A_291 = vector.broadcast %scan3A_289 : i32 to vector<16xi32>
              %get3A_292 = arith.constant 0 : index
              %get3A_293 = tpu.vector_load %arg21[%get3A_292] {strides = array<i32>} : memref<784xf32, #tpu.memory_space<vmem>>, vector<16xf32>,
              %bitcast3A_294 = vector.bitcast %get3A_293 : vector<16xf32> to vector<16xi32>
              %gather3A = tpu.vector_load_idx %arg20[%broadcast_in_dim3A_291, %bitcast3A_294] : memref<128x16xf32, #tpu.memory_space<vmem>>[vector<16xi32>, vector<16xi32>], vector<16xf32>,
              %get3A_295 = arith.index_cast %scan3A_289 : i32 to index
              %get3A_296 = arith.constant 0 : index
              %get3A_297 = tpu.vector_load %arg17[%get3A_295, %get3A_296] {strides = array<i32>} : memref<128x784xf32, #tpu.memory_space<vmem>>, vector<16xf32>,
              %mul3A_298 = arith.mulf %get3A_297, %gather3A : vector<16xf32>
              %swap3A_299 = arith.index_cast %scan3A_289 : i32 to index
              %swap3A_300 = arith.constant 0 : index
              %swap3A_301 = tpu.vector_load %arg17[%swap3A_299, %swap3A_300] {strides = array<i32>} : memref<128x784xf32, #tpu.memory_space<vmem>>, vector<16xf32>,
              tpu.vector_store %arg17[%swap3A_299, %swap3A_300], %mul3A_298 {strides = array<i32>} : memref<128x784xf32, #tpu.memory_space<vmem>>, vector<16xf32>,
              %get3A_302 = arith.constant 16 : index
              %get3A_303 = tpu.vector_load %arg21[%get3A_302] {strides = array<i32>} : memref<784xf32, #tpu.memory_space<vmem>>, vector<16xf32>,
              %bitcast3A_304 = vector.bitcast %get3A_303 : vector<16xf32> to vector<16xi32>
              %gather3A_305 = tpu.vector_load_idx %arg20[%broadcast_in_dim3A_291, %bitcast3A_304] : memref<128x16xf32, #tpu.memory_space<vmem>>[vector<16xi32>, vector<16xi32>], vector<16xf32>,
              %get3A_306 = arith.index_cast %scan3A_289 : i32 to index
              %get3A_307 = arith.constant 16 : index
              %get3A_308 = tpu.vector_load %arg17[%get3A_306, %get3A_307] {strides = array<i32>} : memref<128x784xf32, #tpu.memory_space<vmem>>, vector<16xf32>,
              %mul3A_309 = arith.mulf %get3A_308, %gather3A_305 : vector<16xf32>
              %swap3A_310 = arith.index_cast %scan3A_289 : i32 to index
              %swap3A_311 = arith.constant 16 : index
              %swap3A_312 = tpu.vector_load %arg17[%swap3A_310, %swap3A_311] {strides = array<i32>} : memref<128x784xf32, #tpu.memory_space<vmem>>, vector<16xf32>,
              tpu.vector_store %arg17[%swap3A_310, %swap3A_311], %mul3A_309 {strides = array<i32>} : memref<128x784xf32, #tpu.memory_space<vmem>>, vector<16xf32>,
              %get3A_313 = arith.constant 32 : index
              %get3A_314 = tpu.vector_load %arg21[%get3A_313] {strides = array<i32>} : memref<784xf32, #tpu.memory_space<vmem>>, vector<16xf32>,
              %bitcast3A_315 = vector.bitcast %get3A_314 : vector<16xf32> to vector<16xi32>
              %gather3A_316 = tpu.vector_load_idx %arg20[%broadcast_in_dim3A_291, %bitcast3A_315] : memref<128x16xf32, #tpu.memory_space<vmem>>[vector<16xi32>, vector<16xi32>], vector<16xf32>,
              %get3A_317 = arith.index_cast %scan3A_289 : i32 to index
              %get3A_318 = arith.constant 32 : index
              %get3A_319 = tpu.vector_load %arg17[%get3A_317, %get3A_318] {strides = array<i32>} : memref<128x784xf32, #tpu.memory_space<vmem>>, vector<16xf32>,
              %mul3A_320 = arith.mulf %get3A_319, %gather3A_316 : vector<16xf32>
              %swap3A_321 = arith.index_cast %scan3A_289 : i32 to index
              %swap3A_322 = arith.constant 32 : index
              %swap3A_323 = tpu.vector_load %arg17[%swap3A_321, %swap3A_322] {strides = array<i32>} : memref<128x784xf32, #tpu.memory_space<vmem>>, vector<16xf32>,
              tpu.vector_store %arg17[%swap3A_321, %swap3A_322], %mul3A_320 {strides = array<i32>} : memref<128x784xf32, #tpu.memory_space<vmem>>, vector<16xf32>,
              %get3A_324 = arith.constant 48 : index
              %get3A_325 = tpu.vector_load %arg21[%get3A_324] {strides = array<i32>} : memref<784xf32, #tpu.memory_space<vmem>>, vector<16xf32>,
              %bitcast3A_326 = vector.bitcast %get3A_325 : vector<16xf32> to vector<16xi32>
              %gather3A_327 = tpu.vector_load_idx %arg20[%broadcast_in_dim3A_291, %bitcast3A_326] : memref<128x16xf32, #tpu.memory_space<vmem>>[vector<16xi32>, vector<16xi32>], vector<16xf32>,
              %get3A_328 = arith.index_cast %scan3A_289 : i32 to index
              %get3A_329 = arith.constant 48 : index
              %get3A_330 = tpu.vector_load %arg17[%get3A_328, %get3A_329] {strides = array<i32>} : memref<128x784xf32, #tpu.memory_space<vmem>>, vector<16xf32>,
              %mul3A_331 = arith.mulf %get3A_330, %gather3A_327 : vector<16xf32>
              %swap3A_332 = arith.index_cast %scan3A_289 : i32 to index
              %swap3A_333 = arith.constant 48 : index
              %swap3A_334 = tpu.vector_load %arg17[%swap3A_332, %swap3A_333] {strides = array<i32>} : memref<128x784xf32, #tpu.memory_space<vmem>>, vector<16xf32>,
              tpu.vector_store %arg17[%swap3A_332, %swap3A_333], %mul3A_331 {strides = array<i32>} : memref<128x784xf32, #tpu.memory_space<vmem>>, vector<16xf32>,
              %get3A_335 = arith.constant 64 : index
              %get3A_336 = tpu.vector_load %arg21[%get3A_335] {strides = array<i32>} : memref<784xf32, #tpu.memory_space<vmem>>, vector<16xf32>,
              %bitcast3A_337 = vector.bitcast %get3A_336 : vector<16xf32> to vector<16xi32>
              %gather3A_338 = tpu.vector_load_idx %arg20[%broadcast_in_dim3A_291, %bitcast3A_337] : memref<128x16xf32, #tpu.memory_space<vmem>>[vector<16xi32>, vector<16xi32>], vector<16xf32>,
              %get3A_339 = arith.index_cast %scan3A_289 : i32 to index
              %get3A_340 = arith.constant 64 : index
              %get3A_341 = tpu.vector_load %arg17[%get3A_339, %get3A_340] {strides = array<i32>} : memref<128x784xf32, #tpu.memory_space<vmem>>, vector<16xf32>,
              %mul3A_342 = arith.mulf %get3A_341, %gather3A_338 : vector<16xf32>
              %swap3A_343 = arith.index_cast %scan3A_289 : i32 to index
              %swap3A_344 = arith.constant 64 : index
              %swap3A_345 = tpu.vector_load %arg17[%swap3A_343, %swap3A_344] {strides = array<i32>} : memref<128x784xf32, #tpu.memory_space<vmem>>, vector<16xf32>,
              tpu.vector_store %arg17[%swap3A_343, %swap3A_344], %mul3A_342 {strides = array<i32>} : memref<128x784xf32, #tpu.memory_space<vmem>>, vector<16xf32>,
              %get3A_346 = arith.constant 80 : index
              %get3A_347 = tpu.vector_load %arg21[%get3A_346] {strides = array<i32>} : memref<784xf32, #tpu.memory_space<vmem>>, vector<16xf32>,
              %bitcast3A_348 = vector.bitcast %get3A_347 : vector<16xf32> to vector<16xi32>
              %gather3A_349 = tpu.vector_load_idx %arg20[%broadcast_in_dim3A_291, %bitcast3A_348] : memref<128x16xf32, #tpu.memory_space<vmem>>[vector<16xi32>, vector<16xi32>], vector<16xf32>,
              %get3A_350 = arith.index_cast %scan3A_289 : i32 to index
              %get3A_351 = arith.constant 80 : index
              %get3A_352 = tpu.vector_load %arg17[%get3A_350, %get3A_351] {strides = array<i32>} : memref<128x784xf32, #tpu.memory_space<vmem>>, vector<16xf32>,
              %mul3A_353 = arith.mulf %get3A_352, %gather3A_349 : vector<16xf32>
              %swap3A_354 = arith.index_cast %scan3A_289 : i32 to index
              %swap3A_355 = arith.constant 80 : index
              %swap3A_356 = tpu.vector_load %arg17[%swap3A_354, %swap3A_355] {strides = array<i32>} : memref<128x784xf32, #tpu.memory_space<vmem>>, vector<16xf32>,
              tpu.vector_store %arg17[%swap3A_354, %swap3A_355], %mul3A_353 {strides = array<i32>} : memref<128x784xf32, #tpu.memory_space<vmem>>, vector<16xf32>,
              %get3A_357 = arith.constant 96 : index
              %get3A_358 = tpu.vector_load %arg21[%get3A_357] {strides = array<i32>} : memref<784xf32, #tpu.memory_space<vmem>>, vector<16xf32>,
              %bitcast3A_359 = vector.bitcast %get3A_358 : vector<16xf32> to vector<16xi32>
              %gather3A_360 = tpu.vector_load_idx %arg20[%broadcast_in_dim3A_291, %bitcast3A_359] : memref<128x16xf32, #tpu.memory_space<vmem>>[vector<16xi32>, vector<16xi32>], vector<16xf32>,
              %get3A_361 = arith.index_cast %scan3A_289 : i32 to index
              %get3A_362 = arith.constant 96 : index
              %get3A_363 = tpu.vector_load %arg17[%get3A_361, %get3A_362] {strides = array<i32>} : memref<128x784xf32, #tpu.memory_space<vmem>>, vector<16xf32>,
              %mul3A_364 = arith.mulf %get3A_363, %gather3A_360 : vector<16xf32>
              %swap3A_365 = arith.index_cast %scan3A_289 : i32 to index
              %swap3A_366 = arith.constant 96 : index
              %swap3A_367 = tpu.vector_load %arg17[%swap3A_365, %swap3A_366] {strides = array<i32>} : memref<128x784xf32, #tpu.memory_space<vmem>>, vector<16xf32>,
              tpu.vector_store %arg17[%swap3A_365, %swap3A_366], %mul3A_364 {strides = array<i32>} : memref<128x784xf32, #tpu.memory_space<vmem>>, vector<16xf32>,
              %get3A_368 = arith.constant 112 : index
              %get3A_369 = tpu.vector_load %arg21[%get3A_368] {strides = array<i32>} : memref<784xf32, #tpu.memory_space<vmem>>, vector<16xf32>,
              %bitcast3A_370 = vector.bitcast %get3A_369 : vector<16xf32> to vector<16xi32>
              %gather3A_371 = tpu.vector_load_idx %arg20[%broadcast_in_dim3A_291, %bitcast3A_370] : memref<128x16xf32, #tpu.memory_space<vmem>>[vector<16xi32>, vector<16xi32>], vector<16xf32>,
              %get3A_372 = arith.index_cast %scan3A_289 : i32 to index
              %get3A_373 = arith.constant 112 : index
              %get3A_374 = tpu.vector_load %arg17[%get3A_372, %get3A_373] {strides = array<i32>} : memref<128x784xf32, #tpu.memory_space<vmem>>, vector<16xf32>,
              %mul3A_375 = arith.mulf %get3A_374, %gather3A_371 : vector<16xf32>
              %swap3A_376 = arith.index_cast %scan3A_289 : i32 to index
              %swap3A_377 = arith.constant 112 : index
              %swap3A_378 = tpu.vector_load %arg17[%swap3A_376, %swap3A_377] {strides = array<i32>} : memref<128x784xf32, #tpu.memory_space<vmem>>, vector<16xf32>,
              tpu.vector_store %arg17[%swap3A_376, %swap3A_377], %mul3A_375 {strides = array<i32>} : memref<128x784xf32, #tpu.memory_space<vmem>>, vector<16xf32>,
              %get3A_379 = arith.constant 128 : index
              %get3A_380 = tpu.vector_load %arg21[%get3A_379] {strides = array<i32>} : memref<784xf32, #tpu.memory_space<vmem>>, vector<16xf32>,
              %bitcast3A_381 = vector.bitcast %get3A_380 : vector<16xf32> to vector<16xi32>
              %gather3A_382 = tpu.vector_load_idx %arg20[%broadcast_in_dim3A_291, %bitcast3A_381] : memref<128x16xf32, #tpu.memory_space<vmem>>[vector<16xi32>, vector<16xi32>], vector<16xf32>,
              %get3A_383 = arith.index_cast %scan3A_289 : i32 to index
              %get3A_384 = arith.constant 128 : index
              %get3A_385 = tpu.vector_load %arg17[%get3A_383, %get3A_384] {strides = array<i32>} : memref<128x784xf32, #tpu.memory_space<vmem>>, vector<16xf32>,
              %mul3A_386 = arith.mulf %get3A_385, %gather3A_382 : vector<16xf32>
              %swap3A_387 = arith.index_cast %scan3A_289 : i32 to index
              %swap3A_388 = arith.constant 128 : index
              %swap3A_389 = tpu.vector_load %arg17[%swap3A_387, %swap3A_388] {strides = array<i32>} : memref<128x784xf32, #tpu.memory_space<vmem>>, vector<16xf32>,
              tpu.vector_store %arg17[%swap3A_387, %swap3A_388], %mul3A_386 {strides = array<i32>} : memref<128x784xf32, #tpu.memory_space<vmem>>, vector<16xf32>,
              %get3A_390 = arith.constant 144 : index
              %get3A_391 = tpu.vector_load %arg21[%get3A_390] {strides = array<i32>} : memref<784xf32, #tpu.memory_space<vmem>>, vector<16xf32>,
              %bitcast3A_392 = vector.bitcast %get3A_391 : vector<16xf32> to vector<16xi32>
              %gather3A_393 = tpu.vector_load_idx %arg20[%broadcast_in_dim3A_291, %bitcast3A_392] : memref<128x16xf32, #tpu.memory_space<vmem>>[vector<16xi32>, vector<16xi32>], vector<16xf32>,
              %get3A_394 = arith.index_cast %scan3A_289 : i32 to index
              %get3A_395 = arith.constant 144 : index
              %get3A_396 = tpu.vector_load %arg17[%get3A_394, %get3A_395] {strides = array<i32>} : memref<128x784xf32, #tpu.memory_space<vmem>>, vector<16xf32>,
              %mul3A_397 = arith.mulf %get3A_396, %gather3A_393 : vector<16xf32>
              %swap3A_398 = arith.index_cast %scan3A_289 : i32 to index
              %swap3A_399 = arith.constant 144 : index
              %swap3A_400 = tpu.vector_load %arg17[%swap3A_398, %swap3A_399] {strides = array<i32>} : memref<128x784xf32, #tpu.memory_space<vmem>>, vector<16xf32>,
              tpu.vector_store %arg17[%swap3A_398, %swap3A_399], %mul3A_397 {strides = array<i32>} : memref<128x784xf32, #tpu.memory_space<vmem>>, vector<16xf32>,
              %get3A_401 = arith.constant 160 : index
              %get3A_402 = tpu.vector_load %arg21[%get3A_401] {strides = array<i32>} : memref<784xf32, #tpu.memory_space<vmem>>, vector<16xf32>,
              %bitcast3A_403 = vector.bitcast %get3A_402 : vector<16xf32> to vector<16xi32>
              %gather3A_404 = tpu.vector_load_idx %arg20[%broadcast_in_dim3A_291, %bitcast3A_403] : memref<128x16xf32, #tpu.memory_space<vmem>>[vector<16xi32>, vector<16xi32>], vector<16xf32>,
              %get3A_405 = arith.index_cast %scan3A_289 : i32 to index
              %get3A_406 = arith.constant 160 : index
              %get3A_407 = tpu.vector_load %arg17[%get3A_405, %get3A_406] {strides = array<i32>} : memref<128x784xf32, #tpu.memory_space<vmem>>, vector<16xf32>,
              %mul3A_408 = arith.mulf %get3A_407, %gather3A_404 : vector<16xf32>
              %swap3A_409 = arith.index_cast %scan3A_289 : i32 to index
              %swap3A_410 = arith.constant 160 : index
              %swap3A_411 = tpu.vector_load %arg17[%swap3A_409, %swap3A_410] {strides = array<i32>} : memref<128x784xf32, #tpu.memory_space<vmem>>, vector<16xf32>,
              tpu.vector_store %arg17[%swap3A_409, %swap3A_410], %mul3A_408 {strides = array<i32>} : memref<128x784xf32, #tpu.memory_space<vmem>>, vector<16xf32>,
              %get3A_412 = arith.constant 176 : index
              %get3A_413 = tpu.vector_load %arg21[%get3A_412] {strides = array<i32>} : memref<784xf32, #tpu.memory_space<vmem>>, vector<16xf32>,
              %bitcast3A_414 = vector.bitcast %get3A_413 : vector<16xf32> to vector<16xi32>
              %gather3A_415 = tpu.vector_load_idx %arg20[%broadcast_in_dim3A_291, %bitcast3A_414] : memref<128x16xf32, #tpu.memory_space<vmem>>[vector<16xi32>, vector<16xi32>], vector<16xf32>,
              %get3A_416 = arith.index_cast %scan3A_289 : i32 to index
              %get3A_417 = arith.constant 176 : index
              %get3A_418 = tpu.vector_load %arg17[%get3A_416, %get3A_417] {strides = array<i32>} : memref<128x784xf32, #tpu.memory_space<vmem>>, vector<16xf32>,
              %mul3A_419 = arith.mulf %get3A_418, %gather3A_415 : vector<16xf32>
              %swap3A_420 = arith.index_cast %scan3A_289 : i32 to index
              %swap3A_421 = arith.constant 176 : index
              %swap3A_422 = tpu.vector_load %arg17[%swap3A_420, %swap3A_421] {strides = array<i32>} : memref<128x784xf32, #tpu.memory_space<vmem>>, vector<16xf32>,
              tpu.vector_store %arg17[%swap3A_420, %swap3A_421], %mul3A_419 {strides = array<i32>} : memref<128x784xf32, #tpu.memory_space<vmem>>, vector<16xf32>,
              %get3A_423 = arith.constant 192 : index
              %get3A_424 = tpu.vector_load %arg21[%get3A_423] {strides = array<i32>} : memref<784xf32, #tpu.memory_space<vmem>>, vector<16xf32>,
              %bitcast3A_425 = vector.bitcast %get3A_424 : vector<16xf32> to vector<16xi32>
              %gather3A_426 = tpu.vector_load_idx %arg20[%broadcast_in_dim3A_291, %bitcast3A_425] : memref<128x16xf32, #tpu.memory_space<vmem>>[vector<16xi32>, vector<16xi32>], vector<16xf32>,
              %get3A_427 = arith.index_cast %scan3A_289 : i32 to index
              %get3A_428 = arith.constant 192 : index
              %get3A_429 = tpu.vector_load %arg17[%get3A_427, %get3A_428] {strides = array<i32>} : memref<128x784xf32, #tpu.memory_space<vmem>>, vector<16xf32>,
              %mul3A_430 = arith.mulf %get3A_429, %gather3A_426 : vector<16xf32>
              %swap3A_431 = arith.index_cast %scan3A_289 : i32 to index
              %swap3A_432 = arith.constant 192 : index
              %swap3A_433 = tpu.vector_load %arg17[%swap3A_431, %swap3A_432] {strides = array<i32>} : memref<128x784xf32, #tpu.memory_space<vmem>>, vector<16xf32>,
              tpu.vector_store %arg17[%swap3A_431, %swap3A_432], %mul3A_430 {strides = array<i32>} : memref<128x784xf32, #tpu.memory_space<vmem>>, vector<16xf32>,
              %get3A_434 = arith.constant 208 : index
              %get3A_435 = tpu.vector_load %arg21[%get3A_434] {strides = array<i32>} : memref<784xf32, #tpu.memory_space<vmem>>, vector<16xf32>,
              %bitcast3A_436 = vector.bitcast %get3A_435 : vector<16xf32> to vector<16xi32>
              %gather3A_437 = tpu.vector_load_idx %arg20[%broadcast_in_dim3A_291, %bitcast3A_436] : memref<128x16xf32, #tpu.memory_space<vmem>>[vector<16xi32>, vector<16xi32>], vector<16xf32>,
              %get3A_438 = arith.index_cast %scan3A_289 : i32 to index
              %get3A_439 = arith.constant 208 : index
              %get3A_440 = tpu.vector_load %arg17[%get3A_438, %get3A_439] {strides = array<i32>} : memref<128x784xf32, #tpu.memory_space<vmem>>, vector<16xf32>,
              %mul3A_441 = arith.mulf %get3A_440, %gather3A_437 : vector<16xf32>
              %swap3A_442 = arith.index_cast %scan3A_289 : i32 to index
              %swap3A_443 = arith.constant 208 : index
              %swap3A_444 = tpu.vector_load %arg17[%swap3A_442, %swap3A_443] {strides = array<i32>} : memref<128x784xf32, #tpu.memory_space<vmem>>, vector<16xf32>,
              tpu.vector_store %arg17[%swap3A_442, %swap3A_443], %mul3A_441 {strides = array<i32>} : memref<128x784xf32, #tpu.memory_space<vmem>>, vector<16xf32>,
              %get3A_445 = arith.constant 224 : index
              %get3A_446 = tpu.vector_load %arg21[%get3A_445] {strides = array<i32>} : memref<784xf32, #tpu.memory_space<vmem>>, vector<16xf32>,
              %bitcast3A_447 = vector.bitcast %get3A_446 : vector<16xf32> to vector<16xi32>
              %gather3A_448 = tpu.vector_load_idx %arg20[%broadcast_in_dim3A_291, %bitcast3A_447] : memref<128x16xf32, #tpu.memory_space<vmem>>[vector<16xi32>, vector<16xi32>], vector<16xf32>,
              %get3A_449 = arith.index_cast %scan3A_289 : i32 to index
              %get3A_450 = arith.constant 224 : index
              %get3A_451 = tpu.vector_load %arg17[%get3A_449, %get3A_450] {strides = array<i32>} : memref<128x784xf32, #tpu.memory_space<vmem>>, vector<16xf32>,
              %mul3A_452 = arith.mulf %get3A_451, %gather3A_448 : vector<16xf32>
              %swap3A_453 = arith.index_cast %scan3A_289 : i32 to index
              %swap3A_454 = arith.constant 224 : index
              %swap3A_455 = tpu.vector_load %arg17[%swap3A_453, %swap3A_454] {strides = array<i32>} : memref<128x784xf32, #tpu.memory_space<vmem>>, vector<16xf32>,
              tpu.vector_store %arg17[%swap3A_453, %swap3A_454], %mul3A_452 {strides = array<i32>} : memref<128x784xf32, #tpu.memory_space<vmem>>, vector<16xf32>,
              %get3A_456 = arith.constant 240 : index
              %get3A_457 = tpu.vector_load %arg21[%get3A_456] {strides = array<i32>} : memref<784xf32, #tpu.memory_space<vmem>>, vector<16xf32>,
              %bitcast3A_458 = vector.bitcast %get3A_457 : vector<16xf32> to vector<16xi32>
              %gather3A_459 = tpu.vector_load_idx %arg20[%broadcast_in_dim3A_291, %bitcast3A_458] : memref<128x16xf32, #tpu.memory_space<vmem>>[vector<16xi32>, vector<16xi32>], vector<16xf32>,
              %get3A_460 = arith.index_cast %scan3A_289 : i32 to index
              %get3A_461 = arith.constant 240 : index
              %get3A_462 = tpu.vector_load %arg17[%get3A_460, %get3A_461] {strides = array<i32>} : memref<128x784xf32, #tpu.memory_space<vmem>>, vector<16xf32>,
              %mul3A_463 = arith.mulf %get3A_462, %gather3A_459 : vector<16xf32>
              %swap3A_464 = arith.index_cast %scan3A_289 : i32 to index
              %swap3A_465 = arith.constant 240 : index
              %swap3A_466 = tpu.vector_load %arg17[%swap3A_464, %swap3A_465] {strides = array<i32>} : memref<128x784xf32, #tpu.memory_space<vmem>>, vector<16xf32>,
              tpu.vector_store %arg17[%swap3A_464, %swap3A_465], %mul3A_463 {strides = array<i32>} : memref<128x784xf32, #tpu.memory_space<vmem>>, vector<16xf32>,
              %get3A_467 = arith.constant 256 : index
              %get3A_468 = tpu.vector_load %arg21[%get3A_467] {strides = array<i32>} : memref<784xf32, #tpu.memory_space<vmem>>, vector<16xf32>,
              %bitcast3A_469 = vector.bitcast %get3A_468 : vector<16xf32> to vector<16xi32>
              %gather3A_470 = tpu.vector_load_idx %arg20[%broadcast_in_dim3A_291, %bitcast3A_469] : memref<128x16xf32, #tpu.memory_space<vmem>>[vector<16xi32>, vector<16xi32>], vector<16xf32>,
              %get3A_471 = arith.index_cast %scan3A_289 : i32 to index
              %get3A_472 = arith.constant 256 : index
              %get3A_473 = tpu.vector_load %arg17[%get3A_471, %get3A_472] {strides = array<i32>} : memref<128x784xf32, #tpu.memory_space<vmem>>, vector<16xf32>,
              %mul3A_474 = arith.mulf %get3A_473, %gather3A_470 : vector<16xf32>
              %swap3A_475 = arith.index_cast %scan3A_289 : i32 to index
              %swap3A_476 = arith.constant 256 : index
              %swap3A_477 = tpu.vector_load %arg17[%swap3A_475, %swap3A_476] {strides = array<i32>} : memref<128x784xf32, #tpu.memory_space<vmem>>, vector<16xf32>,
              tpu.vector_store %arg17[%swap3A_475, %swap3A_476], %mul3A_474 {strides = array<i32>} : memref<128x784xf32, #tpu.memory_space<vmem>>, vector<16xf32>,
              %get3A_478 = arith.constant 272 : index
              %get3A_479 = tpu.vector_load %arg21[%get3A_478] {strides = array<i32>} : memref<784xf32, #tpu.memory_space<vmem>>, vector<16xf32>,
              %bitcast3A_480 = vector.bitcast %get3A_479 : vector<16xf32> to vector<16xi32>
              %gather3A_481 = tpu.vector_load_idx %arg20[%broadcast_in_dim3A_291, %bitcast3A_480] : memref<128x16xf32, #tpu.memory_space<vmem>>[vector<16xi32>, vector<16xi32>], vector<16xf32>,
              %get3A_482 = arith.index_cast %scan3A_289 : i32 to index
              %get3A_483 = arith.constant 272 : index
              %get3A_484 = tpu.vector_load %arg17[%get3A_482, %get3A_483] {strides = array<i32>} : memref<128x784xf32, #tpu.memory_space<vmem>>, vector<16xf32>,
              %mul3A_485 = arith.mulf %get3A_484, %gather3A_481 : vector<16xf32>
              %swap3A_486 = arith.index_cast %scan3A_289 : i32 to index
              %swap3A_487 = arith.constant 272 : index
              %swap3A_488 = tpu.vector_load %arg17[%swap3A_486, %swap3A_487] {strides = array<i32>} : memref<128x784xf32, #tpu.memory_space<vmem>>, vector<16xf32>,
              tpu.vector_store %arg17[%swap3A_486, %swap3A_487], %mul3A_485 {strides = array<i32>} : memref<128x784xf32, #tpu.memory_space<vmem>>, vector<16xf32>,
              %get3A_489 = arith.constant 288 : index
              %get3A_490 = tpu.vector_load %arg21[%get3A_489] {strides = array<i32>} : memref<784xf32, #tpu.memory_space<vmem>>, vector<16xf32>,
              %bitcast3A_491 = vector.bitcast %get3A_490 : vector<16xf32> to vector<16xi32>
              %gather3A_492 = tpu.vector_load_idx %arg20[%broadcast_in_dim3A_291, %bitcast3A_491] : memref<128x16xf32, #tpu.memory_space<vmem>>[vector<16xi32>, vector<16xi32>], vector<16xf32>,
              %get3A_493 = arith.index_cast %scan3A_289 : i32 to index
              %get3A_494 = arith.constant 288 : index
              %get3A_495 = tpu.vector_load %arg17[%get3A_493, %get3A_494] {strides = array<i32>} : memref<128x784xf32, #tpu.memory_space<vmem>>, vector<16xf32>,
              %mul3A_496 = arith.mulf %get3A_495, %gather3A_492 : vector<16xf32>
              %swap3A_497 = arith.index_cast %scan3A_289 : i32 to index
              %swap3A_498 = arith.constant 288 : index
              %swap3A_499 = tpu.vector_load %arg17[%swap3A_497, %swap3A_498] {strides = array<i32>} : memref<128x784xf32, #tpu.memory_space<vmem>>, vector<16xf32>,
              tpu.vector_store %arg17[%swap3A_497, %swap3A_498], %mul3A_496 {strides = array<i32>} : memref<128x784xf32, #tpu.memory_space<vmem>>, vector<16xf32>,
              %get3A_500 = arith.constant 304 : index
              %get3A_501 = tpu.vector_load %arg21[%get3A_500] {strides = array<i32>} : memref<784xf32, #tpu.memory_space<vmem>>, vector<16xf32>,
              %bitcast3A_502 = vector.bitcast %get3A_501 : vector<16xf32> to vector<16xi32>
              %gather3A_503 = tpu.vector_load_idx %arg20[%broadcast_in_dim3A_291, %bitcast3A_502] : memref<128x16xf32, #tpu.memory_space<vmem>>[vector<16xi32>, vector<16xi32>], vector<16xf32>,
              %get3A_504 = arith.index_cast %scan3A_289 : i32 to index
              %get3A_505 = arith.constant 304 : index
              %get3A_506 = tpu.vector_load %arg17[%get3A_504, %get3A_505] {strides = array<i32>} : memref<128x784xf32, #tpu.memory_space<vmem>>, vector<16xf32>,
              %mul3A_507 = arith.mulf %get3A_506, %gather3A_503 : vector<16xf32>
              %swap3A_508 = arith.index_cast %scan3A_289 : i32 to index
              %swap3A_509 = arith.constant 304 : index
              %swap3A_510 = tpu.vector_load %arg17[%swap3A_508, %swap3A_509] {strides = array<i32>} : memref<128x784xf32, #tpu.memory_space<vmem>>, vector<16xf32>,
              tpu.vector_store %arg17[%swap3A_508, %swap3A_509], %mul3A_507 {strides = array<i32>} : memref<128x784xf32, #tpu.memory_space<vmem>>, vector<16xf32>,
              %get3A_511 = arith.constant 320 : index
              %get3A_512 = tpu.vector_load %arg21[%get3A_511] {strides = array<i32>} : memref<784xf32, #tpu.memory_space<vmem>>, vector<16xf32>,
              %bitcast3A_513 = vector.bitcast %get3A_512 : vector<16xf32> to vector<16xi32>
              %gather3A_514 = tpu.vector_load_idx %arg20[%broadcast_in_dim3A_291, %bitcast3A_513] : memref<128x16xf32, #tpu.memory_space<vmem>>[vector<16xi32>, vector<16xi32>], vector<16xf32>,
              %get3A_515 = arith.index_cast %scan3A_289 : i32 to index
              %get3A_516 = arith.constant 320 : index
              %get3A_517 = tpu.vector_load %arg17[%get3A_515, %get3A_516] {strides = array<i32>} : memref<128x784xf32, #tpu.memory_space<vmem>>, vector<16xf32>,
              %mul3A_518 = arith.mulf %get3A_517, %gather3A_514 : vector<16xf32>
              %swap3A_519 = arith.index_cast %scan3A_289 : i32 to index
              %swap3A_520 = arith.constant 320 : index
              %swap3A_521 = tpu.vector_load %arg17[%swap3A_519, %swap3A_520] {strides = array<i32>} : memref<128x784xf32, #tpu.memory_space<vmem>>, vector<16xf32>,
              tpu.vector_store %arg17[%swap3A_519, %swap3A_520], %mul3A_518 {strides = array<i32>} : memref<128x784xf32, #tpu.memory_space<vmem>>, vector<16xf32>,
              %get3A_522 = arith.constant 336 : index
              %get3A_523 = tpu.vector_load %arg21[%get3A_522] {strides = array<i32>} : memref<784xf32, #tpu.memory_space<vmem>>, vector<16xf32>,
              %bitcast3A_524 = vector.bitcast %get3A_523 : vector<16xf32> to vector<16xi32>
              %gather3A_525 = tpu.vector_load_idx %arg20[%broadcast_in_dim3A_291, %bitcast3A_524] : memref<128x16xf32, #tpu.memory_space<vmem>>[vector<16xi32>, vector<16xi32>], vector<16xf32>,
              %get3A_526 = arith.index_cast %scan3A_289 : i32 to index
              %get3A_527 = arith.constant 336 : index
              %get3A_528 = tpu.vector_load %arg17[%get3A_526, %get3A_527] {strides = array<i32>} : memref<128x784xf32, #tpu.memory_space<vmem>>, vector<16xf32>,
              %mul3A_529 = arith.mulf %get3A_528, %gather3A_525 : vector<16xf32>
              %swap3A_530 = arith.index_cast %scan3A_289 : i32 to index
              %swap3A_531 = arith.constant 336 : index
              %swap3A_532 = tpu.vector_load %arg17[%swap3A_530, %swap3A_531] {strides = array<i32>} : memref<128x784xf32, #tpu.memory_space<vmem>>, vector<16xf32>,
              tpu.vector_store %arg17[%swap3A_530, %swap3A_531], %mul3A_529 {strides = array<i32>} : memref<128x784xf32, #tpu.memory_space<vmem>>, vector<16xf32>,
              %get3A_533 = arith.constant 352 : index
              %get3A_534 = tpu.vector_load %arg21[%get3A_533] {strides = array<i32>} : memref<784xf32, #tpu.memory_space<vmem>>, vector<16xf32>,
              %bitcast3A_535 = vector.bitcast %get3A_534 : vector<16xf32> to vector<16xi32>
              %gather3A_536 = tpu.vector_load_idx %arg20[%broadcast_in_dim3A_291, %bitcast3A_535] : memref<128x16xf32, #tpu.memory_space<vmem>>[vector<16xi32>, vector<16xi32>], vector<16xf32>,
              %get3A_537 = arith.index_cast %scan3A_289 : i32 to index
              %get3A_538 = arith.constant 352 : index
              %get3A_539 = tpu.vector_load %arg17[%get3A_537, %get3A_538] {strides = array<i32>} : memref<128x784xf32, #tpu.memory_space<vmem>>, vector<16xf32>,
              %mul3A_540 = arith.mulf %get3A_539, %gather3A_536 : vector<16xf32>
              %swap3A_541 = arith.index_cast %scan3A_289 : i32 to index
              %swap3A_542 = arith.constant 352 : index
              %swap3A_543 = tpu.vector_load %arg17[%swap3A_541, %swap3A_542] {strides = array<i32>} : memref<128x784xf32, #tpu.memory_space<vmem>>, vector<16xf32>,
              tpu.vector_store %arg17[%swap3A_541, %swap3A_542], %mul3A_540 {strides = array<i32>} : memref<128x784xf32, #tpu.memory_space<vmem>>, vector<16xf32>,
              %get3A_544 = arith.constant 368 : index
              %get3A_545 = tpu.vector_load %arg21[%get3A_544] {strides = array<i32>} : memref<784xf32, #tpu.memory_space<vmem>>, vector<16xf32>,
              %bitcast3A_546 = vector.bitcast %get3A_545 : vector<16xf32> to vector<16xi32>
              %gather3A_547 = tpu.vector_load_idx %arg20[%broadcast_in_dim3A_291, %bitcast3A_546] : memref<128x16xf32, #tpu.memory_space<vmem>>[vector<16xi32>, vector<16xi32>], vector<16xf32>,
              %get3A_548 = arith.index_cast %scan3A_289 : i32 to index
              %get3A_549 = arith.constant 368 : index
              %get3A_550 = tpu.vector_load %arg17[%get3A_548, %get3A_549] {strides = array<i32>} : memref<128x784xf32, #tpu.memory_space<vmem>>, vector<16xf32>,
              %mul3A_551 = arith.mulf %get3A_550, %gather3A_547 : vector<16xf32>
              %swap3A_552 = arith.index_cast %scan3A_289 : i32 to index
              %swap3A_553 = arith.constant 368 : index
              %swap3A_554 = tpu.vector_load %arg17[%swap3A_552, %swap3A_553] {strides = array<i32>} : memref<128x784xf32, #tpu.memory_space<vmem>>, vector<16xf32>,
              tpu.vector_store %arg17[%swap3A_552, %swap3A_553], %mul3A_551 {strides = array<i32>} : memref<128x784xf32, #tpu.memory_space<vmem>>, vector<16xf32>,
              %get3A_555 = arith.constant 384 : index
              %get3A_556 = tpu.vector_load %arg21[%get3A_555] {strides = array<i32>} : memref<784xf32, #tpu.memory_space<vmem>>, vector<16xf32>,
              %bitcast3A_557 = vector.bitcast %get3A_556 : vector<16xf32> to vector<16xi32>
              %gather3A_558 = tpu.vector_load_idx %arg20[%broadcast_in_dim3A_291, %bitcast3A_557] : memref<128x16xf32, #tpu.memory_space<vmem>>[vector<16xi32>, vector<16xi32>], vector<16xf32>,
              %get3A_559 = arith.index_cast %scan3A_289 : i32 to index
              %get3A_560 = arith.constant 384 : index
              %get3A_561 = tpu.vector_load %arg17[%get3A_559, %get3A_560] {strides = array<i32>} : memref<128x784xf32, #tpu.memory_space<vmem>>, vector<16xf32>,
              %mul3A_562 = arith.mulf %get3A_561, %gather3A_558 : vector<16xf32>
              %swap3A_563 = arith.index_cast %scan3A_289 : i32 to index
              %swap3A_564 = arith.constant 384 : index
              %swap3A_565 = tpu.vector_load %arg17[%swap3A_563, %swap3A_564] {strides = array<i32>} : memref<128x784xf32, #tpu.memory_space<vmem>>, vector<16xf32>,
              tpu.vector_store %arg17[%swap3A_563, %swap3A_564], %mul3A_562 {strides = array<i32>} : memref<128x784xf32, #tpu.memory_space<vmem>>, vector<16xf32>,
              %get3A_566 = arith.constant 400 : index
              %get3A_567 = tpu.vector_load %arg21[%get3A_566] {strides = array<i32>} : memref<784xf32, #tpu.memory_space<vmem>>, vector<16xf32>,
              %bitcast3A_568 = vector.bitcast %get3A_567 : vector<16xf32> to vector<16xi32>
              %gather3A_569 = tpu.vector_load_idx %arg20[%broadcast_in_dim3A_291, %bitcast3A_568] : memref<128x16xf32, #tpu.memory_space<vmem>>[vector<16xi32>, vector<16xi32>], vector<16xf32>,
              %get3A_570 = arith.index_cast %scan3A_289 : i32 to index
              %get3A_571 = arith.constant 400 : index
              %get3A_572 = tpu.vector_load %arg17[%get3A_570, %get3A_571] {strides = array<i32>} : memref<128x784xf32, #tpu.memory_space<vmem>>, vector<16xf32>,
              %mul3A_573 = arith.mulf %get3A_572, %gather3A_569 : vector<16xf32>
              %swap3A_574 = arith.index_cast %scan3A_289 : i32 to index
              %swap3A_575 = arith.constant 400 : index
              %swap3A_576 = tpu.vector_load %arg17[%swap3A_574, %swap3A_575] {strides = array<i32>} : memref<128x784xf32, #tpu.memory_space<vmem>>, vector<16xf32>,
              tpu.vector_store %arg17[%swap3A_574, %swap3A_575], %mul3A_573 {strides = array<i32>} : memref<128x784xf32, #tpu.memory_space<vmem>>, vector<16xf32>,
              %get3A_577 = arith.constant 416 : index
              %get3A_578 = tpu.vector_load %arg21[%get3A_577] {strides = array<i32>} : memref<784xf32, #tpu.memory_space<vmem>>, vector<16xf32>,
              %bitcast3A_579 = vector.bitcast %get3A_578 : vector<16xf32> to vector<16xi32>
              %gather3A_580 = tpu.vector_load_idx %arg20[%broadcast_in_dim3A_291, %bitcast3A_579] : memref<128x16xf32, #tpu.memory_space<vmem>>[vector<16xi32>, vector<16xi32>], vector<16xf32>,
              %get3A_581 = arith.index_cast %scan3A_289 : i32 to index
              %get3A_582 = arith.constant 416 : index
              %get3A_583 = tpu.vector_load %arg17[%get3A_581, %get3A_582] {strides = array<i32>} : memref<128x784xf32, #tpu.memory_space<vmem>>, vector<16xf32>,
              %mul3A_584 = arith.mulf %get3A_583, %gather3A_580 : vector<16xf32>
              %swap3A_585 = arith.index_cast %scan3A_289 : i32 to index
              %swap3A_586 = arith.constant 416 : index
              %swap3A_587 = tpu.vector_load %arg17[%swap3A_585, %swap3A_586] {strides = array<i32>} : memref<128x784xf32, #tpu.memory_space<vmem>>, vector<16xf32>,
              tpu.vector_store %arg17[%swap3A_585, %swap3A_586], %mul3A_584 {strides = array<i32>} : memref<128x784xf32, #tpu.memory_space<vmem>>, vector<16xf32>,
              %get3A_588 = arith.constant 432 : index
              %get3A_589 = tpu.vector_load %arg21[%get3A_588] {strides = array<i32>} : memref<784xf32, #tpu.memory_space<vmem>>, vector<16xf32>,
              %bitcast3A_590 = vector.bitcast %get3A_589 : vector<16xf32> to vector<16xi32>
              %gather3A_591 = tpu.vector_load_idx %arg20[%broadcast_in_dim3A_291, %bitcast3A_590] : memref<128x16xf32, #tpu.memory_space<vmem>>[vector<16xi32>, vector<16xi32>], vector<16xf32>,
              %get3A_592 = arith.index_cast %scan3A_289 : i32 to index
              %get3A_593 = arith.constant 432 : index
              %get3A_594 = tpu.vector_load %arg17[%get3A_592, %get3A_593] {strides = array<i32>} : memref<128x784xf32, #tpu.memory_space<vmem>>, vector<16xf32>,
              %mul3A_595 = arith.mulf %get3A_594, %gather3A_591 : vector<16xf32>
              %swap3A_596 = arith.index_cast %scan3A_289 : i32 to index
              %swap3A_597 = arith.constant 432 : index
              %swap3A_598 = tpu.vector_load %arg17[%swap3A_596, %swap3A_597] {strides = array<i32>} : memref<128x784xf32, #tpu.memory_space<vmem>>, vector<16xf32>,
              tpu.vector_store %arg17[%swap3A_596, %swap3A_597], %mul3A_595 {strides = array<i32>} : memref<128x784xf32, #tpu.memory_space<vmem>>, vector<16xf32>,
              %get3A_599 = arith.constant 448 : index
              %get3A_600 = tpu.vector_load %arg21[%get3A_599] {strides = array<i32>} : memref<784xf32, #tpu.memory_space<vmem>>, vector<16xf32>,
              %bitcast3A_601 = vector.bitcast %get3A_600 : vector<16xf32> to vector<16xi32>
              %gather3A_602 = tpu.vector_load_idx %arg20[%broadcast_in_dim3A_291, %bitcast3A_601] : memref<128x16xf32, #tpu.memory_space<vmem>>[vector<16xi32>, vector<16xi32>], vector<16xf32>,
              %get3A_603 = arith.index_cast %scan3A_289 : i32 to index
              %get3A_604 = arith.constant 448 : index
              %get3A_605 = tpu.vector_load %arg17[%get3A_603, %get3A_604] {strides = array<i32>} : memref<128x784xf32, #tpu.memory_space<vmem>>, vector<16xf32>,
              %mul3A_606 = arith.mulf %get3A_605, %gather3A_602 : vector<16xf32>
              %swap3A_607 = arith.index_cast %scan3A_289 : i32 to index
              %swap3A_608 = arith.constant 448 : index
              %swap3A_609 = tpu.vector_load %arg17[%swap3A_607, %swap3A_608] {strides = array<i32>} : memref<128x784xf32, #tpu.memory_space<vmem>>, vector<16xf32>,
              tpu.vector_store %arg17[%swap3A_607, %swap3A_608], %mul3A_606 {strides = array<i32>} : memref<128x784xf32, #tpu.memory_space<vmem>>, vector<16xf32>,
              %get3A_610 = arith.constant 464 : index
              %get3A_611 = tpu.vector_load %arg21[%get3A_610] {strides = array<i32>} : memref<784xf32, #tpu.memory_space<vmem>>, vector<16xf32>,
              %bitcast3A_612 = vector.bitcast %get3A_611 : vector<16xf32> to vector<16xi32>
              %gather3A_613 = tpu.vector_load_idx %arg20[%broadcast_in_dim3A_291, %bitcast3A_612] : memref<128x16xf32, #tpu.memory_space<vmem>>[vector<16xi32>, vector<16xi32>], vector<16xf32>,
              %get3A_614 = arith.index_cast %scan3A_289 : i32 to index
              %get3A_615 = arith.constant 464 : index
              %get3A_616 = tpu.vector_load %arg17[%get3A_614, %get3A_615] {strides = array<i32>} : memref<128x784xf32, #tpu.memory_space<vmem>>, vector<16xf32>,
              %mul3A_617 = arith.mulf %get3A_616, %gather3A_613 : vector<16xf32>
              %swap3A_618 = arith.index_cast %scan3A_289 : i32 to index
              %swap3A_619 = arith.constant 464 : index
              %swap3A_620 = tpu.vector_load %arg17[%swap3A_618, %swap3A_619] {strides = array<i32>} : memref<128x784xf32, #tpu.memory_space<vmem>>, vector<16xf32>,
              tpu.vector_store %arg17[%swap3A_618, %swap3A_619], %mul3A_617 {strides = array<i32>} : memref<128x784xf32, #tpu.memory_space<vmem>>, vector<16xf32>,
              %get3A_621 = arith.constant 480 : index
              %get3A_622 = tpu.vector_load %arg21[%get3A_621] {strides = array<i32>} : memref<784xf32, #tpu.memory_space<vmem>>, vector<16xf32>,
              %bitcast3A_623 = vector.bitcast %get3A_622 : vector<16xf32> to vector<16xi32>
              %gather3A_624 = tpu.vector_load_idx %arg20[%broadcast_in_dim3A_291, %bitcast3A_623] : memref<128x16xf32, #tpu.memory_space<vmem>>[vector<16xi32>, vector<16xi32>], vector<16xf32>,
              %get3A_625 = arith.index_cast %scan3A_289 : i32 to index
              %get3A_626 = arith.constant 480 : index
              %get3A_627 = tpu.vector_load %arg17[%get3A_625, %get3A_626] {strides = array<i32>} : memref<128x784xf32, #tpu.memory_space<vmem>>, vector<16xf32>,
              %mul3A_628 = arith.mulf %get3A_627, %gather3A_624 : vector<16xf32>
              %swap3A_629 = arith.index_cast %scan3A_289 : i32 to index
              %swap3A_630 = arith.constant 480 : index
              %swap3A_631 = tpu.vector_load %arg17[%swap3A_629, %swap3A_630] {strides = array<i32>} : memref<128x784xf32, #tpu.memory_space<vmem>>, vector<16xf32>,
              tpu.vector_store %arg17[%swap3A_629, %swap3A_630], %mul3A_628 {strides = array<i32>} : memref<128x784xf32, #tpu.memory_space<vmem>>, vector<16xf32>,
              %get3A_632 = arith.constant 496 : index
              %get3A_633 = tpu.vector_load %arg21[%get3A_632] {strides = array<i32>} : memref<784xf32, #tpu.memory_space<vmem>>, vector<16xf32>,
              %bitcast3A_634 = vector.bitcast %get3A_633 : vector<16xf32> to vector<16xi32>
              %gather3A_635 = tpu.vector_load_idx %arg20[%broadcast_in_dim3A_291, %bitcast3A_634] : memref<128x16xf32, #tpu.memory_space<vmem>>[vector<16xi32>, vector<16xi32>], vector<16xf32>,
              %get3A_636 = arith.index_cast %scan3A_289 : i32 to index
              %get3A_637 = arith.constant 496 : index
              %get3A_638 = tpu.vector_load %arg17[%get3A_636, %get3A_637] {strides = array<i32>} : memref<128x784xf32, #tpu.memory_space<vmem>>, vector<16xf32>,
              %mul3A_639 = arith.mulf %get3A_638, %gather3A_635 : vector<16xf32>
              %swap3A_640 = arith.index_cast %scan3A_289 : i32 to index
              %swap3A_641 = arith.constant 496 : index
              %swap3A_642 = tpu.vector_load %arg17[%swap3A_640, %swap3A_641] {strides = array<i32>} : memref<128x784xf32, #tpu.memory_space<vmem>>, vector<16xf32>,
              tpu.vector_store %arg17[%swap3A_640, %swap3A_641], %mul3A_639 {strides = array<i32>} : memref<128x784xf32, #tpu.memory_space<vmem>>, vector<16xf32>,
              %get3A_643 = arith.constant 512 : index
              %get3A_644 = tpu.vector_load %arg21[%get3A_643] {strides = array<i32>} : memref<784xf32, #tpu.memory_space<vmem>>, vector<16xf32>,
              %bitcast3A_645 = vector.bitcast %get3A_644 : vector<16xf32> to vector<16xi32>
              %gather3A_646 = tpu.vector_load_idx %arg20[%broadcast_in_dim3A_291, %bitcast3A_645] : memref<128x16xf32, #tpu.memory_space<vmem>>[vector<16xi32>, vector<16xi32>], vector<16xf32>,
              %get3A_647 = arith.index_cast %scan3A_289 : i32 to index
              %get3A_648 = arith.constant 512 : index
              %get3A_649 = tpu.vector_load %arg17[%get3A_647, %get3A_648] {strides = array<i32>} : memref<128x784xf32, #tpu.memory_space<vmem>>, vector<16xf32>,
              %mul3A_650 = arith.mulf %get3A_649, %gather3A_646 : vector<16xf32>
              %swap3A_651 = arith.index_cast %scan3A_289 : i32 to index
              %swap3A_652 = arith.constant 512 : index
              %swap3A_653 = tpu.vector_load %arg17[%swap3A_651, %swap3A_652] {strides = array<i32>} : memref<128x784xf32, #tpu.memory_space<vmem>>, vector<16xf32>,
              tpu.vector_store %arg17[%swap3A_651, %swap3A_652], %mul3A_650 {strides = array<i32>} : memref<128x784xf32, #tpu.memory_space<vmem>>, vector<16xf32>,
              %get3A_654 = arith.constant 528 : index
              %get3A_655 = tpu.vector_load %arg21[%get3A_654] {strides = array<i32>} : memref<784xf32, #tpu.memory_space<vmem>>, vector<16xf32>,
              %bitcast3A_656 = vector.bitcast %get3A_655 : vector<16xf32> to vector<16xi32>
              %gather3A_657 = tpu.vector_load_idx %arg20[%broadcast_in_dim3A_291, %bitcast3A_656] : memref<128x16xf32, #tpu.memory_space<vmem>>[vector<16xi32>, vector<16xi32>], vector<16xf32>,
              %get3A_658 = arith.index_cast %scan3A_289 : i32 to index
              %get3A_659 = arith.constant 528 : index
              %get3A_660 = tpu.vector_load %arg17[%get3A_658, %get3A_659] {strides = array<i32>} : memref<128x784xf32, #tpu.memory_space<vmem>>, vector<16xf32>,
              %mul3A_661 = arith.mulf %get3A_660, %gather3A_657 : vector<16xf32>
              %swap3A_662 = arith.index_cast %scan3A_289 : i32 to index
              %swap3A_663 = arith.constant 528 : index
              %swap3A_664 = tpu.vector_load %arg17[%swap3A_662, %swap3A_663] {strides = array<i32>} : memref<128x784xf32, #tpu.memory_space<vmem>>, vector<16xf32>,
              tpu.vector_store %arg17[%swap3A_662, %swap3A_663], %mul3A_661 {strides = array<i32>} : memref<128x784xf32, #tpu.memory_space<vmem>>, vector<16xf32>,
              %get3A_665 = arith.constant 544 : index
              %get3A_666 = tpu.vector_load %arg21[%get3A_665] {strides = array<i32>} : memref<784xf32, #tpu.memory_space<vmem>>, vector<16xf32>,
              %bitcast3A_667 = vector.bitcast %get3A_666 : vector<16xf32> to vector<16xi32>
              %gather3A_668 = tpu.vector_load_idx %arg20[%broadcast_in_dim3A_291, %bitcast3A_667] : memref<128x16xf32, #tpu.memory_space<vmem>>[vector<16xi32>, vector<16xi32>], vector<16xf32>,
              %get3A_669 = arith.index_cast %scan3A_289 : i32 to index
              %get3A_670 = arith.constant 544 : index
              %get3A_671 = tpu.vector_load %arg17[%get3A_669, %get3A_670] {strides = array<i32>} : memref<128x784xf32, #tpu.memory_space<vmem>>, vector<16xf32>,
              %mul3A_672 = arith.mulf %get3A_671, %gather3A_668 : vector<16xf32>
              %swap3A_673 = arith.index_cast %scan3A_289 : i32 to index
              %swap3A_674 = arith.constant 544 : index
              %swap3A_675 = tpu.vector_load %arg17[%swap3A_673, %swap3A_674] {strides = array<i32>} : memref<128x784xf32, #tpu.memory_space<vmem>>, vector<16xf32>,
              tpu.vector_store %arg17[%swap3A_673, %swap3A_674], %mul3A_672 {strides = array<i32>} : memref<128x784xf32, #tpu.memory_space<vmem>>, vector<16xf32>,
              %get3A_676 = arith.constant 560 : index
              %get3A_677 = tpu.vector_load %arg21[%get3A_676] {strides = array<i32>} : memref<784xf32, #tpu.memory_space<vmem>>, vector<16xf32>,
              %bitcast3A_678 = vector.bitcast %get3A_677 : vector<16xf32> to vector<16xi32>
              %gather3A_679 = tpu.vector_load_idx %arg20[%broadcast_in_dim3A_291, %bitcast3A_678] : memref<128x16xf32, #tpu.memory_space<vmem>>[vector<16xi32>, vector<16xi32>], vector<16xf32>,
              %get3A_680 = arith.index_cast %scan3A_289 : i32 to index
              %get3A_681 = arith.constant 560 : index
              %get3A_682 = tpu.vector_load %arg17[%get3A_680, %get3A_681] {strides = array<i32>} : memref<128x784xf32, #tpu.memory_space<vmem>>, vector<16xf32>,
              %mul3A_683 = arith.mulf %get3A_682, %gather3A_679 : vector<16xf32>
              %swap3A_684 = arith.index_cast %scan3A_289 : i32 to index
              %swap3A_685 = arith.constant 560 : index
              %swap3A_686 = tpu.vector_load %arg17[%swap3A_684, %swap3A_685] {strides = array<i32>} : memref<128x784xf32, #tpu.memory_space<vmem>>, vector<16xf32>,
              tpu.vector_store %arg17[%swap3A_684, %swap3A_685], %mul3A_683 {strides = array<i32>} : memref<128x784xf32, #tpu.memory_space<vmem>>, vector<16xf32>,
              %get3A_687 = arith.constant 576 : index
              %get3A_688 = tpu.vector_load %arg21[%get3A_687] {strides = array<i32>} : memref<784xf32, #tpu.memory_space<vmem>>, vector<16xf32>,
              %bitcast3A_689 = vector.bitcast %get3A_688 : vector<16xf32> to vector<16xi32>
              %gather3A_690 = tpu.vector_load_idx %arg20[%broadcast_in_dim3A_291, %bitcast3A_689] : memref<128x16xf32, #tpu.memory_space<vmem>>[vector<16xi32>, vector<16xi32>], vector<16xf32>,
              %get3A_691 = arith.index_cast %scan3A_289 : i32 to index
              %get3A_692 = arith.constant 576 : index
              %get3A_693 = tpu.vector_load %arg17[%get3A_691, %get3A_692] {strides = array<i32>} : memref<128x784xf32, #tpu.memory_space<vmem>>, vector<16xf32>,
              %mul3A_694 = arith.mulf %get3A_693, %gather3A_690 : vector<16xf32>
              %swap3A_695 = arith.index_cast %scan3A_289 : i32 to index
              %swap3A_696 = arith.constant 576 : index
              %swap3A_697 = tpu.vector_load %arg17[%swap3A_695, %swap3A_696] {strides = array<i32>} : memref<128x784xf32, #tpu.memory_space<vmem>>, vector<16xf32>,
              tpu.vector_store %arg17[%swap3A_695, %swap3A_696], %mul3A_694 {strides = array<i32>} : memref<128x784xf32, #tpu.memory_space<vmem>>, vector<16xf32>,
              %get3A_698 = arith.constant 592 : index
              %get3A_699 = tpu.vector_load %arg21[%get3A_698] {strides = array<i32>} : memref<784xf32, #tpu.memory_space<vmem>>, vector<16xf32>,
              %bitcast3A_700 = vector.bitcast %get3A_699 : vector<16xf32> to vector<16xi32>
              %gather3A_701 = tpu.vector_load_idx %arg20[%broadcast_in_dim3A_291, %bitcast3A_700] : memref<128x16xf32, #tpu.memory_space<vmem>>[vector<16xi32>, vector<16xi32>], vector<16xf32>,
              %get3A_702 = arith.index_cast %scan3A_289 : i32 to index
              %get3A_703 = arith.constant 592 : index
              %get3A_704 = tpu.vector_load %arg17[%get3A_702, %get3A_703] {strides = array<i32>} : memref<128x784xf32, #tpu.memory_space<vmem>>, vector<16xf32>,
              %mul3A_705 = arith.mulf %get3A_704, %gather3A_701 : vector<16xf32>
              %swap3A_706 = arith.index_cast %scan3A_289 : i32 to index
              %swap3A_707 = arith.constant 592 : index
              %swap3A_708 = tpu.vector_load %arg17[%swap3A_706, %swap3A_707] {strides = array<i32>} : memref<128x784xf32, #tpu.memory_space<vmem>>, vector<16xf32>,
              tpu.vector_store %arg17[%swap3A_706, %swap3A_707], %mul3A_705 {strides = array<i32>} : memref<128x784xf32, #tpu.memory_space<vmem>>, vector<16xf32>,
              %get3A_709 = arith.constant 608 : index
              %get3A_710 = tpu.vector_load %arg21[%get3A_709] {strides = array<i32>} : memref<784xf32, #tpu.memory_space<vmem>>, vector<16xf32>,
              %bitcast3A_711 = vector.bitcast %get3A_710 : vector<16xf32> to vector<16xi32>
              %gather3A_712 = tpu.vector_load_idx %arg20[%broadcast_in_dim3A_291, %bitcast3A_711] : memref<128x16xf32, #tpu.memory_space<vmem>>[vector<16xi32>, vector<16xi32>], vector<16xf32>,
              %get3A_713 = arith.index_cast %scan3A_289 : i32 to index
              %get3A_714 = arith.constant 608 : index
              %get3A_715 = tpu.vector_load %arg17[%get3A_713, %get3A_714] {strides = array<i32>} : memref<128x784xf32, #tpu.memory_space<vmem>>, vector<16xf32>,
              %mul3A_716 = arith.mulf %get3A_715, %gather3A_712 : vector<16xf32>
              %swap3A_717 = arith.index_cast %scan3A_289 : i32 to index
              %swap3A_718 = arith.constant 608 : index
              %swap3A_719 = tpu.vector_load %arg17[%swap3A_717, %swap3A_718] {strides = array<i32>} : memref<128x784xf32, #tpu.memory_space<vmem>>, vector<16xf32>,
              tpu.vector_store %arg17[%swap3A_717, %swap3A_718], %mul3A_716 {strides = array<i32>} : memref<128x784xf32, #tpu.memory_space<vmem>>, vector<16xf32>,
              %get3A_720 = arith.constant 624 : index
              %get3A_721 = tpu.vector_load %arg21[%get3A_720] {strides = array<i32>} : memref<784xf32, #tpu.memory_space<vmem>>, vector<16xf32>,
              %bitcast3A_722 = vector.bitcast %get3A_721 : vector<16xf32> to vector<16xi32>
              %gather3A_723 = tpu.vector_load_idx %arg20[%broadcast_in_dim3A_291, %bitcast3A_722] : memref<128x16xf32, #tpu.memory_space<vmem>>[vector<16xi32>, vector<16xi32>], vector<16xf32>,
              %get3A_724 = arith.index_cast %scan3A_289 : i32 to index
              %get3A_725 = arith.constant 624 : index
              %get3A_726 = tpu.vector_load %arg17[%get3A_724, %get3A_725] {strides = array<i32>} : memref<128x784xf32, #tpu.memory_space<vmem>>, vector<16xf32>,
              %mul3A_727 = arith.mulf %get3A_726, %gather3A_723 : vector<16xf32>
              %swap3A_728 = arith.index_cast %scan3A_289 : i32 to index
              %swap3A_729 = arith.constant 624 : index
              %swap3A_730 = tpu.vector_load %arg17[%swap3A_728, %swap3A_729] {strides = array<i32>} : memref<128x784xf32, #tpu.memory_space<vmem>>, vector<16xf32>,
              tpu.vector_store %arg17[%swap3A_728, %swap3A_729], %mul3A_727 {strides = array<i32>} : memref<128x784xf32, #tpu.memory_space<vmem>>, vector<16xf32>,
              %get3A_731 = arith.constant 640 : index
              %get3A_732 = tpu.vector_load %arg21[%get3A_731] {strides = array<i32>} : memref<784xf32, #tpu.memory_space<vmem>>, vector<16xf32>,
              %bitcast3A_733 = vector.bitcast %get3A_732 : vector<16xf32> to vector<16xi32>
              %gather3A_734 = tpu.vector_load_idx %arg20[%broadcast_in_dim3A_291, %bitcast3A_733] : memref<128x16xf32, #tpu.memory_space<vmem>>[vector<16xi32>, vector<16xi32>], vector<16xf32>,
              %get3A_735 = arith.index_cast %scan3A_289 : i32 to index
              %get3A_736 = arith.constant 640 : index
              %get3A_737 = tpu.vector_load %arg17[%get3A_735, %get3A_736] {strides = array<i32>} : memref<128x784xf32, #tpu.memory_space<vmem>>, vector<16xf32>,
              %mul3A_738 = arith.mulf %get3A_737, %gather3A_734 : vector<16xf32>
              %swap3A_739 = arith.index_cast %scan3A_289 : i32 to index
              %swap3A_740 = arith.constant 640 : index
              %swap3A_741 = tpu.vector_load %arg17[%swap3A_739, %swap3A_740] {strides = array<i32>} : memref<128x784xf32, #tpu.memory_space<vmem>>, vector<16xf32>,
              tpu.vector_store %arg17[%swap3A_739, %swap3A_740], %mul3A_738 {strides = array<i32>} : memref<128x784xf32, #tpu.memory_space<vmem>>, vector<16xf32>,
              %get3A_742 = arith.constant 656 : index
              %get3A_743 = tpu.vector_load %arg21[%get3A_742] {strides = array<i32>} : memref<784xf32, #tpu.memory_space<vmem>>, vector<16xf32>,
              %bitcast3A_744 = vector.bitcast %get3A_743 : vector<16xf32> to vector<16xi32>
              %gather3A_745 = tpu.vector_load_idx %arg20[%broadcast_in_dim3A_291, %bitcast3A_744] : memref<128x16xf32, #tpu.memory_space<vmem>>[vector<16xi32>, vector<16xi32>], vector<16xf32>,
              %get3A_746 = arith.index_cast %scan3A_289 : i32 to index
              %get3A_747 = arith.constant 656 : index
              %get3A_748 = tpu.vector_load %arg17[%get3A_746, %get3A_747] {strides = array<i32>} : memref<128x784xf32, #tpu.memory_space<vmem>>, vector<16xf32>,
              %mul3A_749 = arith.mulf %get3A_748, %gather3A_745 : vector<16xf32>
              %swap3A_750 = arith.index_cast %scan3A_289 : i32 to index
              %swap3A_751 = arith.constant 656 : index
              %swap3A_752 = tpu.vector_load %arg17[%swap3A_750, %swap3A_751] {strides = array<i32>} : memref<128x784xf32, #tpu.memory_space<vmem>>, vector<16xf32>,
              tpu.vector_store %arg17[%swap3A_750, %swap3A_751], %mul3A_749 {strides = array<i32>} : memref<128x784xf32, #tpu.memory_space<vmem>>, vector<16xf32>,
              %get3A_753 = arith.constant 672 : index
              %get3A_754 = tpu.vector_load %arg21[%get3A_753] {strides = array<i32>} : memref<784xf32, #tpu.memory_space<vmem>>, vector<16xf32>,
              %bitcast3A_755 = vector.bitcast %get3A_754 : vector<16xf32> to vector<16xi32>
              %gather3A_756 = tpu.vector_load_idx %arg20[%broadcast_in_dim3A_291, %bitcast3A_755] : memref<128x16xf32, #tpu.memory_space<vmem>>[vector<16xi32>, vector<16xi32>], vector<16xf32>,
              %get3A_757 = arith.index_cast %scan3A_289 : i32 to index
              %get3A_758 = arith.constant 672 : index
              %get3A_759 = tpu.vector_load %arg17[%get3A_757, %get3A_758] {strides = array<i32>} : memref<128x784xf32, #tpu.memory_space<vmem>>, vector<16xf32>,
              %mul3A_760 = arith.mulf %get3A_759, %gather3A_756 : vector<16xf32>
              %swap3A_761 = arith.index_cast %scan3A_289 : i32 to index
              %swap3A_762 = arith.constant 672 : index
              %swap3A_763 = tpu.vector_load %arg17[%swap3A_761, %swap3A_762] {strides = array<i32>} : memref<128x784xf32, #tpu.memory_space<vmem>>, vector<16xf32>,
              tpu.vector_store %arg17[%swap3A_761, %swap3A_762], %mul3A_760 {strides = array<i32>} : memref<128x784xf32, #tpu.memory_space<vmem>>, vector<16xf32>,
              %get3A_764 = arith.constant 688 : index
              %get3A_765 = tpu.vector_load %arg21[%get3A_764] {strides = array<i32>} : memref<784xf32, #tpu.memory_space<vmem>>, vector<16xf32>,
              %bitcast3A_766 = vector.bitcast %get3A_765 : vector<16xf32> to vector<16xi32>
              %gather3A_767 = tpu.vector_load_idx %arg20[%broadcast_in_dim3A_291, %bitcast3A_766] : memref<128x16xf32, #tpu.memory_space<vmem>>[vector<16xi32>, vector<16xi32>], vector<16xf32>,
              %get3A_768 = arith.index_cast %scan3A_289 : i32 to index
              %get3A_769 = arith.constant 688 : index
              %get3A_770 = tpu.vector_load %arg17[%get3A_768, %get3A_769] {strides = array<i32>} : memref<128x784xf32, #tpu.memory_space<vmem>>, vector<16xf32>,
              %mul3A_771 = arith.mulf %get3A_770, %gather3A_767 : vector<16xf32>
              %swap3A_772 = arith.index_cast %scan3A_289 : i32 to index
              %swap3A_773 = arith.constant 688 : index
              %swap3A_774 = tpu.vector_load %arg17[%swap3A_772, %swap3A_773] {strides = array<i32>} : memref<128x784xf32, #tpu.memory_space<vmem>>, vector<16xf32>,
              tpu.vector_store %arg17[%swap3A_772, %swap3A_773], %mul3A_771 {strides = array<i32>} : memref<128x784xf32, #tpu.memory_space<vmem>>, vector<16xf32>,
              %get3A_775 = arith.constant 704 : index
              %get3A_776 = tpu.vector_load %arg21[%get3A_775] {strides = array<i32>} : memref<784xf32, #tpu.memory_space<vmem>>, vector<16xf32>,
              %bitcast3A_777 = vector.bitcast %get3A_776 : vector<16xf32> to vector<16xi32>
              %gather3A_778 = tpu.vector_load_idx %arg20[%broadcast_in_dim3A_291, %bitcast3A_777] : memref<128x16xf32, #tpu.memory_space<vmem>>[vector<16xi32>, vector<16xi32>], vector<16xf32>,
              %get3A_779 = arith.index_cast %scan3A_289 : i32 to index
              %get3A_780 = arith.constant 704 : index
              %get3A_781 = tpu.vector_load %arg17[%get3A_779, %get3A_780] {strides = array<i32>} : memref<128x784xf32, #tpu.memory_space<vmem>>, vector<16xf32>,
              %mul3A_782 = arith.mulf %get3A_781, %gather3A_778 : vector<16xf32>
              %swap3A_783 = arith.index_cast %scan3A_289 : i32 to index
              %swap3A_784 = arith.constant 704 : index
              %swap3A_785 = tpu.vector_load %arg17[%swap3A_783, %swap3A_784] {strides = array<i32>} : memref<128x784xf32, #tpu.memory_space<vmem>>, vector<16xf32>,
              tpu.vector_store %arg17[%swap3A_783, %swap3A_784], %mul3A_782 {strides = array<i32>} : memref<128x784xf32, #tpu.memory_space<vmem>>, vector<16xf32>,
              %get3A_786 = arith.constant 720 : index
              %get3A_787 = tpu.vector_load %arg21[%get3A_786] {strides = array<i32>} : memref<784xf32, #tpu.memory_space<vmem>>, vector<16xf32>,
              %bitcast3A_788 = vector.bitcast %get3A_787 : vector<16xf32> to vector<16xi32>
              %gather3A_789 = tpu.vector_load_idx %arg20[%broadcast_in_dim3A_291, %bitcast3A_788] : memref<128x16xf32, #tpu.memory_space<vmem>>[vector<16xi32>, vector<16xi32>], vector<16xf32>,
              %get3A_790 = arith.index_cast %scan3A_289 : i32 to index
              %get3A_791 = arith.constant 720 : index
              %get3A_792 = tpu.vector_load %arg17[%get3A_790, %get3A_791] {strides = array<i32>} : memref<128x784xf32, #tpu.memory_space<vmem>>, vector<16xf32>,
              %mul3A_793 = arith.mulf %get3A_792, %gather3A_789 : vector<16xf32>
              %swap3A_794 = arith.index_cast %scan3A_289 : i32 to index
              %swap3A_795 = arith.constant 720 : index
              %swap3A_796 = tpu.vector_load %arg17[%swap3A_794, %swap3A_795] {strides = array<i32>} : memref<128x784xf32, #tpu.memory_space<vmem>>, vector<16xf32>,
              tpu.vector_store %arg17[%swap3A_794, %swap3A_795], %mul3A_793 {strides = array<i32>} : memref<128x784xf32, #tpu.memory_space<vmem>>, vector<16xf32>,
              %get3A_797 = arith.constant 736 : index
              %get3A_798 = tpu.vector_load %arg21[%get3A_797] {strides = array<i32>} : memref<784xf32, #tpu.memory_space<vmem>>, vector<16xf32>,
              %bitcast3A_799 = vector.bitcast %get3A_798 : vector<16xf32> to vector<16xi32>
              %gather3A_800 = tpu.vector_load_idx %arg20[%broadcast_in_dim3A_291, %bitcast3A_799] : memref<128x16xf32, #tpu.memory_space<vmem>>[vector<16xi32>, vector<16xi32>], vector<16xf32>,
              %get3A_801 = arith.index_cast %scan3A_289 : i32 to index
              %get3A_802 = arith.constant 736 : index
              %get3A_803 = tpu.vector_load %arg17[%get3A_801, %get3A_802] {strides = array<i32>} : memref<128x784xf32, #tpu.memory_space<vmem>>, vector<16xf32>,
              %mul3A_804 = arith.mulf %get3A_803, %gather3A_800 : vector<16xf32>
              %swap3A_805 = arith.index_cast %scan3A_289 : i32 to index
              %swap3A_806 = arith.constant 736 : index
              %swap3A_807 = tpu.vector_load %arg17[%swap3A_805, %swap3A_806] {strides = array<i32>} : memref<128x784xf32, #tpu.memory_space<vmem>>, vector<16xf32>,
              tpu.vector_store %arg17[%swap3A_805, %swap3A_806], %mul3A_804 {strides = array<i32>} : memref<128x784xf32, #tpu.memory_space<vmem>>, vector<16xf32>,
              %get3A_808 = arith.constant 752 : index
              %get3A_809 = tpu.vector_load %arg21[%get3A_808] {strides = array<i32>} : memref<784xf32, #tpu.memory_space<vmem>>, vector<16xf32>,
              %bitcast3A_810 = vector.bitcast %get3A_809 : vector<16xf32> to vector<16xi32>
              %gather3A_811 = tpu.vector_load_idx %arg20[%broadcast_in_dim3A_291, %bitcast3A_810] : memref<128x16xf32, #tpu.memory_space<vmem>>[vector<16xi32>, vector<16xi32>], vector<16xf32>,
              %get3A_812 = arith.index_cast %scan3A_289 : i32 to index
              %get3A_813 = arith.constant 752 : index
              %get3A_814 = tpu.vector_load %arg17[%get3A_812, %get3A_813] {strides = array<i32>} : memref<128x784xf32, #tpu.memory_space<vmem>>, vector<16xf32>,
              %mul3A_815 = arith.mulf %get3A_814, %gather3A_811 : vector<16xf32>
              %swap3A_816 = arith.index_cast %scan3A_289 : i32 to index
              %swap3A_817 = arith.constant 752 : index
              %swap3A_818 = tpu.vector_load %arg17[%swap3A_816, %swap3A_817] {strides = array<i32>} : memref<128x784xf32, #tpu.memory_space<vmem>>, vector<16xf32>,
              tpu.vector_store %arg17[%swap3A_816, %swap3A_817], %mul3A_815 {strides = array<i32>} : memref<128x784xf32, #tpu.memory_space<vmem>>, vector<16xf32>,
              %get3A_819 = arith.constant 768 : index
              %get3A_820 = tpu.vector_load %arg21[%get3A_819] {strides = array<i32>} : memref<784xf32, #tpu.memory_space<vmem>>, vector<16xf32>,
              %bitcast3A_821 = vector.bitcast %get3A_820 : vector<16xf32> to vector<16xi32>
              %gather3A_822 = tpu.vector_load_idx %arg20[%broadcast_in_dim3A_291, %bitcast3A_821] : memref<128x16xf32, #tpu.memory_space<vmem>>[vector<16xi32>, vector<16xi32>], vector<16xf32>,
              %get3A_823 = arith.index_cast %scan3A_289 : i32 to index
              %get3A_824 = arith.constant 768 : index
              %get3A_825 = tpu.vector_load %arg17[%get3A_823, %get3A_824] {strides = array<i32>} : memref<128x784xf32, #tpu.memory_space<vmem>>, vector<16xf32>,
              %mul3A_826 = arith.mulf %get3A_825, %gather3A_822 : vector<16xf32>
              %swap3A_827 = arith.index_cast %scan3A_289 : i32 to index
              %swap3A_828 = arith.constant 768 : index
              %swap3A_829 = tpu.vector_load %arg17[%swap3A_827, %swap3A_828] {strides = array<i32>} : memref<128x784xf32, #tpu.memory_space<vmem>>, vector<16xf32>,
              tpu.vector_store %arg17[%swap3A_827, %swap3A_828], %mul3A_826 {strides = array<i32>} : memref<128x784xf32, #tpu.memory_space<vmem>>, vector<16xf32>,
              %scan3A_830 = arith.constant 0 : i32
              scf.yield %scan3A_830 : i32
            }
            %scan3A_192 = arith.constant 128 : i32
            "tpu.region"() ({
              %run_scoped3A = tpu.sem_alloc : memref<!tpu.dma_semaphore, #tpu.memory_space<semaphore_mem>>
              %dma_start3A = arith.constant 0 : i32
              %dma_start3A_289 = arith.constant 0 : i32
              %dma_start3A_290 = tpu.memref_slice %arg22[%dma_start3A, %dma_start3A_289] : memref<256x784xf32, #tpu.memory_space<vmem_shared>> -> memref<256x784xf32, #tpu.memory_space<vmem_shared>>
              tpu.enqueue_indirect_dma source(%arg17 : memref<128x784xf32, #tpu.memory_space<vmem>>) target(%dma_start3A_290 : memref<256x784xf32, #tpu.memory_space<vmem_shared>>) offsets(%arg15 : memref<128xi32, #tpu.memory_space<vmem>>) semaphore(%run_scoped3A : memref<!tpu.dma_semaphore, #tpu.memory_space<semaphore_mem>>) {add = true}
              %dma_wait3A = arith.constant 0 : i32
              %dma_wait3A_291 = arith.constant 0 : i32
              %dma_wait3A_292 = tpu.memref_slice %arg22[%dma_wait3A, %dma_wait3A_291] : memref<256x784xf32, #tpu.memory_space<vmem_shared>> -> memref<256x784xf32, #tpu.memory_space<vmem_shared>>
              tpu.wait_indirect_dma semaphore(%run_scoped3A : memref<!tpu.dma_semaphore, #tpu.memory_space<semaphore_mem>>) src(%arg17 : memref<128x784xf32, #tpu.memory_space<vmem>>) dst(%dma_wait3A_292 : memref<256x784xf32, #tpu.memory_space<vmem_shared>>)
              tpu.yield
            }) : () -> ()
            "tpu.region"() ({
              %run_scoped3A = tpu.sem_alloc : memref<!tpu.dma_semaphore, #tpu.memory_space<semaphore_mem>>
              %dma_start3A = arith.constant 0 : i32
              %dma_start3A_289 = arith.constant 0 : i32
              %dma_start3A_290 = tpu.memref_slice %arg23[%dma_start3A, %dma_start3A_289] : memref<256x16xf32, #tpu.memory_space<vmem_shared>> -> memref<256x16xf32, #tpu.memory_space<vmem_shared>>
              tpu.enqueue_indirect_dma source(%arg20 : memref<128x16xf32, #tpu.memory_space<vmem>>) target(%dma_start3A_290 : memref<256x16xf32, #tpu.memory_space<vmem_shared>>) offsets(%arg15 : memref<128xi32, #tpu.memory_space<vmem>>) semaphore(%run_scoped3A : memref<!tpu.dma_semaphore, #tpu.memory_space<semaphore_mem>>) {add = true}
              %dma_wait3A = arith.constant 0 : i32
              %dma_wait3A_291 = arith.constant 0 : i32
              %dma_wait3A_292 = tpu.memref_slice %arg23[%dma_wait3A, %dma_wait3A_291] : memref<256x16xf32, #tpu.memory_space<vmem_shared>> -> memref<256x16xf32, #tpu.memory_space<vmem_shared>>
              tpu.wait_indirect_dma semaphore(%run_scoped3A : memref<!tpu.dma_semaphore, #tpu.memory_space<semaphore_mem>>) src(%arg20 : memref<128x16xf32, #tpu.memory_space<vmem>>) dst(%dma_wait3A_292 : memref<256x16xf32, #tpu.memory_space<vmem_shared>>)
              tpu.yield
            }) : () -> ()
            %broadcast_in_dim3A_193 = arith.constant 51199 : i32
            %broadcast_in_dim3A_194 = vector.broadcast %broadcast_in_dim3A_193 : i32 to vector<16xi32>
            %swap3A_195 = arith.constant 0 : index
            %swap3A_196 = tpu.vector_load %arg14[%swap3A_195] {strides = array<i32>} : memref<128xi32, #tpu.memory_space<vmem>>, vector<16xi32>,
            tpu.vector_store %arg14[%swap3A_195], %broadcast_in_dim3A_194 {strides = array<i32>} : memref<128xi32, #tpu.memory_space<vmem>>, vector<16xi32>,
            %broadcast_in_dim3A_197 = arith.constant 255 : i32
            %broadcast_in_dim3A_198 = vector.broadcast %broadcast_in_dim3A_197 : i32 to vector<16xi32>
            %swap3A_199 = arith.constant 0 : index
            %swap3A_200 = tpu.vector_load %arg15[%swap3A_199] {strides = array<i32>} : memref<128xi32, #tpu.memory_space<vmem>>, vector<16xi32>,
            tpu.vector_store %arg15[%swap3A_199], %broadcast_in_dim3A_198 {strides = array<i32>} : memref<128xi32, #tpu.memory_space<vmem>>, vector<16xi32>,
            %broadcast_in_dim3A_201 = arith.constant 51199 : i32
            %broadcast_in_dim3A_202 = vector.broadcast %broadcast_in_dim3A_201 : i32 to vector<16xi32>
            %swap3A_203 = arith.constant 0 : index
            %swap3A_204 = tpu.vector_load %arg16[%swap3A_203] {strides = array<i32>} : memref<128xi32, #tpu.memory_space<vmem>>, vector<16xi32>,
            tpu.vector_store %arg16[%swap3A_203], %broadcast_in_dim3A_202 {strides = array<i32>} : memref<128xi32, #tpu.memory_space<vmem>>, vector<16xi32>,
            %broadcast_in_dim3A_205 = arith.constant 51199 : i32
            %broadcast_in_dim3A_206 = vector.broadcast %broadcast_in_dim3A_205 : i32 to vector<16xi32>
            %swap3A_207 = arith.constant 16 : index
            %swap3A_208 = tpu.vector_load %arg14[%swap3A_207] {strides = array<i32>} : memref<128xi32, #tpu.memory_space<vmem>>, vector<16xi32>,
            tpu.vector_store %arg14[%swap3A_207], %broadcast_in_dim3A_206 {strides = array<i32>} : memref<128xi32, #tpu.memory_space<vmem>>, vector<16xi32>,
            %broadcast_in_dim3A_209 = arith.constant 255 : i32
            %broadcast_in_dim3A_210 = vector.broadcast %broadcast_in_dim3A_209 : i32 to vector<16xi32>
            %swap3A_211 = arith.constant 16 : index
            %swap3A_212 = tpu.vector_load %arg15[%swap3A_211] {strides = array<i32>} : memref<128xi32, #tpu.memory_space<vmem>>, vector<16xi32>,
            tpu.vector_store %arg15[%swap3A_211], %broadcast_in_dim3A_210 {strides = array<i32>} : memref<128xi32, #tpu.memory_space<vmem>>, vector<16xi32>,
            %broadcast_in_dim3A_213 = arith.constant 51199 : i32
            %broadcast_in_dim3A_214 = vector.broadcast %broadcast_in_dim3A_213 : i32 to vector<16xi32>
            %swap3A_215 = arith.constant 16 : index
            %swap3A_216 = tpu.vector_load %arg16[%swap3A_215] {strides = array<i32>} : memref<128xi32, #tpu.memory_space<vmem>>, vector<16xi32>,
            tpu.vector_store %arg16[%swap3A_215], %broadcast_in_dim3A_214 {strides = array<i32>} : memref<128xi32, #tpu.memory_space<vmem>>, vector<16xi32>,
            %broadcast_in_dim3A_217 = arith.constant 51199 : i32
            %broadcast_in_dim3A_218 = vector.broadcast %broadcast_in_dim3A_217 : i32 to vector<16xi32>
            %swap3A_219 = arith.constant 32 : index
            %swap3A_220 = tpu.vector_load %arg14[%swap3A_219] {strides = array<i32>} : memref<128xi32, #tpu.memory_space<vmem>>, vector<16xi32>,
            tpu.vector_store %arg14[%swap3A_219], %broadcast_in_dim3A_218 {strides = array<i32>} : memref<128xi32, #tpu.memory_space<vmem>>, vector<16xi32>,
            %broadcast_in_dim3A_221 = arith.constant 255 : i32
            %broadcast_in_dim3A_222 = vector.broadcast %broadcast_in_dim3A_221 : i32 to vector<16xi32>
            %swap3A_223 = arith.constant 32 : index
            %swap3A_224 = tpu.vector_load %arg15[%swap3A_223] {strides = array<i32>} : memref<128xi32, #tpu.memory_space<vmem>>, vector<16xi32>,
            tpu.vector_store %arg15[%swap3A_223], %broadcast_in_dim3A_222 {strides = array<i32>} : memref<128xi32, #tpu.memory_space<vmem>>, vector<16xi32>,
            %broadcast_in_dim3A_225 = arith.constant 51199 : i32
            %broadcast_in_dim3A_226 = vector.broadcast %broadcast_in_dim3A_225 : i32 to vector<16xi32>
            %swap3A_227 = arith.constant 32 : index
            %swap3A_228 = tpu.vector_load %arg16[%swap3A_227] {strides = array<i32>} : memref<128xi32, #tpu.memory_space<vmem>>, vector<16xi32>,
            tpu.vector_store %arg16[%swap3A_227], %broadcast_in_dim3A_226 {strides = array<i32>} : memref<128xi32, #tpu.memory_space<vmem>>, vector<16xi32>,
            %broadcast_in_dim3A_229 = arith.constant 51199 : i32
            %broadcast_in_dim3A_230 = vector.broadcast %broadcast_in_dim3A_229 : i32 to vector<16xi32>
            %swap3A_231 = arith.constant 48 : index
            %swap3A_232 = tpu.vector_load %arg14[%swap3A_231] {strides = array<i32>} : memref<128xi32, #tpu.memory_space<vmem>>, vector<16xi32>,
            tpu.vector_store %arg14[%swap3A_231], %broadcast_in_dim3A_230 {strides = array<i32>} : memref<128xi32, #tpu.memory_space<vmem>>, vector<16xi32>,
            %broadcast_in_dim3A_233 = arith.constant 255 : i32
            %broadcast_in_dim3A_234 = vector.broadcast %broadcast_in_dim3A_233 : i32 to vector<16xi32>
            %swap3A_235 = arith.constant 48 : index
            %swap3A_236 = tpu.vector_load %arg15[%swap3A_235] {strides = array<i32>} : memref<128xi32, #tpu.memory_space<vmem>>, vector<16xi32>,
            tpu.vector_store %arg15[%swap3A_235], %broadcast_in_dim3A_234 {strides = array<i32>} : memref<128xi32, #tpu.memory_space<vmem>>, vector<16xi32>,
            %broadcast_in_dim3A_237 = arith.constant 51199 : i32
            %broadcast_in_dim3A_238 = vector.broadcast %broadcast_in_dim3A_237 : i32 to vector<16xi32>
            %swap3A_239 = arith.constant 48 : index
            %swap3A_240 = tpu.vector_load %arg16[%swap3A_239] {strides = array<i32>} : memref<128xi32, #tpu.memory_space<vmem>>, vector<16xi32>,
            tpu.vector_store %arg16[%swap3A_239], %broadcast_in_dim3A_238 {strides = array<i32>} : memref<128xi32, #tpu.memory_space<vmem>>, vector<16xi32>,
            %broadcast_in_dim3A_241 = arith.constant 51199 : i32
            %broadcast_in_dim3A_242 = vector.broadcast %broadcast_in_dim3A_241 : i32 to vector<16xi32>
            %swap3A_243 = arith.constant 64 : index
            %swap3A_244 = tpu.vector_load %arg14[%swap3A_243] {strides = array<i32>} : memref<128xi32, #tpu.memory_space<vmem>>, vector<16xi32>,
            tpu.vector_store %arg14[%swap3A_243], %broadcast_in_dim3A_242 {strides = array<i32>} : memref<128xi32, #tpu.memory_space<vmem>>, vector<16xi32>,
            %broadcast_in_dim3A_245 = arith.constant 255 : i32
            %broadcast_in_dim3A_246 = vector.broadcast %broadcast_in_dim3A_245 : i32 to vector<16xi32>
            %swap3A_247 = arith.constant 64 : index
            %swap3A_248 = tpu.vector_load %arg15[%swap3A_247] {strides = array<i32>} : memref<128xi32, #tpu.memory_space<vmem>>, vector<16xi32>,
            tpu.vector_store %arg15[%swap3A_247], %broadcast_in_dim3A_246 {strides = array<i32>} : memref<128xi32, #tpu.memory_space<vmem>>, vector<16xi32>,
            %broadcast_in_dim3A_249 = arith.constant 51199 : i32
            %broadcast_in_dim3A_250 = vector.broadcast %broadcast_in_dim3A_249 : i32 to vector<16xi32>
            %swap3A_251 = arith.constant 64 : index
            %swap3A_252 = tpu.vector_load %arg16[%swap3A_251] {strides = array<i32>} : memref<128xi32, #tpu.memory_space<vmem>>, vector<16xi32>,
            tpu.vector_store %arg16[%swap3A_251], %broadcast_in_dim3A_250 {strides = array<i32>} : memref<128xi32, #tpu.memory_space<vmem>>, vector<16xi32>,
            %broadcast_in_dim3A_253 = arith.constant 51199 : i32
            %broadcast_in_dim3A_254 = vector.broadcast %broadcast_in_dim3A_253 : i32 to vector<16xi32>
            %swap3A_255 = arith.constant 80 : index
            %swap3A_256 = tpu.vector_load %arg14[%swap3A_255] {strides = array<i32>} : memref<128xi32, #tpu.memory_space<vmem>>, vector<16xi32>,
            tpu.vector_store %arg14[%swap3A_255], %broadcast_in_dim3A_254 {strides = array<i32>} : memref<128xi32, #tpu.memory_space<vmem>>, vector<16xi32>,
            %broadcast_in_dim3A_257 = arith.constant 255 : i32
            %broadcast_in_dim3A_258 = vector.broadcast %broadcast_in_dim3A_257 : i32 to vector<16xi32>
            %swap3A_259 = arith.constant 80 : index
            %swap3A_260 = tpu.vector_load %arg15[%swap3A_259] {strides = array<i32>} : memref<128xi32, #tpu.memory_space<vmem>>, vector<16xi32>,
            tpu.vector_store %arg15[%swap3A_259], %broadcast_in_dim3A_258 {strides = array<i32>} : memref<128xi32, #tpu.memory_space<vmem>>, vector<16xi32>,
            %broadcast_in_dim3A_261 = arith.constant 51199 : i32
            %broadcast_in_dim3A_262 = vector.broadcast %broadcast_in_dim3A_261 : i32 to vector<16xi32>
            %swap3A_263 = arith.constant 80 : index
            %swap3A_264 = tpu.vector_load %arg16[%swap3A_263] {strides = array<i32>} : memref<128xi32, #tpu.memory_space<vmem>>, vector<16xi32>,
            tpu.vector_store %arg16[%swap3A_263], %broadcast_in_dim3A_262 {strides = array<i32>} : memref<128xi32, #tpu.memory_space<vmem>>, vector<16xi32>,
            %broadcast_in_dim3A_265 = arith.constant 51199 : i32
            %broadcast_in_dim3A_266 = vector.broadcast %broadcast_in_dim3A_265 : i32 to vector<16xi32>
            %swap3A_267 = arith.constant 96 : index
            %swap3A_268 = tpu.vector_load %arg14[%swap3A_267] {strides = array<i32>} : memref<128xi32, #tpu.memory_space<vmem>>, vector<16xi32>,
            tpu.vector_store %arg14[%swap3A_267], %broadcast_in_dim3A_266 {strides = array<i32>} : memref<128xi32, #tpu.memory_space<vmem>>, vector<16xi32>,
            %broadcast_in_dim3A_269 = arith.constant 255 : i32
            %broadcast_in_dim3A_270 = vector.broadcast %broadcast_in_dim3A_269 : i32 to vector<16xi32>
            %swap3A_271 = arith.constant 96 : index
            %swap3A_272 = tpu.vector_load %arg15[%swap3A_271] {strides = array<i32>} : memref<128xi32, #tpu.memory_space<vmem>>, vector<16xi32>,
            tpu.vector_store %arg15[%swap3A_271], %broadcast_in_dim3A_270 {strides = array<i32>} : memref<128xi32, #tpu.memory_space<vmem>>, vector<16xi32>,
            %broadcast_in_dim3A_273 = arith.constant 51199 : i32
            %broadcast_in_dim3A_274 = vector.broadcast %broadcast_in_dim3A_273 : i32 to vector<16xi32>
            %swap3A_275 = arith.constant 96 : index
            %swap3A_276 = tpu.vector_load %arg16[%swap3A_275] {strides = array<i32>} : memref<128xi32, #tpu.memory_space<vmem>>, vector<16xi32>,
            tpu.vector_store %arg16[%swap3A_275], %broadcast_in_dim3A_274 {strides = array<i32>} : memref<128xi32, #tpu.memory_space<vmem>>, vector<16xi32>,
            %broadcast_in_dim3A_277 = arith.constant 51199 : i32
            %broadcast_in_dim3A_278 = vector.broadcast %broadcast_in_dim3A_277 : i32 to vector<16xi32>
            %swap3A_279 = arith.constant 112 : index
            %swap3A_280 = tpu.vector_load %arg14[%swap3A_279] {strides = array<i32>} : memref<128xi32, #tpu.memory_space<vmem>>, vector<16xi32>,
            tpu.vector_store %arg14[%swap3A_279], %broadcast_in_dim3A_278 {strides = array<i32>} : memref<128xi32, #tpu.memory_space<vmem>>, vector<16xi32>,
            %broadcast_in_dim3A_281 = arith.constant 255 : i32
            %broadcast_in_dim3A_282 = vector.broadcast %broadcast_in_dim3A_281 : i32 to vector<16xi32>
            %swap3A_283 = arith.constant 112 : index
            %swap3A_284 = tpu.vector_load %arg15[%swap3A_283] {strides = array<i32>} : memref<128xi32, #tpu.memory_space<vmem>>, vector<16xi32>,
            tpu.vector_store %arg15[%swap3A_283], %broadcast_in_dim3A_282 {strides = array<i32>} : memref<128xi32, #tpu.memory_space<vmem>>, vector<16xi32>,
            %broadcast_in_dim3A_285 = arith.constant 51199 : i32
            %broadcast_in_dim3A_286 = vector.broadcast %broadcast_in_dim3A_285 : i32 to vector<16xi32>
            %swap3A_287 = arith.constant 112 : index
            %swap3A_288 = tpu.vector_load %arg16[%swap3A_287] {strides = array<i32>} : memref<128xi32, #tpu.memory_space<vmem>>, vector<16xi32>,
            tpu.vector_store %arg16[%swap3A_287], %broadcast_in_dim3A_286 {strides = array<i32>} : memref<128xi32, #tpu.memory_space<vmem>>, vector<16xi32>,
          } else {
          }
          %jit3A_177 = arith.constant 0 : i32
          %select_n3A_178 = arith.select %ge3A_173, %jit3A_177, %add3A_171 : i32
          scf.yield %select_n3A_178 : i32
        }
        %scan3A_143 = arith.constant 128 : i32
        scf.yield %scan3A_142 : i32
      }
      %scan3A_117 = arith.constant 26 : i32
      %gt3A = arith.constant 0 : i32
      %gt3A_118 = arith.cmpi sgt, %scan3A_116, %gt3A : i32
      %convert_element_type3A = arith.extui %gt3A_118 : i1 to i32
      %cond3A = arith.constant 0 : i32
      %cond3A_119 = arith.cmpi ne, %convert_element_type3A, %cond3A : i32
      scf.if %cond3A_119 {
        "tpu.region"() ({
          %run_scoped3A = tpu.sem_alloc : memref<!tpu.dma_semaphore, #tpu.memory_space<semaphore_mem>>
          %dma_start3A = arith.constant 0 : i32
          %dma_start3A_243 = arith.constant 0 : i32
          %dma_start3A_244 = tpu.memref_slice %arg2[%dma_start3A, %dma_start3A_243] : memref<51200x784xf32, #tpu.memory_space<hbm>> -> memref<51200x784xf32, #tpu.memory_space<hbm>>
          tpu.enqueue_indirect_dma source(%dma_start3A_244 : memref<51200x784xf32, #tpu.memory_space<hbm>>) target(%arg17 : memref<128x784xf32, #tpu.memory_space<vmem>>) offsets(%arg14 : memref<128xi32, #tpu.memory_space<vmem>>) semaphore(%run_scoped3A : memref<!tpu.dma_semaphore, #tpu.memory_space<semaphore_mem>>)
          %dma_wait3A = arith.constant 0 : i32
          %dma_wait3A_245 = arith.constant 0 : i32
          %dma_wait3A_246 = tpu.memref_slice %arg2[%dma_wait3A, %dma_wait3A_245] : memref<51200x784xf32, #tpu.memory_space<hbm>> -> memref<51200x784xf32, #tpu.memory_space<hbm>>
          tpu.wait_indirect_dma semaphore(%run_scoped3A : memref<!tpu.dma_semaphore, #tpu.memory_space<semaphore_mem>>) src(%dma_wait3A_246 : memref<51200x784xf32, #tpu.memory_space<hbm>>) dst(%arg17 : memref<128x784xf32, #tpu.memory_space<vmem>>)
          tpu.yield
        }) : () -> ()
        "tpu.region"() ({
          %run_scoped3A = tpu.sem_alloc : memref<!tpu.dma_semaphore, #tpu.memory_space<semaphore_mem>>
          %dma_start3A = arith.constant 0 : i32
          %dma_start3A_243 = arith.constant 0 : i32
          %dma_start3A_244 = tpu.memref_slice %arg5[%dma_start3A, %dma_start3A_243] : memref<51200x16xf32, #tpu.memory_space<hbm>> -> memref<51200x16xf32, #tpu.memory_space<hbm>>
          tpu.enqueue_indirect_dma source(%dma_start3A_244 : memref<51200x16xf32, #tpu.memory_space<hbm>>) target(%arg18 : memref<128x16xf32, #tpu.memory_space<vmem>>) offsets(%arg14 : memref<128xi32, #tpu.memory_space<vmem>>) semaphore(%run_scoped3A : memref<!tpu.dma_semaphore, #tpu.memory_space<semaphore_mem>>)
          %dma_wait3A = arith.constant 0 : i32
          %dma_wait3A_245 = arith.constant 0 : i32
          %dma_wait3A_246 = tpu.memref_slice %arg5[%dma_wait3A, %dma_wait3A_245] : memref<51200x16xf32, #tpu.memory_space<hbm>> -> memref<51200x16xf32, #tpu.memory_space<hbm>>
          tpu.wait_indirect_dma semaphore(%run_scoped3A : memref<!tpu.dma_semaphore, #tpu.memory_space<semaphore_mem>>) src(%dma_wait3A_246 : memref<51200x16xf32, #tpu.memory_space<hbm>>) dst(%arg18 : memref<128x16xf32, #tpu.memory_space<vmem>>)
          tpu.yield
        }) : () -> ()
        "tpu.region"() ({
          %run_scoped3A = tpu.sem_alloc : memref<!tpu.dma_semaphore, #tpu.memory_space<semaphore_mem>>
          %dma_start3A = arith.constant 0 : i32
          %dma_start3A_243 = arith.constant 0 : i32
          %dma_start3A_244 = tpu.memref_slice %arg6[%dma_start3A, %dma_start3A_243] : memref<51200x16xf32, #tpu.memory_space<hbm>> -> memref<51200x16xf32, #tpu.memory_space<hbm>>
          tpu.enqueue_indirect_dma source(%dma_start3A_244 : memref<51200x16xf32, #tpu.memory_space<hbm>>) target(%arg19 : memref<128x16xf32, #tpu.memory_space<vmem>>) offsets(%arg16 : memref<128xi32, #tpu.memory_space<vmem>>) semaphore(%run_scoped3A : memref<!tpu.dma_semaphore, #tpu.memory_space<semaphore_mem>>)
          %dma_wait3A = arith.constant 0 : i32
          %dma_wait3A_245 = arith.constant 0 : i32
          %dma_wait3A_246 = tpu.memref_slice %arg6[%dma_wait3A, %dma_wait3A_245] : memref<51200x16xf32, #tpu.memory_space<hbm>> -> memref<51200x16xf32, #tpu.memory_space<hbm>>
          tpu.wait_indirect_dma semaphore(%run_scoped3A : memref<!tpu.dma_semaphore, #tpu.memory_space<semaphore_mem>>) src(%dma_wait3A_246 : memref<51200x16xf32, #tpu.memory_space<hbm>>) dst(%arg19 : memref<128x16xf32, #tpu.memory_space<vmem>>)
          tpu.yield
        }) : () -> ()
        %scan3A_133 = arith.constant 0 : i32
        %scan3A_134 = arith.constant 0 : i32
        %scan3A_135 = arith.constant 128 : i32
        %scan3A_136 = arith.addi %scan3A_134, %scan3A_135 : i32
        %scan3A_137 = arith.constant 1 : i32
        %scan3A_138 = scf.for %scan3A_243 = %scan3A_134 to %scan3A_136 step %scan3A_137 iter_args(%scan3A_244 = %scan3A_133) -> (i32)  : i32 {
          %get3A = arith.index_cast %scan3A_243 : i32 to index
          %get3A_245 = arith.constant 0 : index
          %get3A_246 = tpu.vector_load %arg18[%get3A, %get3A_245] {strides = array<i32>} : memref<128x16xf32, #tpu.memory_space<vmem>>, vector<16xf32>,
          %get3A_247 = arith.index_cast %scan3A_243 : i32 to index
          %get3A_248 = arith.constant 0 : index
          %get3A_249 = tpu.vector_load %arg19[%get3A_247, %get3A_248] {strides = array<i32>} : memref<128x16xf32, #tpu.memory_space<vmem>>, vector<16xf32>,
          %add3A_250 = arith.addf %get3A_246, %get3A_249 : vector<16xf32>
          %max3A = arith.constant 0.000000e+00 : f32
          %max3A_251 = vector.broadcast %max3A : f32 to vector<16xf32>
          %max3A_252 = arith.maximumf %add3A_250, %max3A_251 : vector<16xf32>
          %min3A = arith.constant 0.000000e+00 : f32
          %min3A_253 = vector.broadcast %min3A : f32 to vector<16xf32>
          %min3A_254 = arith.minimumf %add3A_250, %min3A_253 : vector<16xf32>
          %mul3A_255 = arith.constant 2.000000e-01 : f32
          %mul3A_256 = vector.broadcast %mul3A_255 : f32 to vector<16xf32>
          %mul3A_257 = arith.mulf %mul3A_256, %min3A_254 : vector<16xf32>
          %add3A_258 = arith.addf %max3A_252, %mul3A_257 : vector<16xf32>
          %exp3A = math.exp %add3A_258 : vector<16xf32>
          %lt3A = arith.constant 10 : i32
          %lt3A_259 = vector.broadcast %lt3A : i32 to vector<16xi32>
          %lt3A_260 = arith.cmpi slt, %iota3A, %lt3A_259 : vector<16xi32>
          %eq3A = arith.constant 10 : i32
          %eq3A_261 = vector.broadcast %eq3A : i32 to vector<16xi32>
          %eq3A_262 = arith.cmpi eq, %iota3A, %eq3A_261 : vector<16xi32>
          %jit3A = arith.constant 1.000000e+00 : f32
          %jit3A_263 = arith.constant 0.000000e+00 : f32
          %broadcast_in_dim3A_264 = vector.broadcast %jit3A : f32 to vector<16xf32>
          %broadcast_in_dim3A_265 = vector.broadcast %jit3A_263 : f32 to vector<16xf32>
          %select_n3A = arith.select %eq3A_262, %broadcast_in_dim3A_264, %broadcast_in_dim3A_265 : vector<16xi1>, vector<16xf32>
          %select_n3A_266 = arith.select %lt3A_260, %exp3A, %select_n3A : vector<16xi1>, vector<16xf32>
          %lt3A_267 = arith.cmpi slt, %scan3A_243, %scan3A_116 : i32
          %jit3A_268 = arith.constant 0.000000e+00 : f32
          %broadcast_in_dim3A_269 = vector.broadcast %jit3A_268 : f32 to vector<16xf32>
          %select_n3A_270 = arith.select %lt3A_267, %select_n3A_266, %broadcast_in_dim3A_269 : vector<16xf32>
          %swap3A_271 = arith.index_cast %scan3A_243 : i32 to index
          %swap3A_272 = arith.constant 0 : index
          %swap3A_273 = tpu.vector_load %arg20[%swap3A_271, %swap3A_272] {strides = array<i32>} : memref<128x16xf32, #tpu.memory_space<vmem>>, vector<16xf32>,
          tpu.vector_store %arg20[%swap3A_271, %swap3A_272], %select_n3A_270 {strides = array<i32>} : memref<128x16xf32, #tpu.memory_space<vmem>>, vector<16xf32>,
          %scan3A_274 = arith.constant 0 : i32
          scf.yield %scan3A_274 : i32
        }
        %scan3A_139 = arith.constant 128 : i32
        %scan3A_140 = arith.constant 0 : i32
        %scan3A_141 = arith.constant 0 : i32
        %scan3A_142 = arith.constant 128 : i32
        %scan3A_143 = arith.addi %scan3A_141, %scan3A_142 : i32
        %scan3A_144 = arith.constant 1 : i32
        %scan3A_145 = scf.for %scan3A_243 = %scan3A_141 to %scan3A_143 step %scan3A_144 iter_args(%scan3A_244 = %scan3A_140) -> (i32)  : i32 {
          %broadcast_in_dim3A_245 = vector.broadcast %scan3A_243 : i32 to vector<16xi32>
          %get3A = arith.constant 0 : index
          %get3A_246 = tpu.vector_load %arg21[%get3A] {strides = array<i32>} : memref<784xf32, #tpu.memory_space<vmem>>, vector<16xf32>,
          %bitcast3A = vector.bitcast %get3A_246 : vector<16xf32> to vector<16xi32>
          %gather3A = tpu.vector_load_idx %arg20[%broadcast_in_dim3A_245, %bitcast3A] : memref<128x16xf32, #tpu.memory_space<vmem>>[vector<16xi32>, vector<16xi32>], vector<16xf32>,
          %get3A_247 = arith.index_cast %scan3A_243 : i32 to index
          %get3A_248 = arith.constant 0 : index
          %get3A_249 = tpu.vector_load %arg17[%get3A_247, %get3A_248] {strides = array<i32>} : memref<128x784xf32, #tpu.memory_space<vmem>>, vector<16xf32>,
          %mul3A_250 = arith.mulf %get3A_249, %gather3A : vector<16xf32>
          %swap3A_251 = arith.index_cast %scan3A_243 : i32 to index
          %swap3A_252 = arith.constant 0 : index
          %swap3A_253 = tpu.vector_load %arg17[%swap3A_251, %swap3A_252] {strides = array<i32>} : memref<128x784xf32, #tpu.memory_space<vmem>>, vector<16xf32>,
          tpu.vector_store %arg17[%swap3A_251, %swap3A_252], %mul3A_250 {strides = array<i32>} : memref<128x784xf32, #tpu.memory_space<vmem>>, vector<16xf32>,
          %get3A_254 = arith.constant 16 : index
          %get3A_255 = tpu.vector_load %arg21[%get3A_254] {strides = array<i32>} : memref<784xf32, #tpu.memory_space<vmem>>, vector<16xf32>,
          %bitcast3A_256 = vector.bitcast %get3A_255 : vector<16xf32> to vector<16xi32>
          %gather3A_257 = tpu.vector_load_idx %arg20[%broadcast_in_dim3A_245, %bitcast3A_256] : memref<128x16xf32, #tpu.memory_space<vmem>>[vector<16xi32>, vector<16xi32>], vector<16xf32>,
          %get3A_258 = arith.index_cast %scan3A_243 : i32 to index
          %get3A_259 = arith.constant 16 : index
          %get3A_260 = tpu.vector_load %arg17[%get3A_258, %get3A_259] {strides = array<i32>} : memref<128x784xf32, #tpu.memory_space<vmem>>, vector<16xf32>,
          %mul3A_261 = arith.mulf %get3A_260, %gather3A_257 : vector<16xf32>
          %swap3A_262 = arith.index_cast %scan3A_243 : i32 to index
          %swap3A_263 = arith.constant 16 : index
          %swap3A_264 = tpu.vector_load %arg17[%swap3A_262, %swap3A_263] {strides = array<i32>} : memref<128x784xf32, #tpu.memory_space<vmem>>, vector<16xf32>,
          tpu.vector_store %arg17[%swap3A_262, %swap3A_263], %mul3A_261 {strides = array<i32>} : memref<128x784xf32, #tpu.memory_space<vmem>>, vector<16xf32>,
          %get3A_265 = arith.constant 32 : index
          %get3A_266 = tpu.vector_load %arg21[%get3A_265] {strides = array<i32>} : memref<784xf32, #tpu.memory_space<vmem>>, vector<16xf32>,
          %bitcast3A_267 = vector.bitcast %get3A_266 : vector<16xf32> to vector<16xi32>
          %gather3A_268 = tpu.vector_load_idx %arg20[%broadcast_in_dim3A_245, %bitcast3A_267] : memref<128x16xf32, #tpu.memory_space<vmem>>[vector<16xi32>, vector<16xi32>], vector<16xf32>,
          %get3A_269 = arith.index_cast %scan3A_243 : i32 to index
          %get3A_270 = arith.constant 32 : index
          %get3A_271 = tpu.vector_load %arg17[%get3A_269, %get3A_270] {strides = array<i32>} : memref<128x784xf32, #tpu.memory_space<vmem>>, vector<16xf32>,
          %mul3A_272 = arith.mulf %get3A_271, %gather3A_268 : vector<16xf32>
          %swap3A_273 = arith.index_cast %scan3A_243 : i32 to index
          %swap3A_274 = arith.constant 32 : index
          %swap3A_275 = tpu.vector_load %arg17[%swap3A_273, %swap3A_274] {strides = array<i32>} : memref<128x784xf32, #tpu.memory_space<vmem>>, vector<16xf32>,
          tpu.vector_store %arg17[%swap3A_273, %swap3A_274], %mul3A_272 {strides = array<i32>} : memref<128x784xf32, #tpu.memory_space<vmem>>, vector<16xf32>,
          %get3A_276 = arith.constant 48 : index
          %get3A_277 = tpu.vector_load %arg21[%get3A_276] {strides = array<i32>} : memref<784xf32, #tpu.memory_space<vmem>>, vector<16xf32>,
          %bitcast3A_278 = vector.bitcast %get3A_277 : vector<16xf32> to vector<16xi32>
          %gather3A_279 = tpu.vector_load_idx %arg20[%broadcast_in_dim3A_245, %bitcast3A_278] : memref<128x16xf32, #tpu.memory_space<vmem>>[vector<16xi32>, vector<16xi32>], vector<16xf32>,
          %get3A_280 = arith.index_cast %scan3A_243 : i32 to index
          %get3A_281 = arith.constant 48 : index
          %get3A_282 = tpu.vector_load %arg17[%get3A_280, %get3A_281] {strides = array<i32>} : memref<128x784xf32, #tpu.memory_space<vmem>>, vector<16xf32>,
          %mul3A_283 = arith.mulf %get3A_282, %gather3A_279 : vector<16xf32>
          %swap3A_284 = arith.index_cast %scan3A_243 : i32 to index
          %swap3A_285 = arith.constant 48 : index
          %swap3A_286 = tpu.vector_load %arg17[%swap3A_284, %swap3A_285] {strides = array<i32>} : memref<128x784xf32, #tpu.memory_space<vmem>>, vector<16xf32>,
          tpu.vector_store %arg17[%swap3A_284, %swap3A_285], %mul3A_283 {strides = array<i32>} : memref<128x784xf32, #tpu.memory_space<vmem>>, vector<16xf32>,
          %get3A_287 = arith.constant 64 : index
          %get3A_288 = tpu.vector_load %arg21[%get3A_287] {strides = array<i32>} : memref<784xf32, #tpu.memory_space<vmem>>, vector<16xf32>,
          %bitcast3A_289 = vector.bitcast %get3A_288 : vector<16xf32> to vector<16xi32>
          %gather3A_290 = tpu.vector_load_idx %arg20[%broadcast_in_dim3A_245, %bitcast3A_289] : memref<128x16xf32, #tpu.memory_space<vmem>>[vector<16xi32>, vector<16xi32>], vector<16xf32>,
          %get3A_291 = arith.index_cast %scan3A_243 : i32 to index
          %get3A_292 = arith.constant 64 : index
          %get3A_293 = tpu.vector_load %arg17[%get3A_291, %get3A_292] {strides = array<i32>} : memref<128x784xf32, #tpu.memory_space<vmem>>, vector<16xf32>,
          %mul3A_294 = arith.mulf %get3A_293, %gather3A_290 : vector<16xf32>
          %swap3A_295 = arith.index_cast %scan3A_243 : i32 to index
          %swap3A_296 = arith.constant 64 : index
          %swap3A_297 = tpu.vector_load %arg17[%swap3A_295, %swap3A_296] {strides = array<i32>} : memref<128x784xf32, #tpu.memory_space<vmem>>, vector<16xf32>,
          tpu.vector_store %arg17[%swap3A_295, %swap3A_296], %mul3A_294 {strides = array<i32>} : memref<128x784xf32, #tpu.memory_space<vmem>>, vector<16xf32>,
          %get3A_298 = arith.constant 80 : index
          %get3A_299 = tpu.vector_load %arg21[%get3A_298] {strides = array<i32>} : memref<784xf32, #tpu.memory_space<vmem>>, vector<16xf32>,
          %bitcast3A_300 = vector.bitcast %get3A_299 : vector<16xf32> to vector<16xi32>
          %gather3A_301 = tpu.vector_load_idx %arg20[%broadcast_in_dim3A_245, %bitcast3A_300] : memref<128x16xf32, #tpu.memory_space<vmem>>[vector<16xi32>, vector<16xi32>], vector<16xf32>,
          %get3A_302 = arith.index_cast %scan3A_243 : i32 to index
          %get3A_303 = arith.constant 80 : index
          %get3A_304 = tpu.vector_load %arg17[%get3A_302, %get3A_303] {strides = array<i32>} : memref<128x784xf32, #tpu.memory_space<vmem>>, vector<16xf32>,
          %mul3A_305 = arith.mulf %get3A_304, %gather3A_301 : vector<16xf32>
          %swap3A_306 = arith.index_cast %scan3A_243 : i32 to index
          %swap3A_307 = arith.constant 80 : index
          %swap3A_308 = tpu.vector_load %arg17[%swap3A_306, %swap3A_307] {strides = array<i32>} : memref<128x784xf32, #tpu.memory_space<vmem>>, vector<16xf32>,
          tpu.vector_store %arg17[%swap3A_306, %swap3A_307], %mul3A_305 {strides = array<i32>} : memref<128x784xf32, #tpu.memory_space<vmem>>, vector<16xf32>,
          %get3A_309 = arith.constant 96 : index
          %get3A_310 = tpu.vector_load %arg21[%get3A_309] {strides = array<i32>} : memref<784xf32, #tpu.memory_space<vmem>>, vector<16xf32>,
          %bitcast3A_311 = vector.bitcast %get3A_310 : vector<16xf32> to vector<16xi32>
          %gather3A_312 = tpu.vector_load_idx %arg20[%broadcast_in_dim3A_245, %bitcast3A_311] : memref<128x16xf32, #tpu.memory_space<vmem>>[vector<16xi32>, vector<16xi32>], vector<16xf32>,
          %get3A_313 = arith.index_cast %scan3A_243 : i32 to index
          %get3A_314 = arith.constant 96 : index
          %get3A_315 = tpu.vector_load %arg17[%get3A_313, %get3A_314] {strides = array<i32>} : memref<128x784xf32, #tpu.memory_space<vmem>>, vector<16xf32>,
          %mul3A_316 = arith.mulf %get3A_315, %gather3A_312 : vector<16xf32>
          %swap3A_317 = arith.index_cast %scan3A_243 : i32 to index
          %swap3A_318 = arith.constant 96 : index
          %swap3A_319 = tpu.vector_load %arg17[%swap3A_317, %swap3A_318] {strides = array<i32>} : memref<128x784xf32, #tpu.memory_space<vmem>>, vector<16xf32>,
          tpu.vector_store %arg17[%swap3A_317, %swap3A_318], %mul3A_316 {strides = array<i32>} : memref<128x784xf32, #tpu.memory_space<vmem>>, vector<16xf32>,
          %get3A_320 = arith.constant 112 : index
          %get3A_321 = tpu.vector_load %arg21[%get3A_320] {strides = array<i32>} : memref<784xf32, #tpu.memory_space<vmem>>, vector<16xf32>,
          %bitcast3A_322 = vector.bitcast %get3A_321 : vector<16xf32> to vector<16xi32>
          %gather3A_323 = tpu.vector_load_idx %arg20[%broadcast_in_dim3A_245, %bitcast3A_322] : memref<128x16xf32, #tpu.memory_space<vmem>>[vector<16xi32>, vector<16xi32>], vector<16xf32>,
          %get3A_324 = arith.index_cast %scan3A_243 : i32 to index
          %get3A_325 = arith.constant 112 : index
          %get3A_326 = tpu.vector_load %arg17[%get3A_324, %get3A_325] {strides = array<i32>} : memref<128x784xf32, #tpu.memory_space<vmem>>, vector<16xf32>,
          %mul3A_327 = arith.mulf %get3A_326, %gather3A_323 : vector<16xf32>
          %swap3A_328 = arith.index_cast %scan3A_243 : i32 to index
          %swap3A_329 = arith.constant 112 : index
          %swap3A_330 = tpu.vector_load %arg17[%swap3A_328, %swap3A_329] {strides = array<i32>} : memref<128x784xf32, #tpu.memory_space<vmem>>, vector<16xf32>,
          tpu.vector_store %arg17[%swap3A_328, %swap3A_329], %mul3A_327 {strides = array<i32>} : memref<128x784xf32, #tpu.memory_space<vmem>>, vector<16xf32>,
          %get3A_331 = arith.constant 128 : index
          %get3A_332 = tpu.vector_load %arg21[%get3A_331] {strides = array<i32>} : memref<784xf32, #tpu.memory_space<vmem>>, vector<16xf32>,
          %bitcast3A_333 = vector.bitcast %get3A_332 : vector<16xf32> to vector<16xi32>
          %gather3A_334 = tpu.vector_load_idx %arg20[%broadcast_in_dim3A_245, %bitcast3A_333] : memref<128x16xf32, #tpu.memory_space<vmem>>[vector<16xi32>, vector<16xi32>], vector<16xf32>,
          %get3A_335 = arith.index_cast %scan3A_243 : i32 to index
          %get3A_336 = arith.constant 128 : index
          %get3A_337 = tpu.vector_load %arg17[%get3A_335, %get3A_336] {strides = array<i32>} : memref<128x784xf32, #tpu.memory_space<vmem>>, vector<16xf32>,
          %mul3A_338 = arith.mulf %get3A_337, %gather3A_334 : vector<16xf32>
          %swap3A_339 = arith.index_cast %scan3A_243 : i32 to index
          %swap3A_340 = arith.constant 128 : index
          %swap3A_341 = tpu.vector_load %arg17[%swap3A_339, %swap3A_340] {strides = array<i32>} : memref<128x784xf32, #tpu.memory_space<vmem>>, vector<16xf32>,
          tpu.vector_store %arg17[%swap3A_339, %swap3A_340], %mul3A_338 {strides = array<i32>} : memref<128x784xf32, #tpu.memory_space<vmem>>, vector<16xf32>,
          %get3A_342 = arith.constant 144 : index
          %get3A_343 = tpu.vector_load %arg21[%get3A_342] {strides = array<i32>} : memref<784xf32, #tpu.memory_space<vmem>>, vector<16xf32>,
          %bitcast3A_344 = vector.bitcast %get3A_343 : vector<16xf32> to vector<16xi32>
          %gather3A_345 = tpu.vector_load_idx %arg20[%broadcast_in_dim3A_245, %bitcast3A_344] : memref<128x16xf32, #tpu.memory_space<vmem>>[vector<16xi32>, vector<16xi32>], vector<16xf32>,
          %get3A_346 = arith.index_cast %scan3A_243 : i32 to index
          %get3A_347 = arith.constant 144 : index
          %get3A_348 = tpu.vector_load %arg17[%get3A_346, %get3A_347] {strides = array<i32>} : memref<128x784xf32, #tpu.memory_space<vmem>>, vector<16xf32>,
          %mul3A_349 = arith.mulf %get3A_348, %gather3A_345 : vector<16xf32>
          %swap3A_350 = arith.index_cast %scan3A_243 : i32 to index
          %swap3A_351 = arith.constant 144 : index
          %swap3A_352 = tpu.vector_load %arg17[%swap3A_350, %swap3A_351] {strides = array<i32>} : memref<128x784xf32, #tpu.memory_space<vmem>>, vector<16xf32>,
          tpu.vector_store %arg17[%swap3A_350, %swap3A_351], %mul3A_349 {strides = array<i32>} : memref<128x784xf32, #tpu.memory_space<vmem>>, vector<16xf32>,
          %get3A_353 = arith.constant 160 : index
          %get3A_354 = tpu.vector_load %arg21[%get3A_353] {strides = array<i32>} : memref<784xf32, #tpu.memory_space<vmem>>, vector<16xf32>,
          %bitcast3A_355 = vector.bitcast %get3A_354 : vector<16xf32> to vector<16xi32>
          %gather3A_356 = tpu.vector_load_idx %arg20[%broadcast_in_dim3A_245, %bitcast3A_355] : memref<128x16xf32, #tpu.memory_space<vmem>>[vector<16xi32>, vector<16xi32>], vector<16xf32>,
          %get3A_357 = arith.index_cast %scan3A_243 : i32 to index
          %get3A_358 = arith.constant 160 : index
          %get3A_359 = tpu.vector_load %arg17[%get3A_357, %get3A_358] {strides = array<i32>} : memref<128x784xf32, #tpu.memory_space<vmem>>, vector<16xf32>,
          %mul3A_360 = arith.mulf %get3A_359, %gather3A_356 : vector<16xf32>
          %swap3A_361 = arith.index_cast %scan3A_243 : i32 to index
          %swap3A_362 = arith.constant 160 : index
          %swap3A_363 = tpu.vector_load %arg17[%swap3A_361, %swap3A_362] {strides = array<i32>} : memref<128x784xf32, #tpu.memory_space<vmem>>, vector<16xf32>,
          tpu.vector_store %arg17[%swap3A_361, %swap3A_362], %mul3A_360 {strides = array<i32>} : memref<128x784xf32, #tpu.memory_space<vmem>>, vector<16xf32>,
          %get3A_364 = arith.constant 176 : index
          %get3A_365 = tpu.vector_load %arg21[%get3A_364] {strides = array<i32>} : memref<784xf32, #tpu.memory_space<vmem>>, vector<16xf32>,
          %bitcast3A_366 = vector.bitcast %get3A_365 : vector<16xf32> to vector<16xi32>
          %gather3A_367 = tpu.vector_load_idx %arg20[%broadcast_in_dim3A_245, %bitcast3A_366] : memref<128x16xf32, #tpu.memory_space<vmem>>[vector<16xi32>, vector<16xi32>], vector<16xf32>,
          %get3A_368 = arith.index_cast %scan3A_243 : i32 to index
          %get3A_369 = arith.constant 176 : index
          %get3A_370 = tpu.vector_load %arg17[%get3A_368, %get3A_369] {strides = array<i32>} : memref<128x784xf32, #tpu.memory_space<vmem>>, vector<16xf32>,
          %mul3A_371 = arith.mulf %get3A_370, %gather3A_367 : vector<16xf32>
          %swap3A_372 = arith.index_cast %scan3A_243 : i32 to index
          %swap3A_373 = arith.constant 176 : index
          %swap3A_374 = tpu.vector_load %arg17[%swap3A_372, %swap3A_373] {strides = array<i32>} : memref<128x784xf32, #tpu.memory_space<vmem>>, vector<16xf32>,
          tpu.vector_store %arg17[%swap3A_372, %swap3A_373], %mul3A_371 {strides = array<i32>} : memref<128x784xf32, #tpu.memory_space<vmem>>, vector<16xf32>,
          %get3A_375 = arith.constant 192 : index
          %get3A_376 = tpu.vector_load %arg21[%get3A_375] {strides = array<i32>} : memref<784xf32, #tpu.memory_space<vmem>>, vector<16xf32>,
          %bitcast3A_377 = vector.bitcast %get3A_376 : vector<16xf32> to vector<16xi32>
          %gather3A_378 = tpu.vector_load_idx %arg20[%broadcast_in_dim3A_245, %bitcast3A_377] : memref<128x16xf32, #tpu.memory_space<vmem>>[vector<16xi32>, vector<16xi32>], vector<16xf32>,
          %get3A_379 = arith.index_cast %scan3A_243 : i32 to index
          %get3A_380 = arith.constant 192 : index
          %get3A_381 = tpu.vector_load %arg17[%get3A_379, %get3A_380] {strides = array<i32>} : memref<128x784xf32, #tpu.memory_space<vmem>>, vector<16xf32>,
          %mul3A_382 = arith.mulf %get3A_381, %gather3A_378 : vector<16xf32>
          %swap3A_383 = arith.index_cast %scan3A_243 : i32 to index
          %swap3A_384 = arith.constant 192 : index
          %swap3A_385 = tpu.vector_load %arg17[%swap3A_383, %swap3A_384] {strides = array<i32>} : memref<128x784xf32, #tpu.memory_space<vmem>>, vector<16xf32>,
          tpu.vector_store %arg17[%swap3A_383, %swap3A_384], %mul3A_382 {strides = array<i32>} : memref<128x784xf32, #tpu.memory_space<vmem>>, vector<16xf32>,
          %get3A_386 = arith.constant 208 : index
          %get3A_387 = tpu.vector_load %arg21[%get3A_386] {strides = array<i32>} : memref<784xf32, #tpu.memory_space<vmem>>, vector<16xf32>,
          %bitcast3A_388 = vector.bitcast %get3A_387 : vector<16xf32> to vector<16xi32>
          %gather3A_389 = tpu.vector_load_idx %arg20[%broadcast_in_dim3A_245, %bitcast3A_388] : memref<128x16xf32, #tpu.memory_space<vmem>>[vector<16xi32>, vector<16xi32>], vector<16xf32>,
          %get3A_390 = arith.index_cast %scan3A_243 : i32 to index
          %get3A_391 = arith.constant 208 : index
          %get3A_392 = tpu.vector_load %arg17[%get3A_390, %get3A_391] {strides = array<i32>} : memref<128x784xf32, #tpu.memory_space<vmem>>, vector<16xf32>,
          %mul3A_393 = arith.mulf %get3A_392, %gather3A_389 : vector<16xf32>
          %swap3A_394 = arith.index_cast %scan3A_243 : i32 to index
          %swap3A_395 = arith.constant 208 : index
          %swap3A_396 = tpu.vector_load %arg17[%swap3A_394, %swap3A_395] {strides = array<i32>} : memref<128x784xf32, #tpu.memory_space<vmem>>, vector<16xf32>,
          tpu.vector_store %arg17[%swap3A_394, %swap3A_395], %mul3A_393 {strides = array<i32>} : memref<128x784xf32, #tpu.memory_space<vmem>>, vector<16xf32>,
          %get3A_397 = arith.constant 224 : index
          %get3A_398 = tpu.vector_load %arg21[%get3A_397] {strides = array<i32>} : memref<784xf32, #tpu.memory_space<vmem>>, vector<16xf32>,
          %bitcast3A_399 = vector.bitcast %get3A_398 : vector<16xf32> to vector<16xi32>
          %gather3A_400 = tpu.vector_load_idx %arg20[%broadcast_in_dim3A_245, %bitcast3A_399] : memref<128x16xf32, #tpu.memory_space<vmem>>[vector<16xi32>, vector<16xi32>], vector<16xf32>,
          %get3A_401 = arith.index_cast %scan3A_243 : i32 to index
          %get3A_402 = arith.constant 224 : index
          %get3A_403 = tpu.vector_load %arg17[%get3A_401, %get3A_402] {strides = array<i32>} : memref<128x784xf32, #tpu.memory_space<vmem>>, vector<16xf32>,
          %mul3A_404 = arith.mulf %get3A_403, %gather3A_400 : vector<16xf32>
          %swap3A_405 = arith.index_cast %scan3A_243 : i32 to index
          %swap3A_406 = arith.constant 224 : index
          %swap3A_407 = tpu.vector_load %arg17[%swap3A_405, %swap3A_406] {strides = array<i32>} : memref<128x784xf32, #tpu.memory_space<vmem>>, vector<16xf32>,
          tpu.vector_store %arg17[%swap3A_405, %swap3A_406], %mul3A_404 {strides = array<i32>} : memref<128x784xf32, #tpu.memory_space<vmem>>, vector<16xf32>,
          %get3A_408 = arith.constant 240 : index
          %get3A_409 = tpu.vector_load %arg21[%get3A_408] {strides = array<i32>} : memref<784xf32, #tpu.memory_space<vmem>>, vector<16xf32>,
          %bitcast3A_410 = vector.bitcast %get3A_409 : vector<16xf32> to vector<16xi32>
          %gather3A_411 = tpu.vector_load_idx %arg20[%broadcast_in_dim3A_245, %bitcast3A_410] : memref<128x16xf32, #tpu.memory_space<vmem>>[vector<16xi32>, vector<16xi32>], vector<16xf32>,
          %get3A_412 = arith.index_cast %scan3A_243 : i32 to index
          %get3A_413 = arith.constant 240 : index
          %get3A_414 = tpu.vector_load %arg17[%get3A_412, %get3A_413] {strides = array<i32>} : memref<128x784xf32, #tpu.memory_space<vmem>>, vector<16xf32>,
          %mul3A_415 = arith.mulf %get3A_414, %gather3A_411 : vector<16xf32>
          %swap3A_416 = arith.index_cast %scan3A_243 : i32 to index
          %swap3A_417 = arith.constant 240 : index
          %swap3A_418 = tpu.vector_load %arg17[%swap3A_416, %swap3A_417] {strides = array<i32>} : memref<128x784xf32, #tpu.memory_space<vmem>>, vector<16xf32>,
          tpu.vector_store %arg17[%swap3A_416, %swap3A_417], %mul3A_415 {strides = array<i32>} : memref<128x784xf32, #tpu.memory_space<vmem>>, vector<16xf32>,
          %get3A_419 = arith.constant 256 : index
          %get3A_420 = tpu.vector_load %arg21[%get3A_419] {strides = array<i32>} : memref<784xf32, #tpu.memory_space<vmem>>, vector<16xf32>,
          %bitcast3A_421 = vector.bitcast %get3A_420 : vector<16xf32> to vector<16xi32>
          %gather3A_422 = tpu.vector_load_idx %arg20[%broadcast_in_dim3A_245, %bitcast3A_421] : memref<128x16xf32, #tpu.memory_space<vmem>>[vector<16xi32>, vector<16xi32>], vector<16xf32>,
          %get3A_423 = arith.index_cast %scan3A_243 : i32 to index
          %get3A_424 = arith.constant 256 : index
          %get3A_425 = tpu.vector_load %arg17[%get3A_423, %get3A_424] {strides = array<i32>} : memref<128x784xf32, #tpu.memory_space<vmem>>, vector<16xf32>,
          %mul3A_426 = arith.mulf %get3A_425, %gather3A_422 : vector<16xf32>
          %swap3A_427 = arith.index_cast %scan3A_243 : i32 to index
          %swap3A_428 = arith.constant 256 : index
          %swap3A_429 = tpu.vector_load %arg17[%swap3A_427, %swap3A_428] {strides = array<i32>} : memref<128x784xf32, #tpu.memory_space<vmem>>, vector<16xf32>,
          tpu.vector_store %arg17[%swap3A_427, %swap3A_428], %mul3A_426 {strides = array<i32>} : memref<128x784xf32, #tpu.memory_space<vmem>>, vector<16xf32>,
          %get3A_430 = arith.constant 272 : index
          %get3A_431 = tpu.vector_load %arg21[%get3A_430] {strides = array<i32>} : memref<784xf32, #tpu.memory_space<vmem>>, vector<16xf32>,
          %bitcast3A_432 = vector.bitcast %get3A_431 : vector<16xf32> to vector<16xi32>
          %gather3A_433 = tpu.vector_load_idx %arg20[%broadcast_in_dim3A_245, %bitcast3A_432] : memref<128x16xf32, #tpu.memory_space<vmem>>[vector<16xi32>, vector<16xi32>], vector<16xf32>,
          %get3A_434 = arith.index_cast %scan3A_243 : i32 to index
          %get3A_435 = arith.constant 272 : index
          %get3A_436 = tpu.vector_load %arg17[%get3A_434, %get3A_435] {strides = array<i32>} : memref<128x784xf32, #tpu.memory_space<vmem>>, vector<16xf32>,
          %mul3A_437 = arith.mulf %get3A_436, %gather3A_433 : vector<16xf32>
          %swap3A_438 = arith.index_cast %scan3A_243 : i32 to index
          %swap3A_439 = arith.constant 272 : index
          %swap3A_440 = tpu.vector_load %arg17[%swap3A_438, %swap3A_439] {strides = array<i32>} : memref<128x784xf32, #tpu.memory_space<vmem>>, vector<16xf32>,
          tpu.vector_store %arg17[%swap3A_438, %swap3A_439], %mul3A_437 {strides = array<i32>} : memref<128x784xf32, #tpu.memory_space<vmem>>, vector<16xf32>,
          %get3A_441 = arith.constant 288 : index
          %get3A_442 = tpu.vector_load %arg21[%get3A_441] {strides = array<i32>} : memref<784xf32, #tpu.memory_space<vmem>>, vector<16xf32>,
          %bitcast3A_443 = vector.bitcast %get3A_442 : vector<16xf32> to vector<16xi32>
          %gather3A_444 = tpu.vector_load_idx %arg20[%broadcast_in_dim3A_245, %bitcast3A_443] : memref<128x16xf32, #tpu.memory_space<vmem>>[vector<16xi32>, vector<16xi32>], vector<16xf32>,
          %get3A_445 = arith.index_cast %scan3A_243 : i32 to index
          %get3A_446 = arith.constant 288 : index
          %get3A_447 = tpu.vector_load %arg17[%get3A_445, %get3A_446] {strides = array<i32>} : memref<128x784xf32, #tpu.memory_space<vmem>>, vector<16xf32>,
          %mul3A_448 = arith.mulf %get3A_447, %gather3A_444 : vector<16xf32>
          %swap3A_449 = arith.index_cast %scan3A_243 : i32 to index
          %swap3A_450 = arith.constant 288 : index
          %swap3A_451 = tpu.vector_load %arg17[%swap3A_449, %swap3A_450] {strides = array<i32>} : memref<128x784xf32, #tpu.memory_space<vmem>>, vector<16xf32>,
          tpu.vector_store %arg17[%swap3A_449, %swap3A_450], %mul3A_448 {strides = array<i32>} : memref<128x784xf32, #tpu.memory_space<vmem>>, vector<16xf32>,
          %get3A_452 = arith.constant 304 : index
          %get3A_453 = tpu.vector_load %arg21[%get3A_452] {strides = array<i32>} : memref<784xf32, #tpu.memory_space<vmem>>, vector<16xf32>,
          %bitcast3A_454 = vector.bitcast %get3A_453 : vector<16xf32> to vector<16xi32>
          %gather3A_455 = tpu.vector_load_idx %arg20[%broadcast_in_dim3A_245, %bitcast3A_454] : memref<128x16xf32, #tpu.memory_space<vmem>>[vector<16xi32>, vector<16xi32>], vector<16xf32>,
          %get3A_456 = arith.index_cast %scan3A_243 : i32 to index
          %get3A_457 = arith.constant 304 : index
          %get3A_458 = tpu.vector_load %arg17[%get3A_456, %get3A_457] {strides = array<i32>} : memref<128x784xf32, #tpu.memory_space<vmem>>, vector<16xf32>,
          %mul3A_459 = arith.mulf %get3A_458, %gather3A_455 : vector<16xf32>
          %swap3A_460 = arith.index_cast %scan3A_243 : i32 to index
          %swap3A_461 = arith.constant 304 : index
          %swap3A_462 = tpu.vector_load %arg17[%swap3A_460, %swap3A_461] {strides = array<i32>} : memref<128x784xf32, #tpu.memory_space<vmem>>, vector<16xf32>,
          tpu.vector_store %arg17[%swap3A_460, %swap3A_461], %mul3A_459 {strides = array<i32>} : memref<128x784xf32, #tpu.memory_space<vmem>>, vector<16xf32>,
          %get3A_463 = arith.constant 320 : index
          %get3A_464 = tpu.vector_load %arg21[%get3A_463] {strides = array<i32>} : memref<784xf32, #tpu.memory_space<vmem>>, vector<16xf32>,
          %bitcast3A_465 = vector.bitcast %get3A_464 : vector<16xf32> to vector<16xi32>
          %gather3A_466 = tpu.vector_load_idx %arg20[%broadcast_in_dim3A_245, %bitcast3A_465] : memref<128x16xf32, #tpu.memory_space<vmem>>[vector<16xi32>, vector<16xi32>], vector<16xf32>,
          %get3A_467 = arith.index_cast %scan3A_243 : i32 to index
          %get3A_468 = arith.constant 320 : index
          %get3A_469 = tpu.vector_load %arg17[%get3A_467, %get3A_468] {strides = array<i32>} : memref<128x784xf32, #tpu.memory_space<vmem>>, vector<16xf32>,
          %mul3A_470 = arith.mulf %get3A_469, %gather3A_466 : vector<16xf32>
          %swap3A_471 = arith.index_cast %scan3A_243 : i32 to index
          %swap3A_472 = arith.constant 320 : index
          %swap3A_473 = tpu.vector_load %arg17[%swap3A_471, %swap3A_472] {strides = array<i32>} : memref<128x784xf32, #tpu.memory_space<vmem>>, vector<16xf32>,
          tpu.vector_store %arg17[%swap3A_471, %swap3A_472], %mul3A_470 {strides = array<i32>} : memref<128x784xf32, #tpu.memory_space<vmem>>, vector<16xf32>,
          %get3A_474 = arith.constant 336 : index
          %get3A_475 = tpu.vector_load %arg21[%get3A_474] {strides = array<i32>} : memref<784xf32, #tpu.memory_space<vmem>>, vector<16xf32>,
          %bitcast3A_476 = vector.bitcast %get3A_475 : vector<16xf32> to vector<16xi32>
          %gather3A_477 = tpu.vector_load_idx %arg20[%broadcast_in_dim3A_245, %bitcast3A_476] : memref<128x16xf32, #tpu.memory_space<vmem>>[vector<16xi32>, vector<16xi32>], vector<16xf32>,
          %get3A_478 = arith.index_cast %scan3A_243 : i32 to index
          %get3A_479 = arith.constant 336 : index
          %get3A_480 = tpu.vector_load %arg17[%get3A_478, %get3A_479] {strides = array<i32>} : memref<128x784xf32, #tpu.memory_space<vmem>>, vector<16xf32>,
          %mul3A_481 = arith.mulf %get3A_480, %gather3A_477 : vector<16xf32>
          %swap3A_482 = arith.index_cast %scan3A_243 : i32 to index
          %swap3A_483 = arith.constant 336 : index
          %swap3A_484 = tpu.vector_load %arg17[%swap3A_482, %swap3A_483] {strides = array<i32>} : memref<128x784xf32, #tpu.memory_space<vmem>>, vector<16xf32>,
          tpu.vector_store %arg17[%swap3A_482, %swap3A_483], %mul3A_481 {strides = array<i32>} : memref<128x784xf32, #tpu.memory_space<vmem>>, vector<16xf32>,
          %get3A_485 = arith.constant 352 : index
          %get3A_486 = tpu.vector_load %arg21[%get3A_485] {strides = array<i32>} : memref<784xf32, #tpu.memory_space<vmem>>, vector<16xf32>,
          %bitcast3A_487 = vector.bitcast %get3A_486 : vector<16xf32> to vector<16xi32>
          %gather3A_488 = tpu.vector_load_idx %arg20[%broadcast_in_dim3A_245, %bitcast3A_487] : memref<128x16xf32, #tpu.memory_space<vmem>>[vector<16xi32>, vector<16xi32>], vector<16xf32>,
          %get3A_489 = arith.index_cast %scan3A_243 : i32 to index
          %get3A_490 = arith.constant 352 : index
          %get3A_491 = tpu.vector_load %arg17[%get3A_489, %get3A_490] {strides = array<i32>} : memref<128x784xf32, #tpu.memory_space<vmem>>, vector<16xf32>,
          %mul3A_492 = arith.mulf %get3A_491, %gather3A_488 : vector<16xf32>
          %swap3A_493 = arith.index_cast %scan3A_243 : i32 to index
          %swap3A_494 = arith.constant 352 : index
          %swap3A_495 = tpu.vector_load %arg17[%swap3A_493, %swap3A_494] {strides = array<i32>} : memref<128x784xf32, #tpu.memory_space<vmem>>, vector<16xf32>,
          tpu.vector_store %arg17[%swap3A_493, %swap3A_494], %mul3A_492 {strides = array<i32>} : memref<128x784xf32, #tpu.memory_space<vmem>>, vector<16xf32>,
          %get3A_496 = arith.constant 368 : index
          %get3A_497 = tpu.vector_load %arg21[%get3A_496] {strides = array<i32>} : memref<784xf32, #tpu.memory_space<vmem>>, vector<16xf32>,
          %bitcast3A_498 = vector.bitcast %get3A_497 : vector<16xf32> to vector<16xi32>
          %gather3A_499 = tpu.vector_load_idx %arg20[%broadcast_in_dim3A_245, %bitcast3A_498] : memref<128x16xf32, #tpu.memory_space<vmem>>[vector<16xi32>, vector<16xi32>], vector<16xf32>,
          %get3A_500 = arith.index_cast %scan3A_243 : i32 to index
          %get3A_501 = arith.constant 368 : index
          %get3A_502 = tpu.vector_load %arg17[%get3A_500, %get3A_501] {strides = array<i32>} : memref<128x784xf32, #tpu.memory_space<vmem>>, vector<16xf32>,
          %mul3A_503 = arith.mulf %get3A_502, %gather3A_499 : vector<16xf32>
          %swap3A_504 = arith.index_cast %scan3A_243 : i32 to index
          %swap3A_505 = arith.constant 368 : index
          %swap3A_506 = tpu.vector_load %arg17[%swap3A_504, %swap3A_505] {strides = array<i32>} : memref<128x784xf32, #tpu.memory_space<vmem>>, vector<16xf32>,
          tpu.vector_store %arg17[%swap3A_504, %swap3A_505], %mul3A_503 {strides = array<i32>} : memref<128x784xf32, #tpu.memory_space<vmem>>, vector<16xf32>,
          %get3A_507 = arith.constant 384 : index
          %get3A_508 = tpu.vector_load %arg21[%get3A_507] {strides = array<i32>} : memref<784xf32, #tpu.memory_space<vmem>>, vector<16xf32>,
          %bitcast3A_509 = vector.bitcast %get3A_508 : vector<16xf32> to vector<16xi32>
          %gather3A_510 = tpu.vector_load_idx %arg20[%broadcast_in_dim3A_245, %bitcast3A_509] : memref<128x16xf32, #tpu.memory_space<vmem>>[vector<16xi32>, vector<16xi32>], vector<16xf32>,
          %get3A_511 = arith.index_cast %scan3A_243 : i32 to index
          %get3A_512 = arith.constant 384 : index
          %get3A_513 = tpu.vector_load %arg17[%get3A_511, %get3A_512] {strides = array<i32>} : memref<128x784xf32, #tpu.memory_space<vmem>>, vector<16xf32>,
          %mul3A_514 = arith.mulf %get3A_513, %gather3A_510 : vector<16xf32>
          %swap3A_515 = arith.index_cast %scan3A_243 : i32 to index
          %swap3A_516 = arith.constant 384 : index
          %swap3A_517 = tpu.vector_load %arg17[%swap3A_515, %swap3A_516] {strides = array<i32>} : memref<128x784xf32, #tpu.memory_space<vmem>>, vector<16xf32>,
          tpu.vector_store %arg17[%swap3A_515, %swap3A_516], %mul3A_514 {strides = array<i32>} : memref<128x784xf32, #tpu.memory_space<vmem>>, vector<16xf32>,
          %get3A_518 = arith.constant 400 : index
          %get3A_519 = tpu.vector_load %arg21[%get3A_518] {strides = array<i32>} : memref<784xf32, #tpu.memory_space<vmem>>, vector<16xf32>,
          %bitcast3A_520 = vector.bitcast %get3A_519 : vector<16xf32> to vector<16xi32>
          %gather3A_521 = tpu.vector_load_idx %arg20[%broadcast_in_dim3A_245, %bitcast3A_520] : memref<128x16xf32, #tpu.memory_space<vmem>>[vector<16xi32>, vector<16xi32>], vector<16xf32>,
          %get3A_522 = arith.index_cast %scan3A_243 : i32 to index
          %get3A_523 = arith.constant 400 : index
          %get3A_524 = tpu.vector_load %arg17[%get3A_522, %get3A_523] {strides = array<i32>} : memref<128x784xf32, #tpu.memory_space<vmem>>, vector<16xf32>,
          %mul3A_525 = arith.mulf %get3A_524, %gather3A_521 : vector<16xf32>
          %swap3A_526 = arith.index_cast %scan3A_243 : i32 to index
          %swap3A_527 = arith.constant 400 : index
          %swap3A_528 = tpu.vector_load %arg17[%swap3A_526, %swap3A_527] {strides = array<i32>} : memref<128x784xf32, #tpu.memory_space<vmem>>, vector<16xf32>,
          tpu.vector_store %arg17[%swap3A_526, %swap3A_527], %mul3A_525 {strides = array<i32>} : memref<128x784xf32, #tpu.memory_space<vmem>>, vector<16xf32>,
          %get3A_529 = arith.constant 416 : index
          %get3A_530 = tpu.vector_load %arg21[%get3A_529] {strides = array<i32>} : memref<784xf32, #tpu.memory_space<vmem>>, vector<16xf32>,
          %bitcast3A_531 = vector.bitcast %get3A_530 : vector<16xf32> to vector<16xi32>
          %gather3A_532 = tpu.vector_load_idx %arg20[%broadcast_in_dim3A_245, %bitcast3A_531] : memref<128x16xf32, #tpu.memory_space<vmem>>[vector<16xi32>, vector<16xi32>], vector<16xf32>,
          %get3A_533 = arith.index_cast %scan3A_243 : i32 to index
          %get3A_534 = arith.constant 416 : index
          %get3A_535 = tpu.vector_load %arg17[%get3A_533, %get3A_534] {strides = array<i32>} : memref<128x784xf32, #tpu.memory_space<vmem>>, vector<16xf32>,
          %mul3A_536 = arith.mulf %get3A_535, %gather3A_532 : vector<16xf32>
          %swap3A_537 = arith.index_cast %scan3A_243 : i32 to index
          %swap3A_538 = arith.constant 416 : index
          %swap3A_539 = tpu.vector_load %arg17[%swap3A_537, %swap3A_538] {strides = array<i32>} : memref<128x784xf32, #tpu.memory_space<vmem>>, vector<16xf32>,
          tpu.vector_store %arg17[%swap3A_537, %swap3A_538], %mul3A_536 {strides = array<i32>} : memref<128x784xf32, #tpu.memory_space<vmem>>, vector<16xf32>,
          %get3A_540 = arith.constant 432 : index
          %get3A_541 = tpu.vector_load %arg21[%get3A_540] {strides = array<i32>} : memref<784xf32, #tpu.memory_space<vmem>>, vector<16xf32>,
          %bitcast3A_542 = vector.bitcast %get3A_541 : vector<16xf32> to vector<16xi32>
          %gather3A_543 = tpu.vector_load_idx %arg20[%broadcast_in_dim3A_245, %bitcast3A_542] : memref<128x16xf32, #tpu.memory_space<vmem>>[vector<16xi32>, vector<16xi32>], vector<16xf32>,
          %get3A_544 = arith.index_cast %scan3A_243 : i32 to index
          %get3A_545 = arith.constant 432 : index
          %get3A_546 = tpu.vector_load %arg17[%get3A_544, %get3A_545] {strides = array<i32>} : memref<128x784xf32, #tpu.memory_space<vmem>>, vector<16xf32>,
          %mul3A_547 = arith.mulf %get3A_546, %gather3A_543 : vector<16xf32>
          %swap3A_548 = arith.index_cast %scan3A_243 : i32 to index
          %swap3A_549 = arith.constant 432 : index
          %swap3A_550 = tpu.vector_load %arg17[%swap3A_548, %swap3A_549] {strides = array<i32>} : memref<128x784xf32, #tpu.memory_space<vmem>>, vector<16xf32>,
          tpu.vector_store %arg17[%swap3A_548, %swap3A_549], %mul3A_547 {strides = array<i32>} : memref<128x784xf32, #tpu.memory_space<vmem>>, vector<16xf32>,
          %get3A_551 = arith.constant 448 : index
          %get3A_552 = tpu.vector_load %arg21[%get3A_551] {strides = array<i32>} : memref<784xf32, #tpu.memory_space<vmem>>, vector<16xf32>,
          %bitcast3A_553 = vector.bitcast %get3A_552 : vector<16xf32> to vector<16xi32>
          %gather3A_554 = tpu.vector_load_idx %arg20[%broadcast_in_dim3A_245, %bitcast3A_553] : memref<128x16xf32, #tpu.memory_space<vmem>>[vector<16xi32>, vector<16xi32>], vector<16xf32>,
          %get3A_555 = arith.index_cast %scan3A_243 : i32 to index
          %get3A_556 = arith.constant 448 : index
          %get3A_557 = tpu.vector_load %arg17[%get3A_555, %get3A_556] {strides = array<i32>} : memref<128x784xf32, #tpu.memory_space<vmem>>, vector<16xf32>,
          %mul3A_558 = arith.mulf %get3A_557, %gather3A_554 : vector<16xf32>
          %swap3A_559 = arith.index_cast %scan3A_243 : i32 to index
          %swap3A_560 = arith.constant 448 : index
          %swap3A_561 = tpu.vector_load %arg17[%swap3A_559, %swap3A_560] {strides = array<i32>} : memref<128x784xf32, #tpu.memory_space<vmem>>, vector<16xf32>,
          tpu.vector_store %arg17[%swap3A_559, %swap3A_560], %mul3A_558 {strides = array<i32>} : memref<128x784xf32, #tpu.memory_space<vmem>>, vector<16xf32>,
          %get3A_562 = arith.constant 464 : index
          %get3A_563 = tpu.vector_load %arg21[%get3A_562] {strides = array<i32>} : memref<784xf32, #tpu.memory_space<vmem>>, vector<16xf32>,
          %bitcast3A_564 = vector.bitcast %get3A_563 : vector<16xf32> to vector<16xi32>
          %gather3A_565 = tpu.vector_load_idx %arg20[%broadcast_in_dim3A_245, %bitcast3A_564] : memref<128x16xf32, #tpu.memory_space<vmem>>[vector<16xi32>, vector<16xi32>], vector<16xf32>,
          %get3A_566 = arith.index_cast %scan3A_243 : i32 to index
          %get3A_567 = arith.constant 464 : index
          %get3A_568 = tpu.vector_load %arg17[%get3A_566, %get3A_567] {strides = array<i32>} : memref<128x784xf32, #tpu.memory_space<vmem>>, vector<16xf32>,
          %mul3A_569 = arith.mulf %get3A_568, %gather3A_565 : vector<16xf32>
          %swap3A_570 = arith.index_cast %scan3A_243 : i32 to index
          %swap3A_571 = arith.constant 464 : index
          %swap3A_572 = tpu.vector_load %arg17[%swap3A_570, %swap3A_571] {strides = array<i32>} : memref<128x784xf32, #tpu.memory_space<vmem>>, vector<16xf32>,
          tpu.vector_store %arg17[%swap3A_570, %swap3A_571], %mul3A_569 {strides = array<i32>} : memref<128x784xf32, #tpu.memory_space<vmem>>, vector<16xf32>,
          %get3A_573 = arith.constant 480 : index
          %get3A_574 = tpu.vector_load %arg21[%get3A_573] {strides = array<i32>} : memref<784xf32, #tpu.memory_space<vmem>>, vector<16xf32>,
          %bitcast3A_575 = vector.bitcast %get3A_574 : vector<16xf32> to vector<16xi32>
          %gather3A_576 = tpu.vector_load_idx %arg20[%broadcast_in_dim3A_245, %bitcast3A_575] : memref<128x16xf32, #tpu.memory_space<vmem>>[vector<16xi32>, vector<16xi32>], vector<16xf32>,
          %get3A_577 = arith.index_cast %scan3A_243 : i32 to index
          %get3A_578 = arith.constant 480 : index
          %get3A_579 = tpu.vector_load %arg17[%get3A_577, %get3A_578] {strides = array<i32>} : memref<128x784xf32, #tpu.memory_space<vmem>>, vector<16xf32>,
          %mul3A_580 = arith.mulf %get3A_579, %gather3A_576 : vector<16xf32>
          %swap3A_581 = arith.index_cast %scan3A_243 : i32 to index
          %swap3A_582 = arith.constant 480 : index
          %swap3A_583 = tpu.vector_load %arg17[%swap3A_581, %swap3A_582] {strides = array<i32>} : memref<128x784xf32, #tpu.memory_space<vmem>>, vector<16xf32>,
          tpu.vector_store %arg17[%swap3A_581, %swap3A_582], %mul3A_580 {strides = array<i32>} : memref<128x784xf32, #tpu.memory_space<vmem>>, vector<16xf32>,
          %get3A_584 = arith.constant 496 : index
          %get3A_585 = tpu.vector_load %arg21[%get3A_584] {strides = array<i32>} : memref<784xf32, #tpu.memory_space<vmem>>, vector<16xf32>,
          %bitcast3A_586 = vector.bitcast %get3A_585 : vector<16xf32> to vector<16xi32>
          %gather3A_587 = tpu.vector_load_idx %arg20[%broadcast_in_dim3A_245, %bitcast3A_586] : memref<128x16xf32, #tpu.memory_space<vmem>>[vector<16xi32>, vector<16xi32>], vector<16xf32>,
          %get3A_588 = arith.index_cast %scan3A_243 : i32 to index
          %get3A_589 = arith.constant 496 : index
          %get3A_590 = tpu.vector_load %arg17[%get3A_588, %get3A_589] {strides = array<i32>} : memref<128x784xf32, #tpu.memory_space<vmem>>, vector<16xf32>,
          %mul3A_591 = arith.mulf %get3A_590, %gather3A_587 : vector<16xf32>
          %swap3A_592 = arith.index_cast %scan3A_243 : i32 to index
          %swap3A_593 = arith.constant 496 : index
          %swap3A_594 = tpu.vector_load %arg17[%swap3A_592, %swap3A_593] {strides = array<i32>} : memref<128x784xf32, #tpu.memory_space<vmem>>, vector<16xf32>,
          tpu.vector_store %arg17[%swap3A_592, %swap3A_593], %mul3A_591 {strides = array<i32>} : memref<128x784xf32, #tpu.memory_space<vmem>>, vector<16xf32>,
          %get3A_595 = arith.constant 512 : index
          %get3A_596 = tpu.vector_load %arg21[%get3A_595] {strides = array<i32>} : memref<784xf32, #tpu.memory_space<vmem>>, vector<16xf32>,
          %bitcast3A_597 = vector.bitcast %get3A_596 : vector<16xf32> to vector<16xi32>
          %gather3A_598 = tpu.vector_load_idx %arg20[%broadcast_in_dim3A_245, %bitcast3A_597] : memref<128x16xf32, #tpu.memory_space<vmem>>[vector<16xi32>, vector<16xi32>], vector<16xf32>,
          %get3A_599 = arith.index_cast %scan3A_243 : i32 to index
          %get3A_600 = arith.constant 512 : index
          %get3A_601 = tpu.vector_load %arg17[%get3A_599, %get3A_600] {strides = array<i32>} : memref<128x784xf32, #tpu.memory_space<vmem>>, vector<16xf32>,
          %mul3A_602 = arith.mulf %get3A_601, %gather3A_598 : vector<16xf32>
          %swap3A_603 = arith.index_cast %scan3A_243 : i32 to index
          %swap3A_604 = arith.constant 512 : index
          %swap3A_605 = tpu.vector_load %arg17[%swap3A_603, %swap3A_604] {strides = array<i32>} : memref<128x784xf32, #tpu.memory_space<vmem>>, vector<16xf32>,
          tpu.vector_store %arg17[%swap3A_603, %swap3A_604], %mul3A_602 {strides = array<i32>} : memref<128x784xf32, #tpu.memory_space<vmem>>, vector<16xf32>,
          %get3A_606 = arith.constant 528 : index
          %get3A_607 = tpu.vector_load %arg21[%get3A_606] {strides = array<i32>} : memref<784xf32, #tpu.memory_space<vmem>>, vector<16xf32>,
          %bitcast3A_608 = vector.bitcast %get3A_607 : vector<16xf32> to vector<16xi32>
          %gather3A_609 = tpu.vector_load_idx %arg20[%broadcast_in_dim3A_245, %bitcast3A_608] : memref<128x16xf32, #tpu.memory_space<vmem>>[vector<16xi32>, vector<16xi32>], vector<16xf32>,
          %get3A_610 = arith.index_cast %scan3A_243 : i32 to index
          %get3A_611 = arith.constant 528 : index
          %get3A_612 = tpu.vector_load %arg17[%get3A_610, %get3A_611] {strides = array<i32>} : memref<128x784xf32, #tpu.memory_space<vmem>>, vector<16xf32>,
          %mul3A_613 = arith.mulf %get3A_612, %gather3A_609 : vector<16xf32>
          %swap3A_614 = arith.index_cast %scan3A_243 : i32 to index
          %swap3A_615 = arith.constant 528 : index
          %swap3A_616 = tpu.vector_load %arg17[%swap3A_614, %swap3A_615] {strides = array<i32>} : memref<128x784xf32, #tpu.memory_space<vmem>>, vector<16xf32>,
          tpu.vector_store %arg17[%swap3A_614, %swap3A_615], %mul3A_613 {strides = array<i32>} : memref<128x784xf32, #tpu.memory_space<vmem>>, vector<16xf32>,
          %get3A_617 = arith.constant 544 : index
          %get3A_618 = tpu.vector_load %arg21[%get3A_617] {strides = array<i32>} : memref<784xf32, #tpu.memory_space<vmem>>, vector<16xf32>,
          %bitcast3A_619 = vector.bitcast %get3A_618 : vector<16xf32> to vector<16xi32>
          %gather3A_620 = tpu.vector_load_idx %arg20[%broadcast_in_dim3A_245, %bitcast3A_619] : memref<128x16xf32, #tpu.memory_space<vmem>>[vector<16xi32>, vector<16xi32>], vector<16xf32>,
          %get3A_621 = arith.index_cast %scan3A_243 : i32 to index
          %get3A_622 = arith.constant 544 : index
          %get3A_623 = tpu.vector_load %arg17[%get3A_621, %get3A_622] {strides = array<i32>} : memref<128x784xf32, #tpu.memory_space<vmem>>, vector<16xf32>,
          %mul3A_624 = arith.mulf %get3A_623, %gather3A_620 : vector<16xf32>
          %swap3A_625 = arith.index_cast %scan3A_243 : i32 to index
          %swap3A_626 = arith.constant 544 : index
          %swap3A_627 = tpu.vector_load %arg17[%swap3A_625, %swap3A_626] {strides = array<i32>} : memref<128x784xf32, #tpu.memory_space<vmem>>, vector<16xf32>,
          tpu.vector_store %arg17[%swap3A_625, %swap3A_626], %mul3A_624 {strides = array<i32>} : memref<128x784xf32, #tpu.memory_space<vmem>>, vector<16xf32>,
          %get3A_628 = arith.constant 560 : index
          %get3A_629 = tpu.vector_load %arg21[%get3A_628] {strides = array<i32>} : memref<784xf32, #tpu.memory_space<vmem>>, vector<16xf32>,
          %bitcast3A_630 = vector.bitcast %get3A_629 : vector<16xf32> to vector<16xi32>
          %gather3A_631 = tpu.vector_load_idx %arg20[%broadcast_in_dim3A_245, %bitcast3A_630] : memref<128x16xf32, #tpu.memory_space<vmem>>[vector<16xi32>, vector<16xi32>], vector<16xf32>,
          %get3A_632 = arith.index_cast %scan3A_243 : i32 to index
          %get3A_633 = arith.constant 560 : index
          %get3A_634 = tpu.vector_load %arg17[%get3A_632, %get3A_633] {strides = array<i32>} : memref<128x784xf32, #tpu.memory_space<vmem>>, vector<16xf32>,
          %mul3A_635 = arith.mulf %get3A_634, %gather3A_631 : vector<16xf32>
          %swap3A_636 = arith.index_cast %scan3A_243 : i32 to index
          %swap3A_637 = arith.constant 560 : index
          %swap3A_638 = tpu.vector_load %arg17[%swap3A_636, %swap3A_637] {strides = array<i32>} : memref<128x784xf32, #tpu.memory_space<vmem>>, vector<16xf32>,
          tpu.vector_store %arg17[%swap3A_636, %swap3A_637], %mul3A_635 {strides = array<i32>} : memref<128x784xf32, #tpu.memory_space<vmem>>, vector<16xf32>,
          %get3A_639 = arith.constant 576 : index
          %get3A_640 = tpu.vector_load %arg21[%get3A_639] {strides = array<i32>} : memref<784xf32, #tpu.memory_space<vmem>>, vector<16xf32>,
          %bitcast3A_641 = vector.bitcast %get3A_640 : vector<16xf32> to vector<16xi32>
          %gather3A_642 = tpu.vector_load_idx %arg20[%broadcast_in_dim3A_245, %bitcast3A_641] : memref<128x16xf32, #tpu.memory_space<vmem>>[vector<16xi32>, vector<16xi32>], vector<16xf32>,
          %get3A_643 = arith.index_cast %scan3A_243 : i32 to index
          %get3A_644 = arith.constant 576 : index
          %get3A_645 = tpu.vector_load %arg17[%get3A_643, %get3A_644] {strides = array<i32>} : memref<128x784xf32, #tpu.memory_space<vmem>>, vector<16xf32>,
          %mul3A_646 = arith.mulf %get3A_645, %gather3A_642 : vector<16xf32>
          %swap3A_647 = arith.index_cast %scan3A_243 : i32 to index
          %swap3A_648 = arith.constant 576 : index
          %swap3A_649 = tpu.vector_load %arg17[%swap3A_647, %swap3A_648] {strides = array<i32>} : memref<128x784xf32, #tpu.memory_space<vmem>>, vector<16xf32>,
          tpu.vector_store %arg17[%swap3A_647, %swap3A_648], %mul3A_646 {strides = array<i32>} : memref<128x784xf32, #tpu.memory_space<vmem>>, vector<16xf32>,
          %get3A_650 = arith.constant 592 : index
          %get3A_651 = tpu.vector_load %arg21[%get3A_650] {strides = array<i32>} : memref<784xf32, #tpu.memory_space<vmem>>, vector<16xf32>,
          %bitcast3A_652 = vector.bitcast %get3A_651 : vector<16xf32> to vector<16xi32>
          %gather3A_653 = tpu.vector_load_idx %arg20[%broadcast_in_dim3A_245, %bitcast3A_652] : memref<128x16xf32, #tpu.memory_space<vmem>>[vector<16xi32>, vector<16xi32>], vector<16xf32>,
          %get3A_654 = arith.index_cast %scan3A_243 : i32 to index
          %get3A_655 = arith.constant 592 : index
          %get3A_656 = tpu.vector_load %arg17[%get3A_654, %get3A_655] {strides = array<i32>} : memref<128x784xf32, #tpu.memory_space<vmem>>, vector<16xf32>,
          %mul3A_657 = arith.mulf %get3A_656, %gather3A_653 : vector<16xf32>
          %swap3A_658 = arith.index_cast %scan3A_243 : i32 to index
          %swap3A_659 = arith.constant 592 : index
          %swap3A_660 = tpu.vector_load %arg17[%swap3A_658, %swap3A_659] {strides = array<i32>} : memref<128x784xf32, #tpu.memory_space<vmem>>, vector<16xf32>,
          tpu.vector_store %arg17[%swap3A_658, %swap3A_659], %mul3A_657 {strides = array<i32>} : memref<128x784xf32, #tpu.memory_space<vmem>>, vector<16xf32>,
          %get3A_661 = arith.constant 608 : index
          %get3A_662 = tpu.vector_load %arg21[%get3A_661] {strides = array<i32>} : memref<784xf32, #tpu.memory_space<vmem>>, vector<16xf32>,
          %bitcast3A_663 = vector.bitcast %get3A_662 : vector<16xf32> to vector<16xi32>
          %gather3A_664 = tpu.vector_load_idx %arg20[%broadcast_in_dim3A_245, %bitcast3A_663] : memref<128x16xf32, #tpu.memory_space<vmem>>[vector<16xi32>, vector<16xi32>], vector<16xf32>,
          %get3A_665 = arith.index_cast %scan3A_243 : i32 to index
          %get3A_666 = arith.constant 608 : index
          %get3A_667 = tpu.vector_load %arg17[%get3A_665, %get3A_666] {strides = array<i32>} : memref<128x784xf32, #tpu.memory_space<vmem>>, vector<16xf32>,
          %mul3A_668 = arith.mulf %get3A_667, %gather3A_664 : vector<16xf32>
          %swap3A_669 = arith.index_cast %scan3A_243 : i32 to index
          %swap3A_670 = arith.constant 608 : index
          %swap3A_671 = tpu.vector_load %arg17[%swap3A_669, %swap3A_670] {strides = array<i32>} : memref<128x784xf32, #tpu.memory_space<vmem>>, vector<16xf32>,
          tpu.vector_store %arg17[%swap3A_669, %swap3A_670], %mul3A_668 {strides = array<i32>} : memref<128x784xf32, #tpu.memory_space<vmem>>, vector<16xf32>,
          %get3A_672 = arith.constant 624 : index
          %get3A_673 = tpu.vector_load %arg21[%get3A_672] {strides = array<i32>} : memref<784xf32, #tpu.memory_space<vmem>>, vector<16xf32>,
          %bitcast3A_674 = vector.bitcast %get3A_673 : vector<16xf32> to vector<16xi32>
          %gather3A_675 = tpu.vector_load_idx %arg20[%broadcast_in_dim3A_245, %bitcast3A_674] : memref<128x16xf32, #tpu.memory_space<vmem>>[vector<16xi32>, vector<16xi32>], vector<16xf32>,
          %get3A_676 = arith.index_cast %scan3A_243 : i32 to index
          %get3A_677 = arith.constant 624 : index
          %get3A_678 = tpu.vector_load %arg17[%get3A_676, %get3A_677] {strides = array<i32>} : memref<128x784xf32, #tpu.memory_space<vmem>>, vector<16xf32>,
          %mul3A_679 = arith.mulf %get3A_678, %gather3A_675 : vector<16xf32>
          %swap3A_680 = arith.index_cast %scan3A_243 : i32 to index
          %swap3A_681 = arith.constant 624 : index
          %swap3A_682 = tpu.vector_load %arg17[%swap3A_680, %swap3A_681] {strides = array<i32>} : memref<128x784xf32, #tpu.memory_space<vmem>>, vector<16xf32>,
          tpu.vector_store %arg17[%swap3A_680, %swap3A_681], %mul3A_679 {strides = array<i32>} : memref<128x784xf32, #tpu.memory_space<vmem>>, vector<16xf32>,
          %get3A_683 = arith.constant 640 : index
          %get3A_684 = tpu.vector_load %arg21[%get3A_683] {strides = array<i32>} : memref<784xf32, #tpu.memory_space<vmem>>, vector<16xf32>,
          %bitcast3A_685 = vector.bitcast %get3A_684 : vector<16xf32> to vector<16xi32>
          %gather3A_686 = tpu.vector_load_idx %arg20[%broadcast_in_dim3A_245, %bitcast3A_685] : memref<128x16xf32, #tpu.memory_space<vmem>>[vector<16xi32>, vector<16xi32>], vector<16xf32>,
          %get3A_687 = arith.index_cast %scan3A_243 : i32 to index
          %get3A_688 = arith.constant 640 : index
          %get3A_689 = tpu.vector_load %arg17[%get3A_687, %get3A_688] {strides = array<i32>} : memref<128x784xf32, #tpu.memory_space<vmem>>, vector<16xf32>,
          %mul3A_690 = arith.mulf %get3A_689, %gather3A_686 : vector<16xf32>
          %swap3A_691 = arith.index_cast %scan3A_243 : i32 to index
          %swap3A_692 = arith.constant 640 : index
          %swap3A_693 = tpu.vector_load %arg17[%swap3A_691, %swap3A_692] {strides = array<i32>} : memref<128x784xf32, #tpu.memory_space<vmem>>, vector<16xf32>,
          tpu.vector_store %arg17[%swap3A_691, %swap3A_692], %mul3A_690 {strides = array<i32>} : memref<128x784xf32, #tpu.memory_space<vmem>>, vector<16xf32>,
          %get3A_694 = arith.constant 656 : index
          %get3A_695 = tpu.vector_load %arg21[%get3A_694] {strides = array<i32>} : memref<784xf32, #tpu.memory_space<vmem>>, vector<16xf32>,
          %bitcast3A_696 = vector.bitcast %get3A_695 : vector<16xf32> to vector<16xi32>
          %gather3A_697 = tpu.vector_load_idx %arg20[%broadcast_in_dim3A_245, %bitcast3A_696] : memref<128x16xf32, #tpu.memory_space<vmem>>[vector<16xi32>, vector<16xi32>], vector<16xf32>,
          %get3A_698 = arith.index_cast %scan3A_243 : i32 to index
          %get3A_699 = arith.constant 656 : index
          %get3A_700 = tpu.vector_load %arg17[%get3A_698, %get3A_699] {strides = array<i32>} : memref<128x784xf32, #tpu.memory_space<vmem>>, vector<16xf32>,
          %mul3A_701 = arith.mulf %get3A_700, %gather3A_697 : vector<16xf32>
          %swap3A_702 = arith.index_cast %scan3A_243 : i32 to index
          %swap3A_703 = arith.constant 656 : index
          %swap3A_704 = tpu.vector_load %arg17[%swap3A_702, %swap3A_703] {strides = array<i32>} : memref<128x784xf32, #tpu.memory_space<vmem>>, vector<16xf32>,
          tpu.vector_store %arg17[%swap3A_702, %swap3A_703], %mul3A_701 {strides = array<i32>} : memref<128x784xf32, #tpu.memory_space<vmem>>, vector<16xf32>,
          %get3A_705 = arith.constant 672 : index
          %get3A_706 = tpu.vector_load %arg21[%get3A_705] {strides = array<i32>} : memref<784xf32, #tpu.memory_space<vmem>>, vector<16xf32>,
          %bitcast3A_707 = vector.bitcast %get3A_706 : vector<16xf32> to vector<16xi32>
          %gather3A_708 = tpu.vector_load_idx %arg20[%broadcast_in_dim3A_245, %bitcast3A_707] : memref<128x16xf32, #tpu.memory_space<vmem>>[vector<16xi32>, vector<16xi32>], vector<16xf32>,
          %get3A_709 = arith.index_cast %scan3A_243 : i32 to index
          %get3A_710 = arith.constant 672 : index
          %get3A_711 = tpu.vector_load %arg17[%get3A_709, %get3A_710] {strides = array<i32>} : memref<128x784xf32, #tpu.memory_space<vmem>>, vector<16xf32>,
          %mul3A_712 = arith.mulf %get3A_711, %gather3A_708 : vector<16xf32>
          %swap3A_713 = arith.index_cast %scan3A_243 : i32 to index
          %swap3A_714 = arith.constant 672 : index
          %swap3A_715 = tpu.vector_load %arg17[%swap3A_713, %swap3A_714] {strides = array<i32>} : memref<128x784xf32, #tpu.memory_space<vmem>>, vector<16xf32>,
          tpu.vector_store %arg17[%swap3A_713, %swap3A_714], %mul3A_712 {strides = array<i32>} : memref<128x784xf32, #tpu.memory_space<vmem>>, vector<16xf32>,
          %get3A_716 = arith.constant 688 : index
          %get3A_717 = tpu.vector_load %arg21[%get3A_716] {strides = array<i32>} : memref<784xf32, #tpu.memory_space<vmem>>, vector<16xf32>,
          %bitcast3A_718 = vector.bitcast %get3A_717 : vector<16xf32> to vector<16xi32>
          %gather3A_719 = tpu.vector_load_idx %arg20[%broadcast_in_dim3A_245, %bitcast3A_718] : memref<128x16xf32, #tpu.memory_space<vmem>>[vector<16xi32>, vector<16xi32>], vector<16xf32>,
          %get3A_720 = arith.index_cast %scan3A_243 : i32 to index
          %get3A_721 = arith.constant 688 : index
          %get3A_722 = tpu.vector_load %arg17[%get3A_720, %get3A_721] {strides = array<i32>} : memref<128x784xf32, #tpu.memory_space<vmem>>, vector<16xf32>,
          %mul3A_723 = arith.mulf %get3A_722, %gather3A_719 : vector<16xf32>
          %swap3A_724 = arith.index_cast %scan3A_243 : i32 to index
          %swap3A_725 = arith.constant 688 : index
          %swap3A_726 = tpu.vector_load %arg17[%swap3A_724, %swap3A_725] {strides = array<i32>} : memref<128x784xf32, #tpu.memory_space<vmem>>, vector<16xf32>,
          tpu.vector_store %arg17[%swap3A_724, %swap3A_725], %mul3A_723 {strides = array<i32>} : memref<128x784xf32, #tpu.memory_space<vmem>>, vector<16xf32>,
          %get3A_727 = arith.constant 704 : index
          %get3A_728 = tpu.vector_load %arg21[%get3A_727] {strides = array<i32>} : memref<784xf32, #tpu.memory_space<vmem>>, vector<16xf32>,
          %bitcast3A_729 = vector.bitcast %get3A_728 : vector<16xf32> to vector<16xi32>
          %gather3A_730 = tpu.vector_load_idx %arg20[%broadcast_in_dim3A_245, %bitcast3A_729] : memref<128x16xf32, #tpu.memory_space<vmem>>[vector<16xi32>, vector<16xi32>], vector<16xf32>,
          %get3A_731 = arith.index_cast %scan3A_243 : i32 to index
          %get3A_732 = arith.constant 704 : index
          %get3A_733 = tpu.vector_load %arg17[%get3A_731, %get3A_732] {strides = array<i32>} : memref<128x784xf32, #tpu.memory_space<vmem>>, vector<16xf32>,
          %mul3A_734 = arith.mulf %get3A_733, %gather3A_730 : vector<16xf32>
          %swap3A_735 = arith.index_cast %scan3A_243 : i32 to index
          %swap3A_736 = arith.constant 704 : index
          %swap3A_737 = tpu.vector_load %arg17[%swap3A_735, %swap3A_736] {strides = array<i32>} : memref<128x784xf32, #tpu.memory_space<vmem>>, vector<16xf32>,
          tpu.vector_store %arg17[%swap3A_735, %swap3A_736], %mul3A_734 {strides = array<i32>} : memref<128x784xf32, #tpu.memory_space<vmem>>, vector<16xf32>,
          %get3A_738 = arith.constant 720 : index
          %get3A_739 = tpu.vector_load %arg21[%get3A_738] {strides = array<i32>} : memref<784xf32, #tpu.memory_space<vmem>>, vector<16xf32>,
          %bitcast3A_740 = vector.bitcast %get3A_739 : vector<16xf32> to vector<16xi32>
          %gather3A_741 = tpu.vector_load_idx %arg20[%broadcast_in_dim3A_245, %bitcast3A_740] : memref<128x16xf32, #tpu.memory_space<vmem>>[vector<16xi32>, vector<16xi32>], vector<16xf32>,
          %get3A_742 = arith.index_cast %scan3A_243 : i32 to index
          %get3A_743 = arith.constant 720 : index
          %get3A_744 = tpu.vector_load %arg17[%get3A_742, %get3A_743] {strides = array<i32>} : memref<128x784xf32, #tpu.memory_space<vmem>>, vector<16xf32>,
          %mul3A_745 = arith.mulf %get3A_744, %gather3A_741 : vector<16xf32>
          %swap3A_746 = arith.index_cast %scan3A_243 : i32 to index
          %swap3A_747 = arith.constant 720 : index
          %swap3A_748 = tpu.vector_load %arg17[%swap3A_746, %swap3A_747] {strides = array<i32>} : memref<128x784xf32, #tpu.memory_space<vmem>>, vector<16xf32>,
          tpu.vector_store %arg17[%swap3A_746, %swap3A_747], %mul3A_745 {strides = array<i32>} : memref<128x784xf32, #tpu.memory_space<vmem>>, vector<16xf32>,
          %get3A_749 = arith.constant 736 : index
          %get3A_750 = tpu.vector_load %arg21[%get3A_749] {strides = array<i32>} : memref<784xf32, #tpu.memory_space<vmem>>, vector<16xf32>,
          %bitcast3A_751 = vector.bitcast %get3A_750 : vector<16xf32> to vector<16xi32>
          %gather3A_752 = tpu.vector_load_idx %arg20[%broadcast_in_dim3A_245, %bitcast3A_751] : memref<128x16xf32, #tpu.memory_space<vmem>>[vector<16xi32>, vector<16xi32>], vector<16xf32>,
          %get3A_753 = arith.index_cast %scan3A_243 : i32 to index
          %get3A_754 = arith.constant 736 : index
          %get3A_755 = tpu.vector_load %arg17[%get3A_753, %get3A_754] {strides = array<i32>} : memref<128x784xf32, #tpu.memory_space<vmem>>, vector<16xf32>,
          %mul3A_756 = arith.mulf %get3A_755, %gather3A_752 : vector<16xf32>
          %swap3A_757 = arith.index_cast %scan3A_243 : i32 to index
          %swap3A_758 = arith.constant 736 : index
          %swap3A_759 = tpu.vector_load %arg17[%swap3A_757, %swap3A_758] {strides = array<i32>} : memref<128x784xf32, #tpu.memory_space<vmem>>, vector<16xf32>,
          tpu.vector_store %arg17[%swap3A_757, %swap3A_758], %mul3A_756 {strides = array<i32>} : memref<128x784xf32, #tpu.memory_space<vmem>>, vector<16xf32>,
          %get3A_760 = arith.constant 752 : index
          %get3A_761 = tpu.vector_load %arg21[%get3A_760] {strides = array<i32>} : memref<784xf32, #tpu.memory_space<vmem>>, vector<16xf32>,
          %bitcast3A_762 = vector.bitcast %get3A_761 : vector<16xf32> to vector<16xi32>
          %gather3A_763 = tpu.vector_load_idx %arg20[%broadcast_in_dim3A_245, %bitcast3A_762] : memref<128x16xf32, #tpu.memory_space<vmem>>[vector<16xi32>, vector<16xi32>], vector<16xf32>,
          %get3A_764 = arith.index_cast %scan3A_243 : i32 to index
          %get3A_765 = arith.constant 752 : index
          %get3A_766 = tpu.vector_load %arg17[%get3A_764, %get3A_765] {strides = array<i32>} : memref<128x784xf32, #tpu.memory_space<vmem>>, vector<16xf32>,
          %mul3A_767 = arith.mulf %get3A_766, %gather3A_763 : vector<16xf32>
          %swap3A_768 = arith.index_cast %scan3A_243 : i32 to index
          %swap3A_769 = arith.constant 752 : index
          %swap3A_770 = tpu.vector_load %arg17[%swap3A_768, %swap3A_769] {strides = array<i32>} : memref<128x784xf32, #tpu.memory_space<vmem>>, vector<16xf32>,
          tpu.vector_store %arg17[%swap3A_768, %swap3A_769], %mul3A_767 {strides = array<i32>} : memref<128x784xf32, #tpu.memory_space<vmem>>, vector<16xf32>,
          %get3A_771 = arith.constant 768 : index
          %get3A_772 = tpu.vector_load %arg21[%get3A_771] {strides = array<i32>} : memref<784xf32, #tpu.memory_space<vmem>>, vector<16xf32>,
          %bitcast3A_773 = vector.bitcast %get3A_772 : vector<16xf32> to vector<16xi32>
          %gather3A_774 = tpu.vector_load_idx %arg20[%broadcast_in_dim3A_245, %bitcast3A_773] : memref<128x16xf32, #tpu.memory_space<vmem>>[vector<16xi32>, vector<16xi32>], vector<16xf32>,
          %get3A_775 = arith.index_cast %scan3A_243 : i32 to index
          %get3A_776 = arith.constant 768 : index
          %get3A_777 = tpu.vector_load %arg17[%get3A_775, %get3A_776] {strides = array<i32>} : memref<128x784xf32, #tpu.memory_space<vmem>>, vector<16xf32>,
          %mul3A_778 = arith.mulf %get3A_777, %gather3A_774 : vector<16xf32>
          %swap3A_779 = arith.index_cast %scan3A_243 : i32 to index
          %swap3A_780 = arith.constant 768 : index
          %swap3A_781 = tpu.vector_load %arg17[%swap3A_779, %swap3A_780] {strides = array<i32>} : memref<128x784xf32, #tpu.memory_space<vmem>>, vector<16xf32>,
          tpu.vector_store %arg17[%swap3A_779, %swap3A_780], %mul3A_778 {strides = array<i32>} : memref<128x784xf32, #tpu.memory_space<vmem>>, vector<16xf32>,
          %scan3A_782 = arith.constant 0 : i32
          scf.yield %scan3A_782 : i32
        }
        %scan3A_146 = arith.constant 128 : i32
        "tpu.region"() ({
          %run_scoped3A = tpu.sem_alloc : memref<!tpu.dma_semaphore, #tpu.memory_space<semaphore_mem>>
          %dma_start3A = arith.constant 0 : i32
          %dma_start3A_243 = arith.constant 0 : i32
          %dma_start3A_244 = tpu.memref_slice %arg22[%dma_start3A, %dma_start3A_243] : memref<256x784xf32, #tpu.memory_space<vmem_shared>> -> memref<256x784xf32, #tpu.memory_space<vmem_shared>>
          tpu.enqueue_indirect_dma source(%arg17 : memref<128x784xf32, #tpu.memory_space<vmem>>) target(%dma_start3A_244 : memref<256x784xf32, #tpu.memory_space<vmem_shared>>) offsets(%arg15 : memref<128xi32, #tpu.memory_space<vmem>>) semaphore(%run_scoped3A : memref<!tpu.dma_semaphore, #tpu.memory_space<semaphore_mem>>) {add = true}
          %dma_wait3A = arith.constant 0 : i32
          %dma_wait3A_245 = arith.constant 0 : i32
          %dma_wait3A_246 = tpu.memref_slice %arg22[%dma_wait3A, %dma_wait3A_245] : memref<256x784xf32, #tpu.memory_space<vmem_shared>> -> memref<256x784xf32, #tpu.memory_space<vmem_shared>>
          tpu.wait_indirect_dma semaphore(%run_scoped3A : memref<!tpu.dma_semaphore, #tpu.memory_space<semaphore_mem>>) src(%arg17 : memref<128x784xf32, #tpu.memory_space<vmem>>) dst(%dma_wait3A_246 : memref<256x784xf32, #tpu.memory_space<vmem_shared>>)
          tpu.yield
        }) : () -> ()
        "tpu.region"() ({
          %run_scoped3A = tpu.sem_alloc : memref<!tpu.dma_semaphore, #tpu.memory_space<semaphore_mem>>
          %dma_start3A = arith.constant 0 : i32
          %dma_start3A_243 = arith.constant 0 : i32
          %dma_start3A_244 = tpu.memref_slice %arg23[%dma_start3A, %dma_start3A_243] : memref<256x16xf32, #tpu.memory_space<vmem_shared>> -> memref<256x16xf32, #tpu.memory_space<vmem_shared>>
          tpu.enqueue_indirect_dma source(%arg20 : memref<128x16xf32, #tpu.memory_space<vmem>>) target(%dma_start3A_244 : memref<256x16xf32, #tpu.memory_space<vmem_shared>>) offsets(%arg15 : memref<128xi32, #tpu.memory_space<vmem>>) semaphore(%run_scoped3A : memref<!tpu.dma_semaphore, #tpu.memory_space<semaphore_mem>>) {add = true}
          %dma_wait3A = arith.constant 0 : i32
          %dma_wait3A_245 = arith.constant 0 : i32
          %dma_wait3A_246 = tpu.memref_slice %arg23[%dma_wait3A, %dma_wait3A_245] : memref<256x16xf32, #tpu.memory_space<vmem_shared>> -> memref<256x16xf32, #tpu.memory_space<vmem_shared>>
          tpu.wait_indirect_dma semaphore(%run_scoped3A : memref<!tpu.dma_semaphore, #tpu.memory_space<semaphore_mem>>) src(%arg20 : memref<128x16xf32, #tpu.memory_space<vmem>>) dst(%dma_wait3A_246 : memref<256x16xf32, #tpu.memory_space<vmem_shared>>)
          tpu.yield
        }) : () -> ()
        %broadcast_in_dim3A_147 = arith.constant 51199 : i32
        %broadcast_in_dim3A_148 = vector.broadcast %broadcast_in_dim3A_147 : i32 to vector<16xi32>
        %swap3A_149 = arith.constant 0 : index
        %swap3A_150 = tpu.vector_load %arg14[%swap3A_149] {strides = array<i32>} : memref<128xi32, #tpu.memory_space<vmem>>, vector<16xi32>,
        tpu.vector_store %arg14[%swap3A_149], %broadcast_in_dim3A_148 {strides = array<i32>} : memref<128xi32, #tpu.memory_space<vmem>>, vector<16xi32>,
        %broadcast_in_dim3A_151 = arith.constant 255 : i32
        %broadcast_in_dim3A_152 = vector.broadcast %broadcast_in_dim3A_151 : i32 to vector<16xi32>
        %swap3A_153 = arith.constant 0 : index
        %swap3A_154 = tpu.vector_load %arg15[%swap3A_153] {strides = array<i32>} : memref<128xi32, #tpu.memory_space<vmem>>, vector<16xi32>,
        tpu.vector_store %arg15[%swap3A_153], %broadcast_in_dim3A_152 {strides = array<i32>} : memref<128xi32, #tpu.memory_space<vmem>>, vector<16xi32>,
        %broadcast_in_dim3A_155 = arith.constant 51199 : i32
        %broadcast_in_dim3A_156 = vector.broadcast %broadcast_in_dim3A_155 : i32 to vector<16xi32>
        %swap3A_157 = arith.constant 0 : index
        %swap3A_158 = tpu.vector_load %arg16[%swap3A_157] {strides = array<i32>} : memref<128xi32, #tpu.memory_space<vmem>>, vector<16xi32>,
        tpu.vector_store %arg16[%swap3A_157], %broadcast_in_dim3A_156 {strides = array<i32>} : memref<128xi32, #tpu.memory_space<vmem>>, vector<16xi32>,
        %broadcast_in_dim3A_159 = arith.constant 51199 : i32
        %broadcast_in_dim3A_160 = vector.broadcast %broadcast_in_dim3A_159 : i32 to vector<16xi32>
        %swap3A_161 = arith.constant 16 : index
        %swap3A_162 = tpu.vector_load %arg14[%swap3A_161] {strides = array<i32>} : memref<128xi32, #tpu.memory_space<vmem>>, vector<16xi32>,
        tpu.vector_store %arg14[%swap3A_161], %broadcast_in_dim3A_160 {strides = array<i32>} : memref<128xi32, #tpu.memory_space<vmem>>, vector<16xi32>,
        %broadcast_in_dim3A_163 = arith.constant 255 : i32
        %broadcast_in_dim3A_164 = vector.broadcast %broadcast_in_dim3A_163 : i32 to vector<16xi32>
        %swap3A_165 = arith.constant 16 : index
        %swap3A_166 = tpu.vector_load %arg15[%swap3A_165] {strides = array<i32>} : memref<128xi32, #tpu.memory_space<vmem>>, vector<16xi32>,
        tpu.vector_store %arg15[%swap3A_165], %broadcast_in_dim3A_164 {strides = array<i32>} : memref<128xi32, #tpu.memory_space<vmem>>, vector<16xi32>,
        %broadcast_in_dim3A_167 = arith.constant 51199 : i32
        %broadcast_in_dim3A_168 = vector.broadcast %broadcast_in_dim3A_167 : i32 to vector<16xi32>
        %swap3A_169 = arith.constant 16 : index
        %swap3A_170 = tpu.vector_load %arg16[%swap3A_169] {strides = array<i32>} : memref<128xi32, #tpu.memory_space<vmem>>, vector<16xi32>,
        tpu.vector_store %arg16[%swap3A_169], %broadcast_in_dim3A_168 {strides = array<i32>} : memref<128xi32, #tpu.memory_space<vmem>>, vector<16xi32>,
        %broadcast_in_dim3A_171 = arith.constant 51199 : i32
        %broadcast_in_dim3A_172 = vector.broadcast %broadcast_in_dim3A_171 : i32 to vector<16xi32>
        %swap3A_173 = arith.constant 32 : index
        %swap3A_174 = tpu.vector_load %arg14[%swap3A_173] {strides = array<i32>} : memref<128xi32, #tpu.memory_space<vmem>>, vector<16xi32>,
        tpu.vector_store %arg14[%swap3A_173], %broadcast_in_dim3A_172 {strides = array<i32>} : memref<128xi32, #tpu.memory_space<vmem>>, vector<16xi32>,
        %broadcast_in_dim3A_175 = arith.constant 255 : i32
        %broadcast_in_dim3A_176 = vector.broadcast %broadcast_in_dim3A_175 : i32 to vector<16xi32>
        %swap3A_177 = arith.constant 32 : index
        %swap3A_178 = tpu.vector_load %arg15[%swap3A_177] {strides = array<i32>} : memref<128xi32, #tpu.memory_space<vmem>>, vector<16xi32>,
        tpu.vector_store %arg15[%swap3A_177], %broadcast_in_dim3A_176 {strides = array<i32>} : memref<128xi32, #tpu.memory_space<vmem>>, vector<16xi32>,
        %broadcast_in_dim3A_179 = arith.constant 51199 : i32
        %broadcast_in_dim3A_180 = vector.broadcast %broadcast_in_dim3A_179 : i32 to vector<16xi32>
        %swap3A_181 = arith.constant 32 : index
        %swap3A_182 = tpu.vector_load %arg16[%swap3A_181] {strides = array<i32>} : memref<128xi32, #tpu.memory_space<vmem>>, vector<16xi32>,
        tpu.vector_store %arg16[%swap3A_181], %broadcast_in_dim3A_180 {strides = array<i32>} : memref<128xi32, #tpu.memory_space<vmem>>, vector<16xi32>,
        %broadcast_in_dim3A_183 = arith.constant 51199 : i32
        %broadcast_in_dim3A_184 = vector.broadcast %broadcast_in_dim3A_183 : i32 to vector<16xi32>
        %swap3A_185 = arith.constant 48 : index
        %swap3A_186 = tpu.vector_load %arg14[%swap3A_185] {strides = array<i32>} : memref<128xi32, #tpu.memory_space<vmem>>, vector<16xi32>,
        tpu.vector_store %arg14[%swap3A_185], %broadcast_in_dim3A_184 {strides = array<i32>} : memref<128xi32, #tpu.memory_space<vmem>>, vector<16xi32>,
        %broadcast_in_dim3A_187 = arith.constant 255 : i32
        %broadcast_in_dim3A_188 = vector.broadcast %broadcast_in_dim3A_187 : i32 to vector<16xi32>
        %swap3A_189 = arith.constant 48 : index
        %swap3A_190 = tpu.vector_load %arg15[%swap3A_189] {strides = array<i32>} : memref<128xi32, #tpu.memory_space<vmem>>, vector<16xi32>,
        tpu.vector_store %arg15[%swap3A_189], %broadcast_in_dim3A_188 {strides = array<i32>} : memref<128xi32, #tpu.memory_space<vmem>>, vector<16xi32>,
        %broadcast_in_dim3A_191 = arith.constant 51199 : i32
        %broadcast_in_dim3A_192 = vector.broadcast %broadcast_in_dim3A_191 : i32 to vector<16xi32>
        %swap3A_193 = arith.constant 48 : index
        %swap3A_194 = tpu.vector_load %arg16[%swap3A_193] {strides = array<i32>} : memref<128xi32, #tpu.memory_space<vmem>>, vector<16xi32>,
        tpu.vector_store %arg16[%swap3A_193], %broadcast_in_dim3A_192 {strides = array<i32>} : memref<128xi32, #tpu.memory_space<vmem>>, vector<16xi32>,
        %broadcast_in_dim3A_195 = arith.constant 51199 : i32
        %broadcast_in_dim3A_196 = vector.broadcast %broadcast_in_dim3A_195 : i32 to vector<16xi32>
        %swap3A_197 = arith.constant 64 : index
        %swap3A_198 = tpu.vector_load %arg14[%swap3A_197] {strides = array<i32>} : memref<128xi32, #tpu.memory_space<vmem>>, vector<16xi32>,
        tpu.vector_store %arg14[%swap3A_197], %broadcast_in_dim3A_196 {strides = array<i32>} : memref<128xi32, #tpu.memory_space<vmem>>, vector<16xi32>,
        %broadcast_in_dim3A_199 = arith.constant 255 : i32
        %broadcast_in_dim3A_200 = vector.broadcast %broadcast_in_dim3A_199 : i32 to vector<16xi32>
        %swap3A_201 = arith.constant 64 : index
        %swap3A_202 = tpu.vector_load %arg15[%swap3A_201] {strides = array<i32>} : memref<128xi32, #tpu.memory_space<vmem>>, vector<16xi32>,
        tpu.vector_store %arg15[%swap3A_201], %broadcast_in_dim3A_200 {strides = array<i32>} : memref<128xi32, #tpu.memory_space<vmem>>, vector<16xi32>,
        %broadcast_in_dim3A_203 = arith.constant 51199 : i32
        %broadcast_in_dim3A_204 = vector.broadcast %broadcast_in_dim3A_203 : i32 to vector<16xi32>
        %swap3A_205 = arith.constant 64 : index
        %swap3A_206 = tpu.vector_load %arg16[%swap3A_205] {strides = array<i32>} : memref<128xi32, #tpu.memory_space<vmem>>, vector<16xi32>,
        tpu.vector_store %arg16[%swap3A_205], %broadcast_in_dim3A_204 {strides = array<i32>} : memref<128xi32, #tpu.memory_space<vmem>>, vector<16xi32>,
        %broadcast_in_dim3A_207 = arith.constant 51199 : i32
        %broadcast_in_dim3A_208 = vector.broadcast %broadcast_in_dim3A_207 : i32 to vector<16xi32>
        %swap3A_209 = arith.constant 80 : index
        %swap3A_210 = tpu.vector_load %arg14[%swap3A_209] {strides = array<i32>} : memref<128xi32, #tpu.memory_space<vmem>>, vector<16xi32>,
        tpu.vector_store %arg14[%swap3A_209], %broadcast_in_dim3A_208 {strides = array<i32>} : memref<128xi32, #tpu.memory_space<vmem>>, vector<16xi32>,
        %broadcast_in_dim3A_211 = arith.constant 255 : i32
        %broadcast_in_dim3A_212 = vector.broadcast %broadcast_in_dim3A_211 : i32 to vector<16xi32>
        %swap3A_213 = arith.constant 80 : index
        %swap3A_214 = tpu.vector_load %arg15[%swap3A_213] {strides = array<i32>} : memref<128xi32, #tpu.memory_space<vmem>>, vector<16xi32>,
        tpu.vector_store %arg15[%swap3A_213], %broadcast_in_dim3A_212 {strides = array<i32>} : memref<128xi32, #tpu.memory_space<vmem>>, vector<16xi32>,
        %broadcast_in_dim3A_215 = arith.constant 51199 : i32
        %broadcast_in_dim3A_216 = vector.broadcast %broadcast_in_dim3A_215 : i32 to vector<16xi32>
        %swap3A_217 = arith.constant 80 : index
        %swap3A_218 = tpu.vector_load %arg16[%swap3A_217] {strides = array<i32>} : memref<128xi32, #tpu.memory_space<vmem>>, vector<16xi32>,
        tpu.vector_store %arg16[%swap3A_217], %broadcast_in_dim3A_216 {strides = array<i32>} : memref<128xi32, #tpu.memory_space<vmem>>, vector<16xi32>,
        %broadcast_in_dim3A_219 = arith.constant 51199 : i32
        %broadcast_in_dim3A_220 = vector.broadcast %broadcast_in_dim3A_219 : i32 to vector<16xi32>
        %swap3A_221 = arith.constant 96 : index
        %swap3A_222 = tpu.vector_load %arg14[%swap3A_221] {strides = array<i32>} : memref<128xi32, #tpu.memory_space<vmem>>, vector<16xi32>,
        tpu.vector_store %arg14[%swap3A_221], %broadcast_in_dim3A_220 {strides = array<i32>} : memref<128xi32, #tpu.memory_space<vmem>>, vector<16xi32>,
        %broadcast_in_dim3A_223 = arith.constant 255 : i32
        %broadcast_in_dim3A_224 = vector.broadcast %broadcast_in_dim3A_223 : i32 to vector<16xi32>
        %swap3A_225 = arith.constant 96 : index
        %swap3A_226 = tpu.vector_load %arg15[%swap3A_225] {strides = array<i32>} : memref<128xi32, #tpu.memory_space<vmem>>, vector<16xi32>,
        tpu.vector_store %arg15[%swap3A_225], %broadcast_in_dim3A_224 {strides = array<i32>} : memref<128xi32, #tpu.memory_space<vmem>>, vector<16xi32>,
        %broadcast_in_dim3A_227 = arith.constant 51199 : i32
        %broadcast_in_dim3A_228 = vector.broadcast %broadcast_in_dim3A_227 : i32 to vector<16xi32>
        %swap3A_229 = arith.constant 96 : index
        %swap3A_230 = tpu.vector_load %arg16[%swap3A_229] {strides = array<i32>} : memref<128xi32, #tpu.memory_space<vmem>>, vector<16xi32>,
        tpu.vector_store %arg16[%swap3A_229], %broadcast_in_dim3A_228 {strides = array<i32>} : memref<128xi32, #tpu.memory_space<vmem>>, vector<16xi32>,
        %broadcast_in_dim3A_231 = arith.constant 51199 : i32
        %broadcast_in_dim3A_232 = vector.broadcast %broadcast_in_dim3A_231 : i32 to vector<16xi32>
        %swap3A_233 = arith.constant 112 : index
        %swap3A_234 = tpu.vector_load %arg14[%swap3A_233] {strides = array<i32>} : memref<128xi32, #tpu.memory_space<vmem>>, vector<16xi32>,
        tpu.vector_store %arg14[%swap3A_233], %broadcast_in_dim3A_232 {strides = array<i32>} : memref<128xi32, #tpu.memory_space<vmem>>, vector<16xi32>,
        %broadcast_in_dim3A_235 = arith.constant 255 : i32
        %broadcast_in_dim3A_236 = vector.broadcast %broadcast_in_dim3A_235 : i32 to vector<16xi32>
        %swap3A_237 = arith.constant 112 : index
        %swap3A_238 = tpu.vector_load %arg15[%swap3A_237] {strides = array<i32>} : memref<128xi32, #tpu.memory_space<vmem>>, vector<16xi32>,
        tpu.vector_store %arg15[%swap3A_237], %broadcast_in_dim3A_236 {strides = array<i32>} : memref<128xi32, #tpu.memory_space<vmem>>, vector<16xi32>,
        %broadcast_in_dim3A_239 = arith.constant 51199 : i32
        %broadcast_in_dim3A_240 = vector.broadcast %broadcast_in_dim3A_239 : i32 to vector<16xi32>
        %swap3A_241 = arith.constant 112 : index
        %swap3A_242 = tpu.vector_load %arg16[%swap3A_241] {strides = array<i32>} : memref<128xi32, #tpu.memory_space<vmem>>, vector<16xi32>,
        tpu.vector_store %arg16[%swap3A_241], %broadcast_in_dim3A_240 {strides = array<i32>} : memref<128xi32, #tpu.memory_space<vmem>>, vector<16xi32>,
      } else {
      }
      %barrier3A_120 = arith.constant 0 : index
      tpu.barrier barrier_id(%barrier3A_120)
      %mul3A_121 = arith.constant 16 : i32
      %mul3A_122 = arith.muli %arg1, %mul3A_121 : i32
      %mul3A_123 = arith.constant 16 : i32
      %mul3A_124 = arith.muli %arg1, %mul3A_123 : i32
      %add3A_125 = arith.addi %mul3A_106, %mul3A_124 : i32
      "tpu.region"() ({
        %run_scoped3A = tpu.sem_alloc : memref<!tpu.dma_semaphore, #tpu.memory_space<semaphore_mem>>
        %dma_start3A = arith.constant 0 : i32
        %dma_start3A_133 = tpu.memref_slice %arg10[%add3A_125, %dma_start3A] : memref<51200x784xf32, #tpu.memory_space<hbm>> -> memref<16x784xf32, #tpu.memory_space<hbm>>
        %dma_start3A_134 = arith.constant 0 : i32
        %dma_start3A_135 = tpu.memref_slice %arg22[%mul3A_122, %dma_start3A_134] : memref<256x784xf32, #tpu.memory_space<vmem_shared>> -> memref<16x784xf32, #tpu.memory_space<vmem_shared>>
        tpu.enqueue_dma source(%dma_start3A_135 : memref<16x784xf32, #tpu.memory_space<vmem_shared>>) target(%dma_start3A_133 : memref<16x784xf32, #tpu.memory_space<hbm>>) target_semaphore(%run_scoped3A : memref<!tpu.dma_semaphore, #tpu.memory_space<semaphore_mem>>)
        %dma_wait3A = arith.constant 0 : i32
        %dma_wait3A_136 = tpu.memref_slice %arg10[%add3A_125, %dma_wait3A] : memref<51200x784xf32, #tpu.memory_space<hbm>> -> memref<16x784xf32, #tpu.memory_space<hbm>>
        %dma_wait3A_137 = arith.constant 0 : i32
        %dma_wait3A_138 = tpu.memref_slice %arg22[%mul3A_122, %dma_wait3A_137] : memref<256x784xf32, #tpu.memory_space<vmem_shared>> -> memref<16x784xf32, #tpu.memory_space<vmem_shared>>
        tpu.wait_dma2 semaphore(%run_scoped3A : memref<!tpu.dma_semaphore, #tpu.memory_space<semaphore_mem>>) src(%dma_wait3A_138 : memref<16x784xf32, #tpu.memory_space<vmem_shared>>) dst(%dma_wait3A_136 : memref<16x784xf32, #tpu.memory_space<hbm>>)
        tpu.yield
      }) : () -> ()
      %mul3A_126 = arith.constant 16 : i32
      %mul3A_127 = arith.muli %arg1, %mul3A_126 : i32
      %mul3A_128 = arith.constant 16 : i32
      %mul3A_129 = arith.muli %arg1, %mul3A_128 : i32
      %add3A_130 = arith.addi %mul3A_106, %mul3A_129 : i32
      "tpu.region"() ({
        %run_scoped3A = tpu.sem_alloc : memref<!tpu.dma_semaphore, #tpu.memory_space<semaphore_mem>>
        %dma_start3A = arith.constant 0 : i32
        %dma_start3A_133 = tpu.memref_slice %arg11[%add3A_130, %dma_start3A] : memref<51200x16xf32, #tpu.memory_space<hbm>> -> memref<16x16xf32, #tpu.memory_space<hbm>>
        %dma_start3A_134 = arith.constant 0 : i32
        %dma_start3A_135 = tpu.memref_slice %arg23[%mul3A_127, %dma_start3A_134] : memref<256x16xf32, #tpu.memory_space<vmem_shared>> -> memref<16x16xf32, #tpu.memory_space<vmem_shared>>
        tpu.enqueue_dma source(%dma_start3A_135 : memref<16x16xf32, #tpu.memory_space<vmem_shared>>) target(%dma_start3A_133 : memref<16x16xf32, #tpu.memory_space<hbm>>) target_semaphore(%run_scoped3A : memref<!tpu.dma_semaphore, #tpu.memory_space<semaphore_mem>>)
        %dma_wait3A = arith.constant 0 : i32
        %dma_wait3A_136 = tpu.memref_slice %arg11[%add3A_130, %dma_wait3A] : memref<51200x16xf32, #tpu.memory_space<hbm>> -> memref<16x16xf32, #tpu.memory_space<hbm>>
        %dma_wait3A_137 = arith.constant 0 : i32
        %dma_wait3A_138 = tpu.memref_slice %arg23[%mul3A_127, %dma_wait3A_137] : memref<256x16xf32, #tpu.memory_space<vmem_shared>> -> memref<16x16xf32, #tpu.memory_space<vmem_shared>>
        tpu.wait_dma2 semaphore(%run_scoped3A : memref<!tpu.dma_semaphore, #tpu.memory_space<semaphore_mem>>) src(%dma_wait3A_138 : memref<16x16xf32, #tpu.memory_space<vmem_shared>>) dst(%dma_wait3A_136 : memref<16x16xf32, #tpu.memory_space<hbm>>)
        tpu.yield
      }) : () -> ()
      %barrier3A_131 = arith.constant 0 : index
      tpu.barrier barrier_id(%barrier3A_131)
      %scan3A_132 = arith.constant 0 : i32
      scf.yield %scan3A_132 : i32
    }
    %scan3A_100 = arith.constant 100 : i32
    return
  }
}

#map = affine_map<(d0, d1) -> (0, 0)>
#map1 = affine_map<(d0, d1) -> (0)>
module attributes {stable_mosaic.version = 14 : i64} {
  func.func @_pool_kernel(%arg0: i32, %arg1: i32, %arg2: memref<51200x784xf32, #tpu.memory_space<hbm>>, %arg3: memref<272xf32, #tpu.memory_space<hbm>>, %arg4: memref<256x784xf32, #tpu.memory_space<hbm>>, %arg5: memref<256x784xf32, #tpu.memory_space<hbm>>, %arg6: memref<272xf32, #tpu.memory_space<vmem>>, %arg7: memref<256x16xf32, #tpu.memory_space<vmem>>, %arg8: memref<256x16xf32, #tpu.memory_space<vmem>>, %arg9: memref<256x16xf32, #tpu.memory_space<vmem>>) attributes {dimension_semantics = [#tpu.dimension_semantics<core_parallel>, #tpu.dimension_semantics<subcore_parallel>], iteration_bounds = array<i64: 2, 16>, scalar_prefetch = 0 : i64, scratch_operands = 4 : i64, tpu.core_type = #tpu.core_type<sc_vector_subcore>, window_params = [{transform_indices = #map}, {transform_indices = #map1}, {transform_indices = #map}, {transform_indices = #map}]} {
    %mul3A = arith.constant 16 : i32
    %mul3A_0 = arith.muli %arg0, %mul3A : i32
    %add3A = arith.addi %mul3A_0, %arg1 : i32
    "tpu.region"() ({
      %run_scoped3A = tpu.sem_alloc : memref<!tpu.dma_semaphore, #tpu.memory_space<semaphore_mem>>
      tpu.enqueue_dma source(%arg3 : memref<272xf32, #tpu.memory_space<hbm>>) target(%arg6 : memref<272xf32, #tpu.memory_space<vmem>>) target_semaphore(%run_scoped3A : memref<!tpu.dma_semaphore, #tpu.memory_space<semaphore_mem>>)
      tpu.wait_dma2 semaphore(%run_scoped3A : memref<!tpu.dma_semaphore, #tpu.memory_space<semaphore_mem>>) src(%arg3 : memref<272xf32, #tpu.memory_space<hbm>>) dst(%arg6 : memref<272xf32, #tpu.memory_space<vmem>>)
      tpu.yield
    }) : () -> ()
    %broadcast_in_dim3A = arith.constant -3.400000e+38 : f32
    %broadcast_in_dim3A_1 = vector.broadcast %broadcast_in_dim3A : f32 to vector<16xf32>
    %broadcast_in_dim3A_2 = arith.constant 0.000000e+00 : f32
    %broadcast_in_dim3A_3 = vector.broadcast %broadcast_in_dim3A_2 : f32 to vector<16xf32>
    %add3A_4 = arith.constant 0 : i32
    %add3A_5 = arith.addi %add3A, %add3A_4 : i32
    %ge3A = arith.constant 0 : i32
    %ge3A_6 = arith.cmpi sge, %add3A_5, %ge3A : i32
    %convert_element_type3A = arith.extui %ge3A_6 : i1 to i32
    %cond3A = arith.constant 0 : i32
    %cond3A_7 = arith.cmpi ne, %convert_element_type3A, %cond3A : i32
    scf.if %cond3A_7 {
      %scan3A = arith.constant 0 : i32
      %scan3A_14 = arith.constant 0 : i32
      %scan3A_15 = arith.constant 256 : i32
      %scan3A_16 = arith.addi %scan3A_14, %scan3A_15 : i32
      %scan3A_17 = arith.constant 1 : i32
      %scan3A_18 = scf.for %scan3A_24 = %scan3A_14 to %scan3A_16 step %scan3A_17 iter_args(%scan3A_25 = %scan3A) -> (i32)  : i32 {
        %broadcast_in_dim3A_26 = vector.broadcast %scan3A_24 : i32 to vector<16xi32>
        %gather3A = tpu.vector_load_idx %arg6[%broadcast_in_dim3A_26] : memref<272xf32, #tpu.memory_space<vmem>>[vector<16xi32>], vector<16xf32>,
        %reduce_max3A = arith.constant true
        %reduce_max3A_27 = vector.broadcast %reduce_max3A : i1 to vector<16xi1>
        %reduce_max3A_28 = tpu.scan <max>, %gather3A masked %reduce_max3A_27 : vector<16xf32>, vector<16xi1> -> vector<16xf32>
        %reduce_max3A_29 = vector.extract %reduce_max3A_28[15] : f32 from vector<16xf32>
        %convert_element_type3A_30 = arith.fptosi %reduce_max3A_29 : f32 to i32
        %add3A_31 = arith.constant 1 : i32
        %add3A_32 = arith.addi %scan3A_24, %add3A_31 : i32
        %broadcast_in_dim3A_33 = vector.broadcast %add3A_32 : i32 to vector<16xi32>
        %gather3A_34 = tpu.vector_load_idx %arg6[%broadcast_in_dim3A_33] : memref<272xf32, #tpu.memory_space<vmem>>[vector<16xi32>], vector<16xf32>,
        %reduce_max3A_35 = arith.constant true
        %reduce_max3A_36 = vector.broadcast %reduce_max3A_35 : i1 to vector<16xi1>
        %reduce_max3A_37 = tpu.scan <max>, %gather3A_34 masked %reduce_max3A_36 : vector<16xf32>, vector<16xi1> -> vector<16xf32>
        %reduce_max3A_38 = vector.extract %reduce_max3A_37[15] : f32 from vector<16xf32>
        %convert_element_type3A_39 = arith.fptosi %reduce_max3A_38 : f32 to i32
        %sub3A = arith.subi %convert_element_type3A_39, %convert_element_type3A_30 : i32
        %add3A_40 = arith.constant 255 : i32
        %add3A_41 = arith.addi %sub3A, %add3A_40 : i32
        %jit3A = arith.constant 256 : i32
        %div3A = arith.divsi %add3A_41, %jit3A : i32
        %sign3A = arith.constant 0 : i32
        %sign3A_42 = arith.cmpi sgt, %add3A_41, %sign3A : i32
        %sign3A_43 = arith.extui %sign3A_42 : i1 to i32
        %sign3A_44 = arith.constant 0 : i32
        %sign3A_45 = arith.cmpi slt, %add3A_41, %sign3A_44 : i32
        %sign3A_46 = arith.extui %sign3A_45 : i1 to i32
        %sign3A_47 = arith.subi %sign3A_43, %sign3A_46 : i32
        %sign3A_48 = arith.constant 0 : i32
        %sign3A_49 = arith.cmpi sgt, %jit3A, %sign3A_48 : i32
        %sign3A_50 = arith.extui %sign3A_49 : i1 to i32
        %sign3A_51 = arith.constant 0 : i32
        %sign3A_52 = arith.cmpi slt, %jit3A, %sign3A_51 : i32
        %sign3A_53 = arith.extui %sign3A_52 : i1 to i32
        %sign3A_54 = arith.subi %sign3A_50, %sign3A_53 : i32
        %ne3A = arith.cmpi ne, %sign3A_47, %sign3A_54 : i32
        %rem3A = arith.remsi %add3A_41, %jit3A : i32
        %ne3A_55 = arith.constant 0 : i32
        %ne3A_56 = arith.cmpi ne, %rem3A, %ne3A_55 : i32
        %and3A = arith.andi %ne3A, %ne3A_56 : i1
        %sub3A_57 = arith.constant 1 : i32
        %sub3A_58 = arith.subi %div3A, %sub3A_57 : i32
        %select_n3A = arith.select %and3A, %sub3A_58, %div3A : i32
        %while3A = arith.constant 0 : i32
        %while3A_59 = arith.subi %select_n3A, %while3A : i32
        %while3A_60 = arith.addi %while3A, %while3A_59 : i32
        %while3A_61 = arith.constant 1 : i32
        %while3A_62 = arith.divsi %while3A_59, %while3A_61 : i32
        %while3A_63 = arith.muli %while3A_62, %while3A_61 : i32
        %while3A_64 = arith.addi %while3A, %while3A_63 : i32
        %while3A_65 = arith.constant 1 : i32
        %while3A_66:2 = scf.for %while3A_78 = %while3A to %while3A_64 step %while3A_65 iter_args(%while3A_79 = %broadcast_in_dim3A_1, %while3A_80 = %broadcast_in_dim3A_3) -> (vector<16xf32>, vector<16xf32>)  : i32 {
          %mul3A_81 = arith.constant 256 : i32
          %mul3A_82 = arith.muli %while3A_78, %mul3A_81 : i32
          %add3A_83 = arith.addi %convert_element_type3A_30, %mul3A_82 : i32
          %mul3A_84 = arith.constant 16 : i32
          %mul3A_85 = arith.muli %add3A_5, %mul3A_84 : i32
          "tpu.region"() ({
            %run_scoped3A = tpu.sem_alloc : memref<!tpu.dma_semaphore, #tpu.memory_space<semaphore_mem>>
            %dma_start3A = tpu.memref_slice %arg2[%add3A_83, %mul3A_85] : memref<51200x784xf32, #tpu.memory_space<hbm>> -> memref<256x16xf32, #tpu.memory_space<hbm>>
            %dma_start3A_92 = tpu.memref_slice %arg2[%add3A_83, %mul3A_85] : memref<51200x784xf32, #tpu.memory_space<hbm>> -> memref<256x16xf32, #tpu.memory_space<hbm>>
            tpu.enqueue_dma source(%dma_start3A_92 : memref<256x16xf32, #tpu.memory_space<hbm>>) target(%arg7 : memref<256x16xf32, #tpu.memory_space<vmem>>) target_semaphore(%run_scoped3A : memref<!tpu.dma_semaphore, #tpu.memory_space<semaphore_mem>>)
            %dma_wait3A = tpu.memref_slice %arg2[%add3A_83, %mul3A_85] : memref<51200x784xf32, #tpu.memory_space<hbm>> -> memref<256x16xf32, #tpu.memory_space<hbm>>
            %dma_wait3A_93 = tpu.memref_slice %arg2[%add3A_83, %mul3A_85] : memref<51200x784xf32, #tpu.memory_space<hbm>> -> memref<256x16xf32, #tpu.memory_space<hbm>>
            tpu.wait_dma2 semaphore(%run_scoped3A : memref<!tpu.dma_semaphore, #tpu.memory_space<semaphore_mem>>) src(%dma_wait3A_93 : memref<256x16xf32, #tpu.memory_space<hbm>>) dst(%arg7 : memref<256x16xf32, #tpu.memory_space<vmem>>)
            tpu.yield
          }) : () -> ()
          %scan3A_86 = arith.constant 0 : i32
          %scan3A_87 = arith.constant 256 : i32
          %scan3A_88 = arith.addi %scan3A_86, %scan3A_87 : i32
          %scan3A_89 = arith.constant 1 : i32
          %scan3A_90:2 = scf.for %scan3A_92 = %scan3A_86 to %scan3A_88 step %scan3A_89 iter_args(%scan3A_93 = %while3A_79, %scan3A_94 = %while3A_80) -> (vector<16xf32>, vector<16xf32>)  : i32 {
            %get3A = arith.index_cast %scan3A_92 : i32 to index
            %get3A_95 = arith.constant 0 : index
            %get3A_96 = tpu.vector_load %arg7[%get3A, %get3A_95] {strides = array<i32>} : memref<256x16xf32, #tpu.memory_space<vmem>>, vector<16xf32>,
            %add3A_97 = arith.addi %add3A_83, %scan3A_92 : i32
            %lt3A_98 = arith.cmpi slt, %add3A_97, %convert_element_type3A_39 : i32
            %max3A = arith.maximumf %scan3A_93, %get3A_96 : vector<16xf32>
            %select_n3A_99 = arith.select %lt3A_98, %max3A, %scan3A_93 : vector<16xf32>
            %add3A_100 = arith.addf %scan3A_94, %get3A_96 : vector<16xf32>
            %select_n3A_101 = arith.select %lt3A_98, %add3A_100, %scan3A_94 : vector<16xf32>
            scf.yield %select_n3A_99, %select_n3A_101 : vector<16xf32>, vector<16xf32>
          }
          %scan3A_91 = arith.constant 256 : i32
          scf.yield %scan3A_90#0, %scan3A_90#1 : vector<16xf32>, vector<16xf32>
        }
        %while3A_67 = arith.constant 1 : i32
        %while3A_68:2 = scf.for %while3A_78 = %while3A_64 to %while3A_60 step %while3A_67 iter_args(%while3A_79 = %while3A_66#0, %while3A_80 = %while3A_66#1) -> (vector<16xf32>, vector<16xf32>)  : i32 {
          %mul3A_81 = arith.constant 256 : i32
          %mul3A_82 = arith.muli %while3A_78, %mul3A_81 : i32
          %add3A_83 = arith.addi %convert_element_type3A_30, %mul3A_82 : i32
          %mul3A_84 = arith.constant 16 : i32
          %mul3A_85 = arith.muli %add3A_5, %mul3A_84 : i32
          "tpu.region"() ({
            %run_scoped3A = tpu.sem_alloc : memref<!tpu.dma_semaphore, #tpu.memory_space<semaphore_mem>>
            %dma_start3A = tpu.memref_slice %arg2[%add3A_83, %mul3A_85] : memref<51200x784xf32, #tpu.memory_space<hbm>> -> memref<256x16xf32, #tpu.memory_space<hbm>>
            %dma_start3A_92 = tpu.memref_slice %arg2[%add3A_83, %mul3A_85] : memref<51200x784xf32, #tpu.memory_space<hbm>> -> memref<256x16xf32, #tpu.memory_space<hbm>>
            tpu.enqueue_dma source(%dma_start3A_92 : memref<256x16xf32, #tpu.memory_space<hbm>>) target(%arg7 : memref<256x16xf32, #tpu.memory_space<vmem>>) target_semaphore(%run_scoped3A : memref<!tpu.dma_semaphore, #tpu.memory_space<semaphore_mem>>)
            %dma_wait3A = tpu.memref_slice %arg2[%add3A_83, %mul3A_85] : memref<51200x784xf32, #tpu.memory_space<hbm>> -> memref<256x16xf32, #tpu.memory_space<hbm>>
            %dma_wait3A_93 = tpu.memref_slice %arg2[%add3A_83, %mul3A_85] : memref<51200x784xf32, #tpu.memory_space<hbm>> -> memref<256x16xf32, #tpu.memory_space<hbm>>
            tpu.wait_dma2 semaphore(%run_scoped3A : memref<!tpu.dma_semaphore, #tpu.memory_space<semaphore_mem>>) src(%dma_wait3A_93 : memref<256x16xf32, #tpu.memory_space<hbm>>) dst(%arg7 : memref<256x16xf32, #tpu.memory_space<vmem>>)
            tpu.yield
          }) : () -> ()
          %scan3A_86 = arith.constant 0 : i32
          %scan3A_87 = arith.constant 256 : i32
          %scan3A_88 = arith.addi %scan3A_86, %scan3A_87 : i32
          %scan3A_89 = arith.constant 1 : i32
          %scan3A_90:2 = scf.for %scan3A_92 = %scan3A_86 to %scan3A_88 step %scan3A_89 iter_args(%scan3A_93 = %while3A_79, %scan3A_94 = %while3A_80) -> (vector<16xf32>, vector<16xf32>)  : i32 {
            %get3A = arith.index_cast %scan3A_92 : i32 to index
            %get3A_95 = arith.constant 0 : index
            %get3A_96 = tpu.vector_load %arg7[%get3A, %get3A_95] {strides = array<i32>} : memref<256x16xf32, #tpu.memory_space<vmem>>, vector<16xf32>,
            %add3A_97 = arith.addi %add3A_83, %scan3A_92 : i32
            %lt3A_98 = arith.cmpi slt, %add3A_97, %convert_element_type3A_39 : i32
            %max3A = arith.maximumf %scan3A_93, %get3A_96 : vector<16xf32>
            %select_n3A_99 = arith.select %lt3A_98, %max3A, %scan3A_93 : vector<16xf32>
            %add3A_100 = arith.addf %scan3A_94, %get3A_96 : vector<16xf32>
            %select_n3A_101 = arith.select %lt3A_98, %add3A_100, %scan3A_94 : vector<16xf32>
            scf.yield %select_n3A_99, %select_n3A_101 : vector<16xf32>, vector<16xf32>
          }
          %scan3A_91 = arith.constant 256 : i32
          scf.yield %scan3A_90#0, %scan3A_90#1 : vector<16xf32>, vector<16xf32>
        }
        %gt3A = arith.cmpi sgt, %convert_element_type3A_39, %convert_element_type3A_30 : i32
        %jit3A_69 = arith.constant 0.000000e+00 : f32
        %broadcast_in_dim3A_70 = vector.broadcast %jit3A_69 : f32 to vector<16xf32>
        %select_n3A_71 = arith.select %gt3A, %while3A_68#0, %broadcast_in_dim3A_70 : vector<16xf32>
        %swap3A = arith.index_cast %scan3A_24 : i32 to index
        %swap3A_72 = arith.constant 0 : index
        %swap3A_73 = tpu.vector_load %arg8[%swap3A, %swap3A_72] {strides = array<i32>} : memref<256x16xf32, #tpu.memory_space<vmem>>, vector<16xf32>,
        tpu.vector_store %arg8[%swap3A, %swap3A_72], %select_n3A_71 {strides = array<i32>} : memref<256x16xf32, #tpu.memory_space<vmem>>, vector<16xf32>,
        %swap3A_74 = arith.index_cast %scan3A_24 : i32 to index
        %swap3A_75 = arith.constant 0 : index
        %swap3A_76 = tpu.vector_load %arg9[%swap3A_74, %swap3A_75] {strides = array<i32>} : memref<256x16xf32, #tpu.memory_space<vmem>>, vector<16xf32>,
        tpu.vector_store %arg9[%swap3A_74, %swap3A_75], %while3A_68#1 {strides = array<i32>} : memref<256x16xf32, #tpu.memory_space<vmem>>, vector<16xf32>,
        %scan3A_77 = arith.constant 0 : i32
        scf.yield %scan3A_77 : i32
      }
      %scan3A_19 = arith.constant 256 : i32
      %mul3A_20 = arith.constant 16 : i32
      %mul3A_21 = arith.muli %add3A_5, %mul3A_20 : i32
      "tpu.region"() ({
        %run_scoped3A = tpu.sem_alloc : memref<!tpu.dma_semaphore, #tpu.memory_space<semaphore_mem>>
        %dma_start3A = arith.constant 0 : i32
        %dma_start3A_24 = tpu.memref_slice %arg4[%dma_start3A, %mul3A_21] : memref<256x784xf32, #tpu.memory_space<hbm>> -> memref<256x16xf32, #tpu.memory_space<hbm>>
        %dma_start3A_25 = arith.constant 0 : i32
        %dma_start3A_26 = tpu.memref_slice %arg4[%dma_start3A_25, %mul3A_21] : memref<256x784xf32, #tpu.memory_space<hbm>> -> memref<256x16xf32, #tpu.memory_space<hbm>>
        tpu.enqueue_dma source(%arg8 : memref<256x16xf32, #tpu.memory_space<vmem>>) target(%dma_start3A_26 : memref<256x16xf32, #tpu.memory_space<hbm>>) target_semaphore(%run_scoped3A : memref<!tpu.dma_semaphore, #tpu.memory_space<semaphore_mem>>)
        %dma_wait3A = arith.constant 0 : i32
        %dma_wait3A_27 = tpu.memref_slice %arg4[%dma_wait3A, %mul3A_21] : memref<256x784xf32, #tpu.memory_space<hbm>> -> memref<256x16xf32, #tpu.memory_space<hbm>>
        %dma_wait3A_28 = arith.constant 0 : i32
        %dma_wait3A_29 = tpu.memref_slice %arg4[%dma_wait3A_28, %mul3A_21] : memref<256x784xf32, #tpu.memory_space<hbm>> -> memref<256x16xf32, #tpu.memory_space<hbm>>
        tpu.wait_dma2 semaphore(%run_scoped3A : memref<!tpu.dma_semaphore, #tpu.memory_space<semaphore_mem>>) src(%arg8 : memref<256x16xf32, #tpu.memory_space<vmem>>) dst(%dma_wait3A_29 : memref<256x16xf32, #tpu.memory_space<hbm>>)
        tpu.yield
      }) : () -> ()
      %mul3A_22 = arith.constant 16 : i32
      %mul3A_23 = arith.muli %add3A_5, %mul3A_22 : i32
      "tpu.region"() ({
        %run_scoped3A = tpu.sem_alloc : memref<!tpu.dma_semaphore, #tpu.memory_space<semaphore_mem>>
        %dma_start3A = arith.constant 0 : i32
        %dma_start3A_24 = tpu.memref_slice %arg5[%dma_start3A, %mul3A_23] : memref<256x784xf32, #tpu.memory_space<hbm>> -> memref<256x16xf32, #tpu.memory_space<hbm>>
        %dma_start3A_25 = arith.constant 0 : i32
        %dma_start3A_26 = tpu.memref_slice %arg5[%dma_start3A_25, %mul3A_23] : memref<256x784xf32, #tpu.memory_space<hbm>> -> memref<256x16xf32, #tpu.memory_space<hbm>>
        tpu.enqueue_dma source(%arg9 : memref<256x16xf32, #tpu.memory_space<vmem>>) target(%dma_start3A_26 : memref<256x16xf32, #tpu.memory_space<hbm>>) target_semaphore(%run_scoped3A : memref<!tpu.dma_semaphore, #tpu.memory_space<semaphore_mem>>)
        %dma_wait3A = arith.constant 0 : i32
        %dma_wait3A_27 = tpu.memref_slice %arg5[%dma_wait3A, %mul3A_23] : memref<256x784xf32, #tpu.memory_space<hbm>> -> memref<256x16xf32, #tpu.memory_space<hbm>>
        %dma_wait3A_28 = arith.constant 0 : i32
        %dma_wait3A_29 = tpu.memref_slice %arg5[%dma_wait3A_28, %mul3A_23] : memref<256x784xf32, #tpu.memory_space<hbm>> -> memref<256x16xf32, #tpu.memory_space<hbm>>
        tpu.wait_dma2 semaphore(%run_scoped3A : memref<!tpu.dma_semaphore, #tpu.memory_space<semaphore_mem>>) src(%arg9 : memref<256x16xf32, #tpu.memory_space<vmem>>) dst(%dma_wait3A_29 : memref<256x16xf32, #tpu.memory_space<hbm>>)
        tpu.yield
      }) : () -> ()
    } else {
    }
    %add3A_8 = arith.constant 32 : i32
    %add3A_9 = arith.addi %add3A, %add3A_8 : i32
    %lt3A = arith.constant 49 : i32
    %lt3A_10 = arith.cmpi slt, %add3A_9, %lt3A : i32
    %convert_element_type3A_11 = arith.extui %lt3A_10 : i1 to i32
    %cond3A_12 = arith.constant 0 : i32
    %cond3A_13 = arith.cmpi ne, %convert_element_type3A_11, %cond3A_12 : i32
    scf.if %cond3A_13 {
      %scan3A = arith.constant 0 : i32
      %scan3A_14 = arith.constant 0 : i32
      %scan3A_15 = arith.constant 256 : i32
      %scan3A_16 = arith.addi %scan3A_14, %scan3A_15 : i32
      %scan3A_17 = arith.constant 1 : i32
      %scan3A_18 = scf.for %scan3A_24 = %scan3A_14 to %scan3A_16 step %scan3A_17 iter_args(%scan3A_25 = %scan3A) -> (i32)  : i32 {
        %broadcast_in_dim3A_26 = vector.broadcast %scan3A_24 : i32 to vector<16xi32>
        %gather3A = tpu.vector_load_idx %arg6[%broadcast_in_dim3A_26] : memref<272xf32, #tpu.memory_space<vmem>>[vector<16xi32>], vector<16xf32>,
        %reduce_max3A = arith.constant true
        %reduce_max3A_27 = vector.broadcast %reduce_max3A : i1 to vector<16xi1>
        %reduce_max3A_28 = tpu.scan <max>, %gather3A masked %reduce_max3A_27 : vector<16xf32>, vector<16xi1> -> vector<16xf32>
        %reduce_max3A_29 = vector.extract %reduce_max3A_28[15] : f32 from vector<16xf32>
        %convert_element_type3A_30 = arith.fptosi %reduce_max3A_29 : f32 to i32
        %add3A_31 = arith.constant 1 : i32
        %add3A_32 = arith.addi %scan3A_24, %add3A_31 : i32
        %broadcast_in_dim3A_33 = vector.broadcast %add3A_32 : i32 to vector<16xi32>
        %gather3A_34 = tpu.vector_load_idx %arg6[%broadcast_in_dim3A_33] : memref<272xf32, #tpu.memory_space<vmem>>[vector<16xi32>], vector<16xf32>,
        %reduce_max3A_35 = arith.constant true
        %reduce_max3A_36 = vector.broadcast %reduce_max3A_35 : i1 to vector<16xi1>
        %reduce_max3A_37 = tpu.scan <max>, %gather3A_34 masked %reduce_max3A_36 : vector<16xf32>, vector<16xi1> -> vector<16xf32>
        %reduce_max3A_38 = vector.extract %reduce_max3A_37[15] : f32 from vector<16xf32>
        %convert_element_type3A_39 = arith.fptosi %reduce_max3A_38 : f32 to i32
        %sub3A = arith.subi %convert_element_type3A_39, %convert_element_type3A_30 : i32
        %add3A_40 = arith.constant 255 : i32
        %add3A_41 = arith.addi %sub3A, %add3A_40 : i32
        %jit3A = arith.constant 256 : i32
        %div3A = arith.divsi %add3A_41, %jit3A : i32
        %sign3A = arith.constant 0 : i32
        %sign3A_42 = arith.cmpi sgt, %add3A_41, %sign3A : i32
        %sign3A_43 = arith.extui %sign3A_42 : i1 to i32
        %sign3A_44 = arith.constant 0 : i32
        %sign3A_45 = arith.cmpi slt, %add3A_41, %sign3A_44 : i32
        %sign3A_46 = arith.extui %sign3A_45 : i1 to i32
        %sign3A_47 = arith.subi %sign3A_43, %sign3A_46 : i32
        %sign3A_48 = arith.constant 0 : i32
        %sign3A_49 = arith.cmpi sgt, %jit3A, %sign3A_48 : i32
        %sign3A_50 = arith.extui %sign3A_49 : i1 to i32
        %sign3A_51 = arith.constant 0 : i32
        %sign3A_52 = arith.cmpi slt, %jit3A, %sign3A_51 : i32
        %sign3A_53 = arith.extui %sign3A_52 : i1 to i32
        %sign3A_54 = arith.subi %sign3A_50, %sign3A_53 : i32
        %ne3A = arith.cmpi ne, %sign3A_47, %sign3A_54 : i32
        %rem3A = arith.remsi %add3A_41, %jit3A : i32
        %ne3A_55 = arith.constant 0 : i32
        %ne3A_56 = arith.cmpi ne, %rem3A, %ne3A_55 : i32
        %and3A = arith.andi %ne3A, %ne3A_56 : i1
        %sub3A_57 = arith.constant 1 : i32
        %sub3A_58 = arith.subi %div3A, %sub3A_57 : i32
        %select_n3A = arith.select %and3A, %sub3A_58, %div3A : i32
        %while3A = arith.constant 0 : i32
        %while3A_59 = arith.subi %select_n3A, %while3A : i32
        %while3A_60 = arith.addi %while3A, %while3A_59 : i32
        %while3A_61 = arith.constant 1 : i32
        %while3A_62 = arith.divsi %while3A_59, %while3A_61 : i32
        %while3A_63 = arith.muli %while3A_62, %while3A_61 : i32
        %while3A_64 = arith.addi %while3A, %while3A_63 : i32
        %while3A_65 = arith.constant 1 : i32
        %while3A_66:2 = scf.for %while3A_78 = %while3A to %while3A_64 step %while3A_65 iter_args(%while3A_79 = %broadcast_in_dim3A_1, %while3A_80 = %broadcast_in_dim3A_3) -> (vector<16xf32>, vector<16xf32>)  : i32 {
          %mul3A_81 = arith.constant 256 : i32
          %mul3A_82 = arith.muli %while3A_78, %mul3A_81 : i32
          %add3A_83 = arith.addi %convert_element_type3A_30, %mul3A_82 : i32
          %mul3A_84 = arith.constant 16 : i32
          %mul3A_85 = arith.muli %add3A_9, %mul3A_84 : i32
          "tpu.region"() ({
            %run_scoped3A = tpu.sem_alloc : memref<!tpu.dma_semaphore, #tpu.memory_space<semaphore_mem>>
            %dma_start3A = tpu.memref_slice %arg2[%add3A_83, %mul3A_85] : memref<51200x784xf32, #tpu.memory_space<hbm>> -> memref<256x16xf32, #tpu.memory_space<hbm>>
            %dma_start3A_92 = tpu.memref_slice %arg2[%add3A_83, %mul3A_85] : memref<51200x784xf32, #tpu.memory_space<hbm>> -> memref<256x16xf32, #tpu.memory_space<hbm>>
            tpu.enqueue_dma source(%dma_start3A_92 : memref<256x16xf32, #tpu.memory_space<hbm>>) target(%arg7 : memref<256x16xf32, #tpu.memory_space<vmem>>) target_semaphore(%run_scoped3A : memref<!tpu.dma_semaphore, #tpu.memory_space<semaphore_mem>>)
            %dma_wait3A = tpu.memref_slice %arg2[%add3A_83, %mul3A_85] : memref<51200x784xf32, #tpu.memory_space<hbm>> -> memref<256x16xf32, #tpu.memory_space<hbm>>
            %dma_wait3A_93 = tpu.memref_slice %arg2[%add3A_83, %mul3A_85] : memref<51200x784xf32, #tpu.memory_space<hbm>> -> memref<256x16xf32, #tpu.memory_space<hbm>>
            tpu.wait_dma2 semaphore(%run_scoped3A : memref<!tpu.dma_semaphore, #tpu.memory_space<semaphore_mem>>) src(%dma_wait3A_93 : memref<256x16xf32, #tpu.memory_space<hbm>>) dst(%arg7 : memref<256x16xf32, #tpu.memory_space<vmem>>)
            tpu.yield
          }) : () -> ()
          %scan3A_86 = arith.constant 0 : i32
          %scan3A_87 = arith.constant 256 : i32
          %scan3A_88 = arith.addi %scan3A_86, %scan3A_87 : i32
          %scan3A_89 = arith.constant 1 : i32
          %scan3A_90:2 = scf.for %scan3A_92 = %scan3A_86 to %scan3A_88 step %scan3A_89 iter_args(%scan3A_93 = %while3A_79, %scan3A_94 = %while3A_80) -> (vector<16xf32>, vector<16xf32>)  : i32 {
            %get3A = arith.index_cast %scan3A_92 : i32 to index
            %get3A_95 = arith.constant 0 : index
            %get3A_96 = tpu.vector_load %arg7[%get3A, %get3A_95] {strides = array<i32>} : memref<256x16xf32, #tpu.memory_space<vmem>>, vector<16xf32>,
            %add3A_97 = arith.addi %add3A_83, %scan3A_92 : i32
            %lt3A_98 = arith.cmpi slt, %add3A_97, %convert_element_type3A_39 : i32
            %max3A = arith.maximumf %scan3A_93, %get3A_96 : vector<16xf32>
            %select_n3A_99 = arith.select %lt3A_98, %max3A, %scan3A_93 : vector<16xf32>
            %add3A_100 = arith.addf %scan3A_94, %get3A_96 : vector<16xf32>
            %select_n3A_101 = arith.select %lt3A_98, %add3A_100, %scan3A_94 : vector<16xf32>
            scf.yield %select_n3A_99, %select_n3A_101 : vector<16xf32>, vector<16xf32>
          }
          %scan3A_91 = arith.constant 256 : i32
          scf.yield %scan3A_90#0, %scan3A_90#1 : vector<16xf32>, vector<16xf32>
        }
        %while3A_67 = arith.constant 1 : i32
        %while3A_68:2 = scf.for %while3A_78 = %while3A_64 to %while3A_60 step %while3A_67 iter_args(%while3A_79 = %while3A_66#0, %while3A_80 = %while3A_66#1) -> (vector<16xf32>, vector<16xf32>)  : i32 {
          %mul3A_81 = arith.constant 256 : i32
          %mul3A_82 = arith.muli %while3A_78, %mul3A_81 : i32
          %add3A_83 = arith.addi %convert_element_type3A_30, %mul3A_82 : i32
          %mul3A_84 = arith.constant 16 : i32
          %mul3A_85 = arith.muli %add3A_9, %mul3A_84 : i32
          "tpu.region"() ({
            %run_scoped3A = tpu.sem_alloc : memref<!tpu.dma_semaphore, #tpu.memory_space<semaphore_mem>>
            %dma_start3A = tpu.memref_slice %arg2[%add3A_83, %mul3A_85] : memref<51200x784xf32, #tpu.memory_space<hbm>> -> memref<256x16xf32, #tpu.memory_space<hbm>>
            %dma_start3A_92 = tpu.memref_slice %arg2[%add3A_83, %mul3A_85] : memref<51200x784xf32, #tpu.memory_space<hbm>> -> memref<256x16xf32, #tpu.memory_space<hbm>>
            tpu.enqueue_dma source(%dma_start3A_92 : memref<256x16xf32, #tpu.memory_space<hbm>>) target(%arg7 : memref<256x16xf32, #tpu.memory_space<vmem>>) target_semaphore(%run_scoped3A : memref<!tpu.dma_semaphore, #tpu.memory_space<semaphore_mem>>)
            %dma_wait3A = tpu.memref_slice %arg2[%add3A_83, %mul3A_85] : memref<51200x784xf32, #tpu.memory_space<hbm>> -> memref<256x16xf32, #tpu.memory_space<hbm>>
            %dma_wait3A_93 = tpu.memref_slice %arg2[%add3A_83, %mul3A_85] : memref<51200x784xf32, #tpu.memory_space<hbm>> -> memref<256x16xf32, #tpu.memory_space<hbm>>
            tpu.wait_dma2 semaphore(%run_scoped3A : memref<!tpu.dma_semaphore, #tpu.memory_space<semaphore_mem>>) src(%dma_wait3A_93 : memref<256x16xf32, #tpu.memory_space<hbm>>) dst(%arg7 : memref<256x16xf32, #tpu.memory_space<vmem>>)
            tpu.yield
          }) : () -> ()
          %scan3A_86 = arith.constant 0 : i32
          %scan3A_87 = arith.constant 256 : i32
          %scan3A_88 = arith.addi %scan3A_86, %scan3A_87 : i32
          %scan3A_89 = arith.constant 1 : i32
          %scan3A_90:2 = scf.for %scan3A_92 = %scan3A_86 to %scan3A_88 step %scan3A_89 iter_args(%scan3A_93 = %while3A_79, %scan3A_94 = %while3A_80) -> (vector<16xf32>, vector<16xf32>)  : i32 {
            %get3A = arith.index_cast %scan3A_92 : i32 to index
            %get3A_95 = arith.constant 0 : index
            %get3A_96 = tpu.vector_load %arg7[%get3A, %get3A_95] {strides = array<i32>} : memref<256x16xf32, #tpu.memory_space<vmem>>, vector<16xf32>,
            %add3A_97 = arith.addi %add3A_83, %scan3A_92 : i32
            %lt3A_98 = arith.cmpi slt, %add3A_97, %convert_element_type3A_39 : i32
            %max3A = arith.maximumf %scan3A_93, %get3A_96 : vector<16xf32>
            %select_n3A_99 = arith.select %lt3A_98, %max3A, %scan3A_93 : vector<16xf32>
            %add3A_100 = arith.addf %scan3A_94, %get3A_96 : vector<16xf32>
            %select_n3A_101 = arith.select %lt3A_98, %add3A_100, %scan3A_94 : vector<16xf32>
            scf.yield %select_n3A_99, %select_n3A_101 : vector<16xf32>, vector<16xf32>
          }
          %scan3A_91 = arith.constant 256 : i32
          scf.yield %scan3A_90#0, %scan3A_90#1 : vector<16xf32>, vector<16xf32>
        }
        %gt3A = arith.cmpi sgt, %convert_element_type3A_39, %convert_element_type3A_30 : i32
        %jit3A_69 = arith.constant 0.000000e+00 : f32
        %broadcast_in_dim3A_70 = vector.broadcast %jit3A_69 : f32 to vector<16xf32>
        %select_n3A_71 = arith.select %gt3A, %while3A_68#0, %broadcast_in_dim3A_70 : vector<16xf32>
        %swap3A = arith.index_cast %scan3A_24 : i32 to index
        %swap3A_72 = arith.constant 0 : index
        %swap3A_73 = tpu.vector_load %arg8[%swap3A, %swap3A_72] {strides = array<i32>} : memref<256x16xf32, #tpu.memory_space<vmem>>, vector<16xf32>,
        tpu.vector_store %arg8[%swap3A, %swap3A_72], %select_n3A_71 {strides = array<i32>} : memref<256x16xf32, #tpu.memory_space<vmem>>, vector<16xf32>,
        %swap3A_74 = arith.index_cast %scan3A_24 : i32 to index
        %swap3A_75 = arith.constant 0 : index
        %swap3A_76 = tpu.vector_load %arg9[%swap3A_74, %swap3A_75] {strides = array<i32>} : memref<256x16xf32, #tpu.memory_space<vmem>>, vector<16xf32>,
        tpu.vector_store %arg9[%swap3A_74, %swap3A_75], %while3A_68#1 {strides = array<i32>} : memref<256x16xf32, #tpu.memory_space<vmem>>, vector<16xf32>,
        %scan3A_77 = arith.constant 0 : i32
        scf.yield %scan3A_77 : i32
      }
      %scan3A_19 = arith.constant 256 : i32
      %mul3A_20 = arith.constant 16 : i32
      %mul3A_21 = arith.muli %add3A_9, %mul3A_20 : i32
      "tpu.region"() ({
        %run_scoped3A = tpu.sem_alloc : memref<!tpu.dma_semaphore, #tpu.memory_space<semaphore_mem>>
        %dma_start3A = arith.constant 0 : i32
        %dma_start3A_24 = tpu.memref_slice %arg4[%dma_start3A, %mul3A_21] : memref<256x784xf32, #tpu.memory_space<hbm>> -> memref<256x16xf32, #tpu.memory_space<hbm>>
        %dma_start3A_25 = arith.constant 0 : i32
        %dma_start3A_26 = tpu.memref_slice %arg4[%dma_start3A_25, %mul3A_21] : memref<256x784xf32, #tpu.memory_space<hbm>> -> memref<256x16xf32, #tpu.memory_space<hbm>>
        tpu.enqueue_dma source(%arg8 : memref<256x16xf32, #tpu.memory_space<vmem>>) target(%dma_start3A_26 : memref<256x16xf32, #tpu.memory_space<hbm>>) target_semaphore(%run_scoped3A : memref<!tpu.dma_semaphore, #tpu.memory_space<semaphore_mem>>)
        %dma_wait3A = arith.constant 0 : i32
        %dma_wait3A_27 = tpu.memref_slice %arg4[%dma_wait3A, %mul3A_21] : memref<256x784xf32, #tpu.memory_space<hbm>> -> memref<256x16xf32, #tpu.memory_space<hbm>>
        %dma_wait3A_28 = arith.constant 0 : i32
        %dma_wait3A_29 = tpu.memref_slice %arg4[%dma_wait3A_28, %mul3A_21] : memref<256x784xf32, #tpu.memory_space<hbm>> -> memref<256x16xf32, #tpu.memory_space<hbm>>
        tpu.wait_dma2 semaphore(%run_scoped3A : memref<!tpu.dma_semaphore, #tpu.memory_space<semaphore_mem>>) src(%arg8 : memref<256x16xf32, #tpu.memory_space<vmem>>) dst(%dma_wait3A_29 : memref<256x16xf32, #tpu.memory_space<hbm>>)
        tpu.yield
      }) : () -> ()
      %mul3A_22 = arith.constant 16 : i32
      %mul3A_23 = arith.muli %add3A_9, %mul3A_22 : i32
      "tpu.region"() ({
        %run_scoped3A = tpu.sem_alloc : memref<!tpu.dma_semaphore, #tpu.memory_space<semaphore_mem>>
        %dma_start3A = arith.constant 0 : i32
        %dma_start3A_24 = tpu.memref_slice %arg5[%dma_start3A, %mul3A_23] : memref<256x784xf32, #tpu.memory_space<hbm>> -> memref<256x16xf32, #tpu.memory_space<hbm>>
        %dma_start3A_25 = arith.constant 0 : i32
        %dma_start3A_26 = tpu.memref_slice %arg5[%dma_start3A_25, %mul3A_23] : memref<256x784xf32, #tpu.memory_space<hbm>> -> memref<256x16xf32, #tpu.memory_space<hbm>>
        tpu.enqueue_dma source(%arg9 : memref<256x16xf32, #tpu.memory_space<vmem>>) target(%dma_start3A_26 : memref<256x16xf32, #tpu.memory_space<hbm>>) target_semaphore(%run_scoped3A : memref<!tpu.dma_semaphore, #tpu.memory_space<semaphore_mem>>)
        %dma_wait3A = arith.constant 0 : i32
        %dma_wait3A_27 = tpu.memref_slice %arg5[%dma_wait3A, %mul3A_23] : memref<256x784xf32, #tpu.memory_space<hbm>> -> memref<256x16xf32, #tpu.memory_space<hbm>>
        %dma_wait3A_28 = arith.constant 0 : i32
        %dma_wait3A_29 = tpu.memref_slice %arg5[%dma_wait3A_28, %mul3A_23] : memref<256x784xf32, #tpu.memory_space<hbm>> -> memref<256x16xf32, #tpu.memory_space<hbm>>
        tpu.wait_dma2 semaphore(%run_scoped3A : memref<!tpu.dma_semaphore, #tpu.memory_space<semaphore_mem>>) src(%arg9 : memref<256x16xf32, #tpu.memory_space<vmem>>) dst(%dma_wait3A_29 : memref<256x16xf32, #tpu.memory_space<hbm>>)
        tpu.yield
      }) : () -> ()
    } else {
    }
    return
  }
}

module attributes {stable_mosaic.version = 14 : i64} {
  func.func @_prep_body(%arg0: i32, %arg1: memref<1024x128xf32, #tpu.memory_space<vmem>>, %arg2: memref<128x784xf32, #tpu.memory_space<vmem>>, %arg3: memref<784x16xf32, #tpu.memory_space<vmem>>, %arg4: memref<784x16xf32, #tpu.memory_space<vmem>>, %arg5: memref<1024x784xf32, #tpu.memory_space<vmem>>, %arg6: memref<1024x16xf32, #tpu.memory_space<vmem>>, %arg7: memref<1024x16xf32, #tpu.memory_space<vmem>>) attributes {dimension_semantics = [#tpu.dimension_semantics<arbitrary>], iteration_bounds = array<i64: 50>, scalar_prefetch = 0 : i64, scratch_operands = 0 : i64, tpu.core_type = #tpu.core_type<tc>, window_params = [{transform_indices = @transform_0, window_bounds = array<i64: 1024, 128>}, {pipeline_mode = #tpu.pipeline_mode<synchronous>, transform_indices = @transform_1, window_bounds = array<i64: 128, 784>}, {pipeline_mode = #tpu.pipeline_mode<synchronous>, transform_indices = @transform_2, window_bounds = array<i64: 784, 16>}, {pipeline_mode = #tpu.pipeline_mode<synchronous>, transform_indices = @transform_3, window_bounds = array<i64: 784, 16>}, {transform_indices = @transform_4, window_bounds = array<i64: 1024, 784>}, {transform_indices = @transform_5, window_bounds = array<i64: 1024, 16>}, {transform_indices = @transform_6, window_bounds = array<i64: 1024, 16>}]} {
    %get3A = arith.constant 0 : index
    %get3A_0 = arith.constant 0 : index
    %get3A_1 = vector.load %arg1[%get3A, %get3A_0] : memref<1024x128xf32, #tpu.memory_space<vmem>>, vector<1024x128xf32>
    %get3A_2 = arith.constant 0 : index
    %get3A_3 = arith.constant 0 : index
    %get3A_4 = vector.load %arg2[%get3A_2, %get3A_3] : memref<128x784xf32, #tpu.memory_space<vmem>>, vector<128x784xf32>
    %dot_general3A = arith.constant dense<0.000000e+00> : vector<1024x784xf32>
    %dot_general3A_5 = tpu.matmul %get3A_1, %get3A_4, %dot_general3A {dimension_numbers = #tpu.dot_dimension_numbers<[1], [0], [0], [1], [0, 0, 1, 1], [], []>, transpose_lhs_hint = false} : vector<1024x128xf32>, vector<128x784xf32>, vector<1024x784xf32> -> vector<1024x784xf32>
    %swap3A = arith.constant 0 : index
    %swap3A_6 = arith.constant 0 : index
    %swap3A_7 = vector.load %arg5[%swap3A, %swap3A_6] : memref<1024x784xf32, #tpu.memory_space<vmem>>, vector<1024x784xf32>
    tpu.vector_store %arg5[%swap3A, %swap3A_6], %dot_general3A_5 {strides = array<i32>} : memref<1024x784xf32, #tpu.memory_space<vmem>>, vector<1024x784xf32>,
    %get3A_8 = arith.constant 0 : index
    %get3A_9 = arith.constant 0 : index
    %get3A_10 = vector.load %arg3[%get3A_8, %get3A_9] : memref<784x16xf32, #tpu.memory_space<vmem>>, vector<784x16xf32>
    %dot_general3A_11 = arith.constant dense<0.000000e+00> : vector<1024x16xf32>
    %dot_general3A_12 = tpu.matmul %dot_general3A_5, %get3A_10, %dot_general3A_11 {dimension_numbers = #tpu.dot_dimension_numbers<[1], [0], [0], [1], [0, 0, 1, 1], [], []>, transpose_lhs_hint = false} : vector<1024x784xf32>, vector<784x16xf32>, vector<1024x16xf32> -> vector<1024x16xf32>
    %swap3A_13 = arith.constant 0 : index
    %swap3A_14 = arith.constant 0 : index
    %swap3A_15 = vector.load %arg6[%swap3A_13, %swap3A_14] : memref<1024x16xf32, #tpu.memory_space<vmem>>, vector<1024x16xf32>
    tpu.vector_store %arg6[%swap3A_13, %swap3A_14], %dot_general3A_12 {strides = array<i32>} : memref<1024x16xf32, #tpu.memory_space<vmem>>, vector<1024x16xf32>,
    %get3A_16 = arith.constant 0 : index
    %get3A_17 = arith.constant 0 : index
    %get3A_18 = vector.load %arg4[%get3A_16, %get3A_17] : memref<784x16xf32, #tpu.memory_space<vmem>>, vector<784x16xf32>
    %dot_general3A_19 = arith.constant dense<0.000000e+00> : vector<1024x16xf32>
    %dot_general3A_20 = tpu.matmul %dot_general3A_5, %get3A_18, %dot_general3A_19 {dimension_numbers = #tpu.dot_dimension_numbers<[1], [0], [0], [1], [0, 0, 1, 1], [], []>, transpose_lhs_hint = false} : vector<1024x784xf32>, vector<784x16xf32>, vector<1024x16xf32> -> vector<1024x16xf32>
    %swap3A_21 = arith.constant 0 : index
    %swap3A_22 = arith.constant 0 : index
    %swap3A_23 = vector.load %arg7[%swap3A_21, %swap3A_22] : memref<1024x16xf32, #tpu.memory_space<vmem>>, vector<1024x16xf32>
    tpu.vector_store %arg7[%swap3A_21, %swap3A_22], %dot_general3A_20 {strides = array<i32>} : memref<1024x16xf32, #tpu.memory_space<vmem>>, vector<1024x16xf32>,
    return
  }
  func.func @transform_0(%arg0: i32) -> (i32, i32) {
    %c0_i32 = arith.constant 0 : i32
    %c0_i32_0 = arith.constant 0 : i32
    return %arg0, %c0_i32 : i32, i32
  }
  func.func @transform_1(%arg0: i32) -> (i32, i32) {
    %c0_i32 = arith.constant 0 : i32
    %c0_i32_0 = arith.constant 0 : i32
    %c0_i32_1 = arith.constant 0 : i32
    return %c0_i32, %c0_i32_0 : i32, i32
  }
  func.func @transform_2(%arg0: i32) -> (i32, i32) {
    %c0_i32 = arith.constant 0 : i32
    %c0_i32_0 = arith.constant 0 : i32
    %c0_i32_1 = arith.constant 0 : i32
    return %c0_i32, %c0_i32_0 : i32, i32
  }
  func.func @transform_3(%arg0: i32) -> (i32, i32) {
    %c0_i32 = arith.constant 0 : i32
    %c0_i32_0 = arith.constant 0 : i32
    %c0_i32_1 = arith.constant 0 : i32
    return %c0_i32, %c0_i32_0 : i32, i32
  }
  func.func @transform_4(%arg0: i32) -> (i32, i32) {
    %c0_i32 = arith.constant 0 : i32
    %c0_i32_0 = arith.constant 0 : i32
    return %arg0, %c0_i32 : i32, i32
  }
  func.func @transform_5(%arg0: i32) -> (i32, i32) {
    %c0_i32 = arith.constant 0 : i32
    %c0_i32_0 = arith.constant 0 : i32
    return %arg0, %c0_i32 : i32, i32
  }
  func.func @transform_6(%arg0: i32) -> (i32, i32) {
    %c0_i32 = arith.constant 0 : i32
    %c0_i32_0 = arith.constant 0 : i32
    return %arg0, %c0_i32 : i32, i32
  }
}

module attributes {stable_mosaic.version = 14 : i64} {
  func.func @_gcn_body(%arg0: i32, %arg1: memref<1024x784xf32, #tpu.memory_space<vmem>>, %arg2: memref<1024x16xf32, #tpu.memory_space<vmem>>, %arg3: memref<16x784xf32, #tpu.memory_space<vmem>>, %arg4: memref<1x784xf32, #tpu.memory_space<vmem>>, %arg5: memref<784x784xf32, #tpu.memory_space<vmem>>, %arg6: memref<1024x784xf32, #tpu.memory_space<vmem>>) attributes {dimension_semantics = [#tpu.dimension_semantics<arbitrary>], iteration_bounds = array<i64: 50>, scalar_prefetch = 0 : i64, scratch_operands = 0 : i64, tpu.core_type = #tpu.core_type<tc>, window_params = [{transform_indices = @transform_0, window_bounds = array<i64: 1024, 784>}, {transform_indices = @transform_1, window_bounds = array<i64: 1024, 16>}, {pipeline_mode = #tpu.pipeline_mode<synchronous>, transform_indices = @transform_2, window_bounds = array<i64: 16, 784>}, {pipeline_mode = #tpu.pipeline_mode<synchronous>, transform_indices = @transform_3, window_bounds = array<i64: 1, 784>}, {pipeline_mode = #tpu.pipeline_mode<synchronous>, transform_indices = @transform_4, window_bounds = array<i64: 784, 784>}, {transform_indices = @transform_5, window_bounds = array<i64: 1024, 784>}]} {
    %get3A = arith.constant 0 : index
    %get3A_0 = arith.constant 0 : index
    %get3A_1 = vector.load %arg2[%get3A, %get3A_0] : memref<1024x16xf32, #tpu.memory_space<vmem>>, vector<1024x16xf32>
    %add3A = arith.constant 1.000000e-16 : f32
    %add3A_2 = vector.broadcast %add3A : f32 to vector<1024x16xf32>
    %add3A_3 = arith.addf %get3A_1, %add3A_2 : vector<1024x16xf32>
    %div3A = arith.constant 1.000000e+00 : f32
    %div3A_4 = vector.broadcast %div3A : f32 to vector<1024x16xf32>
    %div3A_5 = arith.divf %div3A_4, %add3A_3 : vector<1024x16xf32>
    %get3A_6 = arith.constant 0 : index
    %get3A_7 = arith.constant 0 : index
    %get3A_8 = vector.load %arg3[%get3A_6, %get3A_7] : memref<16x784xf32, #tpu.memory_space<vmem>>, vector<16x784xf32>
    %dot_general3A = arith.constant dense<0.000000e+00> : vector<1024x784xf32>
    %dot_general3A_9 = tpu.matmul %div3A_5, %get3A_8, %dot_general3A {dimension_numbers = #tpu.dot_dimension_numbers<[1], [0], [0], [1], [0, 0, 1, 1], [], []>, transpose_lhs_hint = false} : vector<1024x16xf32>, vector<16x784xf32>, vector<1024x784xf32> -> vector<1024x784xf32>
    %get3A_10 = arith.constant 0 : index
    %get3A_11 = arith.constant 0 : index
    %get3A_12 = vector.load %arg1[%get3A_10, %get3A_11] : memref<1024x784xf32, #tpu.memory_space<vmem>>, vector<1024x784xf32>
    %mul3A = arith.mulf %get3A_12, %dot_general3A_9 : vector<1024x784xf32>
    %get3A_13 = arith.constant 0 : index
    %get3A_14 = arith.constant 0 : index
    %get3A_15 = vector.load %arg4[%get3A_13, %get3A_14] : memref<1x784xf32, #tpu.memory_space<vmem>>, vector<1x784xf32>
    %add3A_16 = vector.broadcast %get3A_15 : vector<1x784xf32> to vector<1024x784xf32>
    %add3A_17 = arith.addf %mul3A, %add3A_16 : vector<1024x784xf32>
    %max3A = arith.constant 0.000000e+00 : f32
    %max3A_18 = vector.broadcast %max3A : f32 to vector<1024x784xf32>
    %max3A_19 = arith.maximumf %add3A_17, %max3A_18 : vector<1024x784xf32>
    %get3A_20 = arith.constant 0 : index
    %get3A_21 = arith.constant 0 : index
    %get3A_22 = vector.load %arg5[%get3A_20, %get3A_21] : memref<784x784xf32, #tpu.memory_space<vmem>>, vector<784x784xf32>
    %dot_general3A_23 = arith.constant dense<0.000000e+00> : vector<1024x784xf32>
    %dot_general3A_24 = tpu.matmul %max3A_19, %get3A_22, %dot_general3A_23 {dimension_numbers = #tpu.dot_dimension_numbers<[1], [0], [0], [1], [0, 0, 1, 1], [], []>, transpose_lhs_hint = false} : vector<1024x784xf32>, vector<784x784xf32>, vector<1024x784xf32> -> vector<1024x784xf32>
    %slice3A = vector.extract_strided_slice %get3A_1 {offsets = [0, 10], sizes = [1024, 1], strides = [1, 1]} : vector<1024x16xf32> to vector<1024x1xf32>
    %max3A_25 = arith.constant 1.000000e+00 : f32
    %max3A_26 = vector.broadcast %max3A_25 : f32 to vector<1024x1xf32>
    %max3A_27 = arith.maximumf %slice3A, %max3A_26 : vector<1024x1xf32>
    %rsqrt3A = math.rsqrt %max3A_27 : vector<1024x1xf32>
    %mul3A_28 = vector.broadcast %rsqrt3A : vector<1024x1xf32> to vector<1024x784xf32>
    %mul3A_29 = arith.mulf %dot_general3A_24, %mul3A_28 : vector<1024x784xf32>
    %swap3A = arith.constant 0 : index
    %swap3A_30 = arith.constant 0 : index
    %swap3A_31 = vector.load %arg6[%swap3A, %swap3A_30] : memref<1024x784xf32, #tpu.memory_space<vmem>>, vector<1024x784xf32>
    tpu.vector_store %arg6[%swap3A, %swap3A_30], %mul3A_29 {strides = array<i32>} : memref<1024x784xf32, #tpu.memory_space<vmem>>, vector<1024x784xf32>,
    return
  }
  func.func @transform_0(%arg0: i32) -> (i32, i32) {
    %c0_i32 = arith.constant 0 : i32
    %c0_i32_0 = arith.constant 0 : i32
    return %arg0, %c0_i32 : i32, i32
  }
  func.func @transform_1(%arg0: i32) -> (i32, i32) {
    %c0_i32 = arith.constant 0 : i32
    %c0_i32_0 = arith.constant 0 : i32
    return %arg0, %c0_i32 : i32, i32
  }
  func.func @transform_2(%arg0: i32) -> (i32, i32) {
    %c0_i32 = arith.constant 0 : i32
    %c0_i32_0 = arith.constant 0 : i32
    %c0_i32_1 = arith.constant 0 : i32
    return %c0_i32, %c0_i32_0 : i32, i32
  }
  func.func @transform_3(%arg0: i32) -> (i32, i32) {
    %c0_i32 = arith.constant 0 : i32
    %c0_i32_0 = arith.constant 0 : i32
    %c0_i32_1 = arith.constant 0 : i32
    return %c0_i32, %c0_i32_0 : i32, i32
  }
  func.func @transform_4(%arg0: i32) -> (i32, i32) {
    %c0_i32 = arith.constant 0 : i32
    %c0_i32_0 = arith.constant 0 : i32
    %c0_i32_1 = arith.constant 0 : i32
    return %c0_i32, %c0_i32_0 : i32, i32
  }
  func.func @transform_5(%arg0: i32) -> (i32, i32) {
    %c0_i32 = arith.constant 0 : i32
    %c0_i32_0 = arith.constant 0 : i32
    return %arg0, %c0_i32 : i32, i32
  }
}

module attributes {stable_mosaic.version = 14 : i64} {
  func.func @_xg2_body(%arg0: i32, %arg1: memref<1024x784xf32, #tpu.memory_space<vmem>>, %arg2: memref<1024x16xf32, #tpu.memory_space<vmem>>, %arg3: memref<1x784xf32, #tpu.memory_space<vmem>>, %arg4: memref<1024x1xi32, #tpu.memory_space<vmem>>, %arg5: memref<1024x784xf32, #tpu.memory_space<vmem>>, %arg6: memref<1x384xf32, #tpu.memory_space<vmem>>) attributes {dimension_semantics = [#tpu.dimension_semantics<arbitrary>], iteration_bounds = array<i64: 50>, scalar_prefetch = 0 : i64, scratch_operands = 0 : i64, tpu.core_type = #tpu.core_type<tc>, window_params = [{transform_indices = @transform_0, window_bounds = array<i64: 1024, 784>}, {transform_indices = @transform_1, window_bounds = array<i64: 1024, 16>}, {pipeline_mode = #tpu.pipeline_mode<synchronous>, transform_indices = @transform_2, window_bounds = array<i64: 1, 784>}, {transform_indices = @transform_3, window_bounds = array<i64: 1024, 1>}, {transform_indices = @transform_4, window_bounds = array<i64: 1024, 784>}, {pipeline_mode = #tpu.pipeline_mode<synchronous>, transform_indices = @transform_5, window_bounds = array<i64: 1, 384>}]} {
    %get3A = arith.constant 0 : index
    %get3A_0 = arith.constant 10 : index
    %get3A_1 = vector.load %arg2[%get3A, %get3A_0] : memref<1024x16xf32, #tpu.memory_space<vmem>>, vector<1024x1xf32>
    %max3A = arith.constant 1.000000e+00 : f32
    %max3A_2 = vector.broadcast %max3A : f32 to vector<1024x1xf32>
    %max3A_3 = arith.maximumf %get3A_1, %max3A_2 : vector<1024x1xf32>
    %rsqrt3A = math.rsqrt %max3A_3 : vector<1024x1xf32>
    %get3A_4 = arith.constant 0 : index
    %get3A_5 = arith.constant 0 : index
    %get3A_6 = vector.load %arg1[%get3A_4, %get3A_5] : memref<1024x784xf32, #tpu.memory_space<vmem>>, vector<1024x784xf32>
    %mul3A = vector.broadcast %rsqrt3A : vector<1024x1xf32> to vector<1024x784xf32>
    %mul3A_7 = arith.mulf %get3A_6, %mul3A : vector<1024x784xf32>
    %get3A_8 = arith.constant 0 : index
    %get3A_9 = arith.constant 0 : index
    %get3A_10 = vector.load %arg3[%get3A_8, %get3A_9] : memref<1x784xf32, #tpu.memory_space<vmem>>, vector<1x784xf32>
    %add3A = vector.broadcast %get3A_10 : vector<1x784xf32> to vector<1024x784xf32>
    %add3A_11 = arith.addf %mul3A_7, %add3A : vector<1024x784xf32>
    %max3A_12 = arith.constant 0.000000e+00 : f32
    %max3A_13 = vector.broadcast %max3A_12 : f32 to vector<1024x784xf32>
    %max3A_14 = arith.maximumf %add3A_11, %max3A_13 : vector<1024x784xf32>
    %swap3A = arith.constant 0 : index
    %swap3A_15 = arith.constant 0 : index
    %swap3A_16 = vector.load %arg5[%swap3A, %swap3A_15] : memref<1024x784xf32, #tpu.memory_space<vmem>>, vector<1024x784xf32>
    tpu.vector_store %arg5[%swap3A, %swap3A_15], %max3A_14 {strides = array<i32>} : memref<1024x784xf32, #tpu.memory_space<vmem>>, vector<1024x784xf32>,
    %iota3A = tpu.iota {dimensions = array<i32: 1>} : vector<1x384xi32>
    %get3A_17 = arith.constant 0 : index
    %get3A_18 = arith.constant 0 : index
    %get3A_19 = vector.load %arg4[%get3A_17, %get3A_18] : memref<1024x1xi32, #tpu.memory_space<vmem>>, vector<1024x1xi32>
    %lt3A = vector.broadcast %get3A_19 : vector<1024x1xi32> to vector<1024x384xi32>
    %lt3A_20 = vector.broadcast %iota3A : vector<1x384xi32> to vector<1024x384xi32>
    %lt3A_21 = arith.cmpi slt, %lt3A, %lt3A_20 : vector<1024x384xi32>
    %convert_element_type3A = arith.extui %lt3A_21 : vector<1024x384xi1> to vector<1024x384xi32>
    %convert_element_type3A_22 = arith.sitofp %convert_element_type3A : vector<1024x384xi32> to vector<1024x384xf32>
    %reduce_sum3A = arith.constant dense<0.000000e+00> : vector<384xf32>
    %reduce_sum3A_23 = vector.multi_reduction <add>, %convert_element_type3A_22, %reduce_sum3A [0] : vector<1024x384xf32> to vector<384xf32>
    %broadcast_in_dim3A = vector.shape_cast %reduce_sum3A_23 : vector<384xf32> to vector<1x384xf32>
    %eq3A = arith.constant 0 : i32
    %eq3A_24 = arith.cmpi eq, %arg0, %eq3A : i32
    %convert_element_type3A_25 = arith.extui %eq3A_24 : i1 to i32
    %cond3A = arith.constant 0 : i32
    %cond3A_26 = arith.cmpi ne, %convert_element_type3A_25, %cond3A : i32
    scf.if %cond3A_26 {
      %broadcast_in_dim3A_34 = arith.constant 0.000000e+00 : f32
      %broadcast_in_dim3A_35 = vector.broadcast %broadcast_in_dim3A_34 : f32 to vector<1x384xf32>
      %swap3A_36 = arith.constant 0 : index
      %swap3A_37 = arith.constant 0 : index
      %swap3A_38 = vector.load %arg6[%swap3A_36, %swap3A_37] : memref<1x384xf32, #tpu.memory_space<vmem>>, vector<1x384xf32>
      tpu.vector_store %arg6[%swap3A_36, %swap3A_37], %broadcast_in_dim3A_35 {strides = array<i32>} : memref<1x384xf32, #tpu.memory_space<vmem>>, vector<1x384xf32>,
    } else {
    }
    %get3A_27 = arith.constant 0 : index
    %get3A_28 = arith.constant 0 : index
    %get3A_29 = vector.load %arg6[%get3A_27, %get3A_28] : memref<1x384xf32, #tpu.memory_space<vmem>>, vector<1x384xf32>
    %add3A_30 = arith.addf %get3A_29, %broadcast_in_dim3A : vector<1x384xf32>
    %swap3A_31 = arith.constant 0 : index
    %swap3A_32 = arith.constant 0 : index
    %swap3A_33 = vector.load %arg6[%swap3A_31, %swap3A_32] : memref<1x384xf32, #tpu.memory_space<vmem>>, vector<1x384xf32>
    tpu.vector_store %arg6[%swap3A_31, %swap3A_32], %add3A_30 {strides = array<i32>} : memref<1x384xf32, #tpu.memory_space<vmem>>, vector<1x384xf32>,
    return
  }
  func.func @transform_0(%arg0: i32) -> (i32, i32) {
    %c0_i32 = arith.constant 0 : i32
    %c0_i32_0 = arith.constant 0 : i32
    return %arg0, %c0_i32 : i32, i32
  }
  func.func @transform_1(%arg0: i32) -> (i32, i32) {
    %c0_i32 = arith.constant 0 : i32
    %c0_i32_0 = arith.constant 0 : i32
    return %arg0, %c0_i32 : i32, i32
  }
  func.func @transform_2(%arg0: i32) -> (i32, i32) {
    %c0_i32 = arith.constant 0 : i32
    %c0_i32_0 = arith.constant 0 : i32
    %c0_i32_1 = arith.constant 0 : i32
    return %c0_i32, %c0_i32_0 : i32, i32
  }
  func.func @transform_3(%arg0: i32) -> (i32, i32) {
    %c0_i32 = arith.constant 0 : i32
    %c0_i32_0 = arith.constant 0 : i32
    return %arg0, %c0_i32 : i32, i32
  }
  func.func @transform_4(%arg0: i32) -> (i32, i32) {
    %c0_i32 = arith.constant 0 : i32
    %c0_i32_0 = arith.constant 0 : i32
    return %arg0, %c0_i32 : i32, i32
  }
  func.func @transform_5(%arg0: i32) -> (i32, i32) {
    %c0_i32 = arith.constant 0 : i32
    %c0_i32_0 = arith.constant 0 : i32
    %c0_i32_1 = arith.constant 0 : i32
    return %c0_i32, %c0_i32_0 : i32, i32
  }
}

module attributes {stable_mosaic.version = 14 : i64} {
  func.func @_conv_body(%arg0: i32, %arg1: memref<8x1000xi32, #tpu.memory_space<vmem>>, %arg2: memref<100x26xf32, #tpu.memory_space<vmem>>, %arg3: memref<1000x256xf32, #tpu.memory_space<vmem>>, %arg4: memref<1x32xf32, #tpu.memory_space<vmem>>, %arg5: memref<8x93x32xf32, #tpu.memory_space<vmem>>) attributes {dimension_semantics = [#tpu.dimension_semantics<arbitrary>], iteration_bounds = array<i64: 32>, scalar_prefetch = 0 : i64, scratch_operands = 0 : i64, tpu.core_type = #tpu.core_type<tc>, window_params = [{transform_indices = @transform_0, window_bounds = array<i64: 8, 1000>}, {pipeline_mode = #tpu.pipeline_mode<synchronous>, transform_indices = @transform_1, window_bounds = array<i64: 100, 26>}, {pipeline_mode = #tpu.pipeline_mode<synchronous>, transform_indices = @transform_2, window_bounds = array<i64: 1000, 256>}, {pipeline_mode = #tpu.pipeline_mode<synchronous>, transform_indices = @transform_3, window_bounds = array<i64: 1, 32>}, {transform_indices = @transform_4, window_bounds = array<i64: 8, 93, 32>}]} {
    %get3A = arith.constant 0 : index
    %get3A_0 = arith.constant 0 : index
    %get3A_1 = vector.load %arg2[%get3A, %get3A_0] : memref<100x26xf32, #tpu.memory_space<vmem>>, vector<100x26xf32>
    %get3A_2 = arith.constant 0 : index
    %get3A_3 = arith.constant 0 : index
    %get3A_4 = vector.load %arg3[%get3A_2, %get3A_3] : memref<1000x256xf32, #tpu.memory_space<vmem>>, vector<1000x256xf32>
    %iota3A = tpu.iota {dimensions = array<i32: 0>} : vector<26x1000xi32>
    %get3A_5 = arith.constant 0 : index
    %get3A_6 = arith.constant 0 : index
    %get3A_7 = vector.load %arg1[%get3A_5, %get3A_6] : memref<8x1000xi32, #tpu.memory_space<vmem>>, vector<1x1000xi32>
    %get3A_8 = vector.shape_cast %get3A_7 : vector<1x1000xi32> to vector<1000xi32>
    %broadcast_in_dim3A = vector.shape_cast %get3A_8 : vector<1000xi32> to vector<1x1000xi32>
    %eq3A = vector.broadcast %broadcast_in_dim3A : vector<1x1000xi32> to vector<26x1000xi32>
    %eq3A_9 = arith.cmpi eq, %iota3A, %eq3A : vector<26x1000xi32>
    %convert_element_type3A = arith.extui %eq3A_9 : vector<26x1000xi1> to vector<26x1000xi32>
    %convert_element_type3A_10 = arith.sitofp %convert_element_type3A : vector<26x1000xi32> to vector<26x1000xf32>
    %dot_general3A = arith.constant dense<0.000000e+00> : vector<26x256xf32>
    %dot_general3A_11 = tpu.matmul %convert_element_type3A_10, %get3A_4, %dot_general3A {dimension_numbers = #tpu.dot_dimension_numbers<[1], [0], [0], [1], [0, 0, 1, 1], [], []>, transpose_lhs_hint = false} : vector<26x1000xf32>, vector<1000x256xf32>, vector<26x256xf32> -> vector<26x256xf32>
    %dot_general3A_12 = arith.constant dense<0.000000e+00> : vector<100x256xf32>
    %dot_general3A_13 = tpu.matmul %get3A_1, %dot_general3A_11, %dot_general3A_12 {dimension_numbers = #tpu.dot_dimension_numbers<[1], [0], [0], [1], [0, 0, 1, 1], [], []>, transpose_lhs_hint = false} : vector<100x26xf32>, vector<26x256xf32>, vector<100x256xf32> -> vector<100x256xf32>
    %broadcast_in_dim3A_14 = arith.constant 0.000000e+00 : f32
    %broadcast_in_dim3A_15 = vector.broadcast %broadcast_in_dim3A_14 : f32 to vector<93x32xf32>
    %slice3A = vector.extract_strided_slice %dot_general3A_13 {offsets = [0, 0], sizes = [93, 32], strides = [1, 1]} : vector<100x256xf32> to vector<93x32xf32>
    %add3A = arith.addf %broadcast_in_dim3A_15, %slice3A : vector<93x32xf32>
    %slice3A_16 = vector.extract_strided_slice %dot_general3A_13 {offsets = [1, 32], sizes = [93, 32], strides = [1, 1]} : vector<100x256xf32> to vector<93x32xf32>
    %add3A_17 = arith.addf %add3A, %slice3A_16 : vector<93x32xf32>
    %slice3A_18 = vector.extract_strided_slice %dot_general3A_13 {offsets = [2, 64], sizes = [93, 32], strides = [1, 1]} : vector<100x256xf32> to vector<93x32xf32>
    %add3A_19 = arith.addf %add3A_17, %slice3A_18 : vector<93x32xf32>
    %slice3A_20 = vector.extract_strided_slice %dot_general3A_13 {offsets = [3, 96], sizes = [93, 32], strides = [1, 1]} : vector<100x256xf32> to vector<93x32xf32>
    %add3A_21 = arith.addf %add3A_19, %slice3A_20 : vector<93x32xf32>
    %slice3A_22 = vector.extract_strided_slice %dot_general3A_13 {offsets = [4, 128], sizes = [93, 32], strides = [1, 1]} : vector<100x256xf32> to vector<93x32xf32>
    %add3A_23 = arith.addf %add3A_21, %slice3A_22 : vector<93x32xf32>
    %slice3A_24 = vector.extract_strided_slice %dot_general3A_13 {offsets = [5, 160], sizes = [93, 32], strides = [1, 1]} : vector<100x256xf32> to vector<93x32xf32>
    %add3A_25 = arith.addf %add3A_23, %slice3A_24 : vector<93x32xf32>
    %slice3A_26 = vector.extract_strided_slice %dot_general3A_13 {offsets = [6, 192], sizes = [93, 32], strides = [1, 1]} : vector<100x256xf32> to vector<93x32xf32>
    %add3A_27 = arith.addf %add3A_25, %slice3A_26 : vector<93x32xf32>
    %slice3A_28 = vector.extract_strided_slice %dot_general3A_13 {offsets = [7, 224], sizes = [93, 32], strides = [1, 1]} : vector<100x256xf32> to vector<93x32xf32>
    %add3A_29 = arith.addf %add3A_27, %slice3A_28 : vector<93x32xf32>
    %get3A_30 = arith.constant 0 : index
    %get3A_31 = arith.constant 0 : index
    %get3A_32 = vector.load %arg4[%get3A_30, %get3A_31] : memref<1x32xf32, #tpu.memory_space<vmem>>, vector<1x32xf32>
    %add3A_33 = vector.broadcast %get3A_32 : vector<1x32xf32> to vector<93x32xf32>
    %add3A_34 = arith.addf %add3A_29, %add3A_33 : vector<93x32xf32>
    %swap3A = arith.constant 0 : index
    %swap3A_35 = arith.constant 0 : index
    %swap3A_36 = arith.constant 0 : index
    %swap3A_37 = vector.load %arg5[%swap3A, %swap3A_35, %swap3A_36] : memref<8x93x32xf32, #tpu.memory_space<vmem>>, vector<1x93x32xf32>
    %swap3A_38 = vector.shape_cast %swap3A_37 : vector<1x93x32xf32> to vector<93x32xf32>
    %swap3A_39 = vector.shape_cast %add3A_34 : vector<93x32xf32> to vector<1x93x32xf32>
    tpu.vector_store %arg5[%swap3A, %swap3A_35, %swap3A_36], %swap3A_39 {strides = array<i32>} : memref<8x93x32xf32, #tpu.memory_space<vmem>>, vector<1x93x32xf32>,
    %get3A_40 = arith.constant 1 : index
    %get3A_41 = arith.constant 0 : index
    %get3A_42 = vector.load %arg1[%get3A_40, %get3A_41] : memref<8x1000xi32, #tpu.memory_space<vmem>>, vector<1x1000xi32>
    %get3A_43 = vector.shape_cast %get3A_42 : vector<1x1000xi32> to vector<1000xi32>
    %broadcast_in_dim3A_44 = vector.shape_cast %get3A_43 : vector<1000xi32> to vector<1x1000xi32>
    %eq3A_45 = vector.broadcast %broadcast_in_dim3A_44 : vector<1x1000xi32> to vector<26x1000xi32>
    %eq3A_46 = arith.cmpi eq, %iota3A, %eq3A_45 : vector<26x1000xi32>
    %convert_element_type3A_47 = arith.extui %eq3A_46 : vector<26x1000xi1> to vector<26x1000xi32>
    %convert_element_type3A_48 = arith.sitofp %convert_element_type3A_47 : vector<26x1000xi32> to vector<26x1000xf32>
    %dot_general3A_49 = arith.constant dense<0.000000e+00> : vector<26x256xf32>
    %dot_general3A_50 = tpu.matmul %convert_element_type3A_48, %get3A_4, %dot_general3A_49 {dimension_numbers = #tpu.dot_dimension_numbers<[1], [0], [0], [1], [0, 0, 1, 1], [], []>, transpose_lhs_hint = false} : vector<26x1000xf32>, vector<1000x256xf32>, vector<26x256xf32> -> vector<26x256xf32>
    %dot_general3A_51 = arith.constant dense<0.000000e+00> : vector<100x256xf32>
    %dot_general3A_52 = tpu.matmul %get3A_1, %dot_general3A_50, %dot_general3A_51 {dimension_numbers = #tpu.dot_dimension_numbers<[1], [0], [0], [1], [0, 0, 1, 1], [], []>, transpose_lhs_hint = false} : vector<100x26xf32>, vector<26x256xf32>, vector<100x256xf32> -> vector<100x256xf32>
    %broadcast_in_dim3A_53 = arith.constant 0.000000e+00 : f32
    %broadcast_in_dim3A_54 = vector.broadcast %broadcast_in_dim3A_53 : f32 to vector<93x32xf32>
    %slice3A_55 = vector.extract_strided_slice %dot_general3A_52 {offsets = [0, 0], sizes = [93, 32], strides = [1, 1]} : vector<100x256xf32> to vector<93x32xf32>
    %add3A_56 = arith.addf %broadcast_in_dim3A_54, %slice3A_55 : vector<93x32xf32>
    %slice3A_57 = vector.extract_strided_slice %dot_general3A_52 {offsets = [1, 32], sizes = [93, 32], strides = [1, 1]} : vector<100x256xf32> to vector<93x32xf32>
    %add3A_58 = arith.addf %add3A_56, %slice3A_57 : vector<93x32xf32>
    %slice3A_59 = vector.extract_strided_slice %dot_general3A_52 {offsets = [2, 64], sizes = [93, 32], strides = [1, 1]} : vector<100x256xf32> to vector<93x32xf32>
    %add3A_60 = arith.addf %add3A_58, %slice3A_59 : vector<93x32xf32>
    %slice3A_61 = vector.extract_strided_slice %dot_general3A_52 {offsets = [3, 96], sizes = [93, 32], strides = [1, 1]} : vector<100x256xf32> to vector<93x32xf32>
    %add3A_62 = arith.addf %add3A_60, %slice3A_61 : vector<93x32xf32>
    %slice3A_63 = vector.extract_strided_slice %dot_general3A_52 {offsets = [4, 128], sizes = [93, 32], strides = [1, 1]} : vector<100x256xf32> to vector<93x32xf32>
    %add3A_64 = arith.addf %add3A_62, %slice3A_63 : vector<93x32xf32>
    %slice3A_65 = vector.extract_strided_slice %dot_general3A_52 {offsets = [5, 160], sizes = [93, 32], strides = [1, 1]} : vector<100x256xf32> to vector<93x32xf32>
    %add3A_66 = arith.addf %add3A_64, %slice3A_65 : vector<93x32xf32>
    %slice3A_67 = vector.extract_strided_slice %dot_general3A_52 {offsets = [6, 192], sizes = [93, 32], strides = [1, 1]} : vector<100x256xf32> to vector<93x32xf32>
    %add3A_68 = arith.addf %add3A_66, %slice3A_67 : vector<93x32xf32>
    %slice3A_69 = vector.extract_strided_slice %dot_general3A_52 {offsets = [7, 224], sizes = [93, 32], strides = [1, 1]} : vector<100x256xf32> to vector<93x32xf32>
    %add3A_70 = arith.addf %add3A_68, %slice3A_69 : vector<93x32xf32>
    %get3A_71 = arith.constant 0 : index
    %get3A_72 = arith.constant 0 : index
    %get3A_73 = vector.load %arg4[%get3A_71, %get3A_72] : memref<1x32xf32, #tpu.memory_space<vmem>>, vector<1x32xf32>
    %add3A_74 = vector.broadcast %get3A_73 : vector<1x32xf32> to vector<93x32xf32>
    %add3A_75 = arith.addf %add3A_70, %add3A_74 : vector<93x32xf32>
    %swap3A_76 = arith.constant 1 : index
    %swap3A_77 = arith.constant 0 : index
    %swap3A_78 = arith.constant 0 : index
    %swap3A_79 = vector.load %arg5[%swap3A_76, %swap3A_77, %swap3A_78] : memref<8x93x32xf32, #tpu.memory_space<vmem>>, vector<1x93x32xf32>
    %swap3A_80 = vector.shape_cast %swap3A_79 : vector<1x93x32xf32> to vector<93x32xf32>
    %swap3A_81 = vector.shape_cast %add3A_75 : vector<93x32xf32> to vector<1x93x32xf32>
    tpu.vector_store %arg5[%swap3A_76, %swap3A_77, %swap3A_78], %swap3A_81 {strides = array<i32>} : memref<8x93x32xf32, #tpu.memory_space<vmem>>, vector<1x93x32xf32>,
    %get3A_82 = arith.constant 2 : index
    %get3A_83 = arith.constant 0 : index
    %get3A_84 = vector.load %arg1[%get3A_82, %get3A_83] : memref<8x1000xi32, #tpu.memory_space<vmem>>, vector<1x1000xi32>
    %get3A_85 = vector.shape_cast %get3A_84 : vector<1x1000xi32> to vector<1000xi32>
    %broadcast_in_dim3A_86 = vector.shape_cast %get3A_85 : vector<1000xi32> to vector<1x1000xi32>
    %eq3A_87 = vector.broadcast %broadcast_in_dim3A_86 : vector<1x1000xi32> to vector<26x1000xi32>
    %eq3A_88 = arith.cmpi eq, %iota3A, %eq3A_87 : vector<26x1000xi32>
    %convert_element_type3A_89 = arith.extui %eq3A_88 : vector<26x1000xi1> to vector<26x1000xi32>
    %convert_element_type3A_90 = arith.sitofp %convert_element_type3A_89 : vector<26x1000xi32> to vector<26x1000xf32>
    %dot_general3A_91 = arith.constant dense<0.000000e+00> : vector<26x256xf32>
    %dot_general3A_92 = tpu.matmul %convert_element_type3A_90, %get3A_4, %dot_general3A_91 {dimension_numbers = #tpu.dot_dimension_numbers<[1], [0], [0], [1], [0, 0, 1, 1], [], []>, transpose_lhs_hint = false} : vector<26x1000xf32>, vector<1000x256xf32>, vector<26x256xf32> -> vector<26x256xf32>
    %dot_general3A_93 = arith.constant dense<0.000000e+00> : vector<100x256xf32>
    %dot_general3A_94 = tpu.matmul %get3A_1, %dot_general3A_92, %dot_general3A_93 {dimension_numbers = #tpu.dot_dimension_numbers<[1], [0], [0], [1], [0, 0, 1, 1], [], []>, transpose_lhs_hint = false} : vector<100x26xf32>, vector<26x256xf32>, vector<100x256xf32> -> vector<100x256xf32>
    %broadcast_in_dim3A_95 = arith.constant 0.000000e+00 : f32
    %broadcast_in_dim3A_96 = vector.broadcast %broadcast_in_dim3A_95 : f32 to vector<93x32xf32>
    %slice3A_97 = vector.extract_strided_slice %dot_general3A_94 {offsets = [0, 0], sizes = [93, 32], strides = [1, 1]} : vector<100x256xf32> to vector<93x32xf32>
    %add3A_98 = arith.addf %broadcast_in_dim3A_96, %slice3A_97 : vector<93x32xf32>
    %slice3A_99 = vector.extract_strided_slice %dot_general3A_94 {offsets = [1, 32], sizes = [93, 32], strides = [1, 1]} : vector<100x256xf32> to vector<93x32xf32>
    %add3A_100 = arith.addf %add3A_98, %slice3A_99 : vector<93x32xf32>
    %slice3A_101 = vector.extract_strided_slice %dot_general3A_94 {offsets = [2, 64], sizes = [93, 32], strides = [1, 1]} : vector<100x256xf32> to vector<93x32xf32>
    %add3A_102 = arith.addf %add3A_100, %slice3A_101 : vector<93x32xf32>
    %slice3A_103 = vector.extract_strided_slice %dot_general3A_94 {offsets = [3, 96], sizes = [93, 32], strides = [1, 1]} : vector<100x256xf32> to vector<93x32xf32>
    %add3A_104 = arith.addf %add3A_102, %slice3A_103 : vector<93x32xf32>
    %slice3A_105 = vector.extract_strided_slice %dot_general3A_94 {offsets = [4, 128], sizes = [93, 32], strides = [1, 1]} : vector<100x256xf32> to vector<93x32xf32>
    %add3A_106 = arith.addf %add3A_104, %slice3A_105 : vector<93x32xf32>
    %slice3A_107 = vector.extract_strided_slice %dot_general3A_94 {offsets = [5, 160], sizes = [93, 32], strides = [1, 1]} : vector<100x256xf32> to vector<93x32xf32>
    %add3A_108 = arith.addf %add3A_106, %slice3A_107 : vector<93x32xf32>
    %slice3A_109 = vector.extract_strided_slice %dot_general3A_94 {offsets = [6, 192], sizes = [93, 32], strides = [1, 1]} : vector<100x256xf32> to vector<93x32xf32>
    %add3A_110 = arith.addf %add3A_108, %slice3A_109 : vector<93x32xf32>
    %slice3A_111 = vector.extract_strided_slice %dot_general3A_94 {offsets = [7, 224], sizes = [93, 32], strides = [1, 1]} : vector<100x256xf32> to vector<93x32xf32>
    %add3A_112 = arith.addf %add3A_110, %slice3A_111 : vector<93x32xf32>
    %get3A_113 = arith.constant 0 : index
    %get3A_114 = arith.constant 0 : index
    %get3A_115 = vector.load %arg4[%get3A_113, %get3A_114] : memref<1x32xf32, #tpu.memory_space<vmem>>, vector<1x32xf32>
    %add3A_116 = vector.broadcast %get3A_115 : vector<1x32xf32> to vector<93x32xf32>
    %add3A_117 = arith.addf %add3A_112, %add3A_116 : vector<93x32xf32>
    %swap3A_118 = arith.constant 2 : index
    %swap3A_119 = arith.constant 0 : index
    %swap3A_120 = arith.constant 0 : index
    %swap3A_121 = vector.load %arg5[%swap3A_118, %swap3A_119, %swap3A_120] : memref<8x93x32xf32, #tpu.memory_space<vmem>>, vector<1x93x32xf32>
    %swap3A_122 = vector.shape_cast %swap3A_121 : vector<1x93x32xf32> to vector<93x32xf32>
    %swap3A_123 = vector.shape_cast %add3A_117 : vector<93x32xf32> to vector<1x93x32xf32>
    tpu.vector_store %arg5[%swap3A_118, %swap3A_119, %swap3A_120], %swap3A_123 {strides = array<i32>} : memref<8x93x32xf32, #tpu.memory_space<vmem>>, vector<1x93x32xf32>,
    %get3A_124 = arith.constant 3 : index
    %get3A_125 = arith.constant 0 : index
    %get3A_126 = vector.load %arg1[%get3A_124, %get3A_125] : memref<8x1000xi32, #tpu.memory_space<vmem>>, vector<1x1000xi32>
    %get3A_127 = vector.shape_cast %get3A_126 : vector<1x1000xi32> to vector<1000xi32>
    %broadcast_in_dim3A_128 = vector.shape_cast %get3A_127 : vector<1000xi32> to vector<1x1000xi32>
    %eq3A_129 = vector.broadcast %broadcast_in_dim3A_128 : vector<1x1000xi32> to vector<26x1000xi32>
    %eq3A_130 = arith.cmpi eq, %iota3A, %eq3A_129 : vector<26x1000xi32>
    %convert_element_type3A_131 = arith.extui %eq3A_130 : vector<26x1000xi1> to vector<26x1000xi32>
    %convert_element_type3A_132 = arith.sitofp %convert_element_type3A_131 : vector<26x1000xi32> to vector<26x1000xf32>
    %dot_general3A_133 = arith.constant dense<0.000000e+00> : vector<26x256xf32>
    %dot_general3A_134 = tpu.matmul %convert_element_type3A_132, %get3A_4, %dot_general3A_133 {dimension_numbers = #tpu.dot_dimension_numbers<[1], [0], [0], [1], [0, 0, 1, 1], [], []>, transpose_lhs_hint = false} : vector<26x1000xf32>, vector<1000x256xf32>, vector<26x256xf32> -> vector<26x256xf32>
    %dot_general3A_135 = arith.constant dense<0.000000e+00> : vector<100x256xf32>
    %dot_general3A_136 = tpu.matmul %get3A_1, %dot_general3A_134, %dot_general3A_135 {dimension_numbers = #tpu.dot_dimension_numbers<[1], [0], [0], [1], [0, 0, 1, 1], [], []>, transpose_lhs_hint = false} : vector<100x26xf32>, vector<26x256xf32>, vector<100x256xf32> -> vector<100x256xf32>
    %broadcast_in_dim3A_137 = arith.constant 0.000000e+00 : f32
    %broadcast_in_dim3A_138 = vector.broadcast %broadcast_in_dim3A_137 : f32 to vector<93x32xf32>
    %slice3A_139 = vector.extract_strided_slice %dot_general3A_136 {offsets = [0, 0], sizes = [93, 32], strides = [1, 1]} : vector<100x256xf32> to vector<93x32xf32>
    %add3A_140 = arith.addf %broadcast_in_dim3A_138, %slice3A_139 : vector<93x32xf32>
    %slice3A_141 = vector.extract_strided_slice %dot_general3A_136 {offsets = [1, 32], sizes = [93, 32], strides = [1, 1]} : vector<100x256xf32> to vector<93x32xf32>
    %add3A_142 = arith.addf %add3A_140, %slice3A_141 : vector<93x32xf32>
    %slice3A_143 = vector.extract_strided_slice %dot_general3A_136 {offsets = [2, 64], sizes = [93, 32], strides = [1, 1]} : vector<100x256xf32> to vector<93x32xf32>
    %add3A_144 = arith.addf %add3A_142, %slice3A_143 : vector<93x32xf32>
    %slice3A_145 = vector.extract_strided_slice %dot_general3A_136 {offsets = [3, 96], sizes = [93, 32], strides = [1, 1]} : vector<100x256xf32> to vector<93x32xf32>
    %add3A_146 = arith.addf %add3A_144, %slice3A_145 : vector<93x32xf32>
    %slice3A_147 = vector.extract_strided_slice %dot_general3A_136 {offsets = [4, 128], sizes = [93, 32], strides = [1, 1]} : vector<100x256xf32> to vector<93x32xf32>
    %add3A_148 = arith.addf %add3A_146, %slice3A_147 : vector<93x32xf32>
    %slice3A_149 = vector.extract_strided_slice %dot_general3A_136 {offsets = [5, 160], sizes = [93, 32], strides = [1, 1]} : vector<100x256xf32> to vector<93x32xf32>
    %add3A_150 = arith.addf %add3A_148, %slice3A_149 : vector<93x32xf32>
    %slice3A_151 = vector.extract_strided_slice %dot_general3A_136 {offsets = [6, 192], sizes = [93, 32], strides = [1, 1]} : vector<100x256xf32> to vector<93x32xf32>
    %add3A_152 = arith.addf %add3A_150, %slice3A_151 : vector<93x32xf32>
    %slice3A_153 = vector.extract_strided_slice %dot_general3A_136 {offsets = [7, 224], sizes = [93, 32], strides = [1, 1]} : vector<100x256xf32> to vector<93x32xf32>
    %add3A_154 = arith.addf %add3A_152, %slice3A_153 : vector<93x32xf32>
    %get3A_155 = arith.constant 0 : index
    %get3A_156 = arith.constant 0 : index
    %get3A_157 = vector.load %arg4[%get3A_155, %get3A_156] : memref<1x32xf32, #tpu.memory_space<vmem>>, vector<1x32xf32>
    %add3A_158 = vector.broadcast %get3A_157 : vector<1x32xf32> to vector<93x32xf32>
    %add3A_159 = arith.addf %add3A_154, %add3A_158 : vector<93x32xf32>
    %swap3A_160 = arith.constant 3 : index
    %swap3A_161 = arith.constant 0 : index
    %swap3A_162 = arith.constant 0 : index
    %swap3A_163 = vector.load %arg5[%swap3A_160, %swap3A_161, %swap3A_162] : memref<8x93x32xf32, #tpu.memory_space<vmem>>, vector<1x93x32xf32>
    %swap3A_164 = vector.shape_cast %swap3A_163 : vector<1x93x32xf32> to vector<93x32xf32>
    %swap3A_165 = vector.shape_cast %add3A_159 : vector<93x32xf32> to vector<1x93x32xf32>
    tpu.vector_store %arg5[%swap3A_160, %swap3A_161, %swap3A_162], %swap3A_165 {strides = array<i32>} : memref<8x93x32xf32, #tpu.memory_space<vmem>>, vector<1x93x32xf32>,
    %get3A_166 = arith.constant 4 : index
    %get3A_167 = arith.constant 0 : index
    %get3A_168 = vector.load %arg1[%get3A_166, %get3A_167] : memref<8x1000xi32, #tpu.memory_space<vmem>>, vector<1x1000xi32>
    %get3A_169 = vector.shape_cast %get3A_168 : vector<1x1000xi32> to vector<1000xi32>
    %broadcast_in_dim3A_170 = vector.shape_cast %get3A_169 : vector<1000xi32> to vector<1x1000xi32>
    %eq3A_171 = vector.broadcast %broadcast_in_dim3A_170 : vector<1x1000xi32> to vector<26x1000xi32>
    %eq3A_172 = arith.cmpi eq, %iota3A, %eq3A_171 : vector<26x1000xi32>
    %convert_element_type3A_173 = arith.extui %eq3A_172 : vector<26x1000xi1> to vector<26x1000xi32>
    %convert_element_type3A_174 = arith.sitofp %convert_element_type3A_173 : vector<26x1000xi32> to vector<26x1000xf32>
    %dot_general3A_175 = arith.constant dense<0.000000e+00> : vector<26x256xf32>
    %dot_general3A_176 = tpu.matmul %convert_element_type3A_174, %get3A_4, %dot_general3A_175 {dimension_numbers = #tpu.dot_dimension_numbers<[1], [0], [0], [1], [0, 0, 1, 1], [], []>, transpose_lhs_hint = false} : vector<26x1000xf32>, vector<1000x256xf32>, vector<26x256xf32> -> vector<26x256xf32>
    %dot_general3A_177 = arith.constant dense<0.000000e+00> : vector<100x256xf32>
    %dot_general3A_178 = tpu.matmul %get3A_1, %dot_general3A_176, %dot_general3A_177 {dimension_numbers = #tpu.dot_dimension_numbers<[1], [0], [0], [1], [0, 0, 1, 1], [], []>, transpose_lhs_hint = false} : vector<100x26xf32>, vector<26x256xf32>, vector<100x256xf32> -> vector<100x256xf32>
    %broadcast_in_dim3A_179 = arith.constant 0.000000e+00 : f32
    %broadcast_in_dim3A_180 = vector.broadcast %broadcast_in_dim3A_179 : f32 to vector<93x32xf32>
    %slice3A_181 = vector.extract_strided_slice %dot_general3A_178 {offsets = [0, 0], sizes = [93, 32], strides = [1, 1]} : vector<100x256xf32> to vector<93x32xf32>
    %add3A_182 = arith.addf %broadcast_in_dim3A_180, %slice3A_181 : vector<93x32xf32>
    %slice3A_183 = vector.extract_strided_slice %dot_general3A_178 {offsets = [1, 32], sizes = [93, 32], strides = [1, 1]} : vector<100x256xf32> to vector<93x32xf32>
    %add3A_184 = arith.addf %add3A_182, %slice3A_183 : vector<93x32xf32>
    %slice3A_185 = vector.extract_strided_slice %dot_general3A_178 {offsets = [2, 64], sizes = [93, 32], strides = [1, 1]} : vector<100x256xf32> to vector<93x32xf32>
    %add3A_186 = arith.addf %add3A_184, %slice3A_185 : vector<93x32xf32>
    %slice3A_187 = vector.extract_strided_slice %dot_general3A_178 {offsets = [3, 96], sizes = [93, 32], strides = [1, 1]} : vector<100x256xf32> to vector<93x32xf32>
    %add3A_188 = arith.addf %add3A_186, %slice3A_187 : vector<93x32xf32>
    %slice3A_189 = vector.extract_strided_slice %dot_general3A_178 {offsets = [4, 128], sizes = [93, 32], strides = [1, 1]} : vector<100x256xf32> to vector<93x32xf32>
    %add3A_190 = arith.addf %add3A_188, %slice3A_189 : vector<93x32xf32>
    %slice3A_191 = vector.extract_strided_slice %dot_general3A_178 {offsets = [5, 160], sizes = [93, 32], strides = [1, 1]} : vector<100x256xf32> to vector<93x32xf32>
    %add3A_192 = arith.addf %add3A_190, %slice3A_191 : vector<93x32xf32>
    %slice3A_193 = vector.extract_strided_slice %dot_general3A_178 {offsets = [6, 192], sizes = [93, 32], strides = [1, 1]} : vector<100x256xf32> to vector<93x32xf32>
    %add3A_194 = arith.addf %add3A_192, %slice3A_193 : vector<93x32xf32>
    %slice3A_195 = vector.extract_strided_slice %dot_general3A_178 {offsets = [7, 224], sizes = [93, 32], strides = [1, 1]} : vector<100x256xf32> to vector<93x32xf32>
    %add3A_196 = arith.addf %add3A_194, %slice3A_195 : vector<93x32xf32>
    %get3A_197 = arith.constant 0 : index
    %get3A_198 = arith.constant 0 : index
    %get3A_199 = vector.load %arg4[%get3A_197, %get3A_198] : memref<1x32xf32, #tpu.memory_space<vmem>>, vector<1x32xf32>
    %add3A_200 = vector.broadcast %get3A_199 : vector<1x32xf32> to vector<93x32xf32>
    %add3A_201 = arith.addf %add3A_196, %add3A_200 : vector<93x32xf32>
    %swap3A_202 = arith.constant 4 : index
    %swap3A_203 = arith.constant 0 : index
    %swap3A_204 = arith.constant 0 : index
    %swap3A_205 = vector.load %arg5[%swap3A_202, %swap3A_203, %swap3A_204] : memref<8x93x32xf32, #tpu.memory_space<vmem>>, vector<1x93x32xf32>
    %swap3A_206 = vector.shape_cast %swap3A_205 : vector<1x93x32xf32> to vector<93x32xf32>
    %swap3A_207 = vector.shape_cast %add3A_201 : vector<93x32xf32> to vector<1x93x32xf32>
    tpu.vector_store %arg5[%swap3A_202, %swap3A_203, %swap3A_204], %swap3A_207 {strides = array<i32>} : memref<8x93x32xf32, #tpu.memory_space<vmem>>, vector<1x93x32xf32>,
    %get3A_208 = arith.constant 5 : index
    %get3A_209 = arith.constant 0 : index
    %get3A_210 = vector.load %arg1[%get3A_208, %get3A_209] : memref<8x1000xi32, #tpu.memory_space<vmem>>, vector<1x1000xi32>
    %get3A_211 = vector.shape_cast %get3A_210 : vector<1x1000xi32> to vector<1000xi32>
    %broadcast_in_dim3A_212 = vector.shape_cast %get3A_211 : vector<1000xi32> to vector<1x1000xi32>
    %eq3A_213 = vector.broadcast %broadcast_in_dim3A_212 : vector<1x1000xi32> to vector<26x1000xi32>
    %eq3A_214 = arith.cmpi eq, %iota3A, %eq3A_213 : vector<26x1000xi32>
    %convert_element_type3A_215 = arith.extui %eq3A_214 : vector<26x1000xi1> to vector<26x1000xi32>
    %convert_element_type3A_216 = arith.sitofp %convert_element_type3A_215 : vector<26x1000xi32> to vector<26x1000xf32>
    %dot_general3A_217 = arith.constant dense<0.000000e+00> : vector<26x256xf32>
    %dot_general3A_218 = tpu.matmul %convert_element_type3A_216, %get3A_4, %dot_general3A_217 {dimension_numbers = #tpu.dot_dimension_numbers<[1], [0], [0], [1], [0, 0, 1, 1], [], []>, transpose_lhs_hint = false} : vector<26x1000xf32>, vector<1000x256xf32>, vector<26x256xf32> -> vector<26x256xf32>
    %dot_general3A_219 = arith.constant dense<0.000000e+00> : vector<100x256xf32>
    %dot_general3A_220 = tpu.matmul %get3A_1, %dot_general3A_218, %dot_general3A_219 {dimension_numbers = #tpu.dot_dimension_numbers<[1], [0], [0], [1], [0, 0, 1, 1], [], []>, transpose_lhs_hint = false} : vector<100x26xf32>, vector<26x256xf32>, vector<100x256xf32> -> vector<100x256xf32>
    %broadcast_in_dim3A_221 = arith.constant 0.000000e+00 : f32
    %broadcast_in_dim3A_222 = vector.broadcast %broadcast_in_dim3A_221 : f32 to vector<93x32xf32>
    %slice3A_223 = vector.extract_strided_slice %dot_general3A_220 {offsets = [0, 0], sizes = [93, 32], strides = [1, 1]} : vector<100x256xf32> to vector<93x32xf32>
    %add3A_224 = arith.addf %broadcast_in_dim3A_222, %slice3A_223 : vector<93x32xf32>
    %slice3A_225 = vector.extract_strided_slice %dot_general3A_220 {offsets = [1, 32], sizes = [93, 32], strides = [1, 1]} : vector<100x256xf32> to vector<93x32xf32>
    %add3A_226 = arith.addf %add3A_224, %slice3A_225 : vector<93x32xf32>
    %slice3A_227 = vector.extract_strided_slice %dot_general3A_220 {offsets = [2, 64], sizes = [93, 32], strides = [1, 1]} : vector<100x256xf32> to vector<93x32xf32>
    %add3A_228 = arith.addf %add3A_226, %slice3A_227 : vector<93x32xf32>
    %slice3A_229 = vector.extract_strided_slice %dot_general3A_220 {offsets = [3, 96], sizes = [93, 32], strides = [1, 1]} : vector<100x256xf32> to vector<93x32xf32>
    %add3A_230 = arith.addf %add3A_228, %slice3A_229 : vector<93x32xf32>
    %slice3A_231 = vector.extract_strided_slice %dot_general3A_220 {offsets = [4, 128], sizes = [93, 32], strides = [1, 1]} : vector<100x256xf32> to vector<93x32xf32>
    %add3A_232 = arith.addf %add3A_230, %slice3A_231 : vector<93x32xf32>
    %slice3A_233 = vector.extract_strided_slice %dot_general3A_220 {offsets = [5, 160], sizes = [93, 32], strides = [1, 1]} : vector<100x256xf32> to vector<93x32xf32>
    %add3A_234 = arith.addf %add3A_232, %slice3A_233 : vector<93x32xf32>
    %slice3A_235 = vector.extract_strided_slice %dot_general3A_220 {offsets = [6, 192], sizes = [93, 32], strides = [1, 1]} : vector<100x256xf32> to vector<93x32xf32>
    %add3A_236 = arith.addf %add3A_234, %slice3A_235 : vector<93x32xf32>
    %slice3A_237 = vector.extract_strided_slice %dot_general3A_220 {offsets = [7, 224], sizes = [93, 32], strides = [1, 1]} : vector<100x256xf32> to vector<93x32xf32>
    %add3A_238 = arith.addf %add3A_236, %slice3A_237 : vector<93x32xf32>
    %get3A_239 = arith.constant 0 : index
    %get3A_240 = arith.constant 0 : index
    %get3A_241 = vector.load %arg4[%get3A_239, %get3A_240] : memref<1x32xf32, #tpu.memory_space<vmem>>, vector<1x32xf32>
    %add3A_242 = vector.broadcast %get3A_241 : vector<1x32xf32> to vector<93x32xf32>
    %add3A_243 = arith.addf %add3A_238, %add3A_242 : vector<93x32xf32>
    %swap3A_244 = arith.constant 5 : index
    %swap3A_245 = arith.constant 0 : index
    %swap3A_246 = arith.constant 0 : index
    %swap3A_247 = vector.load %arg5[%swap3A_244, %swap3A_245, %swap3A_246] : memref<8x93x32xf32, #tpu.memory_space<vmem>>, vector<1x93x32xf32>
    %swap3A_248 = vector.shape_cast %swap3A_247 : vector<1x93x32xf32> to vector<93x32xf32>
    %swap3A_249 = vector.shape_cast %add3A_243 : vector<93x32xf32> to vector<1x93x32xf32>
    tpu.vector_store %arg5[%swap3A_244, %swap3A_245, %swap3A_246], %swap3A_249 {strides = array<i32>} : memref<8x93x32xf32, #tpu.memory_space<vmem>>, vector<1x93x32xf32>,
    %get3A_250 = arith.constant 6 : index
    %get3A_251 = arith.constant 0 : index
    %get3A_252 = vector.load %arg1[%get3A_250, %get3A_251] : memref<8x1000xi32, #tpu.memory_space<vmem>>, vector<1x1000xi32>
    %get3A_253 = vector.shape_cast %get3A_252 : vector<1x1000xi32> to vector<1000xi32>
    %broadcast_in_dim3A_254 = vector.shape_cast %get3A_253 : vector<1000xi32> to vector<1x1000xi32>
    %eq3A_255 = vector.broadcast %broadcast_in_dim3A_254 : vector<1x1000xi32> to vector<26x1000xi32>
    %eq3A_256 = arith.cmpi eq, %iota3A, %eq3A_255 : vector<26x1000xi32>
    %convert_element_type3A_257 = arith.extui %eq3A_256 : vector<26x1000xi1> to vector<26x1000xi32>
    %convert_element_type3A_258 = arith.sitofp %convert_element_type3A_257 : vector<26x1000xi32> to vector<26x1000xf32>
    %dot_general3A_259 = arith.constant dense<0.000000e+00> : vector<26x256xf32>
    %dot_general3A_260 = tpu.matmul %convert_element_type3A_258, %get3A_4, %dot_general3A_259 {dimension_numbers = #tpu.dot_dimension_numbers<[1], [0], [0], [1], [0, 0, 1, 1], [], []>, transpose_lhs_hint = false} : vector<26x1000xf32>, vector<1000x256xf32>, vector<26x256xf32> -> vector<26x256xf32>
    %dot_general3A_261 = arith.constant dense<0.000000e+00> : vector<100x256xf32>
    %dot_general3A_262 = tpu.matmul %get3A_1, %dot_general3A_260, %dot_general3A_261 {dimension_numbers = #tpu.dot_dimension_numbers<[1], [0], [0], [1], [0, 0, 1, 1], [], []>, transpose_lhs_hint = false} : vector<100x26xf32>, vector<26x256xf32>, vector<100x256xf32> -> vector<100x256xf32>
    %broadcast_in_dim3A_263 = arith.constant 0.000000e+00 : f32
    %broadcast_in_dim3A_264 = vector.broadcast %broadcast_in_dim3A_263 : f32 to vector<93x32xf32>
    %slice3A_265 = vector.extract_strided_slice %dot_general3A_262 {offsets = [0, 0], sizes = [93, 32], strides = [1, 1]} : vector<100x256xf32> to vector<93x32xf32>
    %add3A_266 = arith.addf %broadcast_in_dim3A_264, %slice3A_265 : vector<93x32xf32>
    %slice3A_267 = vector.extract_strided_slice %dot_general3A_262 {offsets = [1, 32], sizes = [93, 32], strides = [1, 1]} : vector<100x256xf32> to vector<93x32xf32>
    %add3A_268 = arith.addf %add3A_266, %slice3A_267 : vector<93x32xf32>
    %slice3A_269 = vector.extract_strided_slice %dot_general3A_262 {offsets = [2, 64], sizes = [93, 32], strides = [1, 1]} : vector<100x256xf32> to vector<93x32xf32>
    %add3A_270 = arith.addf %add3A_268, %slice3A_269 : vector<93x32xf32>
    %slice3A_271 = vector.extract_strided_slice %dot_general3A_262 {offsets = [3, 96], sizes = [93, 32], strides = [1, 1]} : vector<100x256xf32> to vector<93x32xf32>
    %add3A_272 = arith.addf %add3A_270, %slice3A_271 : vector<93x32xf32>
    %slice3A_273 = vector.extract_strided_slice %dot_general3A_262 {offsets = [4, 128], sizes = [93, 32], strides = [1, 1]} : vector<100x256xf32> to vector<93x32xf32>
    %add3A_274 = arith.addf %add3A_272, %slice3A_273 : vector<93x32xf32>
    %slice3A_275 = vector.extract_strided_slice %dot_general3A_262 {offsets = [5, 160], sizes = [93, 32], strides = [1, 1]} : vector<100x256xf32> to vector<93x32xf32>
    %add3A_276 = arith.addf %add3A_274, %slice3A_275 : vector<93x32xf32>
    %slice3A_277 = vector.extract_strided_slice %dot_general3A_262 {offsets = [6, 192], sizes = [93, 32], strides = [1, 1]} : vector<100x256xf32> to vector<93x32xf32>
    %add3A_278 = arith.addf %add3A_276, %slice3A_277 : vector<93x32xf32>
    %slice3A_279 = vector.extract_strided_slice %dot_general3A_262 {offsets = [7, 224], sizes = [93, 32], strides = [1, 1]} : vector<100x256xf32> to vector<93x32xf32>
    %add3A_280 = arith.addf %add3A_278, %slice3A_279 : vector<93x32xf32>
    %get3A_281 = arith.constant 0 : index
    %get3A_282 = arith.constant 0 : index
    %get3A_283 = vector.load %arg4[%get3A_281, %get3A_282] : memref<1x32xf32, #tpu.memory_space<vmem>>, vector<1x32xf32>
    %add3A_284 = vector.broadcast %get3A_283 : vector<1x32xf32> to vector<93x32xf32>
    %add3A_285 = arith.addf %add3A_280, %add3A_284 : vector<93x32xf32>
    %swap3A_286 = arith.constant 6 : index
    %swap3A_287 = arith.constant 0 : index
    %swap3A_288 = arith.constant 0 : index
    %swap3A_289 = vector.load %arg5[%swap3A_286, %swap3A_287, %swap3A_288] : memref<8x93x32xf32, #tpu.memory_space<vmem>>, vector<1x93x32xf32>
    %swap3A_290 = vector.shape_cast %swap3A_289 : vector<1x93x32xf32> to vector<93x32xf32>
    %swap3A_291 = vector.shape_cast %add3A_285 : vector<93x32xf32> to vector<1x93x32xf32>
    tpu.vector_store %arg5[%swap3A_286, %swap3A_287, %swap3A_288], %swap3A_291 {strides = array<i32>} : memref<8x93x32xf32, #tpu.memory_space<vmem>>, vector<1x93x32xf32>,
    %get3A_292 = arith.constant 7 : index
    %get3A_293 = arith.constant 0 : index
    %get3A_294 = vector.load %arg1[%get3A_292, %get3A_293] : memref<8x1000xi32, #tpu.memory_space<vmem>>, vector<1x1000xi32>
    %get3A_295 = vector.shape_cast %get3A_294 : vector<1x1000xi32> to vector<1000xi32>
    %broadcast_in_dim3A_296 = vector.shape_cast %get3A_295 : vector<1000xi32> to vector<1x1000xi32>
    %eq3A_297 = vector.broadcast %broadcast_in_dim3A_296 : vector<1x1000xi32> to vector<26x1000xi32>
    %eq3A_298 = arith.cmpi eq, %iota3A, %eq3A_297 : vector<26x1000xi32>
    %convert_element_type3A_299 = arith.extui %eq3A_298 : vector<26x1000xi1> to vector<26x1000xi32>
    %convert_element_type3A_300 = arith.sitofp %convert_element_type3A_299 : vector<26x1000xi32> to vector<26x1000xf32>
    %dot_general3A_301 = arith.constant dense<0.000000e+00> : vector<26x256xf32>
    %dot_general3A_302 = tpu.matmul %convert_element_type3A_300, %get3A_4, %dot_general3A_301 {dimension_numbers = #tpu.dot_dimension_numbers<[1], [0], [0], [1], [0, 0, 1, 1], [], []>, transpose_lhs_hint = false} : vector<26x1000xf32>, vector<1000x256xf32>, vector<26x256xf32> -> vector<26x256xf32>
    %dot_general3A_303 = arith.constant dense<0.000000e+00> : vector<100x256xf32>
    %dot_general3A_304 = tpu.matmul %get3A_1, %dot_general3A_302, %dot_general3A_303 {dimension_numbers = #tpu.dot_dimension_numbers<[1], [0], [0], [1], [0, 0, 1, 1], [], []>, transpose_lhs_hint = false} : vector<100x26xf32>, vector<26x256xf32>, vector<100x256xf32> -> vector<100x256xf32>
    %broadcast_in_dim3A_305 = arith.constant 0.000000e+00 : f32
    %broadcast_in_dim3A_306 = vector.broadcast %broadcast_in_dim3A_305 : f32 to vector<93x32xf32>
    %slice3A_307 = vector.extract_strided_slice %dot_general3A_304 {offsets = [0, 0], sizes = [93, 32], strides = [1, 1]} : vector<100x256xf32> to vector<93x32xf32>
    %add3A_308 = arith.addf %broadcast_in_dim3A_306, %slice3A_307 : vector<93x32xf32>
    %slice3A_309 = vector.extract_strided_slice %dot_general3A_304 {offsets = [1, 32], sizes = [93, 32], strides = [1, 1]} : vector<100x256xf32> to vector<93x32xf32>
    %add3A_310 = arith.addf %add3A_308, %slice3A_309 : vector<93x32xf32>
    %slice3A_311 = vector.extract_strided_slice %dot_general3A_304 {offsets = [2, 64], sizes = [93, 32], strides = [1, 1]} : vector<100x256xf32> to vector<93x32xf32>
    %add3A_312 = arith.addf %add3A_310, %slice3A_311 : vector<93x32xf32>
    %slice3A_313 = vector.extract_strided_slice %dot_general3A_304 {offsets = [3, 96], sizes = [93, 32], strides = [1, 1]} : vector<100x256xf32> to vector<93x32xf32>
    %add3A_314 = arith.addf %add3A_312, %slice3A_313 : vector<93x32xf32>
    %slice3A_315 = vector.extract_strided_slice %dot_general3A_304 {offsets = [4, 128], sizes = [93, 32], strides = [1, 1]} : vector<100x256xf32> to vector<93x32xf32>
    %add3A_316 = arith.addf %add3A_314, %slice3A_315 : vector<93x32xf32>
    %slice3A_317 = vector.extract_strided_slice %dot_general3A_304 {offsets = [5, 160], sizes = [93, 32], strides = [1, 1]} : vector<100x256xf32> to vector<93x32xf32>
    %add3A_318 = arith.addf %add3A_316, %slice3A_317 : vector<93x32xf32>
    %slice3A_319 = vector.extract_strided_slice %dot_general3A_304 {offsets = [6, 192], sizes = [93, 32], strides = [1, 1]} : vector<100x256xf32> to vector<93x32xf32>
    %add3A_320 = arith.addf %add3A_318, %slice3A_319 : vector<93x32xf32>
    %slice3A_321 = vector.extract_strided_slice %dot_general3A_304 {offsets = [7, 224], sizes = [93, 32], strides = [1, 1]} : vector<100x256xf32> to vector<93x32xf32>
    %add3A_322 = arith.addf %add3A_320, %slice3A_321 : vector<93x32xf32>
    %get3A_323 = arith.constant 0 : index
    %get3A_324 = arith.constant 0 : index
    %get3A_325 = vector.load %arg4[%get3A_323, %get3A_324] : memref<1x32xf32, #tpu.memory_space<vmem>>, vector<1x32xf32>
    %add3A_326 = vector.broadcast %get3A_325 : vector<1x32xf32> to vector<93x32xf32>
    %add3A_327 = arith.addf %add3A_322, %add3A_326 : vector<93x32xf32>
    %swap3A_328 = arith.constant 7 : index
    %swap3A_329 = arith.constant 0 : index
    %swap3A_330 = arith.constant 0 : index
    %swap3A_331 = vector.load %arg5[%swap3A_328, %swap3A_329, %swap3A_330] : memref<8x93x32xf32, #tpu.memory_space<vmem>>, vector<1x93x32xf32>
    %swap3A_332 = vector.shape_cast %swap3A_331 : vector<1x93x32xf32> to vector<93x32xf32>
    %swap3A_333 = vector.shape_cast %add3A_327 : vector<93x32xf32> to vector<1x93x32xf32>
    tpu.vector_store %arg5[%swap3A_328, %swap3A_329, %swap3A_330], %swap3A_333 {strides = array<i32>} : memref<8x93x32xf32, #tpu.memory_space<vmem>>, vector<1x93x32xf32>,
    return
  }
  func.func @transform_0(%arg0: i32) -> (i32, i32) {
    %c0_i32 = arith.constant 0 : i32
    %c0_i32_0 = arith.constant 0 : i32
    return %arg0, %c0_i32 : i32, i32
  }
  func.func @transform_1(%arg0: i32) -> (i32, i32) {
    %c0_i32 = arith.constant 0 : i32
    %c0_i32_0 = arith.constant 0 : i32
    %c0_i32_1 = arith.constant 0 : i32
    return %c0_i32, %c0_i32_0 : i32, i32
  }
  func.func @transform_2(%arg0: i32) -> (i32, i32) {
    %c0_i32 = arith.constant 0 : i32
    %c0_i32_0 = arith.constant 0 : i32
    %c0_i32_1 = arith.constant 0 : i32
    return %c0_i32, %c0_i32_0 : i32, i32
  }
  func.func @transform_3(%arg0: i32) -> (i32, i32) {
    %c0_i32 = arith.constant 0 : i32
    %c0_i32_0 = arith.constant 0 : i32
    %c0_i32_1 = arith.constant 0 : i32
    return %c0_i32, %c0_i32_0 : i32, i32
  }
  func.func @transform_4(%arg0: i32) -> (i32, i32, i32) {
    %c0_i32 = arith.constant 0 : i32
    %c0_i32_0 = arith.constant 0 : i32
    %c0_i32_1 = arith.constant 0 : i32
    return %arg0, %c0_i32, %c0_i32_0 : i32, i32, i32
  }
}

module attributes {stable_mosaic.version = 14 : i64} {
  func.func @_head_body(%arg0: memref<256x784xf32, #tpu.memory_space<vmem>>, %arg1: memref<256x784xf32, #tpu.memory_space<vmem>>, %arg2: memref<256x1xf32, #tpu.memory_space<vmem>>, %arg3: memref<256x2976xf32, #tpu.memory_space<vmem>>, %arg4: memref<784x1500xf32, #tpu.memory_space<vmem>>, %arg5: memref<784x1500xf32, #tpu.memory_space<vmem>>, %arg6: memref<1x1500xf32, #tpu.memory_space<vmem>>, %arg7: memref<1500x128xf32, #tpu.memory_space<vmem>>, %arg8: memref<1x128xf32, #tpu.memory_space<vmem>>, %arg9: memref<2976x128xf32, #tpu.memory_space<vmem>>, %arg10: memref<1x128xf32, #tpu.memory_space<vmem>>, %arg11: memref<128x1024xf32, #tpu.memory_space<vmem>>, %arg12: memref<128x1024xf32, #tpu.memory_space<vmem>>, %arg13: memref<1x1024xf32, #tpu.memory_space<vmem>>, %arg14: memref<1024x512xf32, #tpu.memory_space<vmem>>, %arg15: memref<1x512xf32, #tpu.memory_space<vmem>>, %arg16: memref<512x1xf32, #tpu.memory_space<vmem>>, %arg17: memref<1x1xf32, #tpu.memory_space<vmem>>, %arg18: memref<256x1xf32, #tpu.memory_space<vmem>>) attributes {dimension_semantics = [], scalar_prefetch = 0 : i64, scratch_operands = 0 : i64, tpu.core_type = #tpu.core_type<tc>} {
    %get3A = arith.constant 0 : index
    %get3A_0 = arith.constant 0 : index
    %get3A_1 = vector.load %arg1[%get3A, %get3A_0] : memref<256x784xf32, #tpu.memory_space<vmem>>, vector<256x784xf32>
    %get3A_2 = arith.constant 0 : index
    %get3A_3 = arith.constant 0 : index
    %get3A_4 = vector.load %arg2[%get3A_2, %get3A_3] : memref<256x1xf32, #tpu.memory_space<vmem>>, vector<256x1xf32>
    %mul3A = vector.broadcast %get3A_4 : vector<256x1xf32> to vector<256x784xf32>
    %mul3A_5 = arith.mulf %get3A_1, %mul3A : vector<256x784xf32>
    %get3A_6 = arith.constant 0 : index
    %get3A_7 = arith.constant 0 : index
    %get3A_8 = vector.load %arg0[%get3A_6, %get3A_7] : memref<256x784xf32, #tpu.memory_space<vmem>>, vector<256x784xf32>
    %get3A_9 = arith.constant 0 : index
    %get3A_10 = arith.constant 0 : index
    %get3A_11 = vector.load %arg4[%get3A_9, %get3A_10] : memref<784x1500xf32, #tpu.memory_space<vmem>>, vector<784x1500xf32>
    %dot_general3A = arith.constant dense<0.000000e+00> : vector<256x1500xf32>
    %dot_general3A_12 = tpu.matmul %get3A_8, %get3A_11, %dot_general3A {dimension_numbers = #tpu.dot_dimension_numbers<[1], [0], [0], [1], [0, 0, 1, 1], [], []>, transpose_lhs_hint = false} : vector<256x784xf32>, vector<784x1500xf32>, vector<256x1500xf32> -> vector<256x1500xf32>
    %get3A_13 = arith.constant 0 : index
    %get3A_14 = arith.constant 0 : index
    %get3A_15 = vector.load %arg5[%get3A_13, %get3A_14] : memref<784x1500xf32, #tpu.memory_space<vmem>>, vector<784x1500xf32>
    %dot_general3A_16 = arith.constant dense<0.000000e+00> : vector<256x1500xf32>
    %dot_general3A_17 = tpu.matmul %mul3A_5, %get3A_15, %dot_general3A_16 {dimension_numbers = #tpu.dot_dimension_numbers<[1], [0], [0], [1], [0, 0, 1, 1], [], []>, transpose_lhs_hint = false} : vector<256x784xf32>, vector<784x1500xf32>, vector<256x1500xf32> -> vector<256x1500xf32>
    %add3A = arith.addf %dot_general3A_12, %dot_general3A_17 : vector<256x1500xf32>
    %get3A_18 = arith.constant 0 : index
    %get3A_19 = arith.constant 0 : index
    %get3A_20 = vector.load %arg6[%get3A_18, %get3A_19] : memref<1x1500xf32, #tpu.memory_space<vmem>>, vector<1x1500xf32>
    %add3A_21 = vector.broadcast %get3A_20 : vector<1x1500xf32> to vector<256x1500xf32>
    %add3A_22 = arith.addf %add3A, %add3A_21 : vector<256x1500xf32>
    %max3A = arith.constant 0.000000e+00 : f32
    %max3A_23 = vector.broadcast %max3A : f32 to vector<256x1500xf32>
    %max3A_24 = arith.maximumf %add3A_22, %max3A_23 : vector<256x1500xf32>
    %get3A_25 = arith.constant 0 : index
    %get3A_26 = arith.constant 0 : index
    %get3A_27 = vector.load %arg7[%get3A_25, %get3A_26] : memref<1500x128xf32, #tpu.memory_space<vmem>>, vector<1500x128xf32>
    %dot_general3A_28 = arith.constant dense<0.000000e+00> : vector<256x128xf32>
    %dot_general3A_29 = tpu.matmul %max3A_24, %get3A_27, %dot_general3A_28 {dimension_numbers = #tpu.dot_dimension_numbers<[1], [0], [0], [1], [0, 0, 1, 1], [], []>, transpose_lhs_hint = false} : vector<256x1500xf32>, vector<1500x128xf32>, vector<256x128xf32> -> vector<256x128xf32>
    %get3A_30 = arith.constant 0 : index
    %get3A_31 = arith.constant 0 : index
    %get3A_32 = vector.load %arg8[%get3A_30, %get3A_31] : memref<1x128xf32, #tpu.memory_space<vmem>>, vector<1x128xf32>
    %add3A_33 = vector.broadcast %get3A_32 : vector<1x128xf32> to vector<256x128xf32>
    %add3A_34 = arith.addf %dot_general3A_29, %add3A_33 : vector<256x128xf32>
    %get3A_35 = arith.constant 0 : index
    %get3A_36 = arith.constant 0 : index
    %get3A_37 = vector.load %arg3[%get3A_35, %get3A_36] : memref<256x2976xf32, #tpu.memory_space<vmem>>, vector<256x2976xf32>
    %get3A_38 = arith.constant 0 : index
    %get3A_39 = arith.constant 0 : index
    %get3A_40 = vector.load %arg9[%get3A_38, %get3A_39] : memref<2976x128xf32, #tpu.memory_space<vmem>>, vector<2976x128xf32>
    %dot_general3A_41 = arith.constant dense<0.000000e+00> : vector<256x128xf32>
    %dot_general3A_42 = tpu.matmul %get3A_37, %get3A_40, %dot_general3A_41 {dimension_numbers = #tpu.dot_dimension_numbers<[1], [0], [0], [1], [0, 0, 1, 1], [], []>, transpose_lhs_hint = false} : vector<256x2976xf32>, vector<2976x128xf32>, vector<256x128xf32> -> vector<256x128xf32>
    %get3A_43 = arith.constant 0 : index
    %get3A_44 = arith.constant 0 : index
    %get3A_45 = vector.load %arg10[%get3A_43, %get3A_44] : memref<1x128xf32, #tpu.memory_space<vmem>>, vector<1x128xf32>
    %add3A_46 = vector.broadcast %get3A_45 : vector<1x128xf32> to vector<256x128xf32>
    %add3A_47 = arith.addf %dot_general3A_42, %add3A_46 : vector<256x128xf32>
    %get3A_48 = arith.constant 0 : index
    %get3A_49 = arith.constant 0 : index
    %get3A_50 = vector.load %arg11[%get3A_48, %get3A_49] : memref<128x1024xf32, #tpu.memory_space<vmem>>, vector<128x1024xf32>
    %dot_general3A_51 = arith.constant dense<0.000000e+00> : vector<256x1024xf32>
    %dot_general3A_52 = tpu.matmul %add3A_34, %get3A_50, %dot_general3A_51 {dimension_numbers = #tpu.dot_dimension_numbers<[1], [0], [0], [1], [0, 0, 1, 1], [], []>, transpose_lhs_hint = false} : vector<256x128xf32>, vector<128x1024xf32>, vector<256x1024xf32> -> vector<256x1024xf32>
    %get3A_53 = arith.constant 0 : index
    %get3A_54 = arith.constant 0 : index
    %get3A_55 = vector.load %arg12[%get3A_53, %get3A_54] : memref<128x1024xf32, #tpu.memory_space<vmem>>, vector<128x1024xf32>
    %dot_general3A_56 = arith.constant dense<0.000000e+00> : vector<256x1024xf32>
    %dot_general3A_57 = tpu.matmul %add3A_47, %get3A_55, %dot_general3A_56 {dimension_numbers = #tpu.dot_dimension_numbers<[1], [0], [0], [1], [0, 0, 1, 1], [], []>, transpose_lhs_hint = false} : vector<256x128xf32>, vector<128x1024xf32>, vector<256x1024xf32> -> vector<256x1024xf32>
    %add3A_58 = arith.addf %dot_general3A_52, %dot_general3A_57 : vector<256x1024xf32>
    %get3A_59 = arith.constant 0 : index
    %get3A_60 = arith.constant 0 : index
    %get3A_61 = vector.load %arg13[%get3A_59, %get3A_60] : memref<1x1024xf32, #tpu.memory_space<vmem>>, vector<1x1024xf32>
    %add3A_62 = vector.broadcast %get3A_61 : vector<1x1024xf32> to vector<256x1024xf32>
    %add3A_63 = arith.addf %add3A_58, %add3A_62 : vector<256x1024xf32>
    %max3A_64 = arith.constant 0.000000e+00 : f32
    %max3A_65 = vector.broadcast %max3A_64 : f32 to vector<256x1024xf32>
    %max3A_66 = arith.maximumf %add3A_63, %max3A_65 : vector<256x1024xf32>
    %get3A_67 = arith.constant 0 : index
    %get3A_68 = arith.constant 0 : index
    %get3A_69 = vector.load %arg14[%get3A_67, %get3A_68] : memref<1024x512xf32, #tpu.memory_space<vmem>>, vector<1024x512xf32>
    %dot_general3A_70 = arith.constant dense<0.000000e+00> : vector<256x512xf32>
    %dot_general3A_71 = tpu.matmul %max3A_66, %get3A_69, %dot_general3A_70 {dimension_numbers = #tpu.dot_dimension_numbers<[1], [0], [0], [1], [0, 0, 1, 1], [], []>, transpose_lhs_hint = false} : vector<256x1024xf32>, vector<1024x512xf32>, vector<256x512xf32> -> vector<256x512xf32>
    %get3A_72 = arith.constant 0 : index
    %get3A_73 = arith.constant 0 : index
    %get3A_74 = vector.load %arg15[%get3A_72, %get3A_73] : memref<1x512xf32, #tpu.memory_space<vmem>>, vector<1x512xf32>
    %add3A_75 = vector.broadcast %get3A_74 : vector<1x512xf32> to vector<256x512xf32>
    %add3A_76 = arith.addf %dot_general3A_71, %add3A_75 : vector<256x512xf32>
    %max3A_77 = arith.constant 0.000000e+00 : f32
    %max3A_78 = vector.broadcast %max3A_77 : f32 to vector<256x512xf32>
    %max3A_79 = arith.maximumf %add3A_76, %max3A_78 : vector<256x512xf32>
    %get3A_80 = arith.constant 0 : index
    %get3A_81 = arith.constant 0 : index
    %get3A_82 = vector.load %arg16[%get3A_80, %get3A_81] : memref<512x1xf32, #tpu.memory_space<vmem>>, vector<512x1xf32>
    %dot_general3A_83 = arith.constant dense<0.000000e+00> : vector<256x1xf32>
    %dot_general3A_84 = tpu.matmul %max3A_79, %get3A_82, %dot_general3A_83 {dimension_numbers = #tpu.dot_dimension_numbers<[1], [0], [0], [1], [0, 0, 1, 1], [], []>, transpose_lhs_hint = false} : vector<256x512xf32>, vector<512x1xf32>, vector<256x1xf32> -> vector<256x1xf32>
    %get3A_85 = arith.constant 0 : index
    %get3A_86 = arith.constant 0 : index
    %get3A_87 = vector.load %arg17[%get3A_85, %get3A_86] : memref<1x1xf32, #tpu.memory_space<vmem>>, vector<1x1xf32>
    %add3A_88 = vector.broadcast %get3A_87 : vector<1x1xf32> to vector<256x1xf32>
    %add3A_89 = arith.addf %dot_general3A_84, %add3A_88 : vector<256x1xf32>
    %swap3A = arith.constant 0 : index
    %swap3A_90 = arith.constant 0 : index
    %swap3A_91 = vector.load %arg18[%swap3A, %swap3A_90] : memref<256x1xf32, #tpu.memory_space<vmem>>, vector<256x1xf32>
    tpu.vector_store %arg18[%swap3A, %swap3A_90], %add3A_89 {strides = array<i32>} : memref<256x1xf32, #tpu.memory_space<vmem>>, vector<256x1xf32>,
    return
  }
}

</mosaic_0001>

<sc_bundles>
// kernel: kernel.10.cloned.1.call-start
scs
__scs_entry_jumppad:
0x0: {  	(pc) =	sbr.rel $0x88, $3  }
0x1: {  	(tag) =	ssettag $0x0;
	lr =	simm.s32 $0x1  }
0x2: {  	[smem:$0x3F88] =	sst lr;
	_ =	strace $0xD0000000  }
0x3: {  	_ = 	snop  }
0x4: {  	_ = 	snop  }
0x5: {  	_ = 	snop  }
0x6: {  	_ = 	snop  }
0x7: {  	_ = 	snop  }
__scs_overlays_trampoline_lowered:
0x8: {  	[smem:$0x3F97] =	sst s0  }
0x9: {  	[smem:$0x3F98] =	sst s1  }
0xa: {  	[smem:$0x3F99] =	sst s2  }
0xb: {  	[smem:$0x3F9A] =	sst s3  }
0xc: {  	[smem:$0x3F9B] =	sst s4  }
0xd: {  	[smem:$0x3F9C] =	sst s5  }
0xe: {  	[smem:$0x3F9D] =	sst s6  }
0xf: {  	[smem:$0x3F9E] =	sst s7  }
0x10: {  	[smem:$0x3F9F] =	sst s8  }
0x11: {  	[smem:$0x3FA0] =	sst s9;
	s0 =	simm.s32 @!p0 $0x0  }
0x12: {  	s1 =	sld [smem:$0x3F86];
	s0 =	simm.s32 @p0 $0x1  }
0x13: {  	[smem:$0x3FA1] =	sst s0;
	s0 =	simm.s32 @!p1 $0x0  }
0x14: {  	s2 =	sld [smem:$0x3F85];
	s0 =	simm.s32 @p1 $0x1  }
0x15: {  	[smem:$0x3FA2] =	sst s0;
	s0 =	simm.s32 @!p2 $0x0  }
0x16: {  	s3 =	sld [smem:$0x3FDB];
	s0 =	simm.s32 @p2 $0x1  }
0x17: {  	s4 =	simm.s32 $0x1BF5;
	[smem:$0x3FA4] =	sst s0  }
0x18: {  	s0 =	sld [smem:$0x3F87];
	_ =	swait.ge [sflag:s4], $0x0  }
0x19: {  	s7 =	sld [smem:$0x3F88]  }
0x1a: {  	s8 =	sadd.s32 $0xFFFFE003, lr  }
0x1b: {  	s9 =	sadd.s32 $0xFFFFFEF7, lr;
	s5 =	simm.s32 $0xFFFFFFFF;
	p2 =	slt.u32 s8, $0xFFFFF086  }
0x1c: {  	p1 =	slt.u32 s9, $0xF7A;
	s5 =	simm.s32 @!p2 $0x0  }
0x1d: {  	s5 =	simm.s32 @p1 $0x1;
	p0 =	seq.s32 s7, s2  }
0x1e: {  	s7 =	smul.u32 @!p0 $0xF7A, s2;
	p2 =	seq.s32 @!p0 s5, $0x0  }
0x1f: {  	s9 =	smul.u32 $0xF7A, s1;
	s8 =	simm.s32 @!p0 $0x1BF5;
	p2 =	por !p2, p0  }
0x20: {  	[sflag:s8] =	ssyncset.s32 @!p0 $0xFFFFF086;
	s6 =	sadd.s32 @!p0 s3, s7;
	s7 =	simm.s32 @!p0 $0x108  }
0x21: {  	s3 =	sadd.s32 s3, s9;
	s6 =	sadd.s32 @!p0 $0x88, s6;
	s7 =	simm.s32 @p2 $0x1082  }
0x22: {  	[simem:s7], [sflag:s8] =	dma.local @!p0 [hbm:s6], $0xF7A  }
0x23: {  	s9 =	sor.u32 $0xD0000000, s2;
	s6 =	simm.s32 $0x108;
	_ =	swait.ge @!p0 [sflag:s8], $0x0  }
0x24: {  	s3 =	sadd.s32 $0x88, s3;
	s6 =	simm.s32 @!p1 $0x1082;
	[sflag:s4] =	ssyncset.s32 $0xFFFFF086  }
0x25: {  	[simem:s6], [sflag:s4] =	dma.local [hbm:s3], $0xF7A  }
0x26: {  	[smem:$0x3F88] =	sst s1;
	(tag) =	ssettag s2;
	_ =	strace s9  }
0x27: {  	s1 =	sld [smem:$0x3F98]  }
0x28: {  	s2 =	sld [smem:$0x3F99]  }
0x29: {  	s4 =	sld [smem:$0x3F9B]  }
0x2a: {  	p0 =	seq.s32 s5, $0x0;
	s5 =	sld [smem:$0x3F9C]  }
0x2b: {  	s6 =	sld [smem:$0x3F9D]  }
0x2c: {  	s7 =	sld [smem:$0x3F9E]  }
0x2d: {  	s3 =	simm.s32 $0x108;
	s8 =	sld [smem:$0x3F9F]  }
0x2e: {  	s3 =	simm.s32 @!p0 $0x1082;
	s9 =	sld [smem:$0x3FA0]  }
0x2f: {  	lr =	sadd.s32 s0, s3;
	s0 =	sld [smem:$0x3F97]  }
0x30: {  	s3 =	sld [smem:$0x3F9A]  }
0x31: {  	[smem:$0x3FA3] =	sst s10  }
0x32: {  	s10 =	sld [smem:$0x3FA1];
	_ =	sdelay $0x3  }
0x33: {  	p0 =	seq.s32 s10, $0x1;
	s10 =	sld [smem:$0x3FA3];
	_ =	sdelay $0x3  }
0x34: {  	[smem:$0x3FA3] =	sst s10  }
0x35: {  	s10 =	sld [smem:$0x3FA2];
	_ =	sdelay $0x3  }
0x36: {  	p1 =	seq.s32 s10, $0x1;
	s10 =	sld [smem:$0x3FA3];
	_ =	sdelay $0x3  }
0x37: {  	[smem:$0x3FA3] =	sst s10  }
0x38: {  	s10 =	sld [smem:$0x3FA4]  }
0x39: {  	_ = 	snop;
	(pc) =	sbr.ind lr, $3  }
0x3a: {  	_ = 	snop  }
0x3b: {  	_ = 	snop  }
0x3c: {  	p2 =	seq.s32 s10, $0x1;
	s10 =	sld [smem:$0x3FA3]  }
0x3d: {  	_ =	shalt  }
0x3e: {  	_ =	shalt  }
0x3f: {  	_ =	shalt  }
0x40: {  	_ =	shalt  }
0x41: {  	_ =	shalt  }
0x42: {  	_ =	shalt  }
0x43: {  	_ =	shalt  }
0x44: {  	_ =	shalt  }
0x45: {  	_ =	shalt  }
0x46: {  	_ =	shalt  }
0x47: {  	_ =	shalt  }
0x48: {  	_ =	shalt  }
0x49: {  	_ =	shalt  }
0x4a: {  	_ =	shalt  }
0x4b: {  	_ =	shalt  }
0x4c: {  	_ =	shalt  }
0x4d: {  	_ =	shalt  }
0x4e: {  	_ =	shalt  }
0x4f: {  	_ =	shalt  }
0x50: {  	_ =	shalt  }
0x51: {  	_ =	shalt  }
0x52: {  	_ =	shalt  }
0x53: {  	_ =	shalt  }
0x54: {  	_ =	shalt  }
0x55: {  	_ =	shalt  }
0x56: {  	_ =	shalt  }
0x57: {  	_ =	shalt  }
0x58: {  	_ =	shalt  }
0x59: {  	_ =	shalt  }
0x5a: {  	_ =	shalt  }
0x5b: {  	_ =	shalt  }
0x5c: {  	_ =	shalt  }
0x5d: {  	_ =	shalt  }
0x5e: {  	_ =	shalt  }
0x5f: {  	_ =	shalt  }
0x60: {  	_ =	shalt  }
0x61: {  	_ =	shalt  }
0x62: {  	_ =	shalt  }
0x63: {  	_ =	shalt  }
0x64: {  	_ =	shalt  }
0x65: {  	_ =	shalt  }
0x66: {  	_ =	shalt  }
0x67: {  	_ =	shalt  }
0x68: {  	_ =	shalt  }
0x69: {  	_ =	shalt  }
0x6a: {  	_ =	shalt  }
0x6b: {  	_ =	shalt  }
0x6c: {  	_ =	shalt  }
0x6d: {  	_ =	shalt  }
0x6e: {  	_ =	shalt  }
0x6f: {  	_ =	shalt  }
0x70: {  	_ =	shalt  }
0x71: {  	_ =	shalt  }
0x72: {  	_ =	shalt  }
0x73: {  	_ =	shalt  }
0x74: {  	_ =	shalt  }
0x75: {  	_ =	shalt  }
0x76: {  	_ =	shalt  }
0x77: {  	_ =	shalt  }
0x78: {  	_ =	shalt  }
0x79: {  	_ =	shalt  }
0x7a: {  	_ =	shalt  }
0x7b: {  	_ =	shalt  }
0x7c: {  	_ =	shalt  }
0x7d: {  	_ =	shalt  }
0x7e: {  	_ =	shalt  }
0x7f: {  	_ =	shalt  }
0x80: {  	_ =	shalt  }
0x81: {  	_ =	shalt  }
0x82: {  	_ =	shalt  }
0x83: {  	_ =	shalt  }
0x84: {  	_ =	shalt  }
0x85: {  	_ =	shalt  }
0x86: {  	_ =	shalt  }
0x87: {  	_ =	shalt  }
.Lfunc_end0:
.L_simem_size_0:
called_computation_lowered:
.L_overlay_start_0:
0x88: {  	s2 =	sld [smem:$0x3FD9]  }
0x89: {  	s3 =	sld [smem:$0x3FFE];
	_ =	sdelay $0x1  }
0x8a: {  	s1 =	srdreg.scid  }
0x8b: {  	s0 =	sand.u32 $0x1, s1  }
0x8c: {  	s17 =	sshll.u32 s0, $0xA;
	s2 =	sadd.s32 s3, s2  }
0x8d: {  	s2 =	sadd.s32 s2, s17  }
0x8e: {  	[smem:$0x3FAF] =	sst s2  }
0x8f: {  	_ = 	snop  }
0x90: {  	s2 =	sld [smem:$0x3FD0];
	(tm) =	ssettm $0x1  }
0x91: {  	s18 =	sld [smem:$0x3FFB];
	_ =	sdelay $0x3  }
0x92: {  	_ =	strace s18  }
0x93: {  	s3 =	sld [smem:$0x3FFC];
	_ =	sdelay $0x3  }
0x94: {  	_ =	strace s3  }
0x95: {  	s3 =	sld [smem:$0x3FFD];
	_ =	sdelay $0x3  }
0x96: {  	_ =	strace s3  }
0x97: {  	_ =	strace $0x8FFFFFFF  }
0x98: {  	s19 =	sld [smem:$0x3FDB];
	_ =	sdelay $0x1  }
0x99: {  	s4 =	simm.s32 $_scs_section_size  }
0x9a: {  	s5 =	simm.s32 $_size__tile_overlayer_lowered;
	s6 =	simm.s32 $_tile_overlayer_lowered  }
0x9b: {  	s22 =	simm.s32 $0x1BFF;
	s21 =	sshll.u32 s6, $0x1;
	s3 =	sadd.s32 s4, s19  }
0x9c: {  	s7 =	simm.s32 $0x0;
	s20 =	sshll.u32 s5, $0x1;
	s5 =	sadd.s32 s21, s3  }
0x9d: {  	[timem:s7], [sflag:s22] =	dma.local [hbm:s5], s20  }
0x9e: {  	_ =	swait.ge [sflag:s22], s20  }
0x9f: {  	s4 =	ssub.s32 $0x0, s20;
	[sflag:s22] =	ssyncset.done $0x0  }
0xa0: {  	[sflag:s22] =	ssyncadd.s32 s4;
	_ =	sdelay $0x1  }
0xa1: {  	s23 =	simm.s32 $0x1B8B  }
0xa2: {  	_ =	swait.ge [sflag:s23], $0x1  }
0xa3: {  	[sflag:s23] =	ssyncset.done $0x0  }
0xa4: {  	s25 =	simm.s32 $0x1B8E;
	s24 =	sld [smem:$0x3FFE];
	[sflag:s23] =	ssyncadd.s32 $0xFFFFFFFF  }
0xa5: {  	s26 =	simm.s32 $execute0_lowered;
	[smem:$0x3FD2] =	sst s25  }
0xa6: {  	s5 =	sshll.u32 s26, $0x1;
	_ =	strace $0x80000046;
	[dreg:$0x1] =	wrdreg $0xFFFFFFFF  }
0xa7: {  	s28 =	simm.s32 $_size_execute0_lowered;
	s3 =	sadd.s32 s3, s5;
	[dreg:$0x0] =	wrdreg $0x0  }
0xa8: {  	s5 =	sshll.u32 s28, $0x1;
	[dreg:$0x2] =	wrdreg s3  }
0xa9: {  	[dreg:$0x3] =	wrdreg s5  }
0xaa: {  	[dreg:$0x4] =	wrdreg $0xC0  }
0xab: {  	_ =	task [dreg:s7], $0x5FFFF  }
0xac: {  	[dreg:$0x1] =	wrdreg $0xFFFFFFFF  }
0xad: {  	[dreg:$0x0] =	wrdreg $0x60  }
0xae: {  	[dreg:$0x2] =	wrdreg s24  }
0xaf: {  	[dreg:$0x3] =	wrdreg s2  }
0xb0: {  	[dreg:$0x4] =	wrdreg $0x1B4900  }
0xb1: {  	[dreg:$0x5] =	wrdreg $0x1E5900  }
0xb2: {  	[dreg:$0x6] =	wrdreg $0x9  }
0xb3: {  	_ =	task.clear_ibuf [dreg:s7], $0x7FFFF;
	_ =	strace $0x90000046  }
0xb4: {  	s29 =	simm.s32 $0x9;
	_ =	strace $0x80000048  }
0xb5: {  	_ =	swait.ge [sflag:s29], $0x1  }
0xb6: {  	[sflag:s29] =	ssyncadd.s32 $0xFFFFFFFF  }
0xb7: {  	_ =	strace $0x90000048  }
0xb8: {  	_ =	sfence  }
0xb9: {  	s30 =	sld [smem:$0x0];
	_ =	sdelay $0x2  }
0xba: {  	s31 =	sshll.u32 s1, $0xD;
	s1 =	sshrl.u32 s1, $0x2  }
0xbb: {  	s3 =	sand.u32 $0x4000, s31;
	s1 =	sadd.s32 s1, s30  }
0xbc: {  	s0 =	sor.u32 s3, s0;
	s1 =	sshll.u32 s1, $0x11  }
0xbd: {  	s0 =	sor.u32 s1, s0  }
0xbe: {  	s0 =	sadd.s32 $0x8F2B, s0  }
0xbf: {  	[sflag:s0] =	ssyncadd.remote.s32 $0x1  }
0xc0: {  	_ =	sfence.sel $0xFFFF  }
0xc1: {  	[dreg:$0x0] =	wrdreg $0xFFFFFFFF;
	(pc) =	sbr.abs _section_cstart, $3  }
0xc2: {  	[dreg:$0x1] =	wrdreg $0xFFFFFFFF  }
0xc3: {  	_ =	task.clear_ibuf [dreg:s7], $0x2FFFF;
	_ =	strace $0x9FFFFFFF  }
0xc4: {  	(tm) =	ssettm $0x7FFFFFFF  }
0xc5: {  	_ =	shalt  }
tec
execute0_lowered:
.L_overlay_start_1:
0x0: {  	(tag) =	ssettag $0x1  }
0x1: {  	s0 =	rddreg [dreg:$0x0]  }
0x2: {  	s2 =	rddreg [dreg:$0x2]  }
0x3: {  	s3 =	rddreg [dreg:$0x3]  }
0x4: {  	s1 =	simm.s32 $0x0;
	s18 =	srdreg.scid;
	s12 =	stileid.u32  }
0x5: {  	s28 =	simm.s32 $0x1180;
	s29 =	simm.s32 $0x1100;
	s30 =	simm.s32 $0x1A980  }
0x6: {  	s31 =	simm.s32 $0x1080;
	[smem:$0x7FF] =	sst s1;
	s5 =	sadd.s32 $0x7D5400, s0  }
0x7: {  	s6 =	sadd.s32 $0x51400, s0;
	s7 =	sadd.s32 $0x37400, s0;
	s8 =	sadd.s32 $0x1E400, s0  }
0x8: {  	s10 =	sadd.s32 $0x5400, s0;
	s4 =	sadd.s32 $0x6BC00, s0;
	s1 =	sand.u32 $0x1, s18  }
0x9: {  	s19 =	sadd.s32 $0x6B400, s0;
	s9 =	sadd.s32 $0x84E00, s0;
	s11 =	smul.u32 $0xC400, s12  }
0xa: {  	s0 =	sadd.s32 $0x6BE00, s0;
	_ =	strace $0x80000047;
	[dreg:$0x5] =	wrdreg s4  }
0xb: {  	s23 =	sshll.u32 s12, $0x4;
	s25 =	sshll.u32 s12, $0x8;
	[dreg:$0x6] =	wrdreg s19  }
0xc: {  	s17 =	smul.u32 $0x1A, s12;
	s26 =	sshll.u32 s12, $0x6;
	[dreg:$0x7] =	wrdreg s9  }
0xd: {  	s20 =	ssub.s32 $0x2, s1;
	[dreg:$0x8] =	wrdreg s0;
	s1 =	sshll.u32 s1, $0x8  }
0xe: {  	[dreg:$0xa] =	wrdreg s23;
	s4 =	sadd.s32 s25, s3;
	s25 =	simm.s32 $0x80  }
.Ltmp0:
0xf: {  	s21 =	sshrl.u32 s20, $0x1;
	[dreg:$0x9] =	wrdreg s1;
	(pc) =	sbr.rel .LBB2_1-.Ltmp0, $4  }
0x10: {  	s24 =	sshrl.u32 s11, $0x2;
	s23 =	sshrl.u32 s4, $0x3;
	s22 =	ssub.s32 s20, s21  }
0x11: {  	v0 =	vimm.s32 $0xC7FF;
	s1 =	sadd.s32 s24, s2;
	s20 =	simm.s32 $0x1;
	s21 =	sor.u32 $0x1C01, s26  }
0x12: {  	v1 =	vimm.s32 $0xFF;
	v3 =	vimm.f32 $0.0e+00;
	vm0 =	vcmask $0x2B28;
	s24 =	simm.s32 $0x800;
	s26 =	simm.s32 $0x1000;
	s0 =	smax.u32 s22, $0x1  }
0x13: {  	v2 =	vimm.s32 $0x0;
	v3 =	vsel vm0, $0x3F800000, v3;
	vm0 =	vmmov $0x3ff;
	s22 =	sshrl.u32 s1, $0x3;
	s1 =	simm.s32 $0x0;
	[dreg:$0xb] =	wrdreg s0  }
.LBB2_19:
0x14: {  	s1 =	rddreg [dreg:$0xc]  }
0x15: {  	s0 =	rddreg [dreg:$0xb];
	s1 =	sadd.s32 $0x1, s1  }
0x16: {  	p0 =	sne.s32 s1, s0  }
.Ltmp1:
0x17: {  	_ = 	snop;
	(pc) =	sbr.rel @!p0 .LBB2_20-.Ltmp1, $1  }
0x18: {  	_ =	sdelay $0x3  }
.LBB2_1:
0x19: {  	[dreg:$0xc] =	wrdreg s1  }
0x1a: {  	s0 =	simm.s32 $0x0;
	s19 =	rddreg [dreg:$0x5];
	s4 =	simm.s32 $0x1B180  }
0x1b: {  	[tilespmem:s4], [sflag:$0x1] =	stream.linear.gather [hbm4b:s19+s0], $0x310, $0x38;
	[tilespmem:$0x1E690] =	vst v63  }
0x1c: {  	_ =	swait.ge [sflag:s20], $0x310  }
0x1d: {  	[sflag:s20] =	ssyncset.done $0x0  }
0x1e: {  	[sflag:s20] =	ssyncadd.s32 $0xFFFFFCF0  }
0x1f: {  	[tilespmem:$0x1000] =	vst v0  }
0x20: {  	[tilespmem:$0x1080] =	vst v1  }
0x21: {  	[tilespmem:$0x1100] =	vst v0  }
0x22: {  	[tilespmem:$0x1010] =	vst v0  }
0x23: {  	[tilespmem:$0x1090] =	vst v1  }
0x24: {  	[tilespmem:$0x1110] =	vst v0  }
0x25: {  	[tilespmem:$0x1020] =	vst v0  }
0x26: {  	[tilespmem:$0x10A0] =	vst v1  }
0x27: {  	[tilespmem:$0x1120] =	vst v0  }
0x28: {  	[tilespmem:$0x1030] =	vst v0  }
0x29: {  	[tilespmem:$0x10B0] =	vst v1  }
0x2a: {  	[tilespmem:$0x1130] =	vst v0  }
0x2b: {  	[tilespmem:$0x1040] =	vst v0  }
0x2c: {  	[tilespmem:$0x10C0] =	vst v1  }
0x2d: {  	[tilespmem:$0x1140] =	vst v0  }
0x2e: {  	[tilespmem:$0x1050] =	vst v0  }
0x2f: {  	[tilespmem:$0x10D0] =	vst v1  }
0x30: {  	[tilespmem:$0x1150] =	vst v0  }
0x31: {  	[tilespmem:$0x1060] =	vst v0  }
.Ltmp2:
0x32: {  	[tilespmem:$0x10E0] =	vst v1;
	(pc) =	sbr.rel .LBB2_2-.Ltmp2, $4  }
0x33: {  	[tilespmem:$0x1160] =	vst v0  }
0x34: {  	[tilespmem:$0x1070] =	vst v0  }
0x35: {  	[tilespmem:$0x10F0] =	vst v1  }
0x36: {  	s9 =	simm.s32 $0x0;
	[tilespmem:$0x1170] =	vst v0  }
.LBB2_18:
0x37: {  	s0 =	rddreg [dreg:$0xa]  }
0x38: {  	s0 =	sor.u32 s0, s19  }
0x39: {  	[bflag:$0x0] =	sbarrier.arrive $0xFFFF;
	s1 =	smul.u32 $0x62, s0  }
0x3a: {  	s4 =	rddreg [dreg:$0x7]  }
0x3b: {  	s1 =	sadd.s32 s4, s1  }
0x3c: {  	[hbm:s1], [sflag:s21] =	dma.local [spmem:s22], $0x620  }
0x3d: {  	s9 =	sadd.s32 $0x1, s9;
	_ =	swait.ge [sflag:s20], $0x620  }
0x3e: {  	s0 =	sshll.u32 s0, $0x1;
	[sflag:s20] =	ssyncset.done $0x0;
	s19 =	rddreg [dreg:$0x8]  }
0x3f: {  	p0 =	sne.s32 s9, $0x64;
	[sflag:s20] =	ssyncadd.s32 $0xFFFFF9E0;
	s0 =	sadd.s32 s19, s0  }
0x40: {  	[hbm:s0], [sflag:s21] =	dma.local [spmem:s23], $0x20  }
.Ltmp3:
0x41: {  	_ =	swait.ge [sflag:s20], $0x20;
	(pc) =	sbr.rel @!p0 .LBB2_19-.Ltmp3, $3  }
0x42: {  	[sflag:s20] =	ssyncset.done $0x0  }
0x43: {  	[sflag:s20] =	ssyncadd.s32 $0xFFFFFFE0  }
0x44: {  	[bflag:$0x0] =	sbarrier.arrive $0xFFFF;
	_ =	sdelay $0x1  }
.LBB2_2:
0x45: {  	s0 =	rddreg [dreg:$0x6]  }
0x46: {  	[spmem:s22], [sflag:s21] =	dma.local [hbm:s0], $0x620  }
0x47: {  	_ =	swait.ge [sflag:s20], $0x620  }
0x48: {  	[sflag:s20] =	ssyncset.done $0x0  }
0x49: {  	[sflag:s20] =	ssyncadd.s32 $0xFFFFF9E0  }
0x4a: {  	s18 =	rddreg [dreg:$0x1]  }
0x4b: {  	[spmem:s23], [sflag:s21] =	dma.local [hbm:s18], $0x20  }
.Ltmp4:
0x4c: {  	_ =	swait.ge [sflag:s20], $0x20;
	(pc) =	sbr.rel .LBB2_3-.Ltmp4, $4  }
0x4d: {  	[sflag:s20] =	ssyncset.done $0x0  }
0x4e: {  	s19 =	sshll.u32 s9, $0x9;
	s1 =	rddreg [dreg:$0x9];
	[sflag:s20] =	ssyncadd.s32 $0xFFFFFFE0  }
0x4f: {  	s19 =	sor.u32 s1, s19;
	[bflag:$0x0] =	sbarrier.arrive $0xFFFF  }
0x50: {  	s4 =	simm.s32 $0x0;
	s11 =	simm.s32 $0x0;
	s1 =	simm.s32 $0x0;
	v4 =	vmov s19  }
.LBB2_11:
0x51: {  	s11 =	sadd.s32 $0x1, s11  }
0x52: {  	p0 =	sne.s32 s11, $0x1A  }
.Ltmp5:
0x53: {  	_ = 	snop;
	(pc) =	sbr.rel @!p0 .LBB2_12-.Ltmp5, $1  }
0x54: {  	_ =	sdelay $0x3  }
.LBB2_3:
0x55: {  	s0 =	sadd.s32 s17, s11  }
0x56: {  	s0 =	sshll.u32 s0, $0x8  }
0x57: {  	s12 =	sadd.s32 s6, s0  }
0x58: {  	[tilespmem:s4], [sflag:$0x1] =	stream.linear.gather [hbm4b:s12+s4], $0x800, $0x38;
	[tilespmem:$0x1E690] =	vst v63  }
0x59: {  	_ =	swait.ge [sflag:s20], $0x800  }
0x5a: {  	[sflag:s20] =	ssyncset.done $0x0  }
.Ltmp6:
0x5b: {  	s0 =	sadd.s32 s7, s0;
	[sflag:s20] =	ssyncadd.s32 $0xFFFFF800;
	(pc) =	sbr.rel .LBB2_4-.Ltmp6, $4  }
0x5c: {  	[tilespmem:s24], [sflag:$0x1] =	stream.linear.gather [hbm4b:s0+s4], $0x800, $0x38;
	[tilespmem:$0x1E690] =	vst v63  }
0x5d: {  	_ =	swait.ge [sflag:s20], $0x800  }
0x5e: {  	[sflag:s20] =	ssyncset.done $0x0  }
0x5f: {  	s18 =	simm.s32 $0x0;
	[sflag:s20] =	ssyncadd.s32 $0xFFFFF800  }
.LBB2_10:
0x60: {  	s18 =	sadd.s32 $0x1, s18  }
0x61: {  	p0 =	sne.s32 s18, $0x80  }
.Ltmp7:
0x62: {  	_ = 	snop;
	(pc) =	sbr.rel @!p0 .LBB2_11-.Ltmp7, $1  }
0x63: {  	_ =	sdelay $0x3  }
.LBB2_4:
0x64: {  	s0 =	sshll.u32 s18, $0x4  }
0x65: {  	v5 =	vld [tilespmem:s0+$0x800];
	_ =	sdelay $0x4  }
0x66: {  	v6 =	vsub.s32 v5, v4  }
0x67: {  	vm1 =	vlt.u32 v6, $0x100  }
0x68: {  	v7 =	vsel vm1, $0x1, v2  }
0x69: {  	(xrf0) =	vadd.scan.msk.s32 $0xffff, v7;
	_ =	sdelay $0x5  }
0x6a: {  	v7, _, _ =	vpop (xrf0)  }
0x6b: {  	(v2sf) =	vpush v7, $0xF;
	_ =	sdelay $0x8  }
0x6c: {  	v7 =	vld [tilespmem:s0+$0x0];
	_ =	sdelay $0x4  }
0x6d: {  	[tilespmem:s1+$0x1000] =	vst.msk vm1, v7  }
0x6e: {  	[tilespmem:s1+$0x1080] =	vst.msk vm1, v6;
	s16 =	spop (v2sf)  }
0x6f: {  	[tilespmem:s1+$0x1100] =	vst.msk vm1, v5;
	s1 =	sadd.s32 s1, s16  }
0x70: {  	p0 =	slt.s32 s1, $0x70  }
.Ltmp8:
0x71: {  	_ = 	snop;
	(pc) =	sbr.rel @p0 .LBB2_10-.Ltmp8, $1  }
0x72: {  	_ =	sdelay $0x3  }
0x73: {  	[tilespmem:s28], [sflag:$0x1] =	stream.indirect.gather [hbm4b:s5+s25], $0x310, s26, s25, $0xb8;
	[tilespmem:$0x1E690] =	vst v63  }
0x74: {  	_ =	swait.ge [sflag:s20], $0x18800  }
0x75: {  	[sflag:s20] =	ssyncset.done $0x0  }
0x76: {  	s0 =	simm.s32 $0x19980;
	[sflag:s20] =	ssyncadd.s32 $0xFFFE7800  }
0x77: {  	[tilespmem:s0], [sflag:$0x1] =	stream.indirect.gather [hbm4b:s8+s25], $0x10, s26, s25, $0xb8;
	[tilespmem:$0x1E690] =	vst v63  }
0x78: {  	_ =	swait.ge [sflag:s20], $0x800  }
0x79: {  	[sflag:s20] =	ssyncset.done $0x0  }
0x7a: {  	s12 =	simm.s32 $0x1A180;
	[sflag:s20] =	ssyncadd.s32 $0xFFFFF800  }
0x7b: {  	[tilespmem:s12], [sflag:$0x1] =	stream.indirect.gather [hbm4b:s10+s25], $0x10, s29, s25, $0xb8;
	[tilespmem:$0x1E690] =	vst v63  }
0x7c: {  	_ =	swait.ge [sflag:s20], $0x800  }
0x7d: {  	[sflag:s20] =	ssyncset.done $0x0  }
0x7e: {  	[sflag:s20] =	ssyncadd.s32 $0xFFFFF800  }
0x7f: {  	v5 =	vld [tilespmem:s12+$0x0]  }
0x80: {  	v6 =	vld [tilespmem:s0+$0x0];
	_ =	sdelay $0x4  }
0x81: {  	v5 =	vadd.f32 v5, v6;
	_ =	sdelay $0x1  }
0x82: {  	v6 =	vmin.f32 v5, $0.0e+00  }
0x83: {  	v6 =	vmul.f32 $2.000000030e-01, v6  }
0x84: {  	v5 =	vmax.f32 v5, $0.0e+00  }
0x85: {  	v5 =	vadd.f32 v6, v5;
	_ =	sdelay $0x1  }
0x86: {  	v5 =	vmul.f32 $1.442695020e+00, v5;
	_ =	sdelay $0x1  }
0x87: {  	(erf) = vpow2.f32 v5;
	_ =	sdelay $0x8  }
0x88: {  	v5 =	vpop (erf)  }
0x89: {  	p0 =	sgt.s32 s1, $0x0;
	v5 =	vsel vm0, v5, v3  }
0x8a: {  	s12 =	simm.s32 $0x1A980;
	v5 =	vpsel !p0, $0x0, v5  }
0x8b: {  	s14 =	simm.s32 $0x1A190;
	[tilespmem:s12+$0x0] =	vst v5  }
0x8c: {  	s15 =	simm.s32 $0x19990;
	v5 =	vld [tilespmem:s14+$0x0]  }
0x8d: {  	s13 =	simm.s32 $0x1;
	s16 =	simm.s32 $0x2;
	s0 =	simm.s32 $0x0;
	v6 =	vld [tilespmem:s15+$0x0]  }
.LBB2_6:
0x8e: {  	p0 =	sne.s32 s16, $0x7F;
	_ =	sdelay $0x3  }
0x8f: {  	v5 =	vadd.f32 v5, v6;
	_ =	sdelay $0x1  }
0x90: {  	v6 =	vmin.f32 v5, $0.0e+00  }
0x91: {  	v6 =	vmul.f32 $2.000000030e-01, v6  }
0x92: {  	v5 =	vmax.f32 v5, $0.0e+00  }
0x93: {  	v5 =	vadd.f32 v6, v5;
	_ =	sdelay $0x1  }
0x94: {  	v5 =	vmul.f32 $1.442695020e+00, v5;
	_ =	sdelay $0x1  }
0x95: {  	(erf) = vpow2.f32 v5;
	_ =	sdelay $0x8  }
0x96: {  	v5 =	vpop (erf)  }
.Ltmp9:
0x97: {  	p1 =	slt.s32 s13, s1;
	s13 =	smov.u32 s16;
	v5 =	vsel vm0, v5, v3;
	(pc) =	sbr.rel @p0 .LBB2_6-.Ltmp9, $4  }
0x98: {  	s12 =	sadd.s32 $0x10, s12;
	v5 =	vpsel !p1, $0x0, v5  }
0x99: {  	s14 =	sadd.s32 $0x10, s14;
	[tilespmem:s12+$0x0] =	vst v5  }
0x9a: {  	s15 =	sadd.s32 $0x10, s15;
	v5 =	vld [tilespmem:s14+$0x0]  }
0x9b: {  	s16 =	sadd.s32 $0x1, s16;
	v6 =	vld [tilespmem:s15+$0x0]  }
0x9c: {  	_ =	sdelay $0x3  }
0x9d: {  	v5 =	vadd.f32 v5, v6;
	_ =	sdelay $0x1  }
0x9e: {  	v6 =	vmin.f32 v5, $0.0e+00  }
0x9f: {  	v6 =	vmul.f32 $2.000000030e-01, v6  }
0xa0: {  	v5 =	vmax.f32 v5, $0.0e+00  }
0xa1: {  	v5 =	vadd.f32 v6, v5;
	_ =	sdelay $0x1  }
0xa2: {  	v5 =	vmul.f32 $1.442695020e+00, v5;
	_ =	sdelay $0x1  }
0xa3: {  	(erf) = vpow2.f32 v5;
	_ =	sdelay $0x8  }
0xa4: {  	v5 =	vpop (erf)  }
0xa5: {  	p0 =	slt.s32 s13, s1;
	v5 =	vsel vm0, v5, v3  }
0xa6: {  	s16 =	sadd.s32 $0x10, s12;
	v5 =	vpsel !p0, $0x0, v5  }
0xa7: {  	s1 =	simm.s32 $0x1300;
	[tilespmem:s16+$0x0] =	vst v5  }
.LBB2_8:
0xa8: {  	v5 =	vld [tilespmem:$0x1B180];
	_ =	sdelay $0x4  }
0xa9: {  	s12 =	sshll.u32 s0, $0x4;
	v6 =	vand.u32 $0xFFFFFFF8, v5  }
0xaa: {  	v5 =	vand.u32 $0x7, v5;
	v6 =	vadd.s32 s12, v6  }
0xab: {  	v5 =	vor.u32 v5, v6;
	_ =	sdelay $0x3  }
0xac: {  	v6 =	vld [tilespmem:s1+$0xFFFFFE80]  }
0xad: {  	v5 =	vld.idx.msk [tilespmem:v5+s30+$0x0], $0xffff;
	_ =	sdelay $0x4  }
0xae: {  	v5 =	vmul.f32 v6, v5;
	_ =	sdelay $0x1  }
0xaf: {  	[tilespmem:s1+$0xFFFFFE80] =	vst v5  }
0xb0: {  	v5 =	vld [tilespmem:$0x1B190];
	_ =	sdelay $0x4  }
0xb1: {  	v6 =	vand.u32 $0xFFFFFFF8, v5  }
0xb2: {  	v5 =	vand.u32 $0x7, v5;
	v6 =	vadd.s32 s12, v6  }
0xb3: {  	v5 =	vor.u32 v5, v6;
	_ =	sdelay $0x3  }
0xb4: {  	v6 =	vld [tilespmem:s1+$0xFFFFFE90]  }
0xb5: {  	v5 =	vld.idx.msk [tilespmem:v5+s30+$0x0], $0xffff;
	_ =	sdelay $0x4  }
0xb6: {  	v5 =	vmul.f32 v6, v5;
	_ =	sdelay $0x1  }
0xb7: {  	[tilespmem:s1+$0xFFFFFE90] =	vst v5  }
0xb8: {  	v5 =	vld [tilespmem:$0x1B1A0];
	_ =	sdelay $0x4  }
0xb9: {  	v6 =	vand.u32 $0xFFFFFFF8, v5  }
0xba: {  	v5 =	vand.u32 $0x7, v5;
	v6 =	vadd.s32 s12, v6  }
0xbb: {  	v5 =	vor.u32 v5, v6;
	_ =	sdelay $0x3  }
0xbc: {  	v6 =	vld [tilespmem:s1+$0xFFFFFEA0]  }
0xbd: {  	v5 =	vld.idx.msk [tilespmem:v5+s30+$0x0], $0xffff;
	_ =	sdelay $0x4  }
0xbe: {  	v5 =	vmul.f32 v6, v5;
	_ =	sdelay $0x1  }
0xbf: {  	[tilespmem:s1+$0xFFFFFEA0] =	vst v5  }
0xc0: {  	v5 =	vld [tilespmem:$0x1B1B0];
	_ =	sdelay $0x4  }
0xc1: {  	v6 =	vand.u32 $0xFFFFFFF8, v5  }
0xc2: {  	v5 =	vand.u32 $0x7, v5;
	v6 =	vadd.s32 s12, v6  }
0xc3: {  	v5 =	vor.u32 v5, v6;
	_ =	sdelay $0x3  }
0xc4: {  	v6 =	vld [tilespmem:s1+$0xFFFFFEB0]  }
0xc5: {  	v5 =	vld.idx.msk [tilespmem:v5+s30+$0x0], $0xffff;
	_ =	sdelay $0x4  }
0xc6: {  	v5 =	vmul.f32 v6, v5;
	_ =	sdelay $0x1  }
0xc7: {  	[tilespmem:s1+$0xFFFFFEB0] =	vst v5  }
0xc8: {  	v5 =	vld [tilespmem:$0x1B1C0];
	_ =	sdelay $0x4  }
0xc9: {  	v6 =	vand.u32 $0xFFFFFFF8, v5  }
0xca: {  	v5 =	vand.u32 $0x7, v5;
	v6 =	vadd.s32 s12, v6  }
0xcb: {  	v5 =	vor.u32 v5, v6;
	_ =	sdelay $0x3  }
0xcc: {  	v6 =	vld [tilespmem:s1+$0xFFFFFEC0]  }
0xcd: {  	v5 =	vld.idx.msk [tilespmem:v5+s30+$0x0], $0xffff;
	_ =	sdelay $0x4  }
0xce: {  	v5 =	vmul.f32 v6, v5;
	_ =	sdelay $0x1  }
0xcf: {  	[tilespmem:s1+$0xFFFFFEC0] =	vst v5  }
0xd0: {  	v5 =	vld [tilespmem:$0x1B1D0];
	_ =	sdelay $0x4  }
0xd1: {  	v6 =	vand.u32 $0xFFFFFFF8, v5  }
0xd2: {  	v5 =	vand.u32 $0x7, v5;
	v6 =	vadd.s32 s12, v6  }
0xd3: {  	v5 =	vor.u32 v5, v6;
	_ =	sdelay $0x3  }
0xd4: {  	v6 =	vld [tilespmem:s1+$0xFFFFFED0]  }
0xd5: {  	v5 =	vld.idx.msk [tilespmem:v5+s30+$0x0], $0xffff;
	_ =	sdelay $0x4  }
0xd6: {  	v5 =	vmul.f32 v6, v5;
	_ =	sdelay $0x1  }
0xd7: {  	[tilespmem:s1+$0xFFFFFED0] =	vst v5  }
0xd8: {  	v5 =	vld [tilespmem:$0x1B1E0];
	_ =	sdelay $0x4  }
0xd9: {  	v6 =	vand.u32 $0xFFFFFFF8, v5  }
0xda: {  	v5 =	vand.u32 $0x7, v5;
	v6 =	vadd.s32 s12, v6  }
0xdb: {  	v5 =	vor.u32 v5, v6;
	_ =	sdelay $0x3  }
0xdc: {  	v6 =	vld [tilespmem:s1+$0xFFFFFEE0]  }
0xdd: {  	v5 =	vld.idx.msk [tilespmem:v5+s30+$0x0], $0xffff;
	_ =	sdelay $0x4  }
0xde: {  	v5 =	vmul.f32 v6, v5;
	_ =	sdelay $0x1  }
0xdf: {  	[tilespmem:s1+$0xFFFFFEE0] =	vst v5  }
0xe0: {  	v5 =	vld [tilespmem:$0x1B1F0];
	_ =	sdelay $0x4  }
0xe1: {  	v6 =	vand.u32 $0xFFFFFFF8, v5  }
0xe2: {  	v5 =	vand.u32 $0x7, v5;
	v6 =	vadd.s32 s12, v6  }
0xe3: {  	v5 =	vor.u32 v5, v6;
	_ =	sdelay $0x3  }
0xe4: {  	v6 =	vld [tilespmem:s1+$0xFFFFFEF0]  }
0xe5: {  	v5 =	vld.idx.msk [tilespmem:v5+s30+$0x0], $0xffff;
	_ =	sdelay $0x4  }
0xe6: {  	v5 =	vmul.f32 v6, v5;
	_ =	sdelay $0x1  }
0xe7: {  	[tilespmem:s1+$0xFFFFFEF0] =	vst v5  }
0xe8: {  	v5 =	vld [tilespmem:$0x1B200];
	_ =	sdelay $0x4  }
0xe9: {  	v6 =	vand.u32 $0xFFFFFFF8, v5  }
0xea: {  	v5 =	vand.u32 $0x7, v5;
	v6 =	vadd.s32 s12, v6  }
0xeb: {  	v5 =	vor.u32 v5, v6;
	_ =	sdelay $0x3  }
0xec: {  	v6 =	vld [tilespmem:s1+$0xFFFFFF00]  }
0xed: {  	v5 =	vld.idx.msk [tilespmem:v5+s30+$0x0], $0xffff;
	_ =	sdelay $0x4  }
0xee: {  	v5 =	vmul.f32 v6, v5;
	_ =	sdelay $0x1  }
0xef: {  	[tilespmem:s1+$0xFFFFFF00] =	vst v5  }
0xf0: {  	v5 =	vld [tilespmem:$0x1B210];
	_ =	sdelay $0x4  }
0xf1: {  	v6 =	vand.u32 $0xFFFFFFF8, v5  }
0xf2: {  	v5 =	vand.u32 $0x7, v5;
	v6 =	vadd.s32 s12, v6  }
0xf3: {  	v5 =	vor.u32 v5, v6;
	_ =	sdelay $0x3  }
0xf4: {  	v6 =	vld [tilespmem:s1+$0xFFFFFF10]  }
0xf5: {  	v5 =	vld.idx.msk [tilespmem:v5+s30+$0x0], $0xffff;
	_ =	sdelay $0x4  }
0xf6: {  	v5 =	vmul.f32 v6, v5;
	_ =	sdelay $0x1  }
0xf7: {  	[tilespmem:s1+$0xFFFFFF10] =	vst v5  }
0xf8: {  	v5 =	vld [tilespmem:$0x1B220];
	_ =	sdelay $0x4  }
0xf9: {  	v6 =	vand.u32 $0xFFFFFFF8, v5  }
0xfa: {  	v5 =	vand.u32 $0x7, v5;
	v6 =	vadd.s32 s12, v6  }
0xfb: {  	v5 =	vor.u32 v5, v6;
	_ =	sdelay $0x3  }
0xfc: {  	v6 =	vld [tilespmem:s1+$0xFFFFFF20]  }
0xfd: {  	v5 =	vld.idx.msk [tilespmem:v5+s30+$0x0], $0xffff;
	_ =	sdelay $0x4  }
0xfe: {  	v5 =	vmul.f32 v6, v5;
	_ =	sdelay $0x1  }
0xff: {  	[tilespmem:s1+$0xFFFFFF20] =	vst v5  }
0x100: {  	v5 =	vld [tilespmem:$0x1B230];
	_ =	sdelay $0x4  }
0x101: {  	v6 =	vand.u32 $0xFFFFFFF8, v5  }
0x102: {  	v5 =	vand.u32 $0x7, v5;
	v6 =	vadd.s32 s12, v6  }
0x103: {  	v5 =	vor.u32 v5, v6;
	_ =	sdelay $0x3  }
0x104: {  	v6 =	vld [tilespmem:s1+$0xFFFFFF30]  }
0x105: {  	v5 =	vld.idx.msk [tilespmem:v5+s30+$0x0], $0xffff;
	_ =	sdelay $0x4  }
0x106: {  	v5 =	vmul.f32 v6, v5;
	_ =	sdelay $0x1  }
0x107: {  	[tilespmem:s1+$0xFFFFFF30] =	vst v5  }
0x108: {  	v5 =	vld [tilespmem:$0x1B240];
	_ =	sdelay $0x4  }
0x109: {  	v6 =	vand.u32 $0xFFFFFFF8, v5  }
0x10a: {  	v5 =	vand.u32 $0x7, v5;
	v6 =	vadd.s32 s12, v6  }
0x10b: {  	v5 =	vor.u32 v5, v6;
	_ =	sdelay $0x3  }
0x10c: {  	v6 =	vld [tilespmem:s1+$0xFFFFFF40]  }
0x10d: {  	v5 =	vld.idx.msk [tilespmem:v5+s30+$0x0], $0xffff;
	_ =	sdelay $0x4  }
0x10e: {  	v5 =	vmul.f32 v6, v5;
	_ =	sdelay $0x1  }
0x10f: {  	[tilespmem:s1+$0xFFFFFF40] =	vst v5  }
0x110: {  	v5 =	vld [tilespmem:$0x1B250];
	_ =	sdelay $0x4  }
0x111: {  	v6 =	vand.u32 $0xFFFFFFF8, v5  }
0x112: {  	v5 =	vand.u32 $0x7, v5;
	v6 =	vadd.s32 s12, v6  }
0x113: {  	v5 =	vor.u32 v5, v6;
	_ =	sdelay $0x3  }
0x114: {  	v6 =	vld [tilespmem:s1+$0xFFFFFF50]  }
0x115: {  	v5 =	vld.idx.msk [tilespmem:v5+s30+$0x0], $0xffff;
	_ =	sdelay $0x4  }
0x116: {  	v5 =	vmul.f32 v6, v5;
	_ =	sdelay $0x1  }
0x117: {  	[tilespmem:s1+$0xFFFFFF50] =	vst v5  }
0x118: {  	v5 =	vld [tilespmem:$0x1B260];
	_ =	sdelay $0x4  }
0x119: {  	v6 =	vand.u32 $0xFFFFFFF8, v5  }
0x11a: {  	v5 =	vand.u32 $0x7, v5;
	v6 =	vadd.s32 s12, v6  }
0x11b: {  	v5 =	vor.u32 v5, v6;
	_ =	sdelay $0x3  }
0x11c: {  	v6 =	vld [tilespmem:s1+$0xFFFFFF60]  }
0x11d: {  	v5 =	vld.idx.msk [tilespmem:v5+s30+$0x0], $0xffff;
	_ =	sdelay $0x4  }
0x11e: {  	v5 =	vmul.f32 v6, v5;
	_ =	sdelay $0x1  }
0x11f: {  	[tilespmem:s1+$0xFFFFFF60] =	vst v5  }
0x120: {  	v5 =	vld [tilespmem:$0x1B270];
	_ =	sdelay $0x4  }
0x121: {  	v6 =	vand.u32 $0xFFFFFFF8, v5  }
0x122: {  	v5 =	vand.u32 $0x7, v5;
	v6 =	vadd.s32 s12, v6  }
0x123: {  	v5 =	vor.u32 v5, v6;
	_ =	sdelay $0x3  }
0x124: {  	v6 =	vld [tilespmem:s1+$0xFFFFFF70]  }
0x125: {  	v5 =	vld.idx.msk [tilespmem:v5+s30+$0x0], $0xffff;
	_ =	sdelay $0x4  }
0x126: {  	v5 =	vmul.f32 v6, v5;
	_ =	sdelay $0x1  }
0x127: {  	[tilespmem:s1+$0xFFFFFF70] =	vst v5  }
0x128: {  	v5 =	vld [tilespmem:$0x1B280];
	_ =	sdelay $0x4  }
0x129: {  	v6 =	vand.u32 $0xFFFFFFF8, v5  }
0x12a: {  	v5 =	vand.u32 $0x7, v5;
	v6 =	vadd.s32 s12, v6  }
0x12b: {  	v5 =	vor.u32 v5, v6;
	_ =	sdelay $0x3  }
0x12c: {  	v6 =	vld [tilespmem:s1+$0xFFFFFF80]  }
0x12d: {  	v5 =	vld.idx.msk [tilespmem:v5+s30+$0x0], $0xffff;
	_ =	sdelay $0x4  }
0x12e: {  	v5 =	vmul.f32 v6, v5;
	_ =	sdelay $0x1  }
0x12f: {  	[tilespmem:s1+$0xFFFFFF80] =	vst v5  }
0x130: {  	v5 =	vld [tilespmem:$0x1B290];
	_ =	sdelay $0x4  }
0x131: {  	v6 =	vand.u32 $0xFFFFFFF8, v5  }
0x132: {  	v5 =	vand.u32 $0x7, v5;
	v6 =	vadd.s32 s12, v6  }
0x133: {  	v5 =	vor.u32 v5, v6;
	_ =	sdelay $0x3  }
0x134: {  	v6 =	vld [tilespmem:s1+$0xFFFFFF90]  }
0x135: {  	v5 =	vld.idx.msk [tilespmem:v5+s30+$0x0], $0xffff;
	_ =	sdelay $0x4  }
0x136: {  	v5 =	vmul.f32 v6, v5;
	_ =	sdelay $0x1  }
0x137: {  	[tilespmem:s1+$0xFFFFFF90] =	vst v5  }
0x138: {  	v5 =	vld [tilespmem:$0x1B2A0];
	_ =	sdelay $0x4  }
0x139: {  	v6 =	vand.u32 $0xFFFFFFF8, v5  }
0x13a: {  	v5 =	vand.u32 $0x7, v5;
	v6 =	vadd.s32 s12, v6  }
0x13b: {  	v5 =	vor.u32 v5, v6;
	_ =	sdelay $0x3  }
0x13c: {  	v6 =	vld [tilespmem:s1+$0xFFFFFFA0]  }
0x13d: {  	v5 =	vld.idx.msk [tilespmem:v5+s30+$0x0], $0xffff;
	_ =	sdelay $0x4  }
0x13e: {  	v5 =	vmul.f32 v6, v5;
	_ =	sdelay $0x1  }
0x13f: {  	[tilespmem:s1+$0xFFFFFFA0] =	vst v5  }
0x140: {  	v5 =	vld [tilespmem:$0x1B2B0];
	_ =	sdelay $0x4  }
0x141: {  	v6 =	vand.u32 $0xFFFFFFF8, v5  }
0x142: {  	v5 =	vand.u32 $0x7, v5;
	v6 =	vadd.s32 s12, v6  }
0x143: {  	v5 =	vor.u32 v5, v6;
	_ =	sdelay $0x3  }
0x144: {  	v6 =	vld [tilespmem:s1+$0xFFFFFFB0]  }
0x145: {  	v5 =	vld.idx.msk [tilespmem:v5+s30+$0x0], $0xffff;
	_ =	sdelay $0x4  }
0x146: {  	v5 =	vmul.f32 v6, v5;
	_ =	sdelay $0x1  }
0x147: {  	[tilespmem:s1+$0xFFFFFFB0] =	vst v5  }
0x148: {  	v5 =	vld [tilespmem:$0x1B2C0];
	_ =	sdelay $0x4  }
0x149: {  	v6 =	vand.u32 $0xFFFFFFF8, v5  }
0x14a: {  	v5 =	vand.u32 $0x7, v5;
	v6 =	vadd.s32 s12, v6  }
0x14b: {  	v5 =	vor.u32 v5, v6;
	_ =	sdelay $0x3  }
0x14c: {  	v6 =	vld [tilespmem:s1+$0xFFFFFFC0]  }
0x14d: {  	v5 =	vld.idx.msk [tilespmem:v5+s30+$0x0], $0xffff;
	_ =	sdelay $0x4  }
0x14e: {  	v5 =	vmul.f32 v6, v5;
	_ =	sdelay $0x1  }
0x14f: {  	[tilespmem:s1+$0xFFFFFFC0] =	vst v5  }
0x150: {  	v5 =	vld [tilespmem:$0x1B2D0];
	_ =	sdelay $0x4  }
0x151: {  	v6 =	vand.u32 $0xFFFFFFF8, v5  }
0x152: {  	v5 =	vand.u32 $0x7, v5;
	v6 =	vadd.s32 s12, v6  }
0x153: {  	v5 =	vor.u32 v5, v6;
	_ =	sdelay $0x3  }
0x154: {  	v6 =	vld [tilespmem:s1+$0xFFFFFFD0]  }
0x155: {  	v5 =	vld.idx.msk [tilespmem:v5+s30+$0x0], $0xffff;
	_ =	sdelay $0x4  }
0x156: {  	v5 =	vmul.f32 v6, v5;
	_ =	sdelay $0x1  }
0x157: {  	[tilespmem:s1+$0xFFFFFFD0] =	vst v5  }
0x158: {  	v5 =	vld [tilespmem:$0x1B2E0];
	_ =	sdelay $0x4  }
0x159: {  	v6 =	vand.u32 $0xFFFFFFF8, v5  }
0x15a: {  	v5 =	vand.u32 $0x7, v5;
	v6 =	vadd.s32 s12, v6  }
0x15b: {  	v5 =	vor.u32 v5, v6;
	_ =	sdelay $0x3  }
0x15c: {  	v6 =	vld [tilespmem:s1+$0xFFFFFFE0]  }
0x15d: {  	v5 =	vld.idx.msk [tilespmem:v5+s30+$0x0], $0xffff;
	_ =	sdelay $0x4  }
0x15e: {  	v5 =	vmul.f32 v6, v5;
	_ =	sdelay $0x1  }
0x15f: {  	[tilespmem:s1+$0xFFFFFFE0] =	vst v5  }
0x160: {  	v5 =	vld [tilespmem:$0x1B2F0];
	_ =	sdelay $0x4  }
0x161: {  	v6 =	vand.u32 $0xFFFFFFF8, v5  }
0x162: {  	v5 =	vand.u32 $0x7, v5;
	v6 =	vadd.s32 s12, v6  }
0x163: {  	v5 =	vor.u32 v5, v6;
	_ =	sdelay $0x3  }
0x164: {  	v6 =	vld [tilespmem:s1+$0xFFFFFFF0]  }
0x165: {  	v5 =	vld.idx.msk [tilespmem:v5+s30+$0x0], $0xffff;
	_ =	sdelay $0x4  }
0x166: {  	v5 =	vmul.f32 v6, v5;
	_ =	sdelay $0x1  }
0x167: {  	[tilespmem:s1+$0xFFFFFFF0] =	vst v5  }
0x168: {  	v5 =	vld [tilespmem:$0x1B300];
	_ =	sdelay $0x4  }
0x169: {  	v6 =	vand.u32 $0xFFFFFFF8, v5  }
0x16a: {  	v5 =	vand.u32 $0x7, v5;
	v6 =	vadd.s32 s12, v6  }
0x16b: {  	v5 =	vor.u32 v5, v6;
	_ =	sdelay $0x3  }
0x16c: {  	v6 =	vld [tilespmem:s1+$0x0]  }
0x16d: {  	v5 =	vld.idx.msk [tilespmem:v5+s30+$0x0], $0xffff;
	_ =	sdelay $0x4  }
0x16e: {  	v5 =	vmul.f32 v6, v5;
	_ =	sdelay $0x1  }
0x16f: {  	[tilespmem:s1+$0x0] =	vst v5  }
0x170: {  	v5 =	vld [tilespmem:$0x1B310];
	_ =	sdelay $0x4  }
0x171: {  	v6 =	vand.u32 $0xFFFFFFF8, v5  }
0x172: {  	v5 =	vand.u32 $0x7, v5;
	v6 =	vadd.s32 s12, v6  }
0x173: {  	v5 =	vor.u32 v5, v6;
	_ =	sdelay $0x3  }
0x174: {  	v6 =	vld [tilespmem:s1+$0x10]  }
0x175: {  	v5 =	vld.idx.msk [tilespmem:v5+s30+$0x0], $0xffff;
	_ =	sdelay $0x4  }
0x176: {  	v5 =	vmul.f32 v6, v5;
	_ =	sdelay $0x1  }
0x177: {  	[tilespmem:s1+$0x10] =	vst v5  }
0x178: {  	v5 =	vld [tilespmem:$0x1B320];
	_ =	sdelay $0x4  }
0x179: {  	v6 =	vand.u32 $0xFFFFFFF8, v5  }
0x17a: {  	v5 =	vand.u32 $0x7, v5;
	v6 =	vadd.s32 s12, v6  }
0x17b: {  	v5 =	vor.u32 v5, v6;
	_ =	sdelay $0x3  }
0x17c: {  	v6 =	vld [tilespmem:s1+$0x20]  }
0x17d: {  	v5 =	vld.idx.msk [tilespmem:v5+s30+$0x0], $0xffff;
	_ =	sdelay $0x4  }
0x17e: {  	v5 =	vmul.f32 v6, v5;
	_ =	sdelay $0x1  }
0x17f: {  	[tilespmem:s1+$0x20] =	vst v5  }
0x180: {  	v5 =	vld [tilespmem:$0x1B330];
	_ =	sdelay $0x4  }
0x181: {  	v6 =	vand.u32 $0xFFFFFFF8, v5  }
0x182: {  	v5 =	vand.u32 $0x7, v5;
	v6 =	vadd.s32 s12, v6  }
0x183: {  	v5 =	vor.u32 v5, v6;
	_ =	sdelay $0x3  }
0x184: {  	v6 =	vld [tilespmem:s1+$0x30]  }
0x185: {  	v5 =	vld.idx.msk [tilespmem:v5+s30+$0x0], $0xffff;
	_ =	sdelay $0x4  }
0x186: {  	v5 =	vmul.f32 v6, v5;
	_ =	sdelay $0x1  }
0x187: {  	[tilespmem:s1+$0x30] =	vst v5  }
0x188: {  	v5 =	vld [tilespmem:$0x1B340];
	_ =	sdelay $0x4  }
0x189: {  	v6 =	vand.u32 $0xFFFFFFF8, v5  }
0x18a: {  	v5 =	vand.u32 $0x7, v5;
	v6 =	vadd.s32 s12, v6  }
0x18b: {  	v5 =	vor.u32 v5, v6;
	_ =	sdelay $0x3  }
0x18c: {  	v6 =	vld [tilespmem:s1+$0x40]  }
0x18d: {  	v5 =	vld.idx.msk [tilespmem:v5+s30+$0x0], $0xffff;
	_ =	sdelay $0x4  }
0x18e: {  	v5 =	vmul.f32 v6, v5;
	_ =	sdelay $0x1  }
0x18f: {  	[tilespmem:s1+$0x40] =	vst v5  }
0x190: {  	v5 =	vld [tilespmem:$0x1B350];
	_ =	sdelay $0x4  }
0x191: {  	v6 =	vand.u32 $0xFFFFFFF8, v5  }
0x192: {  	v5 =	vand.u32 $0x7, v5;
	v6 =	vadd.s32 s12, v6  }
0x193: {  	v5 =	vor.u32 v5, v6;
	_ =	sdelay $0x3  }
0x194: {  	v6 =	vld [tilespmem:s1+$0x50]  }
0x195: {  	v5 =	vld.idx.msk [tilespmem:v5+s30+$0x0], $0xffff;
	_ =	sdelay $0x4  }
0x196: {  	v5 =	vmul.f32 v6, v5;
	_ =	sdelay $0x1  }
0x197: {  	[tilespmem:s1+$0x50] =	vst v5  }
0x198: {  	v5 =	vld [tilespmem:$0x1B360];
	_ =	sdelay $0x4  }
0x199: {  	v6 =	vand.u32 $0xFFFFFFF8, v5  }
0x19a: {  	v5 =	vand.u32 $0x7, v5;
	v6 =	vadd.s32 s12, v6  }
0x19b: {  	v5 =	vor.u32 v5, v6;
	_ =	sdelay $0x3  }
0x19c: {  	v6 =	vld [tilespmem:s1+$0x60]  }
0x19d: {  	v5 =	vld.idx.msk [tilespmem:v5+s30+$0x0], $0xffff;
	_ =	sdelay $0x4  }
0x19e: {  	v5 =	vmul.f32 v6, v5;
	_ =	sdelay $0x1  }
0x19f: {  	[tilespmem:s1+$0x60] =	vst v5  }
0x1a0: {  	v5 =	vld [tilespmem:$0x1B370];
	_ =	sdelay $0x4  }
0x1a1: {  	v6 =	vand.u32 $0xFFFFFFF8, v5  }
0x1a2: {  	v5 =	vand.u32 $0x7, v5;
	v6 =	vadd.s32 s12, v6  }
0x1a3: {  	v5 =	vor.u32 v5, v6;
	_ =	sdelay $0x3  }
0x1a4: {  	v6 =	vld [tilespmem:s1+$0x70]  }
0x1a5: {  	v5 =	vld.idx.msk [tilespmem:v5+s30+$0x0], $0xffff;
	_ =	sdelay $0x4  }
0x1a6: {  	v5 =	vmul.f32 v6, v5;
	_ =	sdelay $0x1  }
0x1a7: {  	[tilespmem:s1+$0x70] =	vst v5  }
0x1a8: {  	v5 =	vld [tilespmem:$0x1B380];
	_ =	sdelay $0x4  }
0x1a9: {  	v6 =	vand.u32 $0xFFFFFFF8, v5  }
0x1aa: {  	v5 =	vand.u32 $0x7, v5;
	v6 =	vadd.s32 s12, v6  }
0x1ab: {  	v5 =	vor.u32 v5, v6;
	_ =	sdelay $0x3  }
0x1ac: {  	v6 =	vld [tilespmem:s1+$0x80]  }
0x1ad: {  	v5 =	vld.idx.msk [tilespmem:v5+s30+$0x0], $0xffff;
	_ =	sdelay $0x4  }
0x1ae: {  	v5 =	vmul.f32 v6, v5;
	_ =	sdelay $0x1  }
0x1af: {  	[tilespmem:s1+$0x80] =	vst v5  }
0x1b0: {  	v5 =	vld [tilespmem:$0x1B390];
	_ =	sdelay $0x4  }
0x1b1: {  	v6 =	vand.u32 $0xFFFFFFF8, v5  }
0x1b2: {  	v5 =	vand.u32 $0x7, v5;
	v6 =	vadd.s32 s12, v6  }
0x1b3: {  	v5 =	vor.u32 v5, v6;
	_ =	sdelay $0x3  }
0x1b4: {  	v6 =	vld [tilespmem:s1+$0x90]  }
0x1b5: {  	v5 =	vld.idx.msk [tilespmem:v5+s30+$0x0], $0xffff;
	_ =	sdelay $0x4  }
0x1b6: {  	v5 =	vmul.f32 v6, v5;
	_ =	sdelay $0x1  }
0x1b7: {  	[tilespmem:s1+$0x90] =	vst v5  }
0x1b8: {  	v5 =	vld [tilespmem:$0x1B3A0];
	_ =	sdelay $0x4  }
0x1b9: {  	v6 =	vand.u32 $0xFFFFFFF8, v5  }
0x1ba: {  	v5 =	vand.u32 $0x7, v5;
	v6 =	vadd.s32 s12, v6  }
0x1bb: {  	v5 =	vor.u32 v5, v6;
	_ =	sdelay $0x3  }
0x1bc: {  	v6 =	vld [tilespmem:s1+$0xA0]  }
0x1bd: {  	v5 =	vld.idx.msk [tilespmem:v5+s30+$0x0], $0xffff;
	_ =	sdelay $0x4  }
0x1be: {  	v5 =	vmul.f32 v6, v5;
	_ =	sdelay $0x1  }
0x1bf: {  	[tilespmem:s1+$0xA0] =	vst v5  }
0x1c0: {  	v5 =	vld [tilespmem:$0x1B3B0];
	_ =	sdelay $0x4  }
0x1c1: {  	v6 =	vand.u32 $0xFFFFFFF8, v5  }
0x1c2: {  	v5 =	vand.u32 $0x7, v5;
	v6 =	vadd.s32 s12, v6  }
0x1c3: {  	v5 =	vor.u32 v5, v6;
	_ =	sdelay $0x3  }
0x1c4: {  	v6 =	vld [tilespmem:s1+$0xB0]  }
0x1c5: {  	v5 =	vld.idx.msk [tilespmem:v5+s30+$0x0], $0xffff;
	_ =	sdelay $0x4  }
0x1c6: {  	v5 =	vmul.f32 v6, v5;
	_ =	sdelay $0x1  }
0x1c7: {  	[tilespmem:s1+$0xB0] =	vst v5  }
0x1c8: {  	v5 =	vld [tilespmem:$0x1B3C0];
	_ =	sdelay $0x4  }
0x1c9: {  	v6 =	vand.u32 $0xFFFFFFF8, v5  }
0x1ca: {  	v5 =	vand.u32 $0x7, v5;
	v6 =	vadd.s32 s12, v6  }
0x1cb: {  	v5 =	vor.u32 v5, v6;
	_ =	sdelay $0x3  }
0x1cc: {  	v6 =	vld [tilespmem:s1+$0xC0]  }
0x1cd: {  	v5 =	vld.idx.msk [tilespmem:v5+s30+$0x0], $0xffff;
	_ =	sdelay $0x4  }
0x1ce: {  	v5 =	vmul.f32 v6, v5;
	_ =	sdelay $0x1  }
0x1cf: {  	[tilespmem:s1+$0xC0] =	vst v5  }
0x1d0: {  	v5 =	vld [tilespmem:$0x1B3D0];
	_ =	sdelay $0x4  }
0x1d1: {  	v6 =	vand.u32 $0xFFFFFFF8, v5  }
0x1d2: {  	v5 =	vand.u32 $0x7, v5;
	v6 =	vadd.s32 s12, v6  }
0x1d3: {  	v5 =	vor.u32 v5, v6;
	_ =	sdelay $0x3  }
0x1d4: {  	v6 =	vld [tilespmem:s1+$0xD0]  }
0x1d5: {  	v5 =	vld.idx.msk [tilespmem:v5+s30+$0x0], $0xffff;
	_ =	sdelay $0x4  }
0x1d6: {  	v5 =	vmul.f32 v6, v5;
	_ =	sdelay $0x1  }
0x1d7: {  	[tilespmem:s1+$0xD0] =	vst v5  }
0x1d8: {  	v5 =	vld [tilespmem:$0x1B3E0];
	_ =	sdelay $0x4  }
0x1d9: {  	v6 =	vand.u32 $0xFFFFFFF8, v5  }
0x1da: {  	v5 =	vand.u32 $0x7, v5;
	v6 =	vadd.s32 s12, v6  }
0x1db: {  	v5 =	vor.u32 v5, v6;
	_ =	sdelay $0x3  }
0x1dc: {  	v6 =	vld [tilespmem:s1+$0xE0]  }
0x1dd: {  	v5 =	vld.idx.msk [tilespmem:v5+s30+$0x0], $0xffff;
	_ =	sdelay $0x4  }
0x1de: {  	v5 =	vmul.f32 v6, v5;
	_ =	sdelay $0x1  }
0x1df: {  	[tilespmem:s1+$0xE0] =	vst v5  }
0x1e0: {  	v5 =	vld [tilespmem:$0x1B3F0];
	_ =	sdelay $0x4  }
0x1e1: {  	v6 =	vand.u32 $0xFFFFFFF8, v5  }
0x1e2: {  	v5 =	vand.u32 $0x7, v5;
	v6 =	vadd.s32 s12, v6  }
0x1e3: {  	v5 =	vor.u32 v5, v6;
	_ =	sdelay $0x3  }
0x1e4: {  	v6 =	vld [tilespmem:s1+$0xF0]  }
0x1e5: {  	v5 =	vld.idx.msk [tilespmem:v5+s30+$0x0], $0xffff;
	_ =	sdelay $0x4  }
0x1e6: {  	v5 =	vmul.f32 v6, v5;
	_ =	sdelay $0x1  }
0x1e7: {  	[tilespmem:s1+$0xF0] =	vst v5  }
0x1e8: {  	v5 =	vld [tilespmem:$0x1B400];
	_ =	sdelay $0x4  }
0x1e9: {  	v6 =	vand.u32 $0xFFFFFFF8, v5  }
0x1ea: {  	v5 =	vand.u32 $0x7, v5;
	v6 =	vadd.s32 s12, v6  }
0x1eb: {  	v5 =	vor.u32 v5, v6;
	_ =	sdelay $0x3  }
0x1ec: {  	v6 =	vld [tilespmem:s1+$0x100]  }
0x1ed: {  	v5 =	vld.idx.msk [tilespmem:v5+s30+$0x0], $0xffff;
	_ =	sdelay $0x4  }
0x1ee: {  	v5 =	vmul.f32 v6, v5;
	_ =	sdelay $0x1  }
0x1ef: {  	[tilespmem:s1+$0x100] =	vst v5  }
0x1f0: {  	v5 =	vld [tilespmem:$0x1B410];
	_ =	sdelay $0x4  }
0x1f1: {  	v6 =	vand.u32 $0xFFFFFFF8, v5  }
0x1f2: {  	v5 =	vand.u32 $0x7, v5;
	v6 =	vadd.s32 s12, v6  }
0x1f3: {  	v5 =	vor.u32 v5, v6;
	_ =	sdelay $0x3  }
0x1f4: {  	v6 =	vld [tilespmem:s1+$0x110]  }
0x1f5: {  	v5 =	vld.idx.msk [tilespmem:v5+s30+$0x0], $0xffff;
	_ =	sdelay $0x4  }
0x1f6: {  	v5 =	vmul.f32 v6, v5;
	_ =	sdelay $0x1  }
0x1f7: {  	[tilespmem:s1+$0x110] =	vst v5  }
0x1f8: {  	v5 =	vld [tilespmem:$0x1B420];
	_ =	sdelay $0x4  }
0x1f9: {  	v6 =	vand.u32 $0xFFFFFFF8, v5  }
0x1fa: {  	v5 =	vand.u32 $0x7, v5;
	v6 =	vadd.s32 s12, v6  }
0x1fb: {  	v5 =	vor.u32 v5, v6;
	_ =	sdelay $0x3  }
0x1fc: {  	v6 =	vld [tilespmem:s1+$0x120]  }
0x1fd: {  	v5 =	vld.idx.msk [tilespmem:v5+s30+$0x0], $0xffff;
	_ =	sdelay $0x4  }
0x1fe: {  	v5 =	vmul.f32 v6, v5;
	_ =	sdelay $0x1  }
0x1ff: {  	[tilespmem:s1+$0x120] =	vst v5  }
0x200: {  	v5 =	vld [tilespmem:$0x1B430];
	_ =	sdelay $0x4  }
0x201: {  	v6 =	vand.u32 $0xFFFFFFF8, v5  }
0x202: {  	v5 =	vand.u32 $0x7, v5;
	v6 =	vadd.s32 s12, v6  }
0x203: {  	v5 =	vor.u32 v5, v6;
	_ =	sdelay $0x3  }
0x204: {  	v6 =	vld [tilespmem:s1+$0x130]  }
0x205: {  	v5 =	vld.idx.msk [tilespmem:v5+s30+$0x0], $0xffff;
	_ =	sdelay $0x4  }
0x206: {  	v5 =	vmul.f32 v6, v5;
	_ =	sdelay $0x1  }
0x207: {  	[tilespmem:s1+$0x130] =	vst v5  }
0x208: {  	v5 =	vld [tilespmem:$0x1B440];
	_ =	sdelay $0x4  }
0x209: {  	v6 =	vand.u32 $0xFFFFFFF8, v5  }
0x20a: {  	v5 =	vand.u32 $0x7, v5;
	v6 =	vadd.s32 s12, v6  }
0x20b: {  	v5 =	vor.u32 v5, v6;
	_ =	sdelay $0x3  }
0x20c: {  	v6 =	vld [tilespmem:s1+$0x140]  }
0x20d: {  	v5 =	vld.idx.msk [tilespmem:v5+s30+$0x0], $0xffff;
	_ =	sdelay $0x4  }
0x20e: {  	v5 =	vmul.f32 v6, v5;
	_ =	sdelay $0x1  }
0x20f: {  	[tilespmem:s1+$0x140] =	vst v5  }
0x210: {  	v5 =	vld [tilespmem:$0x1B450];
	_ =	sdelay $0x4  }
0x211: {  	v6 =	vand.u32 $0xFFFFFFF8, v5  }
0x212: {  	v5 =	vand.u32 $0x7, v5;
	v6 =	vadd.s32 s12, v6  }
0x213: {  	v5 =	vor.u32 v5, v6;
	_ =	sdelay $0x3  }
0x214: {  	v6 =	vld [tilespmem:s1+$0x150]  }
0x215: {  	v5 =	vld.idx.msk [tilespmem:v5+s30+$0x0], $0xffff;
	_ =	sdelay $0x4  }
0x216: {  	v5 =	vmul.f32 v6, v5;
	_ =	sdelay $0x1  }
0x217: {  	[tilespmem:s1+$0x150] =	vst v5  }
0x218: {  	v5 =	vld [tilespmem:$0x1B460];
	_ =	sdelay $0x4  }
0x219: {  	v6 =	vand.u32 $0xFFFFFFF8, v5  }
0x21a: {  	v5 =	vand.u32 $0x7, v5;
	v6 =	vadd.s32 s12, v6  }
0x21b: {  	v5 =	vor.u32 v5, v6;
	_ =	sdelay $0x3  }
0x21c: {  	v6 =	vld [tilespmem:s1+$0x160]  }
0x21d: {  	v5 =	vld.idx.msk [tilespmem:v5+s30+$0x0], $0xffff;
	_ =	sdelay $0x4  }
0x21e: {  	v5 =	vmul.f32 v6, v5;
	_ =	sdelay $0x1  }
0x21f: {  	[tilespmem:s1+$0x160] =	vst v5  }
0x220: {  	v5 =	vld [tilespmem:$0x1B470];
	_ =	sdelay $0x4  }
0x221: {  	v6 =	vand.u32 $0xFFFFFFF8, v5  }
0x222: {  	v5 =	vand.u32 $0x7, v5;
	v6 =	vadd.s32 s12, v6  }
0x223: {  	v5 =	vor.u32 v5, v6;
	_ =	sdelay $0x3  }
0x224: {  	v6 =	vld [tilespmem:s1+$0x170]  }
0x225: {  	v5 =	vld.idx.msk [tilespmem:v5+s30+$0x0], $0xffff;
	_ =	sdelay $0x4  }
0x226: {  	v5 =	vmul.f32 v6, v5;
	_ =	sdelay $0x1  }
0x227: {  	[tilespmem:s1+$0x170] =	vst v5  }
0x228: {  	v5 =	vld [tilespmem:$0x1B480];
	_ =	sdelay $0x4  }
0x229: {  	v6 =	vand.u32 $0xFFFFFFF8, v5  }
0x22a: {  	v5 =	vand.u32 $0x7, v5;
	v6 =	vadd.s32 s12, v6  }
0x22b: {  	v5 =	vor.u32 v5, v6;
	_ =	sdelay $0x3  }
0x22c: {  	v6 =	vld [tilespmem:s1+$0x180]  }
0x22d: {  	v5 =	vld.idx.msk [tilespmem:v5+s30+$0x0], $0xffff;
	_ =	sdelay $0x1  }
0x22e: {  	p0 =	sne.s32 s0, $0x7F  }
.Ltmp10:
0x22f: {  	_ = 	snop;
	(pc) =	sbr.rel @p0 .LBB2_8-.Ltmp10, $3  }
0x230: {  	_ = 	snop  }
0x231: {  	v5 =	vmul.f32 v6, v5;
	_ =	sdelay $0x1  }
0x232: {  	s0 =	sadd.s32 $0x1, s0;
	[tilespmem:s1+$0x180] =	vst v5;
	s1 =	sadd.s32 $0x310, s1  }
0x233: {  	[spmem:s2] =	stream.indirect.scatter.add.f32 [tilespmem:s28], [sflag:$0x1], $0x310, s31, s25, $0xb8;
	[tilespmem:$0x1E690] =	vst v63  }
0x234: {  	_ =	swait.ge [sflag:s20], $0x18800  }
0x235: {  	[sflag:s20] =	ssyncset.done $0x0  }
0x236: {  	[sflag:s20] =	ssyncadd.s32 $0xFFFE7800  }
0x237: {  	[spmem:s3] =	stream.indirect.scatter.add.f32 [tilespmem:s30], [sflag:$0x1], $0x10, s31, s25, $0xb8;
	[tilespmem:$0x1E690] =	vst v63  }
0x238: {  	_ =	swait.ge [sflag:s20], $0x800  }
0x239: {  	[sflag:s20] =	ssyncset.done $0x0  }
0x23a: {  	[sflag:s20] =	ssyncadd.s32 $0xFFFFF800  }
0x23b: {  	[tilespmem:$0x1000] =	vst v0  }
0x23c: {  	[tilespmem:$0x1080] =	vst v1  }
0x23d: {  	[tilespmem:$0x1100] =	vst v0  }
0x23e: {  	[tilespmem:$0x1010] =	vst v0  }
0x23f: {  	[tilespmem:$0x1090] =	vst v1  }
0x240: {  	[tilespmem:$0x1110] =	vst v0  }
0x241: {  	[tilespmem:$0x1020] =	vst v0  }
0x242: {  	[tilespmem:$0x10A0] =	vst v1  }
0x243: {  	[tilespmem:$0x1120] =	vst v0  }
0x244: {  	[tilespmem:$0x1030] =	vst v0  }
0x245: {  	[tilespmem:$0x10B0] =	vst v1  }
0x246: {  	[tilespmem:$0x1130] =	vst v0  }
0x247: {  	[tilespmem:$0x1040] =	vst v0  }
0x248: {  	[tilespmem:$0x10C0] =	vst v1  }
0x249: {  	[tilespmem:$0x1140] =	vst v0  }
0x24a: {  	[tilespmem:$0x1050] =	vst v0  }
0x24b: {  	[tilespmem:$0x10D0] =	vst v1  }
0x24c: {  	[tilespmem:$0x1150] =	vst v0  }
0x24d: {  	[tilespmem:$0x1060] =	vst v0  }
.Ltmp11:
0x24e: {  	[tilespmem:$0x10E0] =	vst v1;
	(pc) =	sbr.rel .LBB2_10-.Ltmp11, $4  }
0x24f: {  	[tilespmem:$0x1160] =	vst v0  }
0x250: {  	[tilespmem:$0x1070] =	vst v0  }
0x251: {  	[tilespmem:$0x10F0] =	vst v1  }
0x252: {  	s1 =	simm.s32 $0x0;
	[tilespmem:$0x1170] =	vst v0  }
.LBB2_12:
0x253: {  	p0 =	slt.s32 s1, $0x1  }
.Ltmp12:
0x254: {  	_ = 	snop;
	(pc) =	sbr.rel @p0 .LBB2_18-.Ltmp12, $1  }
0x255: {  	_ =	sdelay $0x3  }
0x256: {  	[tilespmem:s28], [sflag:$0x1] =	stream.indirect.gather [hbm4b:s5+s25], $0x310, s26, s25, $0xb8;
	[tilespmem:$0x1E690] =	vst v63  }
0x257: {  	_ =	swait.ge [sflag:s20], $0x18800  }
0x258: {  	[sflag:s20] =	ssyncset.done $0x0  }
0x259: {  	s0 =	simm.s32 $0x19980;
	[sflag:s20] =	ssyncadd.s32 $0xFFFE7800  }
0x25a: {  	[tilespmem:s0], [sflag:$0x1] =	stream.indirect.gather [hbm4b:s8+s25], $0x10, s26, s25, $0xb8;
	[tilespmem:$0x1E690] =	vst v63  }
0x25b: {  	_ =	swait.ge [sflag:s20], $0x800  }
0x25c: {  	[sflag:s20] =	ssyncset.done $0x0  }
0x25d: {  	s4 =	simm.s32 $0x1A180;
	[sflag:s20] =	ssyncadd.s32 $0xFFFFF800  }
0x25e: {  	[tilespmem:s4], [sflag:$0x1] =	stream.indirect.gather [hbm4b:s10+s25], $0x10, s29, s25, $0xb8;
	[tilespmem:$0x1E690] =	vst v63  }
0x25f: {  	_ =	swait.ge [sflag:s20], $0x800  }
0x260: {  	[sflag:s20] =	ssyncset.done $0x0  }
0x261: {  	[sflag:s20] =	ssyncadd.s32 $0xFFFFF800  }
0x262: {  	v4 =	vld [tilespmem:s4+$0x0]  }
0x263: {  	v5 =	vld [tilespmem:s0+$0x0];
	_ =	sdelay $0x4  }
0x264: {  	v4 =	vadd.f32 v4, v5;
	_ =	sdelay $0x1  }
0x265: {  	v5 =	vmin.f32 v4, $0.0e+00  }
0x266: {  	v5 =	vmul.f32 $2.000000030e-01, v5  }
0x267: {  	v4 =	vmax.f32 v4, $0.0e+00  }
0x268: {  	v4 =	vadd.f32 v5, v4;
	_ =	sdelay $0x1  }
0x269: {  	v4 =	vmul.f32 $1.442695020e+00, v4;
	_ =	sdelay $0x1  }
0x26a: {  	(erf) = vpow2.f32 v4;
	_ =	sdelay $0x8  }
0x26b: {  	v4 =	vpop (erf)  }
0x26c: {  	p0 =	sgt.s32 s1, $0x0;
	v4 =	vsel vm0, v4, v3  }
0x26d: {  	s4 =	simm.s32 $0x1A980;
	v4 =	vpsel !p0, $0x0, v4  }
0x26e: {  	s12 =	simm.s32 $0x1A190;
	[tilespmem:s4+$0x0] =	vst v4  }
0x26f: {  	s13 =	simm.s32 $0x19990;
	v4 =	vld [tilespmem:s12+$0x0]  }
0x270: {  	s11 =	simm.s32 $0x1;
	s14 =	simm.s32 $0x2;
	s0 =	simm.s32 $0x0;
	v5 =	vld [tilespmem:s13+$0x0]  }
.LBB2_14:
0x271: {  	p0 =	sne.s32 s14, $0x7F;
	_ =	sdelay $0x3  }
0x272: {  	v4 =	vadd.f32 v4, v5;
	_ =	sdelay $0x1  }
0x273: {  	v5 =	vmin.f32 v4, $0.0e+00  }
0x274: {  	v5 =	vmul.f32 $2.000000030e-01, v5  }
0x275: {  	v4 =	vmax.f32 v4, $0.0e+00  }
0x276: {  	v4 =	vadd.f32 v5, v4;
	_ =	sdelay $0x1  }
0x277: {  	v4 =	vmul.f32 $1.442695020e+00, v4;
	_ =	sdelay $0x1  }
0x278: {  	(erf) = vpow2.f32 v4;
	_ =	sdelay $0x8  }
0x279: {  	v4 =	vpop (erf)  }
.Ltmp13:
0x27a: {  	p1 =	slt.s32 s11, s1;
	s11 =	smov.u32 s14;
	v4 =	vsel vm0, v4, v3;
	(pc) =	sbr.rel @p0 .LBB2_14-.Ltmp13, $4  }
0x27b: {  	s4 =	sadd.s32 $0x10, s4;
	v4 =	vpsel !p1, $0x0, v4  }
0x27c: {  	s12 =	sadd.s32 $0x10, s12;
	[tilespmem:s4+$0x0] =	vst v4  }
0x27d: {  	s13 =	sadd.s32 $0x10, s13;
	v4 =	vld [tilespmem:s12+$0x0]  }
0x27e: {  	s14 =	sadd.s32 $0x1, s14;
	v5 =	vld [tilespmem:s13+$0x0]  }
0x27f: {  	_ =	sdelay $0x3  }
0x280: {  	v4 =	vadd.f32 v4, v5;
	_ =	sdelay $0x1  }
0x281: {  	v5 =	vmin.f32 v4, $0.0e+00  }
0x282: {  	v5 =	vmul.f32 $2.000000030e-01, v5  }
0x283: {  	v4 =	vmax.f32 v4, $0.0e+00  }
0x284: {  	v4 =	vadd.f32 v5, v4;
	_ =	sdelay $0x1  }
0x285: {  	v4 =	vmul.f32 $1.442695020e+00, v4;
	_ =	sdelay $0x1  }
0x286: {  	(erf) = vpow2.f32 v4;
	_ =	sdelay $0x8  }
0x287: {  	v4 =	vpop (erf)  }
0x288: {  	p0 =	slt.s32 s11, s1;
	v4 =	vsel vm0, v4, v3  }
0x289: {  	s18 =	sadd.s32 $0x10, s4;
	v4 =	vpsel !p0, $0x0, v4  }
0x28a: {  	s1 =	simm.s32 $0x1300;
	[tilespmem:s18+$0x0] =	vst v4  }
.LBB2_16:
0x28b: {  	v4 =	vld [tilespmem:$0x1B180];
	_ =	sdelay $0x4  }
0x28c: {  	s4 =	sshll.u32 s0, $0x4;
	v5 =	vand.u32 $0xFFFFFFF8, v4  }
0x28d: {  	v4 =	vand.u32 $0x7, v4;
	v5 =	vadd.s32 s4, v5  }
0x28e: {  	v4 =	vor.u32 v4, v5;
	_ =	sdelay $0x3  }
0x28f: {  	v5 =	vld [tilespmem:s1+$0xFFFFFE80]  }
0x290: {  	v4 =	vld.idx.msk [tilespmem:v4+s30+$0x0], $0xffff;
	_ =	sdelay $0x4  }
0x291: {  	v4 =	vmul.f32 v5, v4;
	_ =	sdelay $0x1  }
0x292: {  	[tilespmem:s1+$0xFFFFFE80] =	vst v4  }
0x293: {  	v4 =	vld [tilespmem:$0x1B190];
	_ =	sdelay $0x4  }
0x294: {  	v5 =	vand.u32 $0xFFFFFFF8, v4  }
0x295: {  	v4 =	vand.u32 $0x7, v4;
	v5 =	vadd.s32 s4, v5  }
0x296: {  	v4 =	vor.u32 v4, v5;
	_ =	sdelay $0x3  }
0x297: {  	v5 =	vld [tilespmem:s1+$0xFFFFFE90]  }
0x298: {  	v4 =	vld.idx.msk [tilespmem:v4+s30+$0x0], $0xffff;
	_ =	sdelay $0x4  }
0x299: {  	v4 =	vmul.f32 v5, v4;
	_ =	sdelay $0x1  }
0x29a: {  	[tilespmem:s1+$0xFFFFFE90] =	vst v4  }
0x29b: {  	v4 =	vld [tilespmem:$0x1B1A0];
	_ =	sdelay $0x4  }
0x29c: {  	v5 =	vand.u32 $0xFFFFFFF8, v4  }
0x29d: {  	v4 =	vand.u32 $0x7, v4;
	v5 =	vadd.s32 s4, v5  }
0x29e: {  	v4 =	vor.u32 v4, v5;
	_ =	sdelay $0x3  }
0x29f: {  	v5 =	vld [tilespmem:s1+$0xFFFFFEA0]  }
0x2a0: {  	v4 =	vld.idx.msk [tilespmem:v4+s30+$0x0], $0xffff;
	_ =	sdelay $0x4  }
0x2a1: {  	v4 =	vmul.f32 v5, v4;
	_ =	sdelay $0x1  }
0x2a2: {  	[tilespmem:s1+$0xFFFFFEA0] =	vst v4  }
0x2a3: {  	v4 =	vld [tilespmem:$0x1B1B0];
	_ =	sdelay $0x4  }
0x2a4: {  	v5 =	vand.u32 $0xFFFFFFF8, v4  }
0x2a5: {  	v4 =	vand.u32 $0x7, v4;
	v5 =	vadd.s32 s4, v5  }
0x2a6: {  	v4 =	vor.u32 v4, v5;
	_ =	sdelay $0x3  }
0x2a7: {  	v5 =	vld [tilespmem:s1+$0xFFFFFEB0]  }
0x2a8: {  	v4 =	vld.idx.msk [tilespmem:v4+s30+$0x0], $0xffff;
	_ =	sdelay $0x4  }
0x2a9: {  	v4 =	vmul.f32 v5, v4;
	_ =	sdelay $0x1  }
0x2aa: {  	[tilespmem:s1+$0xFFFFFEB0] =	vst v4  }
0x2ab: {  	v4 =	vld [tilespmem:$0x1B1C0];
	_ =	sdelay $0x4  }
0x2ac: {  	v5 =	vand.u32 $0xFFFFFFF8, v4  }
0x2ad: {  	v4 =	vand.u32 $0x7, v4;
	v5 =	vadd.s32 s4, v5  }
0x2ae: {  	v4 =	vor.u32 v4, v5;
	_ =	sdelay $0x3  }
0x2af: {  	v5 =	vld [tilespmem:s1+$0xFFFFFEC0]  }
0x2b0: {  	v4 =	vld.idx.msk [tilespmem:v4+s30+$0x0], $0xffff;
	_ =	sdelay $0x4  }
0x2b1: {  	v4 =	vmul.f32 v5, v4;
	_ =	sdelay $0x1  }
0x2b2: {  	[tilespmem:s1+$0xFFFFFEC0] =	vst v4  }
0x2b3: {  	v4 =	vld [tilespmem:$0x1B1D0];
	_ =	sdelay $0x4  }
0x2b4: {  	v5 =	vand.u32 $0xFFFFFFF8, v4  }
0x2b5: {  	v4 =	vand.u32 $0x7, v4;
	v5 =	vadd.s32 s4, v5  }
0x2b6: {  	v4 =	vor.u32 v4, v5;
	_ =	sdelay $0x3  }
0x2b7: {  	v5 =	vld [tilespmem:s1+$0xFFFFFED0]  }
0x2b8: {  	v4 =	vld.idx.msk [tilespmem:v4+s30+$0x0], $0xffff;
	_ =	sdelay $0x4  }
0x2b9: {  	v4 =	vmul.f32 v5, v4;
	_ =	sdelay $0x1  }
0x2ba: {  	[tilespmem:s1+$0xFFFFFED0] =	vst v4  }
0x2bb: {  	v4 =	vld [tilespmem:$0x1B1E0];
	_ =	sdelay $0x4  }
0x2bc: {  	v5 =	vand.u32 $0xFFFFFFF8, v4  }
0x2bd: {  	v4 =	vand.u32 $0x7, v4;
	v5 =	vadd.s32 s4, v5  }
0x2be: {  	v4 =	vor.u32 v4, v5;
	_ =	sdelay $0x3  }
0x2bf: {  	v5 =	vld [tilespmem:s1+$0xFFFFFEE0]  }
0x2c0: {  	v4 =	vld.idx.msk [tilespmem:v4+s30+$0x0], $0xffff;
	_ =	sdelay $0x4  }
0x2c1: {  	v4 =	vmul.f32 v5, v4;
	_ =	sdelay $0x1  }
0x2c2: {  	[tilespmem:s1+$0xFFFFFEE0] =	vst v4  }
0x2c3: {  	v4 =	vld [tilespmem:$0x1B1F0];
	_ =	sdelay $0x4  }
0x2c4: {  	v5 =	vand.u32 $0xFFFFFFF8, v4  }
0x2c5: {  	v4 =	vand.u32 $0x7, v4;
	v5 =	vadd.s32 s4, v5  }
0x2c6: {  	v4 =	vor.u32 v4, v5;
	_ =	sdelay $0x3  }
0x2c7: {  	v5 =	vld [tilespmem:s1+$0xFFFFFEF0]  }
0x2c8: {  	v4 =	vld.idx.msk [tilespmem:v4+s30+$0x0], $0xffff;
	_ =	sdelay $0x4  }
0x2c9: {  	v4 =	vmul.f32 v5, v4;
	_ =	sdelay $0x1  }
0x2ca: {  	[tilespmem:s1+$0xFFFFFEF0] =	vst v4  }
0x2cb: {  	v4 =	vld [tilespmem:$0x1B200];
	_ =	sdelay $0x4  }
0x2cc: {  	v5 =	vand.u32 $0xFFFFFFF8, v4  }
0x2cd: {  	v4 =	vand.u32 $0x7, v4;
	v5 =	vadd.s32 s4, v5  }
0x2ce: {  	v4 =	vor.u32 v4, v5;
	_ =	sdelay $0x3  }
0x2cf: {  	v5 =	vld [tilespmem:s1+$0xFFFFFF00]  }
0x2d0: {  	v4 =	vld.idx.msk [tilespmem:v4+s30+$0x0], $0xffff;
	_ =	sdelay $0x4  }
0x2d1: {  	v4 =	vmul.f32 v5, v4;
	_ =	sdelay $0x1  }
0x2d2: {  	[tilespmem:s1+$0xFFFFFF00] =	vst v4  }
0x2d3: {  	v4 =	vld [tilespmem:$0x1B210];
	_ =	sdelay $0x4  }
0x2d4: {  	v5 =	vand.u32 $0xFFFFFFF8, v4  }
0x2d5: {  	v4 =	vand.u32 $0x7, v4;
	v5 =	vadd.s32 s4, v5  }
0x2d6: {  	v4 =	vor.u32 v4, v5;
	_ =	sdelay $0x3  }
0x2d7: {  	v5 =	vld [tilespmem:s1+$0xFFFFFF10]  }
0x2d8: {  	v4 =	vld.idx.msk [tilespmem:v4+s30+$0x0], $0xffff;
	_ =	sdelay $0x4  }
0x2d9: {  	v4 =	vmul.f32 v5, v4;
	_ =	sdelay $0x1  }
0x2da: {  	[tilespmem:s1+$0xFFFFFF10] =	vst v4  }
0x2db: {  	v4 =	vld [tilespmem:$0x1B220];
	_ =	sdelay $0x4  }
0x2dc: {  	v5 =	vand.u32 $0xFFFFFFF8, v4  }
0x2dd: {  	v4 =	vand.u32 $0x7, v4;
	v5 =	vadd.s32 s4, v5  }
0x2de: {  	v4 =	vor.u32 v4, v5;
	_ =	sdelay $0x3  }
0x2df: {  	v5 =	vld [tilespmem:s1+$0xFFFFFF20]  }
0x2e0: {  	v4 =	vld.idx.msk [tilespmem:v4+s30+$0x0], $0xffff;
	_ =	sdelay $0x4  }
0x2e1: {  	v4 =	vmul.f32 v5, v4;
	_ =	sdelay $0x1  }
0x2e2: {  	[tilespmem:s1+$0xFFFFFF20] =	vst v4  }
0x2e3: {  	v4 =	vld [tilespmem:$0x1B230];
	_ =	sdelay $0x4  }
0x2e4: {  	v5 =	vand.u32 $0xFFFFFFF8, v4  }
0x2e5: {  	v4 =	vand.u32 $0x7, v4;
	v5 =	vadd.s32 s4, v5  }
0x2e6: {  	v4 =	vor.u32 v4, v5;
	_ =	sdelay $0x3  }
0x2e7: {  	v5 =	vld [tilespmem:s1+$0xFFFFFF30]  }
0x2e8: {  	v4 =	vld.idx.msk [tilespmem:v4+s30+$0x0], $0xffff;
	_ =	sdelay $0x4  }
0x2e9: {  	v4 =	vmul.f32 v5, v4;
	_ =	sdelay $0x1  }
0x2ea: {  	[tilespmem:s1+$0xFFFFFF30] =	vst v4  }
0x2eb: {  	v4 =	vld [tilespmem:$0x1B240];
	_ =	sdelay $0x4  }
0x2ec: {  	v5 =	vand.u32 $0xFFFFFFF8, v4  }
0x2ed: {  	v4 =	vand.u32 $0x7, v4;
	v5 =	vadd.s32 s4, v5  }
0x2ee: {  	v4 =	vor.u32 v4, v5;
	_ =	sdelay $0x3  }
0x2ef: {  	v5 =	vld [tilespmem:s1+$0xFFFFFF40]  }
0x2f0: {  	v4 =	vld.idx.msk [tilespmem:v4+s30+$0x0], $0xffff;
	_ =	sdelay $0x4  }
0x2f1: {  	v4 =	vmul.f32 v5, v4;
	_ =	sdelay $0x1  }
0x2f2: {  	[tilespmem:s1+$0xFFFFFF40] =	vst v4  }
0x2f3: {  	v4 =	vld [tilespmem:$0x1B250];
	_ =	sdelay $0x4  }
0x2f4: {  	v5 =	vand.u32 $0xFFFFFFF8, v4  }
0x2f5: {  	v4 =	vand.u32 $0x7, v4;
	v5 =	vadd.s32 s4, v5  }
0x2f6: {  	v4 =	vor.u32 v4, v5;
	_ =	sdelay $0x3  }
0x2f7: {  	v5 =	vld [tilespmem:s1+$0xFFFFFF50]  }
0x2f8: {  	v4 =	vld.idx.msk [tilespmem:v4+s30+$0x0], $0xffff;
	_ =	sdelay $0x4  }
0x2f9: {  	v4 =	vmul.f32 v5, v4;
	_ =	sdelay $0x1  }
0x2fa: {  	[tilespmem:s1+$0xFFFFFF50] =	vst v4  }
0x2fb: {  	v4 =	vld [tilespmem:$0x1B260];
	_ =	sdelay $0x4  }
0x2fc: {  	v5 =	vand.u32 $0xFFFFFFF8, v4  }
0x2fd: {  	v4 =	vand.u32 $0x7, v4;
	v5 =	vadd.s32 s4, v5  }
0x2fe: {  	v4 =	vor.u32 v4, v5;
	_ =	sdelay $0x3  }
0x2ff: {  	v5 =	vld [tilespmem:s1+$0xFFFFFF60]  }
0x300: {  	v4 =	vld.idx.msk [tilespmem:v4+s30+$0x0], $0xffff;
	_ =	sdelay $0x4  }
0x301: {  	v4 =	vmul.f32 v5, v4;
	_ =	sdelay $0x1  }
0x302: {  	[tilespmem:s1+$0xFFFFFF60] =	vst v4  }
0x303: {  	v4 =	vld [tilespmem:$0x1B270];
	_ =	sdelay $0x4  }
0x304: {  	v5 =	vand.u32 $0xFFFFFFF8, v4  }
0x305: {  	v4 =	vand.u32 $0x7, v4;
	v5 =	vadd.s32 s4, v5  }
0x306: {  	v4 =	vor.u32 v4, v5;
	_ =	sdelay $0x3  }
0x307: {  	v5 =	vld [tilespmem:s1+$0xFFFFFF70]  }
0x308: {  	v4 =	vld.idx.msk [tilespmem:v4+s30+$0x0], $0xffff;
	_ =	sdelay $0x4  }
0x309: {  	v4 =	vmul.f32 v5, v4;
	_ =	sdelay $0x1  }
0x30a: {  	[tilespmem:s1+$0xFFFFFF70] =	vst v4  }
0x30b: {  	v4 =	vld [tilespmem:$0x1B280];
	_ =	sdelay $0x4  }
0x30c: {  	v5 =	vand.u32 $0xFFFFFFF8, v4  }
0x30d: {  	v4 =	vand.u32 $0x7, v4;
	v5 =	vadd.s32 s4, v5  }
0x30e: {  	v4 =	vor.u32 v4, v5;
	_ =	sdelay $0x3  }
0x30f: {  	v5 =	vld [tilespmem:s1+$0xFFFFFF80]  }
0x310: {  	v4 =	vld.idx.msk [tilespmem:v4+s30+$0x0], $0xffff;
	_ =	sdelay $0x4  }
0x311: {  	v4 =	vmul.f32 v5, v4;
	_ =	sdelay $0x1  }
0x312: {  	[tilespmem:s1+$0xFFFFFF80] =	vst v4  }
0x313: {  	v4 =	vld [tilespmem:$0x1B290];
	_ =	sdelay $0x4  }
0x314: {  	v5 =	vand.u32 $0xFFFFFFF8, v4  }
0x315: {  	v4 =	vand.u32 $0x7, v4;
	v5 =	vadd.s32 s4, v5  }
0x316: {  	v4 =	vor.u32 v4, v5;
	_ =	sdelay $0x3  }
0x317: {  	v5 =	vld [tilespmem:s1+$0xFFFFFF90]  }
0x318: {  	v4 =	vld.idx.msk [tilespmem:v4+s30+$0x0], $0xffff;
	_ =	sdelay $0x4  }
0x319: {  	v4 =	vmul.f32 v5, v4;
	_ =	sdelay $0x1  }
0x31a: {  	[tilespmem:s1+$0xFFFFFF90] =	vst v4  }
0x31b: {  	v4 =	vld [tilespmem:$0x1B2A0];
	_ =	sdelay $0x4  }
0x31c: {  	v5 =	vand.u32 $0xFFFFFFF8, v4  }
0x31d: {  	v4 =	vand.u32 $0x7, v4;
	v5 =	vadd.s32 s4, v5  }
0x31e: {  	v4 =	vor.u32 v4, v5;
	_ =	sdelay $0x3  }
0x31f: {  	v5 =	vld [tilespmem:s1+$0xFFFFFFA0]  }
0x320: {  	v4 =	vld.idx.msk [tilespmem:v4+s30+$0x0], $0xffff;
	_ =	sdelay $0x4  }
0x321: {  	v4 =	vmul.f32 v5, v4;
	_ =	sdelay $0x1  }
0x322: {  	[tilespmem:s1+$0xFFFFFFA0] =	vst v4  }
0x323: {  	v4 =	vld [tilespmem:$0x1B2B0];
	_ =	sdelay $0x4  }
0x324: {  	v5 =	vand.u32 $0xFFFFFFF8, v4  }
0x325: {  	v4 =	vand.u32 $0x7, v4;
	v5 =	vadd.s32 s4, v5  }
0x326: {  	v4 =	vor.u32 v4, v5;
	_ =	sdelay $0x3  }
0x327: {  	v5 =	vld [tilespmem:s1+$0xFFFFFFB0]  }
0x328: {  	v4 =	vld.idx.msk [tilespmem:v4+s30+$0x0], $0xffff;
	_ =	sdelay $0x4  }
0x329: {  	v4 =	vmul.f32 v5, v4;
	_ =	sdelay $0x1  }
0x32a: {  	[tilespmem:s1+$0xFFFFFFB0] =	vst v4  }
0x32b: {  	v4 =	vld [tilespmem:$0x1B2C0];
	_ =	sdelay $0x4  }
0x32c: {  	v5 =	vand.u32 $0xFFFFFFF8, v4  }
0x32d: {  	v4 =	vand.u32 $0x7, v4;
	v5 =	vadd.s32 s4, v5  }
0x32e: {  	v4 =	vor.u32 v4, v5;
	_ =	sdelay $0x3  }
0x32f: {  	v5 =	vld [tilespmem:s1+$0xFFFFFFC0]  }
0x330: {  	v4 =	vld.idx.msk [tilespmem:v4+s30+$0x0], $0xffff;
	_ =	sdelay $0x4  }
0x331: {  	v4 =	vmul.f32 v5, v4;
	_ =	sdelay $0x1  }
0x332: {  	[tilespmem:s1+$0xFFFFFFC0] =	vst v4  }
0x333: {  	v4 =	vld [tilespmem:$0x1B2D0];
	_ =	sdelay $0x4  }
0x334: {  	v5 =	vand.u32 $0xFFFFFFF8, v4  }
0x335: {  	v4 =	vand.u32 $0x7, v4;
	v5 =	vadd.s32 s4, v5  }
0x336: {  	v4 =	vor.u32 v4, v5;
	_ =	sdelay $0x3  }
0x337: {  	v5 =	vld [tilespmem:s1+$0xFFFFFFD0]  }
0x338: {  	v4 =	vld.idx.msk [tilespmem:v4+s30+$0x0], $0xffff;
	_ =	sdelay $0x4  }
0x339: {  	v4 =	vmul.f32 v5, v4;
	_ =	sdelay $0x1  }
0x33a: {  	[tilespmem:s1+$0xFFFFFFD0] =	vst v4  }
0x33b: {  	v4 =	vld [tilespmem:$0x1B2E0];
	_ =	sdelay $0x4  }
0x33c: {  	v5 =	vand.u32 $0xFFFFFFF8, v4  }
0x33d: {  	v4 =	vand.u32 $0x7, v4;
	v5 =	vadd.s32 s4, v5  }
0x33e: {  	v4 =	vor.u32 v4, v5;
	_ =	sdelay $0x3  }
0x33f: {  	v5 =	vld [tilespmem:s1+$0xFFFFFFE0]  }
0x340: {  	v4 =	vld.idx.msk [tilespmem:v4+s30+$0x0], $0xffff;
	_ =	sdelay $0x4  }
0x341: {  	v4 =	vmul.f32 v5, v4;
	_ =	sdelay $0x1  }
0x342: {  	[tilespmem:s1+$0xFFFFFFE0] =	vst v4  }
0x343: {  	v4 =	vld [tilespmem:$0x1B2F0];
	_ =	sdelay $0x4  }
0x344: {  	v5 =	vand.u32 $0xFFFFFFF8, v4  }
0x345: {  	v4 =	vand.u32 $0x7, v4;
	v5 =	vadd.s32 s4, v5  }
0x346: {  	v4 =	vor.u32 v4, v5;
	_ =	sdelay $0x3  }
0x347: {  	v5 =	vld [tilespmem:s1+$0xFFFFFFF0]  }
0x348: {  	v4 =	vld.idx.msk [tilespmem:v4+s30+$0x0], $0xffff;
	_ =	sdelay $0x4  }
0x349: {  	v4 =	vmul.f32 v5, v4;
	_ =	sdelay $0x1  }
0x34a: {  	[tilespmem:s1+$0xFFFFFFF0] =	vst v4  }
0x34b: {  	v4 =	vld [tilespmem:$0x1B300];
	_ =	sdelay $0x4  }
0x34c: {  	v5 =	vand.u32 $0xFFFFFFF8, v4  }
0x34d: {  	v4 =	vand.u32 $0x7, v4;
	v5 =	vadd.s32 s4, v5  }
0x34e: {  	v4 =	vor.u32 v4, v5;
	_ =	sdelay $0x3  }
0x34f: {  	v5 =	vld [tilespmem:s1+$0x0]  }
0x350: {  	v4 =	vld.idx.msk [tilespmem:v4+s30+$0x0], $0xffff;
	_ =	sdelay $0x4  }
0x351: {  	v4 =	vmul.f32 v5, v4;
	_ =	sdelay $0x1  }
0x352: {  	[tilespmem:s1+$0x0] =	vst v4  }
0x353: {  	v4 =	vld [tilespmem:$0x1B310];
	_ =	sdelay $0x4  }
0x354: {  	v5 =	vand.u32 $0xFFFFFFF8, v4  }
0x355: {  	v4 =	vand.u32 $0x7, v4;
	v5 =	vadd.s32 s4, v5  }
0x356: {  	v4 =	vor.u32 v4, v5;
	_ =	sdelay $0x3  }
0x357: {  	v5 =	vld [tilespmem:s1+$0x10]  }
0x358: {  	v4 =	vld.idx.msk [tilespmem:v4+s30+$0x0], $0xffff;
	_ =	sdelay $0x4  }
0x359: {  	v4 =	vmul.f32 v5, v4;
	_ =	sdelay $0x1  }
0x35a: {  	[tilespmem:s1+$0x10] =	vst v4  }
0x35b: {  	v4 =	vld [tilespmem:$0x1B320];
	_ =	sdelay $0x4  }
0x35c: {  	v5 =	vand.u32 $0xFFFFFFF8, v4  }
0x35d: {  	v4 =	vand.u32 $0x7, v4;
	v5 =	vadd.s32 s4, v5  }
0x35e: {  	v4 =	vor.u32 v4, v5;
	_ =	sdelay $0x3  }
0x35f: {  	v5 =	vld [tilespmem:s1+$0x20]  }
0x360: {  	v4 =	vld.idx.msk [tilespmem:v4+s30+$0x0], $0xffff;
	_ =	sdelay $0x4  }
0x361: {  	v4 =	vmul.f32 v5, v4;
	_ =	sdelay $0x1  }
0x362: {  	[tilespmem:s1+$0x20] =	vst v4  }
0x363: {  	v4 =	vld [tilespmem:$0x1B330];
	_ =	sdelay $0x4  }
0x364: {  	v5 =	vand.u32 $0xFFFFFFF8, v4  }
0x365: {  	v4 =	vand.u32 $0x7, v4;
	v5 =	vadd.s32 s4, v5  }
0x366: {  	v4 =	vor.u32 v4, v5;
	_ =	sdelay $0x3  }
0x367: {  	v5 =	vld [tilespmem:s1+$0x30]  }
0x368: {  	v4 =	vld.idx.msk [tilespmem:v4+s30+$0x0], $0xffff;
	_ =	sdelay $0x4  }
0x369: {  	v4 =	vmul.f32 v5, v4;
	_ =	sdelay $0x1  }
0x36a: {  	[tilespmem:s1+$0x30] =	vst v4  }
0x36b: {  	v4 =	vld [tilespmem:$0x1B340];
	_ =	sdelay $0x4  }
0x36c: {  	v5 =	vand.u32 $0xFFFFFFF8, v4  }
0x36d: {  	v4 =	vand.u32 $0x7, v4;
	v5 =	vadd.s32 s4, v5  }
0x36e: {  	v4 =	vor.u32 v4, v5;
	_ =	sdelay $0x3  }
0x36f: {  	v5 =	vld [tilespmem:s1+$0x40]  }
0x370: {  	v4 =	vld.idx.msk [tilespmem:v4+s30+$0x0], $0xffff;
	_ =	sdelay $0x4  }
0x371: {  	v4 =	vmul.f32 v5, v4;
	_ =	sdelay $0x1  }
0x372: {  	[tilespmem:s1+$0x40] =	vst v4  }
0x373: {  	v4 =	vld [tilespmem:$0x1B350];
	_ =	sdelay $0x4  }
0x374: {  	v5 =	vand.u32 $0xFFFFFFF8, v4  }
0x375: {  	v4 =	vand.u32 $0x7, v4;
	v5 =	vadd.s32 s4, v5  }
0x376: {  	v4 =	vor.u32 v4, v5;
	_ =	sdelay $0x3  }
0x377: {  	v5 =	vld [tilespmem:s1+$0x50]  }
0x378: {  	v4 =	vld.idx.msk [tilespmem:v4+s30+$0x0], $0xffff;
	_ =	sdelay $0x4  }
0x379: {  	v4 =	vmul.f32 v5, v4;
	_ =	sdelay $0x1  }
0x37a: {  	[tilespmem:s1+$0x50] =	vst v4  }
0x37b: {  	v4 =	vld [tilespmem:$0x1B360];
	_ =	sdelay $0x4  }
0x37c: {  	v5 =	vand.u32 $0xFFFFFFF8, v4  }
0x37d: {  	v4 =	vand.u32 $0x7, v4;
	v5 =	vadd.s32 s4, v5  }
0x37e: {  	v4 =	vor.u32 v4, v5;
	_ =	sdelay $0x3  }
0x37f: {  	v5 =	vld [tilespmem:s1+$0x60]  }
0x380: {  	v4 =	vld.idx.msk [tilespmem:v4+s30+$0x0], $0xffff;
	_ =	sdelay $0x4  }
0x381: {  	v4 =	vmul.f32 v5, v4;
	_ =	sdelay $0x1  }
0x382: {  	[tilespmem:s1+$0x60] =	vst v4  }
0x383: {  	v4 =	vld [tilespmem:$0x1B370];
	_ =	sdelay $0x4  }
0x384: {  	v5 =	vand.u32 $0xFFFFFFF8, v4  }
0x385: {  	v4 =	vand.u32 $0x7, v4;
	v5 =	vadd.s32 s4, v5  }
0x386: {  	v4 =	vor.u32 v4, v5;
	_ =	sdelay $0x3  }
0x387: {  	v5 =	vld [tilespmem:s1+$0x70]  }
0x388: {  	v4 =	vld.idx.msk [tilespmem:v4+s30+$0x0], $0xffff;
	_ =	sdelay $0x4  }
0x389: {  	v4 =	vmul.f32 v5, v4;
	_ =	sdelay $0x1  }
0x38a: {  	[tilespmem:s1+$0x70] =	vst v4  }
0x38b: {  	v4 =	vld [tilespmem:$0x1B380];
	_ =	sdelay $0x4  }
0x38c: {  	v5 =	vand.u32 $0xFFFFFFF8, v4  }
0x38d: {  	v4 =	vand.u32 $0x7, v4;
	v5 =	vadd.s32 s4, v5  }
0x38e: {  	v4 =	vor.u32 v4, v5;
	_ =	sdelay $0x3  }
0x38f: {  	v5 =	vld [tilespmem:s1+$0x80]  }
0x390: {  	v4 =	vld.idx.msk [tilespmem:v4+s30+$0x0], $0xffff;
	_ =	sdelay $0x4  }
0x391: {  	v4 =	vmul.f32 v5, v4;
	_ =	sdelay $0x1  }
0x392: {  	[tilespmem:s1+$0x80] =	vst v4  }
0x393: {  	v4 =	vld [tilespmem:$0x1B390];
	_ =	sdelay $0x4  }
0x394: {  	v5 =	vand.u32 $0xFFFFFFF8, v4  }
0x395: {  	v4 =	vand.u32 $0x7, v4;
	v5 =	vadd.s32 s4, v5  }
0x396: {  	v4 =	vor.u32 v4, v5;
	_ =	sdelay $0x3  }
0x397: {  	v5 =	vld [tilespmem:s1+$0x90]  }
0x398: {  	v4 =	vld.idx.msk [tilespmem:v4+s30+$0x0], $0xffff;
	_ =	sdelay $0x4  }
0x399: {  	v4 =	vmul.f32 v5, v4;
	_ =	sdelay $0x1  }
0x39a: {  	[tilespmem:s1+$0x90] =	vst v4  }
0x39b: {  	v4 =	vld [tilespmem:$0x1B3A0];
	_ =	sdelay $0x4  }
0x39c: {  	v5 =	vand.u32 $0xFFFFFFF8, v4  }
0x39d: {  	v4 =	vand.u32 $0x7, v4;
	v5 =	vadd.s32 s4, v5  }
0x39e: {  	v4 =	vor.u32 v4, v5;
	_ =	sdelay $0x3  }
0x39f: {  	v5 =	vld [tilespmem:s1+$0xA0]  }
0x3a0: {  	v4 =	vld.idx.msk [tilespmem:v4+s30+$0x0], $0xffff;
	_ =	sdelay $0x4  }
0x3a1: {  	v4 =	vmul.f32 v5, v4;
	_ =	sdelay $0x1  }
0x3a2: {  	[tilespmem:s1+$0xA0] =	vst v4  }
0x3a3: {  	v4 =	vld [tilespmem:$0x1B3B0];
	_ =	sdelay $0x4  }
0x3a4: {  	v5 =	vand.u32 $0xFFFFFFF8, v4  }
0x3a5: {  	v4 =	vand.u32 $0x7, v4;
	v5 =	vadd.s32 s4, v5  }
0x3a6: {  	v4 =	vor.u32 v4, v5;
	_ =	sdelay $0x3  }
0x3a7: {  	v5 =	vld [tilespmem:s1+$0xB0]  }
0x3a8: {  	v4 =	vld.idx.msk [tilespmem:v4+s30+$0x0], $0xffff;
	_ =	sdelay $0x4  }
0x3a9: {  	v4 =	vmul.f32 v5, v4;
	_ =	sdelay $0x1  }
0x3aa: {  	[tilespmem:s1+$0xB0] =	vst v4  }
0x3ab: {  	v4 =	vld [tilespmem:$0x1B3C0];
	_ =	sdelay $0x4  }
0x3ac: {  	v5 =	vand.u32 $0xFFFFFFF8, v4  }
0x3ad: {  	v4 =	vand.u32 $0x7, v4;
	v5 =	vadd.s32 s4, v5  }
0x3ae: {  	v4 =	vor.u32 v4, v5;
	_ =	sdelay $0x3  }
0x3af: {  	v5 =	vld [tilespmem:s1+$0xC0]  }
0x3b0: {  	v4 =	vld.idx.msk [tilespmem:v4+s30+$0x0], $0xffff;
	_ =	sdelay $0x4  }
0x3b1: {  	v4 =	vmul.f32 v5, v4;
	_ =	sdelay $0x1  }
0x3b2: {  	[tilespmem:s1+$0xC0] =	vst v4  }
0x3b3: {  	v4 =	vld [tilespmem:$0x1B3D0];
	_ =	sdelay $0x4  }
0x3b4: {  	v5 =	vand.u32 $0xFFFFFFF8, v4  }
0x3b5: {  	v4 =	vand.u32 $0x7, v4;
	v5 =	vadd.s32 s4, v5  }
0x3b6: {  	v4 =	vor.u32 v4, v5;
	_ =	sdelay $0x3  }
0x3b7: {  	v5 =	vld [tilespmem:s1+$0xD0]  }
0x3b8: {  	v4 =	vld.idx.msk [tilespmem:v4+s30+$0x0], $0xffff;
	_ =	sdelay $0x4  }
0x3b9: {  	v4 =	vmul.f32 v5, v4;
	_ =	sdelay $0x1  }
0x3ba: {  	[tilespmem:s1+$0xD0] =	vst v4  }
0x3bb: {  	v4 =	vld [tilespmem:$0x1B3E0];
	_ =	sdelay $0x4  }
0x3bc: {  	v5 =	vand.u32 $0xFFFFFFF8, v4  }
0x3bd: {  	v4 =	vand.u32 $0x7, v4;
	v5 =	vadd.s32 s4, v5  }
0x3be: {  	v4 =	vor.u32 v4, v5;
	_ =	sdelay $0x3  }
0x3bf: {  	v5 =	vld [tilespmem:s1+$0xE0]  }
0x3c0: {  	v4 =	vld.idx.msk [tilespmem:v4+s30+$0x0], $0xffff;
	_ =	sdelay $0x4  }
0x3c1: {  	v4 =	vmul.f32 v5, v4;
	_ =	sdelay $0x1  }
0x3c2: {  	[tilespmem:s1+$0xE0] =	vst v4  }
0x3c3: {  	v4 =	vld [tilespmem:$0x1B3F0];
	_ =	sdelay $0x4  }
0x3c4: {  	v5 =	vand.u32 $0xFFFFFFF8, v4  }
0x3c5: {  	v4 =	vand.u32 $0x7, v4;
	v5 =	vadd.s32 s4, v5  }
0x3c6: {  	v4 =	vor.u32 v4, v5;
	_ =	sdelay $0x3  }
0x3c7: {  	v5 =	vld [tilespmem:s1+$0xF0]  }
0x3c8: {  	v4 =	vld.idx.msk [tilespmem:v4+s30+$0x0], $0xffff;
	_ =	sdelay $0x4  }
0x3c9: {  	v4 =	vmul.f32 v5, v4;
	_ =	sdelay $0x1  }
0x3ca: {  	[tilespmem:s1+$0xF0] =	vst v4  }
0x3cb: {  	v4 =	vld [tilespmem:$0x1B400];
	_ =	sdelay $0x4  }
0x3cc: {  	v5 =	vand.u32 $0xFFFFFFF8, v4  }
0x3cd: {  	v4 =	vand.u32 $0x7, v4;
	v5 =	vadd.s32 s4, v5  }
0x3ce: {  	v4 =	vor.u32 v4, v5;
	_ =	sdelay $0x3  }
0x3cf: {  	v5 =	vld [tilespmem:s1+$0x100]  }
0x3d0: {  	v4 =	vld.idx.msk [tilespmem:v4+s30+$0x0], $0xffff;
	_ =	sdelay $0x4  }
0x3d1: {  	v4 =	vmul.f32 v5, v4;
	_ =	sdelay $0x1  }
0x3d2: {  	[tilespmem:s1+$0x100] =	vst v4  }
0x3d3: {  	v4 =	vld [tilespmem:$0x1B410];
	_ =	sdelay $0x4  }
0x3d4: {  	v5 =	vand.u32 $0xFFFFFFF8, v4  }
0x3d5: {  	v4 =	vand.u32 $0x7, v4;
	v5 =	vadd.s32 s4, v5  }
0x3d6: {  	v4 =	vor.u32 v4, v5;
	_ =	sdelay $0x3  }
0x3d7: {  	v5 =	vld [tilespmem:s1+$0x110]  }
0x3d8: {  	v4 =	vld.idx.msk [tilespmem:v4+s30+$0x0], $0xffff;
	_ =	sdelay $0x4  }
0x3d9: {  	v4 =	vmul.f32 v5, v4;
	_ =	sdelay $0x1  }
0x3da: {  	[tilespmem:s1+$0x110] =	vst v4  }
0x3db: {  	v4 =	vld [tilespmem:$0x1B420];
	_ =	sdelay $0x4  }
0x3dc: {  	v5 =	vand.u32 $0xFFFFFFF8, v4  }
0x3dd: {  	v4 =	vand.u32 $0x7, v4;
	v5 =	vadd.s32 s4, v5  }
0x3de: {  	v4 =	vor.u32 v4, v5;
	_ =	sdelay $0x3  }
0x3df: {  	v5 =	vld [tilespmem:s1+$0x120]  }
0x3e0: {  	v4 =	vld.idx.msk [tilespmem:v4+s30+$0x0], $0xffff;
	_ =	sdelay $0x4  }
0x3e1: {  	v4 =	vmul.f32 v5, v4;
	_ =	sdelay $0x1  }
0x3e2: {  	[tilespmem:s1+$0x120] =	vst v4  }
0x3e3: {  	v4 =	vld [tilespmem:$0x1B430];
	_ =	sdelay $0x4  }
0x3e4: {  	v5 =	vand.u32 $0xFFFFFFF8, v4  }
0x3e5: {  	v4 =	vand.u32 $0x7, v4;
	v5 =	vadd.s32 s4, v5  }
0x3e6: {  	v4 =	vor.u32 v4, v5;
	_ =	sdelay $0x3  }
0x3e7: {  	v5 =	vld [tilespmem:s1+$0x130]  }
0x3e8: {  	v4 =	vld.idx.msk [tilespmem:v4+s30+$0x0], $0xffff;
	_ =	sdelay $0x4  }
0x3e9: {  	v4 =	vmul.f32 v5, v4;
	_ =	sdelay $0x1  }
0x3ea: {  	[tilespmem:s1+$0x130] =	vst v4  }
0x3eb: {  	v4 =	vld [tilespmem:$0x1B440];
	_ =	sdelay $0x4  }
0x3ec: {  	v5 =	vand.u32 $0xFFFFFFF8, v4  }
0x3ed: {  	v4 =	vand.u32 $0x7, v4;
	v5 =	vadd.s32 s4, v5  }
0x3ee: {  	v4 =	vor.u32 v4, v5;
	_ =	sdelay $0x3  }
0x3ef: {  	v5 =	vld [tilespmem:s1+$0x140]  }
0x3f0: {  	v4 =	vld.idx.msk [tilespmem:v4+s30+$0x0], $0xffff;
	_ =	sdelay $0x4  }
0x3f1: {  	v4 =	vmul.f32 v5, v4;
	_ =	sdelay $0x1  }
0x3f2: {  	[tilespmem:s1+$0x140] =	vst v4  }
0x3f3: {  	v4 =	vld [tilespmem:$0x1B450];
	_ =	sdelay $0x4  }
0x3f4: {  	v5 =	vand.u32 $0xFFFFFFF8, v4  }
0x3f5: {  	v4 =	vand.u32 $0x7, v4;
	v5 =	vadd.s32 s4, v5  }
0x3f6: {  	v4 =	vor.u32 v4, v5;
	_ =	sdelay $0x3  }
0x3f7: {  	v5 =	vld [tilespmem:s1+$0x150]  }
0x3f8: {  	v4 =	vld.idx.msk [tilespmem:v4+s30+$0x0], $0xffff;
	_ =	sdelay $0x4  }
0x3f9: {  	v4 =	vmul.f32 v5, v4;
	_ =	sdelay $0x1  }
0x3fa: {  	[tilespmem:s1+$0x150] =	vst v4  }
0x3fb: {  	v4 =	vld [tilespmem:$0x1B460];
	_ =	sdelay $0x4  }
0x3fc: {  	v5 =	vand.u32 $0xFFFFFFF8, v4  }
0x3fd: {  	v4 =	vand.u32 $0x7, v4;
	v5 =	vadd.s32 s4, v5  }
0x3fe: {  	v4 =	vor.u32 v4, v5;
	_ =	sdelay $0x3  }
0x3ff: {  	v5 =	vld [tilespmem:s1+$0x160]  }
0x400: {  	v4 =	vld.idx.msk [tilespmem:v4+s30+$0x0], $0xffff;
	_ =	sdelay $0x4  }
0x401: {  	v4 =	vmul.f32 v5, v4;
	_ =	sdelay $0x1  }
0x402: {  	[tilespmem:s1+$0x160] =	vst v4  }
0x403: {  	v4 =	vld [tilespmem:$0x1B470];
	_ =	sdelay $0x4  }
0x404: {  	v5 =	vand.u32 $0xFFFFFFF8, v4  }
0x405: {  	v4 =	vand.u32 $0x7, v4;
	v5 =	vadd.s32 s4, v5  }
0x406: {  	v4 =	vor.u32 v4, v5;
	_ =	sdelay $0x3  }
0x407: {  	v5 =	vld [tilespmem:s1+$0x170]  }
0x408: {  	v4 =	vld.idx.msk [tilespmem:v4+s30+$0x0], $0xffff;
	_ =	sdelay $0x4  }
0x409: {  	v4 =	vmul.f32 v5, v4;
	_ =	sdelay $0x1  }
0x40a: {  	[tilespmem:s1+$0x170] =	vst v4  }
0x40b: {  	v4 =	vld [tilespmem:$0x1B480];
	_ =	sdelay $0x4  }
0x40c: {  	v5 =	vand.u32 $0xFFFFFFF8, v4  }
0x40d: {  	v4 =	vand.u32 $0x7, v4;
	v5 =	vadd.s32 s4, v5  }
0x40e: {  	v4 =	vor.u32 v4, v5;
	_ =	sdelay $0x3  }
0x40f: {  	v5 =	vld [tilespmem:s1+$0x180]  }
0x410: {  	v4 =	vld.idx.msk [tilespmem:v4+s30+$0x0], $0xffff;
	_ =	sdelay $0x1  }
0x411: {  	p0 =	sne.s32 s0, $0x7F  }
.Ltmp14:
0x412: {  	_ = 	snop;
	(pc) =	sbr.rel @p0 .LBB2_16-.Ltmp14, $3  }
0x413: {  	_ = 	snop  }
0x414: {  	v4 =	vmul.f32 v5, v4;
	_ =	sdelay $0x1  }
0x415: {  	s0 =	sadd.s32 $0x1, s0;
	[tilespmem:s1+$0x180] =	vst v4;
	s1 =	sadd.s32 $0x310, s1  }
0x416: {  	[spmem:s2] =	stream.indirect.scatter.add.f32 [tilespmem:s28], [sflag:$0x1], $0x310, s31, s25, $0xb8;
	[tilespmem:$0x1E690] =	vst v63  }
0x417: {  	_ =	swait.ge [sflag:s20], $0x18800  }
0x418: {  	[sflag:s20] =	ssyncset.done $0x0  }
0x419: {  	[sflag:s20] =	ssyncadd.s32 $0xFFFE7800  }
0x41a: {  	[spmem:s3] =	stream.indirect.scatter.add.f32 [tilespmem:s30], [sflag:$0x1], $0x10, s31, s25, $0xb8;
	[tilespmem:$0x1E690] =	vst v63  }
0x41b: {  	_ =	swait.ge [sflag:s20], $0x800  }
0x41c: {  	[sflag:s20] =	ssyncset.done $0x0  }
0x41d: {  	[sflag:s20] =	ssyncadd.s32 $0xFFFFF800  }
0x41e: {  	[tilespmem:$0x1000] =	vst v0  }
0x41f: {  	[tilespmem:$0x1080] =	vst v1  }
0x420: {  	[tilespmem:$0x1100] =	vst v0  }
0x421: {  	[tilespmem:$0x1010] =	vst v0  }
0x422: {  	[tilespmem:$0x1090] =	vst v1  }
0x423: {  	[tilespmem:$0x1110] =	vst v0  }
0x424: {  	[tilespmem:$0x1020] =	vst v0  }
0x425: {  	[tilespmem:$0x10A0] =	vst v1  }
0x426: {  	[tilespmem:$0x1120] =	vst v0  }
0x427: {  	[tilespmem:$0x1030] =	vst v0  }
0x428: {  	[tilespmem:$0x10B0] =	vst v1  }
0x429: {  	[tilespmem:$0x1130] =	vst v0  }
0x42a: {  	[tilespmem:$0x1040] =	vst v0  }
0x42b: {  	[tilespmem:$0x10C0] =	vst v1  }
0x42c: {  	[tilespmem:$0x1140] =	vst v0  }
0x42d: {  	[tilespmem:$0x1050] =	vst v0  }
0x42e: {  	[tilespmem:$0x10D0] =	vst v1  }
0x42f: {  	[tilespmem:$0x1150] =	vst v0  }
0x430: {  	[tilespmem:$0x1060] =	vst v0  }
.Ltmp15:
0x431: {  	[tilespmem:$0x10E0] =	vst v1;
	(pc) =	sbr.rel .LBB2_18-.Ltmp15, $4  }
0x432: {  	[tilespmem:$0x1160] =	vst v0  }
0x433: {  	[tilespmem:$0x1070] =	vst v0  }
0x434: {  	[tilespmem:$0x10F0] =	vst v1  }
0x435: {  	[tilespmem:$0x1170] =	vst v0  }
.LBB2_20:
0x436: {  	_ =	sfence.sel $0x180000  }
0x437: {  	[bflag:$0x0] =	sbarrier.arrive $0xFFFF  }
0x438: {  	_ =	strace $0x90000047  }
0x439: {  	s0 =	stileid.u32;
	[bflag:$0x2] =	sbarrier.arrive $0xFFFF  }
0x43a: {  	p0 =	sne.s32 s0, $0x0;
	s0 =	rddreg [dreg:$0x4]  }
0x43b: {  	s0 =	sadd.s32 @!p0 $0x100000, s0  }
0x43c: {  	[sflag:s0] =	ssyncadd.tile.s32 @!p0 $0x1;
	_ =	shalt  }
.Lfunc_end2:
_tile_overlayer_lowered:
.L_overlay_start_2:
0x43d: {  	(tag) =	ssettag $0x2  }
0x43e: {  	s0 =	rddreg [dreg:$0x0];
	s2 =	stileid.u32  }
0x43f: {  	s1 =	rddreg [dreg:$0x1];
	p0 =	sne.s32 s2, $0x0  }
0x440: {  	s3 =	rddreg [dreg:$0x2];
	[bflag:$0x3] =	sbarrier.arrive $0xFFFF;
	s2 =	simm.s32 @!p0 $0x1C01  }
0x441: {  	[timem:s3], [sflag:s2] =	dma.local @!p0 [hbm:s0], s1  }
0x442: {  	s0 =	simm.s32 @!p0 $0x1  }
0x443: {  	_ =	swait.ge @!p0 [sflag:s0], s1  }
0x444: {  	s1 =	ssub.s32 @!p0 $0x0, s1;
	[sflag:s0] =	ssyncset.done @!p0 $0x0  }
0x445: {  	[sflag:s0] =	ssyncadd.s32 @!p0 s1  }
0x446: {  	[bflag:$0x3] =	sbarrier.arrive $0xFFFF  }
0x447: {  	_ =	shalt  }

// kernel: kernel.13.cloned.1.call-start
scs
__scs_entry_jumppad:
0x0: {  	(pc) =	sbr.rel $0x88, $3  }
0x1: {  	(tag) =	ssettag $0x0;
	lr =	simm.s32 $0x1  }
0x2: {  	[smem:$0x3F88] =	sst lr;
	_ =	strace $0xD0000000  }
0x3: {  	_ = 	snop  }
0x4: {  	_ = 	snop  }
0x5: {  	_ = 	snop  }
0x6: {  	_ = 	snop  }
0x7: {  	_ = 	snop  }
__scs_overlays_trampoline_lowered:
0x8: {  	[smem:$0x3F97] =	sst s0  }
0x9: {  	[smem:$0x3F98] =	sst s1  }
0xa: {  	[smem:$0x3F99] =	sst s2  }
0xb: {  	[smem:$0x3F9A] =	sst s3  }
0xc: {  	[smem:$0x3F9B] =	sst s4  }
0xd: {  	[smem:$0x3F9C] =	sst s5  }
0xe: {  	[smem:$0x3F9D] =	sst s6  }
0xf: {  	[smem:$0x3F9E] =	sst s7  }
0x10: {  	[smem:$0x3F9F] =	sst s8  }
0x11: {  	[smem:$0x3FA0] =	sst s9;
	s0 =	simm.s32 @!p0 $0x0  }
0x12: {  	s1 =	sld [smem:$0x3F86];
	s0 =	simm.s32 @p0 $0x1  }
0x13: {  	[smem:$0x3FA1] =	sst s0;
	s0 =	simm.s32 @!p1 $0x0  }
0x14: {  	s2 =	sld [smem:$0x3F85];
	s0 =	simm.s32 @p1 $0x1  }
0x15: {  	[smem:$0x3FA2] =	sst s0;
	s0 =	simm.s32 @!p2 $0x0  }
0x16: {  	s3 =	sld [smem:$0x3FDB];
	s0 =	simm.s32 @p2 $0x1  }
0x17: {  	s4 =	simm.s32 $0x1BF5;
	[smem:$0x3FA4] =	sst s0  }
0x18: {  	s0 =	sld [smem:$0x3F87];
	_ =	swait.ge [sflag:s4], $0x0  }
0x19: {  	s7 =	sld [smem:$0x3F88]  }
0x1a: {  	s8 =	sadd.s32 $0xFFFFE003, lr  }
0x1b: {  	s9 =	sadd.s32 $0xFFFFFEF7, lr;
	s5 =	simm.s32 $0xFFFFFFFF;
	p2 =	slt.u32 s8, $0xFFFFF086  }
0x1c: {  	p1 =	slt.u32 s9, $0xF7A;
	s5 =	simm.s32 @!p2 $0x0  }
0x1d: {  	s5 =	simm.s32 @p1 $0x1;
	p0 =	seq.s32 s7, s2  }
0x1e: {  	s7 =	smul.u32 @!p0 $0xF7A, s2;
	p2 =	seq.s32 @!p0 s5, $0x0  }
0x1f: {  	s9 =	smul.u32 $0xF7A, s1;
	s8 =	simm.s32 @!p0 $0x1BF5;
	p2 =	por !p2, p0  }
0x20: {  	[sflag:s8] =	ssyncset.s32 @!p0 $0xFFFFF086;
	s6 =	sadd.s32 @!p0 s3, s7;
	s7 =	simm.s32 @!p0 $0x108  }
0x21: {  	s3 =	sadd.s32 s3, s9;
	s6 =	sadd.s32 @!p0 $0x88, s6;
	s7 =	simm.s32 @p2 $0x1082  }
0x22: {  	[simem:s7], [sflag:s8] =	dma.local @!p0 [hbm:s6], $0xF7A  }
0x23: {  	s9 =	sor.u32 $0xD0000000, s2;
	s6 =	simm.s32 $0x108;
	_ =	swait.ge @!p0 [sflag:s8], $0x0  }
0x24: {  	s3 =	sadd.s32 $0x88, s3;
	s6 =	simm.s32 @!p1 $0x1082;
	[sflag:s4] =	ssyncset.s32 $0xFFFFF086  }
0x25: {  	[simem:s6], [sflag:s4] =	dma.local [hbm:s3], $0xF7A  }
0x26: {  	[smem:$0x3F88] =	sst s1;
	(tag) =	ssettag s2;
	_ =	strace s9  }
0x27: {  	s1 =	sld [smem:$0x3F98]  }
0x28: {  	s2 =	sld [smem:$0x3F99]  }
0x29: {  	s4 =	sld [smem:$0x3F9B]  }
0x2a: {  	p0 =	seq.s32 s5, $0x0;
	s5 =	sld [smem:$0x3F9C]  }
0x2b: {  	s6 =	sld [smem:$0x3F9D]  }
0x2c: {  	s7 =	sld [smem:$0x3F9E]  }
0x2d: {  	s3 =	simm.s32 $0x108;
	s8 =	sld [smem:$0x3F9F]  }
0x2e: {  	s3 =	simm.s32 @!p0 $0x1082;
	s9 =	sld [smem:$0x3FA0]  }
0x2f: {  	lr =	sadd.s32 s0, s3;
	s0 =	sld [smem:$0x3F97]  }
0x30: {  	s3 =	sld [smem:$0x3F9A]  }
0x31: {  	[smem:$0x3FA3] =	sst s10  }
0x32: {  	s10 =	sld [smem:$0x3FA1];
	_ =	sdelay $0x3  }
0x33: {  	p0 =	seq.s32 s10, $0x1;
	s10 =	sld [smem:$0x3FA3];
	_ =	sdelay $0x3  }
0x34: {  	[smem:$0x3FA3] =	sst s10  }
0x35: {  	s10 =	sld [smem:$0x3FA2];
	_ =	sdelay $0x3  }
0x36: {  	p1 =	seq.s32 s10, $0x1;
	s10 =	sld [smem:$0x3FA3];
	_ =	sdelay $0x3  }
0x37: {  	[smem:$0x3FA3] =	sst s10  }
0x38: {  	s10 =	sld [smem:$0x3FA4]  }
0x39: {  	_ = 	snop;
	(pc) =	sbr.ind lr, $3  }
0x3a: {  	_ = 	snop  }
0x3b: {  	_ = 	snop  }
0x3c: {  	p2 =	seq.s32 s10, $0x1;
	s10 =	sld [smem:$0x3FA3]  }
0x3d: {  	_ =	shalt  }
0x3e: {  	_ =	shalt  }
0x3f: {  	_ =	shalt  }
0x40: {  	_ =	shalt  }
0x41: {  	_ =	shalt  }
0x42: {  	_ =	shalt  }
0x43: {  	_ =	shalt  }
0x44: {  	_ =	shalt  }
0x45: {  	_ =	shalt  }
0x46: {  	_ =	shalt  }
0x47: {  	_ =	shalt  }
0x48: {  	_ =	shalt  }
0x49: {  	_ =	shalt  }
0x4a: {  	_ =	shalt  }
0x4b: {  	_ =	shalt  }
0x4c: {  	_ =	shalt  }
0x4d: {  	_ =	shalt  }
0x4e: {  	_ =	shalt  }
0x4f: {  	_ =	shalt  }
0x50: {  	_ =	shalt  }
0x51: {  	_ =	shalt  }
0x52: {  	_ =	shalt  }
0x53: {  	_ =	shalt  }
0x54: {  	_ =	shalt  }
0x55: {  	_ =	shalt  }
0x56: {  	_ =	shalt  }
0x57: {  	_ =	shalt  }
0x58: {  	_ =	shalt  }
0x59: {  	_ =	shalt  }
0x5a: {  	_ =	shalt  }
0x5b: {  	_ =	shalt  }
0x5c: {  	_ =	shalt  }
0x5d: {  	_ =	shalt  }
0x5e: {  	_ =	shalt  }
0x5f: {  	_ =	shalt  }
0x60: {  	_ =	shalt  }
0x61: {  	_ =	shalt  }
0x62: {  	_ =	shalt  }
0x63: {  	_ =	shalt  }
0x64: {  	_ =	shalt  }
0x65: {  	_ =	shalt  }
0x66: {  	_ =	shalt  }
0x67: {  	_ =	shalt  }
0x68: {  	_ =	shalt  }
0x69: {  	_ =	shalt  }
0x6a: {  	_ =	shalt  }
0x6b: {  	_ =	shalt  }
0x6c: {  	_ =	shalt  }
0x6d: {  	_ =	shalt  }
0x6e: {  	_ =	shalt  }
0x6f: {  	_ =	shalt  }
0x70: {  	_ =	shalt  }
0x71: {  	_ =	shalt  }
0x72: {  	_ =	shalt  }
0x73: {  	_ =	shalt  }
0x74: {  	_ =	shalt  }
0x75: {  	_ =	shalt  }
0x76: {  	_ =	shalt  }
0x77: {  	_ =	shalt  }
0x78: {  	_ =	shalt  }
0x79: {  	_ =	shalt  }
0x7a: {  	_ =	shalt  }
0x7b: {  	_ =	shalt  }
0x7c: {  	_ =	shalt  }
0x7d: {  	_ =	shalt  }
0x7e: {  	_ =	shalt  }
0x7f: {  	_ =	shalt  }
0x80: {  	_ =	shalt  }
0x81: {  	_ =	shalt  }
0x82: {  	_ =	shalt  }
0x83: {  	_ =	shalt  }
0x84: {  	_ =	shalt  }
0x85: {  	_ =	shalt  }
0x86: {  	_ =	shalt  }
0x87: {  	_ =	shalt  }
.Lfunc_end0:
.L_simem_size_0:
called_computation.1_lowered:
.L_overlay_start_0:
0x88: {  	s2 =	sld [smem:$0x3FD9]  }
0x89: {  	s3 =	sld [smem:$0x3FFE];
	_ =	sdelay $0x1  }
0x8a: {  	s1 =	srdreg.scid  }
0x8b: {  	s0 =	sand.u32 $0x1, s1  }
0x8c: {  	s16 =	sshll.u32 s0, $0xA;
	s2 =	sadd.s32 s3, s2  }
0x8d: {  	s2 =	sadd.s32 s2, s16  }
0x8e: {  	[smem:$0x3FAF] =	sst s2  }
0x8f: {  	_ = 	snop  }
0x90: {  	(tm) =	ssettm $0x1  }
0x91: {  	s17 =	sld [smem:$0x3FFB];
	_ =	sdelay $0x3  }
0x92: {  	_ =	strace s17  }
0x93: {  	s2 =	sld [smem:$0x3FFC];
	_ =	sdelay $0x3  }
0x94: {  	_ =	strace s2  }
0x95: {  	s2 =	sld [smem:$0x3FFD];
	_ =	sdelay $0x3  }
0x96: {  	_ =	strace s2  }
0x97: {  	_ =	strace $0x8FFFFFFF  }
0x98: {  	s18 =	sld [smem:$0x3FDB];
	_ =	sdelay $0x1  }
0x99: {  	s19 =	simm.s32 $_scs_section_size  }
0x9a: {  	s4 =	simm.s32 $_size__tile_overlayer_lowered;
	s5 =	simm.s32 $_tile_overlayer_lowered  }
0x9b: {  	s22 =	simm.s32 $0x1BFF;
	s21 =	sshll.u32 s5, $0x1;
	s2 =	sadd.s32 s19, s18  }
0x9c: {  	s6 =	simm.s32 $0x0;
	s20 =	sshll.u32 s4, $0x1;
	s4 =	sadd.s32 s21, s2  }
0x9d: {  	[timem:s6], [sflag:s22] =	dma.local [hbm:s4], s20  }
0x9e: {  	_ =	swait.ge [sflag:s22], s20  }
0x9f: {  	s3 =	ssub.s32 $0x0, s20;
	[sflag:s22] =	ssyncset.done $0x0  }
0xa0: {  	[sflag:s22] =	ssyncadd.s32 s3;
	_ =	sdelay $0x1  }
0xa1: {  	s23 =	simm.s32 $0x1B8B  }
0xa2: {  	_ =	swait.ge [sflag:s23], $0x1  }
0xa3: {  	[sflag:s23] =	ssyncset.done $0x0  }
0xa4: {  	s25 =	simm.s32 $0x1B8E;
	s24 =	sld [smem:$0x3FFE];
	[sflag:s23] =	ssyncadd.s32 $0xFFFFFFFF  }
0xa5: {  	s26 =	simm.s32 $execute0_lowered;
	[smem:$0x3FD2] =	sst s25  }
0xa6: {  	s4 =	sshll.u32 s26, $0x1;
	_ =	strace $0x80000049;
	[dreg:$0x1] =	wrdreg $0xFFFFFFFF  }
0xa7: {  	s28 =	simm.s32 $_size_execute0_lowered;
	s2 =	sadd.s32 s2, s4;
	[dreg:$0x0] =	wrdreg $0x0  }
0xa8: {  	s4 =	sshll.u32 s28, $0x1;
	[dreg:$0x2] =	wrdreg s2  }
0xa9: {  	[dreg:$0x3] =	wrdreg s4  }
0xaa: {  	[dreg:$0x4] =	wrdreg $0xC0  }
0xab: {  	_ =	task [dreg:s6], $0x5FFFF  }
0xac: {  	[dreg:$0x1] =	wrdreg $0xFFFFFFFF  }
0xad: {  	[dreg:$0x0] =	wrdreg $0x60  }
0xae: {  	[dreg:$0x2] =	wrdreg s24  }
0xaf: {  	[dreg:$0x3] =	wrdreg $0x199000  }
0xb0: {  	[dreg:$0x4] =	wrdreg $0x9  }
0xb1: {  	_ =	task.clear_ibuf [dreg:s6], $0x5FFFF;
	_ =	strace $0x90000049  }
0xb2: {  	s29 =	simm.s32 $0x9;
	_ =	strace $0x8000004B  }
0xb3: {  	_ =	swait.ge [sflag:s29], $0x1  }
0xb4: {  	[sflag:s29] =	ssyncadd.s32 $0xFFFFFFFF  }
0xb5: {  	_ =	strace $0x9000004B  }
0xb6: {  	_ =	sfence  }
0xb7: {  	s30 =	sld [smem:$0x0];
	_ =	sdelay $0x2  }
0xb8: {  	s31 =	sshll.u32 s1, $0xD;
	s1 =	sshrl.u32 s1, $0x2  }
0xb9: {  	s3 =	sand.u32 $0x4000, s31;
	s1 =	sadd.s32 s1, s30  }
0xba: {  	s0 =	sor.u32 s3, s0;
	s1 =	sshll.u32 s1, $0x11  }
0xbb: {  	s0 =	sor.u32 s1, s0  }
0xbc: {  	s0 =	sadd.s32 $0x8F2B, s0  }
0xbd: {  	[sflag:s0] =	ssyncadd.remote.s32 $0x1  }
0xbe: {  	_ =	sfence.sel $0xFFFF  }
0xbf: {  	[dreg:$0x0] =	wrdreg $0xFFFFFFFF;
	(pc) =	sbr.abs _section_cstart, $3  }
0xc0: {  	[dreg:$0x1] =	wrdreg $0xFFFFFFFF  }
0xc1: {  	_ =	task.clear_ibuf [dreg:s6], $0x2FFFF;
	_ =	strace $0x9FFFFFFF  }
0xc2: {  	(tm) =	ssettm $0x7FFFFFFF  }
0xc3: {  	_ =	shalt  }
tec
execute0_lowered:
.L_overlay_start_1:
0x0: {  	(tag) =	ssettag $0x1  }
0x1: {  	s8 =	rddreg [dreg:$0x0]  }
0x2: {  	s1 =	rddreg [dreg:$0x1]  }
0x3: {  	s0 =	rddreg [dreg:$0x2];
	s2 =	simm.s32 $0x0;
	s6 =	srdreg.scid  }
0x4: {  	s3 =	stileid.u32;
	s15 =	simm.s32 $0x1;
	s16 =	simm.s32 $0x800  }
0x5: {  	[smem:$0x7FF] =	sst s2;
	s4 =	sadd.s32 $0x6BC00, s8;
	s5 =	sadd.s32 $0x51400, s8  }
0x6: {  	s9 =	sand.u32 $0x1, s6;
	s6 =	sadd.s32 $0x37400, s8;
	s11 =	smul.u32 $0xC400, s3  }
0x7: {  	s7 =	sadd.s32 $0x6B400, s8;
	s8 =	sadd.s32 $0x615E00, s8;
	s10 =	ssub.s32 $0x2, s9  }
0x8: {  	s31 =	sshll.u32 s3, $0x6;
	_ =	strace $0x8000004A;
	s12 =	sshrl.u32 s10, $0x1  }
0x9: {  	s9 =	sshll.u32 s9, $0x8;
	s11 =	sshrl.u32 s11, $0x2;
	s13 =	ssub.s32 s10, s12  }
0xa: {  	s10 =	sshll.u32 s3, $0x4;
	s14 =	sadd.s32 s11, s1;
	s11 =	sor.u32 $0x1C01, s31  }
0xb: {  	v0 =	vimm.s32 $0xC7FF;
	v1 =	vimm.s32 $0xFF;
	v2 =	vimm.s32 $0x0;
	s12 =	smul.u32 $0x1A, s3;
	s13 =	smax.u32 s13, $0x1;
	s14 =	sshrl.u32 s14, $0x3  }
.LBB2_1:
0xc: {  	[tilespmem:$0x1000] =	vst v0  }
0xd: {  	[tilespmem:$0x1080] =	vst v1  }
0xe: {  	[tilespmem:$0x1010] =	vst v0  }
0xf: {  	[tilespmem:$0x1090] =	vst v1  }
0x10: {  	[tilespmem:$0x1020] =	vst v0  }
0x11: {  	[tilespmem:$0x10A0] =	vst v1  }
0x12: {  	[tilespmem:$0x1030] =	vst v0  }
0x13: {  	[tilespmem:$0x10B0] =	vst v1  }
0x14: {  	[tilespmem:$0x1040] =	vst v0  }
0x15: {  	[tilespmem:$0x10C0] =	vst v1  }
0x16: {  	[tilespmem:$0x1050] =	vst v0  }
0x17: {  	[tilespmem:$0x10D0] =	vst v1  }
0x18: {  	[tilespmem:$0x1060] =	vst v0  }
0x19: {  	[tilespmem:$0x10E0] =	vst v1  }
0x1a: {  	[tilespmem:$0x1070] =	vst v0  }
0x1b: {  	[tilespmem:$0x10F0] =	vst v1;
	s17 =	simm.s32 $0x0  }
.LBB2_2:
0x1c: {  	[spmem:s14], [sflag:s11] =	dma.local [hbm:s7], $0x620  }
0x1d: {  	_ =	swait.ge [sflag:s15], $0x620  }
0x1e: {  	s18 =	sshll.u32 s17, $0x9;
	[sflag:s15] =	ssyncset.done $0x0  }
0x1f: {  	s19 =	simm.s32 $0x0;
	s18 =	sor.u32 s9, s18;
	[sflag:s15] =	ssyncadd.s32 $0xFFFFF9E0  }
0x20: {  	s21 =	simm.s32 $0x0;
	s20 =	simm.s32 $0x0;
	v3 =	vmov s18;
	[bflag:$0x0] =	sbarrier.arrive $0xFFFF  }
.LBB2_3:
0x21: {  	s22 =	sadd.s32 s12, s20  }
0x22: {  	s22 =	sshll.u32 s22, $0x8  }
0x23: {  	s23 =	sadd.s32 s5, s22  }
0x24: {  	[tilespmem:s19], [sflag:$0x1] =	stream.linear.gather [hbm4b:s23+s19], $0x800, $0x38;
	[tilespmem:$0x1CA00] =	vst v63  }
0x25: {  	_ =	swait.ge [sflag:s15], $0x800  }
0x26: {  	[sflag:s15] =	ssyncset.done $0x0  }
0x27: {  	s22 =	sadd.s32 s6, s22;
	[sflag:s15] =	ssyncadd.s32 $0xFFFFF800  }
0x28: {  	[tilespmem:s16], [sflag:$0x1] =	stream.linear.gather [hbm4b:s22+s19], $0x800, $0x38;
	[tilespmem:$0x1CA00] =	vst v63  }
0x29: {  	_ =	swait.ge [sflag:s15], $0x800  }
0x2a: {  	[sflag:s15] =	ssyncset.done $0x0  }
0x2b: {  	s30 =	simm.s32 $0x0;
	[sflag:s15] =	ssyncadd.s32 $0xFFFFF800  }
0x2c: {  	v4 =	vld [tilespmem:s30+$0x800];
	_ =	sdelay $0x4  }
0x2d: {  	v4 =	vsub.s32 v4, v3  }
0x2e: {  	vm0 =	vlt.u32 v4, $0x100  }
0x2f: {  	v5 =	vsel vm0, $0x1, v2  }
0x30: {  	(xrf0) =	vadd.scan.msk.s32 $0xffff, v5;
	_ =	sdelay $0x5  }
0x31: {  	v5, _, _ =	vpop (xrf0)  }
0x32: {  	(v2sf) =	vpush v5, $0xF;
	_ =	sdelay $0xb  }
0x33: {  	v5 =	vld [tilespmem:s30+$0x0];
	_ =	sdelay $0x2  }
0x34: {  	s31 =	spop (v2sf)  }
0x35: {  	s24 =	sadd.s32 s21, s31  }
0x36: {  	[tilespmem:s21+$0x1000] =	vst.msk vm0, v5;
	p0 =	slt.s32 s24, $0x70  }
0x37: {  	[tilespmem:s21+$0x1080] =	vst.msk vm0, v4;
	s21 =	simm.s32 @!p0 $0x80  }
0x38: {  	s22 =	simm.s32 @!p0 $0x1000;
	s25 =	simm.s32 @!p0 $0x1100;
	s23 =	simm.s32 @!p0 $0x1  }
0x39: {  	[tilespmem:s25], [sflag:$0x1] =	stream.indirect.gather @!p0 [hbm4b:s4+s21], $0x310, s22, s21, $0xb8;
	[tilespmem:$0x1CA00] =	vst v63  }
0x3a: {  	_ =	swait.ge @!p0 [sflag:s23], $0x18800  }
0x3b: {  	[sflag:s23] =	ssyncset.done @!p0 $0x0  }
0x3c: {  	s22 =	simm.s32 @!p0 $0x1080;
	[sflag:s23] =	ssyncadd.s32 @!p0 $0xFFFE7800  }
0x3d: {  	[spmem:s1] =	stream.indirect.scatter.add.f32 @!p0 [tilespmem:s25], [sflag:$0x1], $0x310, s22, s21, $0xb8;
	[tilespmem:$0x1CA00] =	vst v63  }
0x3e: {  	s24 =	simm.s32 @!p0 $0x0;
	_ =	swait.ge @!p0 [sflag:s23], $0x18800  }
0x3f: {  	v4 =	vimm.s32 @!p0 $0xC7FF;
	s22 =	simm.s32 $0x40;
	s21 =	smov.u32 s24;
	[sflag:s23] =	ssyncset.done @!p0 $0x0  }
.LBB2_4:
0x40: {  	[sflag:s23] =	ssyncadd.s32 @!p0 $0xFFFE7800;
	s23 =	smov.u32 s22;
	s22 =	sadd.s32 $0x40, s22  }
0x41: {  	v5 =	vimm.s32 @!p0 $0xFF;
	p1 =	sne.s32 s22, $0x2000;
	[tilespmem:$0x1000] =	vst @!p0 v4  }
0x42: {  	[tilespmem:$0x10F0] =	vst @!p0 v5  }
0x43: {  	[tilespmem:$0x1070] =	vst @!p0 v4  }
0x44: {  	[tilespmem:$0x10E0] =	vst @!p0 v5  }
0x45: {  	[tilespmem:$0x1060] =	vst @!p0 v4  }
0x46: {  	[tilespmem:$0x10D0] =	vst @!p0 v5  }
0x47: {  	[tilespmem:$0x1050] =	vst @!p0 v4  }
0x48: {  	[tilespmem:$0x10C0] =	vst @!p0 v5  }
0x49: {  	[tilespmem:$0x1040] =	vst @!p0 v4  }
0x4a: {  	[tilespmem:$0x10B0] =	vst @!p0 v5  }
0x4b: {  	[tilespmem:$0x1030] =	vst @!p0 v4  }
0x4c: {  	[tilespmem:$0x1020] =	vst @!p0 v4  }
0x4d: {  	[tilespmem:$0x1010] =	vst @!p0 v4  }
0x4e: {  	[tilespmem:$0x10A0] =	vst @!p0 v5  }
0x4f: {  	[tilespmem:$0x1090] =	vst @!p0 v5  }
0x50: {  	s23 =	sshra.s32 s23, $0x2;
	[tilespmem:$0x1080] =	vst @!p0 v5  }
0x51: {  	v4 =	vld [tilespmem:s23+$0x800];
	_ =	sdelay $0x4  }
0x52: {  	v4 =	vsub.s32 v4, v3  }
0x53: {  	vm0 =	vlt.u32 v4, $0x100  }
0x54: {  	v5 =	vsel vm0, $0x1, v2  }
0x55: {  	(xrf0) =	vadd.scan.msk.s32 $0xffff, v5;
	_ =	sdelay $0x5  }
0x56: {  	v5, _, _ =	vpop (xrf0)  }
0x57: {  	(v2sf) =	vpush v5, $0xF;
	_ =	sdelay $0xb  }
0x58: {  	v5 =	vld [tilespmem:s23+$0x0];
	_ =	sdelay $0x2  }
0x59: {  	s23 =	spop (v2sf)  }
0x5a: {  	s24 =	sadd.s32 s21, s23  }
0x5b: {  	[tilespmem:s21+$0x1000] =	vst.msk vm0, v5;
	p0 =	slt.s32 s24, $0x70  }
0x5c: {  	[tilespmem:s21+$0x1080] =	vst.msk vm0, v4;
	s25 =	simm.s32 @!p0 $0x80;
	s21 =	simm.s32 @!p0 $0x1000;
	s26 =	simm.s32 @!p0 $0x1100;
	v4 =	vimm.s32 @!p0 $0xC7FF  }
0x5d: {  	[tilespmem:s26], [sflag:$0x1] =	stream.indirect.gather @!p0 [hbm4b:s4+s25], $0x310, s21, s25, $0xb8;
	[tilespmem:$0x1CA00] =	vst v63  }
0x5e: {  	s21 =	smov.u32 s24  }
0x5f: {  	s23 =	simm.s32 @!p0 $0x1;
	s21 =	simm.s32 @!p0 $0x0  }
0x60: {  	_ =	swait.ge @!p0 [sflag:s23], $0x18800  }
.Ltmp0:
0x61: {  	[sflag:s23] =	ssyncset.done @!p0 $0x0;
	(pc) =	sbr.rel @p1 .LBB2_4-.Ltmp0, $4  }
0x62: {  	s24 =	simm.s32 @!p0 $0x1080;
	[sflag:s23] =	ssyncadd.s32 @!p0 $0xFFFE7800  }
0x63: {  	[spmem:s1] =	stream.indirect.scatter.add.f32 @!p0 [tilespmem:s26], [sflag:$0x1], $0x310, s24, s25, $0xb8;
	[tilespmem:$0x1CA00] =	vst v63  }
0x64: {  	_ =	swait.ge @!p0 [sflag:s23], $0x18800  }
0x65: {  	[sflag:s23] =	ssyncset.done @!p0 $0x0  }
0x66: {  	[sflag:s23] =	ssyncadd.s32 @!p0 $0xFFFE7800  }
0x67: {  	v5 =	vimm.s32 @!p0 $0xFF;
	[tilespmem:$0x1000] =	vst @!p0 v4  }
0x68: {  	[tilespmem:$0x10F0] =	vst @!p0 v5  }
0x69: {  	[tilespmem:$0x1070] =	vst @!p0 v4  }
0x6a: {  	[tilespmem:$0x10E0] =	vst @!p0 v5  }
0x6b: {  	[tilespmem:$0x1060] =	vst @!p0 v4  }
0x6c: {  	[tilespmem:$0x10D0] =	vst @!p0 v5  }
0x6d: {  	[tilespmem:$0x1050] =	vst @!p0 v4  }
0x6e: {  	[tilespmem:$0x10C0] =	vst @!p0 v5  }
0x6f: {  	[tilespmem:$0x1040] =	vst @!p0 v4  }
0x70: {  	s20 =	sadd.s32 $0x1, s20;
	[tilespmem:$0x10B0] =	vst @!p0 v5  }
0x71: {  	[tilespmem:$0x1030] =	vst @!p0 v4;
	p1 =	sne.s32 s20, $0x1A  }
.Ltmp1:
0x72: {  	[tilespmem:$0x1020] =	vst @!p0 v4;
	(pc) =	sbr.rel @p1 .LBB2_3-.Ltmp1, $4  }
0x73: {  	[tilespmem:$0x1010] =	vst @!p0 v4  }
0x74: {  	[tilespmem:$0x10A0] =	vst @!p0 v5  }
0x75: {  	[tilespmem:$0x1090] =	vst @!p0 v5  }
0x76: {  	[tilespmem:$0x1080] =	vst @!p0 v5  }
0x77: {  	p0 =	slt.s32 s21, $0x1  }
0x78: {  	s19 =	simm.s32 @!p0 $0x80;
	s20 =	simm.s32 @!p0 $0x1000;
	s21 =	simm.s32 @!p0 $0x1100  }
0x79: {  	[tilespmem:s21], [sflag:$0x1] =	stream.indirect.gather @!p0 [hbm4b:s4+s19], $0x310, s20, s19, $0xb8;
	[tilespmem:$0x1CA00] =	vst v63  }
0x7a: {  	s20 =	simm.s32 @!p0 $0x1  }
0x7b: {  	_ =	swait.ge @!p0 [sflag:s20], $0x18800  }
0x7c: {  	[sflag:s20] =	ssyncset.done @!p0 $0x0  }
0x7d: {  	s22 =	simm.s32 @!p0 $0x1080;
	[sflag:s20] =	ssyncadd.s32 @!p0 $0xFFFE7800  }
0x7e: {  	[spmem:s1] =	stream.indirect.scatter.add.f32 @!p0 [tilespmem:s21], [sflag:$0x1], $0x310, s22, s19, $0xb8;
	[tilespmem:$0x1CA00] =	vst v63  }
0x7f: {  	_ =	swait.ge @!p0 [sflag:s20], $0x18800  }
0x80: {  	[sflag:s20] =	ssyncset.done @!p0 $0x0  }
0x81: {  	v3 =	vimm.s32 @!p0 $0xC7FF;
	[sflag:s20] =	ssyncadd.s32 @!p0 $0xFFFE7800  }
0x82: {  	v4 =	vimm.s32 @!p0 $0xFF;
	[tilespmem:$0x1000] =	vst @!p0 v3  }
0x83: {  	[tilespmem:$0x1080] =	vst @!p0 v4  }
0x84: {  	[tilespmem:$0x1010] =	vst @!p0 v3  }
0x85: {  	[tilespmem:$0x1090] =	vst @!p0 v4  }
0x86: {  	[tilespmem:$0x1020] =	vst @!p0 v3  }
0x87: {  	[tilespmem:$0x10A0] =	vst @!p0 v4  }
0x88: {  	[tilespmem:$0x1030] =	vst @!p0 v3  }
0x89: {  	[tilespmem:$0x10B0] =	vst @!p0 v4  }
0x8a: {  	[tilespmem:$0x1040] =	vst @!p0 v3  }
0x8b: {  	[tilespmem:$0x10C0] =	vst @!p0 v4  }
0x8c: {  	[tilespmem:$0x1050] =	vst @!p0 v3  }
0x8d: {  	[tilespmem:$0x10D0] =	vst @!p0 v4  }
0x8e: {  	[tilespmem:$0x1060] =	vst @!p0 v3  }
0x8f: {  	s18 =	sor.u32 s10, s18;
	[tilespmem:$0x10E0] =	vst @!p0 v4  }
0x90: {  	s18 =	smul.u32 $0x62, s18;
	[tilespmem:$0x1070] =	vst @!p0 v3  }
0x91: {  	s17 =	sadd.s32 $0x1, s17;
	[tilespmem:$0x10F0] =	vst @!p0 v4  }
0x92: {  	s18 =	sadd.s32 s8, s18;
	p0 =	sne.s32 s17, $0x64;
	[bflag:$0x0] =	sbarrier.arrive $0xFFFF  }
0x93: {  	[hbm:s18], [sflag:s11] =	dma.local [spmem:s14], $0x620  }
.Ltmp2:
0x94: {  	_ =	swait.ge [sflag:s15], $0x620;
	(pc) =	sbr.rel @p0 .LBB2_2-.Ltmp2, $3  }
0x95: {  	[sflag:s15] =	ssyncset.done $0x0  }
0x96: {  	[sflag:s15] =	ssyncadd.s32 $0xFFFFF9E0  }
0x97: {  	[bflag:$0x0] =	sbarrier.arrive $0xFFFF;
	_ =	sdelay $0x1  }
0x98: {  	s2 =	sadd.s32 $0x1, s2  }
0x99: {  	p0 =	sne.s32 s2, s13  }
.Ltmp3:
0x9a: {  	_ = 	snop;
	(pc) =	sbr.rel @p0 .LBB2_1-.Ltmp3, $1  }
0x9b: {  	_ =	sdelay $0x3  }
0x9c: {  	_ =	sfence.sel $0x180000  }
0x9d: {  	[bflag:$0x0] =	sbarrier.arrive $0xFFFF  }
0x9e: {  	p0 =	sne.s32 s3, $0x0;
	_ =	strace $0x9000004A  }
0x9f: {  	s0 =	sadd.s32 @!p0 $0x100000, s0;
	[bflag:$0x2] =	sbarrier.arrive $0xFFFF  }
0xa0: {  	[sflag:s0] =	ssyncadd.tile.s32 @!p0 $0x1;
	_ =	shalt  }
.Lfunc_end2:
_tile_overlayer_lowered:
.L_overlay_start_2:
0xa1: {  	(tag) =	ssettag $0x2  }
0xa2: {  	s0 =	rddreg [dreg:$0x0];
	s2 =	stileid.u32  }
0xa3: {  	s1 =	rddreg [dreg:$0x1];
	p0 =	sne.s32 s2, $0x0  }
0xa4: {  	s3 =	rddreg [dreg:$0x2];
	[bflag:$0x3] =	sbarrier.arrive $0xFFFF;
	s2 =	simm.s32 @!p0 $0x1C01  }
0xa5: {  	[timem:s3], [sflag:s2] =	dma.local @!p0 [hbm:s0], s1  }
0xa6: {  	s0 =	simm.s32 @!p0 $0x1  }
0xa7: {  	_ =	swait.ge @!p0 [sflag:s0], s1  }
0xa8: {  	s1 =	ssub.s32 @!p0 $0x0, s1;
	[sflag:s0] =	ssyncset.done @!p0 $0x0  }
0xa9: {  	[sflag:s0] =	ssyncadd.s32 @!p0 s1  }
0xaa: {  	[bflag:$0x3] =	sbarrier.arrive $0xFFFF  }
0xab: {  	_ =	shalt  }

// kernel: kernel.16.cloned.1.call-start
scs
__scs_entry_jumppad:
0x0: {  	(pc) =	sbr.rel $0x88, $3  }
0x1: {  	(tag) =	ssettag $0x0;
	lr =	simm.s32 $0x1  }
0x2: {  	[smem:$0x3F88] =	sst lr;
	_ =	strace $0xD0000000  }
0x3: {  	_ = 	snop  }
0x4: {  	_ = 	snop  }
0x5: {  	_ = 	snop  }
0x6: {  	_ = 	snop  }
0x7: {  	_ = 	snop  }
__scs_overlays_trampoline_lowered:
0x8: {  	[smem:$0x3F97] =	sst s0  }
0x9: {  	[smem:$0x3F98] =	sst s1  }
0xa: {  	[smem:$0x3F99] =	sst s2  }
0xb: {  	[smem:$0x3F9A] =	sst s3  }
0xc: {  	[smem:$0x3F9B] =	sst s4  }
0xd: {  	[smem:$0x3F9C] =	sst s5  }
0xe: {  	[smem:$0x3F9D] =	sst s6  }
0xf: {  	[smem:$0x3F9E] =	sst s7  }
0x10: {  	[smem:$0x3F9F] =	sst s8  }
0x11: {  	[smem:$0x3FA0] =	sst s9;
	s0 =	simm.s32 @!p0 $0x0  }
0x12: {  	s1 =	sld [smem:$0x3F86];
	s0 =	simm.s32 @p0 $0x1  }
0x13: {  	[smem:$0x3FA1] =	sst s0;
	s0 =	simm.s32 @!p1 $0x0  }
0x14: {  	s2 =	sld [smem:$0x3F85];
	s0 =	simm.s32 @p1 $0x1  }
0x15: {  	[smem:$0x3FA2] =	sst s0;
	s0 =	simm.s32 @!p2 $0x0  }
0x16: {  	s3 =	sld [smem:$0x3FDB];
	s0 =	simm.s32 @p2 $0x1  }
0x17: {  	s4 =	simm.s32 $0x1BF5;
	[smem:$0x3FA4] =	sst s0  }
0x18: {  	s0 =	sld [smem:$0x3F87];
	_ =	swait.ge [sflag:s4], $0x0  }
0x19: {  	s7 =	sld [smem:$0x3F88]  }
0x1a: {  	s8 =	sadd.s32 $0xFFFFE003, lr  }
0x1b: {  	s9 =	sadd.s32 $0xFFFFFEF7, lr;
	s5 =	simm.s32 $0xFFFFFFFF;
	p2 =	slt.u32 s8, $0xFFFFF086  }
0x1c: {  	p1 =	slt.u32 s9, $0xF7A;
	s5 =	simm.s32 @!p2 $0x0  }
0x1d: {  	s5 =	simm.s32 @p1 $0x1;
	p0 =	seq.s32 s7, s2  }
0x1e: {  	s7 =	smul.u32 @!p0 $0xF7A, s2;
	p2 =	seq.s32 @!p0 s5, $0x0  }
0x1f: {  	s9 =	smul.u32 $0xF7A, s1;
	s8 =	simm.s32 @!p0 $0x1BF5;
	p2 =	por !p2, p0  }
0x20: {  	[sflag:s8] =	ssyncset.s32 @!p0 $0xFFFFF086;
	s6 =	sadd.s32 @!p0 s3, s7;
	s7 =	simm.s32 @!p0 $0x108  }
0x21: {  	s3 =	sadd.s32 s3, s9;
	s6 =	sadd.s32 @!p0 $0x88, s6;
	s7 =	simm.s32 @p2 $0x1082  }
0x22: {  	[simem:s7], [sflag:s8] =	dma.local @!p0 [hbm:s6], $0xF7A  }
0x23: {  	s9 =	sor.u32 $0xD0000000, s2;
	s6 =	simm.s32 $0x108;
	_ =	swait.ge @!p0 [sflag:s8], $0x0  }
0x24: {  	s3 =	sadd.s32 $0x88, s3;
	s6 =	simm.s32 @!p1 $0x1082;
	[sflag:s4] =	ssyncset.s32 $0xFFFFF086  }
0x25: {  	[simem:s6], [sflag:s4] =	dma.local [hbm:s3], $0xF7A  }
0x26: {  	[smem:$0x3F88] =	sst s1;
	(tag) =	ssettag s2;
	_ =	strace s9  }
0x27: {  	s1 =	sld [smem:$0x3F98]  }
0x28: {  	s2 =	sld [smem:$0x3F99]  }
0x29: {  	s4 =	sld [smem:$0x3F9B]  }
0x2a: {  	p0 =	seq.s32 s5, $0x0;
	s5 =	sld [smem:$0x3F9C]  }
0x2b: {  	s6 =	sld [smem:$0x3F9D]  }
0x2c: {  	s7 =	sld [smem:$0x3F9E]  }
0x2d: {  	s3 =	simm.s32 $0x108;
	s8 =	sld [smem:$0x3F9F]  }
0x2e: {  	s3 =	simm.s32 @!p0 $0x1082;
	s9 =	sld [smem:$0x3FA0]  }
0x2f: {  	lr =	sadd.s32 s0, s3;
	s0 =	sld [smem:$0x3F97]  }
0x30: {  	s3 =	sld [smem:$0x3F9A]  }
0x31: {  	[smem:$0x3FA3] =	sst s10  }
0x32: {  	s10 =	sld [smem:$0x3FA1];
	_ =	sdelay $0x3  }
0x33: {  	p0 =	seq.s32 s10, $0x1;
	s10 =	sld [smem:$0x3FA3];
	_ =	sdelay $0x3  }
0x34: {  	[smem:$0x3FA3] =	sst s10  }
0x35: {  	s10 =	sld [smem:$0x3FA2];
	_ =	sdelay $0x3  }
0x36: {  	p1 =	seq.s32 s10, $0x1;
	s10 =	sld [smem:$0x3FA3];
	_ =	sdelay $0x3  }
0x37: {  	[smem:$0x3FA3] =	sst s10  }
0x38: {  	s10 =	sld [smem:$0x3FA4]  }
0x39: {  	_ = 	snop;
	(pc) =	sbr.ind lr, $3  }
0x3a: {  	_ = 	snop  }
0x3b: {  	_ = 	snop  }
0x3c: {  	p2 =	seq.s32 s10, $0x1;
	s10 =	sld [smem:$0x3FA3]  }
0x3d: {  	_ =	shalt  }
0x3e: {  	_ =	shalt  }
0x3f: {  	_ =	shalt  }
0x40: {  	_ =	shalt  }
0x41: {  	_ =	shalt  }
0x42: {  	_ =	shalt  }
0x43: {  	_ =	shalt  }
0x44: {  	_ =	shalt  }
0x45: {  	_ =	shalt  }
0x46: {  	_ =	shalt  }
0x47: {  	_ =	shalt  }
0x48: {  	_ =	shalt  }
0x49: {  	_ =	shalt  }
0x4a: {  	_ =	shalt  }
0x4b: {  	_ =	shalt  }
0x4c: {  	_ =	shalt  }
0x4d: {  	_ =	shalt  }
0x4e: {  	_ =	shalt  }
0x4f: {  	_ =	shalt  }
0x50: {  	_ =	shalt  }
0x51: {  	_ =	shalt  }
0x52: {  	_ =	shalt  }
0x53: {  	_ =	shalt  }
0x54: {  	_ =	shalt  }
0x55: {  	_ =	shalt  }
0x56: {  	_ =	shalt  }
0x57: {  	_ =	shalt  }
0x58: {  	_ =	shalt  }
0x59: {  	_ =	shalt  }
0x5a: {  	_ =	shalt  }
0x5b: {  	_ =	shalt  }
0x5c: {  	_ =	shalt  }
0x5d: {  	_ =	shalt  }
0x5e: {  	_ =	shalt  }
0x5f: {  	_ =	shalt  }
0x60: {  	_ =	shalt  }
0x61: {  	_ =	shalt  }
0x62: {  	_ =	shalt  }
0x63: {  	_ =	shalt  }
0x64: {  	_ =	shalt  }
0x65: {  	_ =	shalt  }
0x66: {  	_ =	shalt  }
0x67: {  	_ =	shalt  }
0x68: {  	_ =	shalt  }
0x69: {  	_ =	shalt  }
0x6a: {  	_ =	shalt  }
0x6b: {  	_ =	shalt  }
0x6c: {  	_ =	shalt  }
0x6d: {  	_ =	shalt  }
0x6e: {  	_ =	shalt  }
0x6f: {  	_ =	shalt  }
0x70: {  	_ =	shalt  }
0x71: {  	_ =	shalt  }
0x72: {  	_ =	shalt  }
0x73: {  	_ =	shalt  }
0x74: {  	_ =	shalt  }
0x75: {  	_ =	shalt  }
0x76: {  	_ =	shalt  }
0x77: {  	_ =	shalt  }
0x78: {  	_ =	shalt  }
0x79: {  	_ =	shalt  }
0x7a: {  	_ =	shalt  }
0x7b: {  	_ =	shalt  }
0x7c: {  	_ =	shalt  }
0x7d: {  	_ =	shalt  }
0x7e: {  	_ =	shalt  }
0x7f: {  	_ =	shalt  }
0x80: {  	_ =	shalt  }
0x81: {  	_ =	shalt  }
0x82: {  	_ =	shalt  }
0x83: {  	_ =	shalt  }
0x84: {  	_ =	shalt  }
0x85: {  	_ =	shalt  }
0x86: {  	_ =	shalt  }
0x87: {  	_ =	shalt  }
.Lfunc_end0:
.L_simem_size_0:
called_computation.2_lowered:
.L_overlay_start_0:
0x88: {  	s2 =	sld [smem:$0x3FD9]  }
0x89: {  	s3 =	sld [smem:$0x3FFE];
	_ =	sdelay $0x1  }
0x8a: {  	s1 =	srdreg.scid  }
0x8b: {  	s0 =	sand.u32 $0x1, s1  }
0x8c: {  	s16 =	sshll.u32 s0, $0xA;
	s2 =	sadd.s32 s3, s2  }
0x8d: {  	s2 =	sadd.s32 s2, s16  }
0x8e: {  	[smem:$0x3FAF] =	sst s2  }
0x8f: {  	_ = 	snop  }
0x90: {  	(tm) =	ssettm $0x1  }
0x91: {  	s17 =	sld [smem:$0x3FFB];
	_ =	sdelay $0x3  }
0x92: {  	_ =	strace s17  }
0x93: {  	s2 =	sld [smem:$0x3FFC];
	_ =	sdelay $0x3  }
0x94: {  	_ =	strace s2  }
0x95: {  	s2 =	sld [smem:$0x3FFD];
	_ =	sdelay $0x3  }
0x96: {  	_ =	strace s2  }
0x97: {  	_ =	strace $0x8FFFFFFF  }
0x98: {  	s18 =	sld [smem:$0x3FDB];
	_ =	sdelay $0x1  }
0x99: {  	s19 =	simm.s32 $_scs_section_size  }
0x9a: {  	s4 =	simm.s32 $_size__tile_overlayer_lowered;
	s5 =	simm.s32 $_tile_overlayer_lowered  }
0x9b: {  	s22 =	simm.s32 $0x1BFF;
	s21 =	sshll.u32 s5, $0x1;
	s2 =	sadd.s32 s19, s18  }
0x9c: {  	s6 =	simm.s32 $0x0;
	s20 =	sshll.u32 s4, $0x1;
	s4 =	sadd.s32 s21, s2  }
0x9d: {  	[timem:s6], [sflag:s22] =	dma.local [hbm:s4], s20  }
0x9e: {  	_ =	swait.ge [sflag:s22], s20  }
0x9f: {  	s3 =	ssub.s32 $0x0, s20;
	[sflag:s22] =	ssyncset.done $0x0  }
0xa0: {  	[sflag:s22] =	ssyncadd.s32 s3;
	_ =	sdelay $0x1  }
0xa1: {  	s23 =	simm.s32 $0x1B8B  }
0xa2: {  	_ =	swait.ge [sflag:s23], $0x1  }
0xa3: {  	[sflag:s23] =	ssyncset.done $0x0  }
0xa4: {  	s25 =	simm.s32 $0x1B8E;
	s24 =	sld [smem:$0x3FFE];
	[sflag:s23] =	ssyncadd.s32 $0xFFFFFFFF  }
0xa5: {  	s26 =	simm.s32 $execute0_lowered;
	[smem:$0x3FD2] =	sst s25  }
0xa6: {  	s4 =	sshll.u32 s26, $0x1;
	_ =	strace $0x8000004C;
	[dreg:$0x1] =	wrdreg $0xFFFFFFFF  }
0xa7: {  	s28 =	simm.s32 $_size_execute0_lowered;
	s2 =	sadd.s32 s2, s4;
	[dreg:$0x0] =	wrdreg $0x0  }
0xa8: {  	s4 =	sshll.u32 s28, $0x1;
	[dreg:$0x2] =	wrdreg s2  }
0xa9: {  	[dreg:$0x3] =	wrdreg s4  }
0xaa: {  	[dreg:$0x4] =	wrdreg $0xC0  }
0xab: {  	_ =	task [dreg:s6], $0x5FFFF  }
0xac: {  	[dreg:$0x1] =	wrdreg $0xFFFFFFFF  }
0xad: {  	[dreg:$0x0] =	wrdreg $0x60  }
0xae: {  	[dreg:$0x2] =	wrdreg s24  }
0xaf: {  	[dreg:$0x3] =	wrdreg $0x9  }
0xb0: {  	_ =	task.clear_ibuf [dreg:s6], $0x4FFFF;
	_ =	strace $0x9000004C  }
0xb1: {  	s29 =	simm.s32 $0x9;
	_ =	strace $0x8000004E  }
0xb2: {  	_ =	swait.ge [sflag:s29], $0x1  }
0xb3: {  	[sflag:s29] =	ssyncadd.s32 $0xFFFFFFFF  }
0xb4: {  	_ =	strace $0x9000004E  }
0xb5: {  	_ =	sfence  }
0xb6: {  	s30 =	sld [smem:$0x0];
	_ =	sdelay $0x2  }
0xb7: {  	s31 =	sshll.u32 s1, $0xD;
	s1 =	sshrl.u32 s1, $0x2  }
0xb8: {  	s3 =	sand.u32 $0x4000, s31;
	s1 =	sadd.s32 s1, s30  }
0xb9: {  	s0 =	sor.u32 s3, s0;
	s1 =	sshll.u32 s1, $0x11  }
0xba: {  	s0 =	sor.u32 s1, s0  }
0xbb: {  	s0 =	sadd.s32 $0x8F2B, s0  }
0xbc: {  	[sflag:s0] =	ssyncadd.remote.s32 $0x1  }
0xbd: {  	_ =	sfence.sel $0xFFFF  }
0xbe: {  	[dreg:$0x0] =	wrdreg $0xFFFFFFFF;
	(pc) =	sbr.abs _section_cstart, $3  }
0xbf: {  	[dreg:$0x1] =	wrdreg $0xFFFFFFFF  }
0xc0: {  	_ =	task.clear_ibuf [dreg:s6], $0x2FFFF;
	_ =	strace $0x9FFFFFFF  }
0xc1: {  	(tm) =	ssettm $0x7FFFFFFF  }
tec
execute0_lowered:
.L_overlay_start_1:
0x0: {  	(tag) =	ssettag $0x1  }
0x1: {  	s5 =	rddreg [dreg:$0x0]  }
0x2: {  	s0 =	rddreg [dreg:$0x1];
	s1 =	simm.s32 $0x0  }
0x3: {  	s3 =	srdreg.scid;
	s13 =	simm.s32 $0x10;
	s14 =	simm.s32 $0x310  }
0x4: {  	s15 =	simm.s32 $0x110;
	s17 =	simm.s32 $0x2110;
	s18 =	simm.s32 $0x0  }
0x5: {  	[smem:$0x7FF] =	sst s1;
	s2 =	sadd.s32 $0x5800, s5;
	s6 =	sand.u32 $0x1, s3  }
0x6: {  	s4 =	sadd.s32 $0x5600, s5;
	s9 =	sadd.s32 $0x4D4A00, s5;
	s3 =	stileid.u32  }
0x7: {  	s10 =	sadd.s32 $0x4CE800, s5;
	s7 =	ssub.s32 $0x2, s6;
	s6 =	sshll.u32 s6, $0x4  }
0x8: {  	_ =	strace $0x8000004D;
	s8 =	sshrl.u32 s7, $0x1;
	s16 =	sor.u32 s3, s6  }
.Ltmp0:
0x9: {  	s11 =	ssub.s32 s7, s8;
	s5 =	sshll.u32 s16, $0x4;
	(pc) =	sbr.rel .LBB2_1-.Ltmp0, $4  }
0xa: {  	s30 =	sshll.u32 s16, $0x1;
	s31 =	sor.u32 $0x20, s16;
	p0 =	sgt.u32 s16, $0x10  }
0xb: {  	s16 =	simm.s32 $0x1110;
	s6 =	sadd.s32 s9, s30;
	s7 =	sadd.s32 s10, s30  }
0xc: {  	s12 =	sshll.u32 s31, $0x1;
	s8 =	sshll.u32 s31, $0x4;
	s11 =	smax.u32 s11, $0x1  }
0xd: {  	s9 =	sadd.s32 s9, s12;
	s10 =	sadd.s32 s10, s12;
	s12 =	simm.s32 $0x1  }
.LBB2_13:
0xe: {  	[hbm4b:s9+s13] =	stream.strided.scatter [tilespmem:s16], [sflag:$0x1], $0x1000, s14, s13, $0x38;
	[tilespmem:$0x3110] =	vst v63  }
0xf: {  	_ =	swait.ge [sflag:s12], $0x1000  }
0x10: {  	[sflag:s12] =	ssyncset.done $0x0  }
0x11: {  	[sflag:s12] =	ssyncadd.s32 $0xFFFFF000  }
0x12: {  	[hbm4b:s10+s13] =	stream.strided.scatter [tilespmem:s17], [sflag:$0x1], $0x1000, s14, s13, $0x38;
	[tilespmem:$0x3110] =	vst v63  }
0x13: {  	_ =	swait.ge [sflag:s12], $0x1000  }
0x14: {  	[sflag:s12] =	ssyncset.done $0x0  }
0x15: {  	[sflag:s12] =	ssyncadd.s32 $0xFFFFF000  }
.LBB2_14:
0x16: {  	s18 =	sadd.s32 $0x1, s18  }
0x17: {  	p1 =	sne.s32 s18, s11  }
.Ltmp1:
0x18: {  	_ = 	snop;
	(pc) =	sbr.rel @!p1 .LBB2_15-.Ltmp1, $1  }
0x19: {  	_ =	sdelay $0x3  }
.LBB2_1:
.Ltmp2:
0x1a: {  	(pc) =	sbr.rel .LBB2_2-.Ltmp2, $4  }
0x1b: {  	[tilespmem:s1], [sflag:$0x1] =	stream.linear.gather [hbm4b:s4+s1], $0x110, $0x38;
	[tilespmem:$0x3110] =	vst v63  }
0x1c: {  	_ =	swait.ge [sflag:s12], $0x110  }
0x1d: {  	[sflag:s12] =	ssyncset.done $0x0  }
0x1e: {  	s19 =	simm.s32 $0x0;
	[sflag:s12] =	ssyncadd.s32 $0xFFFFFEF0  }
.LBB2_6:
0x1f: {  	p1 =	sgt.s32 s23, s22  }
0x20: {  	v1 =	vpsel !p1, $0x0, v1;
	p1 =	sne.s32 s20, $0x100  }
.Ltmp3:
0x21: {  	_ = 	snop;
	(pc) =	sbr.rel @!p1 .LBB2_7-.Ltmp3, $4  }
0x22: {  	_ = 	snop  }
0x23: {  	s19 =	sshll.u32 s19, $0x4  }
0x24: {  	[tilespmem:s19+$0x2110] =	vst v0  }
0x25: {  	[tilespmem:s19+$0x1110] =	vst v1;
	s19 =	smov.u32 s20  }
.LBB2_2:
0x26: {  	v0 =	vmov s19;
	s20 =	sadd.s32 $0x1, s19  }
0x27: {  	v1 =	vmov s20;
	_ =	sdelay $0x2  }
0x28: {  	s21 =	simm.s32 $0x0  }
0x29: {  	v0 =	vld.idx.msk [tilespmem:v0+s21+$0x0], $0xffff  }
0x2a: {  	v1 =	vld.idx.msk [tilespmem:v1+s21+$0x0], $0xffff;
	_ =	sdelay $0x3  }
0x2b: {  	(xrf0) =	vmax.scan.msk.f32 $0xffff, v0  }
0x2c: {  	(xrf0) =	vmax.scan.msk.f32 $0xffff, v1;
	_ =	sdelay $0x4  }
0x2d: {  	v0, _, _ =	vpop (xrf0)  }
0x2e: {  	(v2sf) =	vpush v0, $0xF;
	v0, _, _ =	vpop (xrf0)  }
0x2f: {  	(v2sf) =	vpush v0, $0xF;
	_ =	sdelay $0xd  }
0x30: {  	s22 =	spop (v2sf)  }
0x31: {  	s23 =	spop (v2sf)  }
0x32: {  	s22 =	scvt.f32.s32 s22;
	s23 =	scvt.f32.s32 s23  }
0x33: {  	_ = 	snop  }
0x34: {  	s24 =	ssub.s32 s23, s22  }
0x35: {  	s24 =	sadd.s32 $0xFF, s24  }
0x36: {  	s25 =	sand.u32 $0xFF, s24  }
0x37: {  	s31 =	sshra.s32 s24, $0x1F;
	p2 =	slt.s32 s24, $0x1;
	p1 =	sne.s32 s25, $0x0  }
0x38: {  	s25 =	sshrl.u32 s31, $0x18;
	p1 =	por !p2, !p1  }
0x39: {  	s24 =	sadd.s32 s25, s24;
	s25 =	simm.s32 $0x1;
	p1 =	por !p1, !p1  }
0x3a: {  	s24 =	sshra.s32 s24, $0x8;
	s25 =	simm.s32 @!p1 $0x0  }
0x3b: {  	s24 =	ssub.s32 s24, s25  }
0x3c: {  	p1 =	slt.s32 s24, $0x1  }
.Ltmp4:
0x3d: {  	_ = 	snop;
	(pc) =	sbr.rel @p1 .LBB2_6-.Ltmp4, $2  }
0x3e: {  	_ =	sdelay $0x2  }
0x3f: {  	v1 =	vimm.f32 $-3.399999950e+38;
	v0 =	vimm.f32 $0.0e+00;
	s25 =	smov.u32 s22  }
.LBB2_3:
0x40: {  	s26 =	sshll.u32 s21, $0x8  }
0x41: {  	s26 =	sadd.s32 s22, s26  }
0x42: {  	s26 =	smul.u32 $0x310, s26;
	_ =	sdelay $0x1  }
0x43: {  	s26 =	sadd.s32 s5, s26  }
0x44: {  	s26 =	sshrl.u32 s26, $0x3  }
0x45: {  	s26 =	sadd.s32 s2, s26  }
0x46: {  	[tilespmem:s15], [sflag:$0x1] =	stream.strided.gather [hbm4b:s26+s13], $0x1000, s14, s13, $0x38;
	[tilespmem:$0x3110] =	vst v63  }
0x47: {  	_ =	swait.ge [sflag:s12], $0x1000  }
0x48: {  	[sflag:s12] =	ssyncset.done $0x0  }
0x49: {  	s31 =	simm.s32 $0x0;
	[sflag:s12] =	ssyncadd.s32 $0xFFFFF000  }
0x4a: {  	v2 =	vld [tilespmem:s31+$0x110];
	_ =	sdelay $0x3  }
0x4b: {  	s28 =	simm.s32 $0x40;
	s26 =	smov.u32 s25  }
.LBB2_4:
0x4c: {  	s29 =	sshra.s32 s28, $0x2;
	p1 =	sne.s32 s28, $0x3FC0;
	s28 =	sadd.s32 $0x40, s28;
	v3 =	vadd.f32 v2, v0  }
.Ltmp5:
0x4d: {  	p2 =	slt.s32 s26, s23;
	v4 =	vmax.f32 v1, v2;
	v2 =	vld [tilespmem:s29+$0x110];
	(pc) =	sbr.rel @p1 .LBB2_4-.Ltmp5, $2  }
0x4e: {  	v1 =	vpsel p2, v4, v1;
	v0 =	vpsel p2, v3, v0;
	_ =	sdelay $0x2  }
0x4f: {  	s26 =	sadd.s32 $0x1, s26  }
0x50: {  	s21 =	sadd.s32 $0x1, s21  }
0x51: {  	p2 =	sne.s32 s21, s24  }
.Ltmp6:
0x52: {  	_ = 	snop;
	(pc) =	sbr.rel @p2 .LBB2_3-.Ltmp6, $4  }
.Ltmp7:
0x53: {  	_ = 	snop;
	(pc) =	sbr.rel @!p2 .LBB2_6-.Ltmp7, $4  }
0x54: {  	v3 =	vadd.f32 v2, v0  }
0x55: {  	p1 =	slt.s32 s26, s23;
	v2 =	vmax.f32 v1, v2  }
0x56: {  	s25 =	sadd.s32 $0x100, s25;
	v1 =	vpsel p1, v2, v1;
	v0 =	vpsel p1, v3, v0  }
0x57: {  	_ = 	snop  }
.LBB2_7:
0x58: {  	[hbm4b:s6+s13] =	stream.strided.scatter [tilespmem:s16], [sflag:$0x1], $0x1000, s14, s13, $0x38;
	[tilespmem:$0x3110] =	vst v63  }
0x59: {  	_ =	swait.ge [sflag:s12], $0x1000  }
0x5a: {  	[sflag:s12] =	ssyncset.done $0x0  }
0x5b: {  	[sflag:s12] =	ssyncadd.s32 $0xFFFFF000  }
0x5c: {  	[hbm4b:s7+s13] =	stream.strided.scatter [tilespmem:s17], [sflag:$0x1], $0x1000, s14, s13, $0x38;
	[tilespmem:$0x3110] =	vst v63  }
.Ltmp8:
0x5d: {  	_ = 	snop;
	(pc) =	sbr.rel @p0 .LBB2_14-.Ltmp8, $4  }
.Ltmp9:
0x5e: {  	_ = 	snop;
	(pc) =	sbr.rel @!p0 .LBB2_8-.Ltmp9, $4  }
0x5f: {  	_ =	swait.ge [sflag:s12], $0x1000  }
0x60: {  	[sflag:s12] =	ssyncset.done $0x0  }
0x61: {  	s19 =	simm.s32 $0x0;
	s20 =	simm.s32 $0x0;
	[sflag:s12] =	ssyncadd.s32 $0xFFFFF000  }
0x62: {  	_ = 	snop  }
.LBB2_12:
0x63: {  	p1 =	sgt.s32 s23, s22  }
0x64: {  	v1 =	vpsel !p1, $0x0, v1;
	p1 =	sne.s32 s21, $0x100  }
.Ltmp10:
0x65: {  	_ = 	snop;
	(pc) =	sbr.rel @!p1 .LBB2_13-.Ltmp10, $4  }
0x66: {  	_ = 	snop  }
0x67: {  	s20 =	sshll.u32 s20, $0x4  }
0x68: {  	[tilespmem:s20+$0x2110] =	vst v0  }
0x69: {  	[tilespmem:s20+$0x1110] =	vst v1;
	s20 =	smov.u32 s21  }
.LBB2_8:
0x6a: {  	v0 =	vmov s20;
	s21 =	sadd.s32 $0x1, s20  }
0x6b: {  	v1 =	vmov s21;
	_ =	sdelay $0x3  }
0x6c: {  	v0 =	vld.idx.msk [tilespmem:v0+s19+$0x0], $0xffff  }
0x6d: {  	v1 =	vld.idx.msk [tilespmem:v1+s19+$0x0], $0xffff;
	_ =	sdelay $0x3  }
0x6e: {  	(xrf0) =	vmax.scan.msk.f32 $0xffff, v0  }
0x6f: {  	(xrf0) =	vmax.scan.msk.f32 $0xffff, v1;
	_ =	sdelay $0x4  }
0x70: {  	v0, _, _ =	vpop (xrf0)  }
0x71: {  	(v2sf) =	vpush v0, $0xF;
	v0, _, _ =	vpop (xrf0)  }
0x72: {  	(v2sf) =	vpush v0, $0xF;
	_ =	sdelay $0xd  }
0x73: {  	s22 =	spop (v2sf)  }
0x74: {  	s23 =	spop (v2sf)  }
0x75: {  	s22 =	scvt.f32.s32 s22;
	s23 =	scvt.f32.s32 s23  }
0x76: {  	_ = 	snop  }
0x77: {  	s24 =	ssub.s32 s23, s22  }
0x78: {  	s24 =	sadd.s32 $0xFF, s24  }
0x79: {  	s25 =	sand.u32 $0xFF, s24  }
0x7a: {  	s26 =	sshra.s32 s24, $0x1F;
	p1 =	slt.s32 s24, $0x1;
	p2 =	sne.s32 s25, $0x0  }
0x7b: {  	s31 =	sshrl.u32 s26, $0x18;
	p1 =	por !p1, !p2  }
0x7c: {  	s25 =	simm.s32 $0x1;
	s24 =	sadd.s32 s31, s24;
	p1 =	por !p1, !p1  }
0x7d: {  	s24 =	sshra.s32 s24, $0x8;
	s25 =	simm.s32 @!p1 $0x0  }
0x7e: {  	s24 =	ssub.s32 s24, s25  }
0x7f: {  	p1 =	slt.s32 s24, $0x1  }
.Ltmp11:
0x80: {  	_ = 	snop;
	(pc) =	sbr.rel @p1 .LBB2_12-.Ltmp11, $2  }
0x81: {  	_ =	sdelay $0x2  }
0x82: {  	v1 =	vimm.f32 $-3.399999950e+38;
	v0 =	vimm.f32 $0.0e+00;
	s26 =	simm.s32 $0x0;
	s25 =	smov.u32 s22  }
.LBB2_9:
0x83: {  	s28 =	sshll.u32 s26, $0x8  }
0x84: {  	s28 =	sadd.s32 s22, s28  }
0x85: {  	s28 =	smul.u32 $0x310, s28;
	_ =	sdelay $0x1  }
0x86: {  	s28 =	sadd.s32 s8, s28  }
0x87: {  	s28 =	sshrl.u32 s28, $0x3  }
0x88: {  	s28 =	sadd.s32 s2, s28  }
0x89: {  	[tilespmem:s15], [sflag:$0x1] =	stream.strided.gather [hbm4b:s28+s13], $0x1000, s14, s13, $0x38;
	[tilespmem:$0x3110] =	vst v63  }
0x8a: {  	_ =	swait.ge [sflag:s12], $0x1000  }
0x8b: {  	[sflag:s12] =	ssyncset.done $0x0  }
0x8c: {  	s28 =	simm.s32 $0x0;
	[sflag:s12] =	ssyncadd.s32 $0xFFFFF000  }
0x8d: {  	v2 =	vld [tilespmem:s28+$0x110];
	_ =	sdelay $0x3  }
0x8e: {  	s29 =	simm.s32 $0x40;
	s28 =	smov.u32 s25  }
.LBB2_10:
0x8f: {  	s30 =	sshra.s32 s29, $0x2;
	p1 =	sne.s32 s29, $0x3FC0;
	s29 =	sadd.s32 $0x40, s29;
	v3 =	vadd.f32 v2, v0  }
.Ltmp12:
0x90: {  	p2 =	slt.s32 s28, s23;
	v4 =	vmax.f32 v1, v2;
	v2 =	vld [tilespmem:s30+$0x110];
	(pc) =	sbr.rel @p1 .LBB2_10-.Ltmp12, $2  }
0x91: {  	v1 =	vpsel p2, v4, v1;
	v0 =	vpsel p2, v3, v0;
	_ =	sdelay $0x2  }
0x92: {  	s28 =	sadd.s32 $0x1, s28  }
0x93: {  	s26 =	sadd.s32 $0x1, s26  }
0x94: {  	p2 =	sne.s32 s26, s24  }
.Ltmp13:
0x95: {  	_ = 	snop;
	(pc) =	sbr.rel @p2 .LBB2_9-.Ltmp13, $4  }
.Ltmp14:
0x96: {  	_ = 	snop;
	(pc) =	sbr.rel @!p2 .LBB2_12-.Ltmp14, $4  }
0x97: {  	v3 =	vadd.f32 v2, v0  }
0x98: {  	p1 =	slt.s32 s28, s23;
	v2 =	vmax.f32 v1, v2  }
0x99: {  	s25 =	sadd.s32 $0x100, s25;
	v1 =	vpsel p1, v2, v1;
	v0 =	vpsel p1, v3, v0  }
0x9a: {  	_ = 	snop  }
.LBB2_15:
0x9b: {  	_ =	sfence.sel $0x180000  }
0x9c: {  	[bflag:$0x0] =	sbarrier.arrive $0xFFFF  }
0x9d: {  	p0 =	sne.s32 s3, $0x0;
	_ =	strace $0x9000004D  }
0x9e: {  	s0 =	sadd.s32 @!p0 $0x100000, s0;
	[bflag:$0x2] =	sbarrier.arrive $0xFFFF  }
0x9f: {  	[sflag:s0] =	ssyncadd.tile.s32 @!p0 $0x1;
	_ =	shalt  }
.Lfunc_end2:
_tile_overlayer_lowered:
.L_overlay_start_2:
0xa0: {  	(tag) =	ssettag $0x2  }
0xa1: {  	s0 =	rddreg [dreg:$0x0];
	s2 =	stileid.u32  }
0xa2: {  	s1 =	rddreg [dreg:$0x1];
	p0 =	sne.s32 s2, $0x0  }
0xa3: {  	s3 =	rddreg [dreg:$0x2];
	[bflag:$0x3] =	sbarrier.arrive $0xFFFF;
	s2 =	simm.s32 @!p0 $0x1C01  }
0xa4: {  	[timem:s3], [sflag:s2] =	dma.local @!p0 [hbm:s0], s1  }
0xa5: {  	s0 =	simm.s32 @!p0 $0x1  }
0xa6: {  	_ =	swait.ge @!p0 [sflag:s0], s1  }
0xa7: {  	s1 =	ssub.s32 @!p0 $0x0, s1;
	[sflag:s0] =	ssyncset.done @!p0 $0x0  }
0xa8: {  	[sflag:s0] =	ssyncadd.s32 @!p0 s1  }
0xa9: {  	[bflag:$0x3] =	sbarrier.arrive $0xFFFF  }
0xaa: {  	_ =	shalt  }

</sc_bundles>
